<compile_context>
chip_gen: v7x
topology: tpu7x:2x2x1
jax: 0.10.2.dev20260603
libtpu: 0.0.44.dev20260713+nightly
codegen_flags: <defaults>
</compile_context>

<pallas_src>
import jax
import jax.numpy as jnp
from jax import lax
from jax.experimental import pallas as pl
from jax.experimental.pallas import tpu as pltpu
from jax.experimental.pallas import tpu_sc as plsc

_BINS = 64
_B = 64
_ROWS = 512
_COLS = 512
_CROWS = 56
_R_SC = 448
_NCHUNK = _R_SC // _CROWS
_VECS = _CROWS * _COLS // 16
_VPR = _COLS // 16
_HB = (_BINS + 1) * 16
_SAMPLES_PER_W = 2


_NBUF = 2
_TOTCHUNK = _SAMPLES_PER_W * _NCHUNK


def _hist_body(x_hbm, y_hbm, out_hbm,
               xa, xb, ya, yb, hist_v, out_v,
               sxa, sxb, sya, syb):
    wid = lax.axis_index("s") * 2 + lax.axis_index("c")
    lane = lax.broadcasted_iota(jnp.int32, (16,), 0)
    ones = jnp.ones((16,), jnp.float32)
    zeros16 = jnp.zeros((16,), jnp.float32)

    xbufs, ybufs = (xa, xb), (ya, yb)
    xsems, ysems = (sxa, sxb), (sya, syb)

    def start(c, p):
        sample = wid * _SAMPLES_PER_W + (c // _NCHUNK)
        r0 = (c % _NCHUNK) * _CROWS
        pltpu.async_copy(x_hbm.at[sample, pl.ds(r0, _CROWS), :], xbufs[p], xsems[p])
        pltpu.async_copy(y_hbm.at[sample, pl.ds(r0, _CROWS), :], ybufs[p], ysems[p])

    def wait(p):
        pltpu.make_async_copy(x_hbm.at[0, pl.ds(0, _CROWS), :], xbufs[p], xsems[p]).wait()
        pltpu.make_async_copy(y_hbm.at[0, pl.ds(0, _CROWS), :], ybufs[p], ysems[p]).wait()

    def compute(p, lane_off):
        xr, yr = xbufs[p], ybufs[p]

        @plsc.parallel_loop(0, _VECS, unroll=8)
        def body(i):
            r = i >> 5
            o = pl.multiple_of((i & 31) * 16, 16)
            xv = xr[r, pl.ds(o, 16)]
            yv = yr[r, pl.ds(o, 16)]
            vals = xv * jnp.float32(_BINS) + yv
            idx = vals.astype(jnp.int32)
            tgt = (idx << 4) + lane_off
            plsc.addupdate_scatter(hist_v, [tgt], ones)

    def zbody(j, carry):
        hist_v[pl.ds(pl.multiple_of(j * 16, 16), 16)] = zeros16
        return carry

    lax.fori_loop(0, _SAMPLES_PER_W * (_BINS + 1), zbody, 0)

    lane_offs = [lane + s * _HB for s in range(_SAMPLES_PER_W)]

    for c in range(_NBUF - 1):
        start(c, c % _NBUF)
    for c in range(_TOTCHUNK):
        p = c % _NBUF
        if c + _NBUF - 1 < _TOTCHUNK:
            start(c + _NBUF - 1, (c + _NBUF - 1) % _NBUF)
        wait(p)
        compute(p, lane_offs[c // _NCHUNK])

    for s_local in range(_SAMPLES_PER_W):
        sample = wid * _SAMPLES_PER_W + s_local
        for g in range(4):
            rows = ((lane + g * 16) << 4) + s_local * _HB
            acc = zeros16
            for l in range(16):
                acc = acc + plsc.load_gather(hist_v, [rows + l])
            out_v[pl.ds(g * 16, 16)] = acc
        pltpu.sync_copy(out_v, out_hbm.at[pl.ds(sample * _BINS, _BINS)])


_sc_hist = pl.kernel(
    _hist_body,
    out_type=jax.ShapeDtypeStruct((_B * _BINS,), jnp.float32),
    mesh=plsc.VectorSubcoreMesh(core_axis_name="c", subcore_axis_name="s"),
    compiler_params=pltpu.CompilerParams(needs_layout_passes=False),
    scratch_types=[
        pltpu.VMEM((_CROWS, _COLS), jnp.float32),
        pltpu.VMEM((_CROWS, _COLS), jnp.float32),
        pltpu.VMEM((_CROWS, _COLS), jnp.float32),
        pltpu.VMEM((_CROWS, _COLS), jnp.float32),
        pltpu.VMEM((_SAMPLES_PER_W * _HB,), jnp.float32),
        pltpu.VMEM((_BINS,), jnp.float32),
        pltpu.SemaphoreType.DMA,
        pltpu.SemaphoreType.DMA,
        pltpu.SemaphoreType.DMA,
        pltpu.SemaphoreType.DMA,
    ],
)


_RB_TC = 64
_NRB_TC = (_ROWS - _R_SC) // _RB_TC


def _tc_hist_body(x_ref, y_ref, o_ref, acc_ref):
    j = pl.program_id(1)
    x = x_ref[0]
    y = y_ref[0]
    vals = x * jnp.float32(_BINS) + y
    ti = vals.astype(jnp.int32)
    hi = ti >> 3
    lo = ti & 7
    one = jnp.float32(1.0)
    zero = jnp.float32(0.0)
    hi_t = jnp.concatenate([hi] * 9, axis=0)
    lo_t = jnp.concatenate([lo] * 8, axis=0)
    row9 = lax.broadcasted_iota(jnp.int32, (9 * _RB_TC, _COLS), 0) // _RB_TC
    row8 = lax.broadcasted_iota(jnp.int32, (8 * _RB_TC, _COLS), 0) // _RB_TC
    u2 = jnp.where(hi_t == row9, one, zero)
    v2 = jnp.where(lo_t == row8, one, zero)
    g = lax.dot_general(u2, v2, (((1,), (1,)), ((), ())),
                        preferred_element_type=jnp.float32)
    di = lax.broadcasted_iota(jnp.int32, (9 * _RB_TC, 8 * _RB_TC), 0)
    dj = lax.broadcasted_iota(jnp.int32, (9 * _RB_TC, 8 * _RB_TC), 1)
    e = jnp.where((di % _RB_TC) == (dj % _RB_TC), g, zero)
    pj = lax.broadcasted_iota(jnp.int32, (8 * _RB_TC, 8), 0) // _RB_TC
    pl8 = lax.broadcasted_iota(jnp.int32, (8 * _RB_TC, 8), 1)
    p = jnp.where(pj == pl8, one, zero)
    qh = lax.broadcasted_iota(jnp.int32, (9, 9 * _RB_TC), 0)
    qi = lax.broadcasted_iota(jnp.int32, (9, 9 * _RB_TC), 1) // _RB_TC
    q = jnp.where(qh == qi, one, zero)
    h = q @ (e @ p)

    @pl.when(j == 0)
    def _():
        acc_ref[...] = h

    @pl.when(j > 0)
    def _():
        acc_ref[...] += h

    @pl.when(j == _NRB_TC - 1)
    def _():
        o_ref[0] = acc_ref[0:8, :]


_tc_hist = pl.pallas_call(
    _tc_hist_body,
    grid=(_B, _NRB_TC),
    in_specs=[
        pl.BlockSpec((1, _RB_TC, _COLS),
                     lambda s, j: (s, j + _R_SC // _RB_TC, 0)),
        pl.BlockSpec((1, _RB_TC, _COLS),
                     lambda s, j: (s, j + _R_SC // _RB_TC, 0)),
    ],
    out_specs=pl.BlockSpec((1, 8, 8), lambda s, j: (s, 0, 0)),
    out_shape=jax.ShapeDtypeStruct((_B, 8, 8), jnp.float32),
    scratch_shapes=[pltpu.VMEM((9, 8), jnp.float32)],
    compiler_params=pltpu.CompilerParams(
        dimension_semantics=("arbitrary", "arbitrary")),
)


def _mi_body(hs_ref, ht_ref, o_ref):
    h = hs_ref[...] + ht_ref[...]
    s = jnp.sum(h, axis=1, keepdims=True)
    p = h / s + jnp.float32(1e-8)
    ptot = jnp.sum(p, axis=1, keepdims=True)
    mi = jnp.sum(p * jnp.log(p / (ptot * ptot)))
    o_ref[...] = jnp.reshape(-mi / jnp.float32(_B), (1, 1))


def kernel(x, y):
    xf = jnp.squeeze(x, axis=1)
    yf = jnp.squeeze(y, axis=1)
    hist = _sc_hist(xf, yf)
    h_tc = _tc_hist(xf, yf).reshape(_B, _BINS)
    h_sc = hist.reshape(_B, _BINS)
    out = pl.pallas_call(
        _mi_body,
        out_shape=jax.ShapeDtypeStruct((1, 1), jnp.float32),
    )(h_sc, h_tc)
    return out[0, 0]

# --- scband reference (transcript-rebuilt; emitter-appended) ---
"""Pipeline reference for scband-mutual-information-48954037239853 (READ-ONLY COPY).

The authoritative reference and input builder live on the scoring server;
editing this copy changes nothing except your own understanding.
"""

import jax, jax.numpy as jnp
import numpy as np

NUM_BINS = 64


def setup_inputs(seed: int = 0) -> dict:
    key = jax.random.key(seed)
    k1, k2 = jax.random.split(key)
    x = jax.random.uniform(k1, (64, 1, 512, 512), dtype=jnp.float32)
    y = jax.random.uniform(k2, (64, 1, 512, 512), dtype=jnp.float32)
    return {"x": x, "y": y}


def _histc(vals, bins):
    # torch.histc(vals, bins=bins, min=0, max=bins):
    # bin width = 1; values outside [0, bins] are ignored; value == max goes to last bin.
    mask = (vals >= 0.0) & (vals <= float(bins))
    idx = jnp.clip(jnp.floor(vals), 0.0, float(bins - 1)).astype(jnp.int32)
    return jnp.zeros((bins,), dtype=jnp.float32).at[idx].add(mask.astype(jnp.float32))


def reference(x, y):
    B = x.shape[0]
    xf = x.reshape(B, -1)
    yf = y.reshape(B, -1)

    def per_sample(xi, yi):
        vals = xi * NUM_BINS + yi
        joint_hist = _histc(vals, NUM_BINS)
        joint_prob = joint_hist / jnp.sum(joint_hist) + 1e-08
        px = jnp.sum(joint_prob)
        py = jnp.sum(joint_prob)
        return jnp.sum(joint_prob * jnp.log(joint_prob / (px * py)))

    mi_per = jax.vmap(per_sample)(xf, yf)
    mi_total = jnp.sum(mi_per)
    return -mi_total / B

if __name__ == "__main__":
    import jax
    _d = setup_inputs()
    print(jax.jit(kernel)(*tuple(_d.values())))

</pallas_src>

<mosaic_0001>
#map = affine_map<(d0, d1) -> (0, 0, 0)>
#map1 = affine_map<(d0, d1) -> (0)>
module attributes {stable_mosaic.version = 14 : i64} {
  func.func @_hist_body(%arg0: i32, %arg1: i32, %arg2: memref<64x512x512xf32, #tpu.memory_space<hbm>>, %arg3: memref<64x512x512xf32, #tpu.memory_space<hbm>>, %arg4: memref<4096xf32, #tpu.memory_space<hbm>>, %arg5: memref<56x512xf32, #tpu.memory_space<vmem>>, %arg6: memref<56x512xf32, #tpu.memory_space<vmem>>, %arg7: memref<56x512xf32, #tpu.memory_space<vmem>>, %arg8: memref<56x512xf32, #tpu.memory_space<vmem>>, %arg9: memref<2080xf32, #tpu.memory_space<vmem>>, %arg10: memref<64xf32, #tpu.memory_space<vmem>>, %arg11: memref<!tpu.dma_semaphore, #tpu.memory_space<semaphore_mem>>, %arg12: memref<!tpu.dma_semaphore, #tpu.memory_space<semaphore_mem>>, %arg13: memref<!tpu.dma_semaphore, #tpu.memory_space<semaphore_mem>>, %arg14: memref<!tpu.dma_semaphore, #tpu.memory_space<semaphore_mem>>) attributes {dimension_semantics = [#tpu.dimension_semantics<core_parallel>, #tpu.dimension_semantics<subcore_parallel>], iteration_bounds = array<i64: 2, 16>, scalar_prefetch = 0 : i64, scratch_operands = 10 : i64, tpu.core_type = #tpu.core_type<sc_vector_subcore>, window_params = [{transform_indices = #map}, {transform_indices = #map}, {transform_indices = #map1}]} {
    %mul3A = arith.constant 2 : i32
    %mul3A_0 = arith.muli %arg1, %mul3A : i32
    %add3A = arith.addi %mul3A_0, %arg0 : i32
    %iota3A = tpu.iota {dimensions = array<i32: 0>} : vector<16xi32>
    %broadcast_in_dim3A = arith.constant 1.000000e+00 : f32
    %broadcast_in_dim3A_1 = vector.broadcast %broadcast_in_dim3A : f32 to vector<16xf32>
    %broadcast_in_dim3A_2 = arith.constant 0.000000e+00 : f32
    %broadcast_in_dim3A_3 = vector.broadcast %broadcast_in_dim3A_2 : f32 to vector<16xf32>
    %scan3A = arith.constant 0 : i32
    %scan3A_4 = arith.constant 0 : i32
    %scan3A_5 = arith.constant 130 : i32
    %scan3A_6 = arith.addi %scan3A_4, %scan3A_5 : i32
    %scan3A_7 = arith.constant 1 : i32
    scf.for %scan3A_1405 = %scan3A_4 to %scan3A_6 step %scan3A_7  : i32 {
      %mul3A_1406 = arith.constant 16 : i32
      %mul3A_1407 = arith.muli %scan3A_1405, %mul3A_1406 : i32
      %multiple_of3A = tpu.assume_multiple %mul3A_1407, 16 : i32
      %swap3A_1408 = arith.index_cast %multiple_of3A : i32 to index
      %swap3A_1409 = tpu.vector_load %arg9[%swap3A_1408] {strides = array<i32>} : memref<2080xf32, #tpu.memory_space<vmem>>, vector<16xf32>,
      tpu.vector_store %arg9[%swap3A_1408], %broadcast_in_dim3A_3 {strides = array<i32>} : memref<2080xf32, #tpu.memory_space<vmem>>, vector<16xf32>,
    }
    %scan3A_8 = arith.constant 130 : i32
    %add3A_9 = arith.constant 0 : i32
    %add3A_10 = vector.broadcast %add3A_9 : i32 to vector<16xi32>
    %add3A_11 = arith.addi %iota3A, %add3A_10 : vector<16xi32>
    %add3A_12 = arith.constant 1040 : i32
    %add3A_13 = vector.broadcast %add3A_12 : i32 to vector<16xi32>
    %add3A_14 = arith.addi %iota3A, %add3A_13 : vector<16xi32>
    %mul3A_15 = arith.constant 2 : i32
    %mul3A_16 = arith.muli %add3A, %mul3A_15 : i32
    %add3A_17 = arith.constant 0 : i32
    %add3A_18 = arith.addi %mul3A_16, %add3A_17 : i32
    %dma_start3A = arith.constant 0 : i32
    %dma_start3A_19 = arith.constant 0 : i32
    %dma_start3A_20 = tpu.memref_slice %arg2[%add3A_18, %dma_start3A, %dma_start3A_19] : memref<64x512x512xf32, #tpu.memory_space<hbm>> -> memref<1x56x512xf32, #tpu.memory_space<hbm>>
    %dma_start3A_21 = tpu.memref_squeeze %dma_start3A_20 : memref<1x56x512xf32, #tpu.memory_space<hbm>> -> memref<56x512xf32, #tpu.memory_space<hbm>>
    %dma_start3A_22 = arith.constant 0 : i32
    %dma_start3A_23 = arith.constant 0 : i32
    %dma_start3A_24 = tpu.memref_slice %arg2[%add3A_18, %dma_start3A_22, %dma_start3A_23] : memref<64x512x512xf32, #tpu.memory_space<hbm>> -> memref<1x56x512xf32, #tpu.memory_space<hbm>>
    %dma_start3A_25 = tpu.memref_squeeze %dma_start3A_24 : memref<1x56x512xf32, #tpu.memory_space<hbm>> -> memref<56x512xf32, #tpu.memory_space<hbm>>
    tpu.enqueue_dma source(%dma_start3A_25 : memref<56x512xf32, #tpu.memory_space<hbm>>) target(%arg5 : memref<56x512xf32, #tpu.memory_space<vmem>>) target_semaphore(%arg11 : memref<!tpu.dma_semaphore, #tpu.memory_space<semaphore_mem>>)
    %dma_start3A_26 = arith.constant 0 : i32
    %dma_start3A_27 = arith.constant 0 : i32
    %dma_start3A_28 = tpu.memref_slice %arg3[%add3A_18, %dma_start3A_26, %dma_start3A_27] : memref<64x512x512xf32, #tpu.memory_space<hbm>> -> memref<1x56x512xf32, #tpu.memory_space<hbm>>
    %dma_start3A_29 = tpu.memref_squeeze %dma_start3A_28 : memref<1x56x512xf32, #tpu.memory_space<hbm>> -> memref<56x512xf32, #tpu.memory_space<hbm>>
    %dma_start3A_30 = arith.constant 0 : i32
    %dma_start3A_31 = arith.constant 0 : i32
    %dma_start3A_32 = tpu.memref_slice %arg3[%add3A_18, %dma_start3A_30, %dma_start3A_31] : memref<64x512x512xf32, #tpu.memory_space<hbm>> -> memref<1x56x512xf32, #tpu.memory_space<hbm>>
    %dma_start3A_33 = tpu.memref_squeeze %dma_start3A_32 : memref<1x56x512xf32, #tpu.memory_space<hbm>> -> memref<56x512xf32, #tpu.memory_space<hbm>>
    tpu.enqueue_dma source(%dma_start3A_33 : memref<56x512xf32, #tpu.memory_space<hbm>>) target(%arg7 : memref<56x512xf32, #tpu.memory_space<vmem>>) target_semaphore(%arg13 : memref<!tpu.dma_semaphore, #tpu.memory_space<semaphore_mem>>)
    %mul3A_34 = arith.constant 2 : i32
    %mul3A_35 = arith.muli %add3A, %mul3A_34 : i32
    %add3A_36 = arith.constant 0 : i32
    %add3A_37 = arith.addi %mul3A_35, %add3A_36 : i32
    %dma_start3A_38 = arith.constant 56 : i32
    %dma_start3A_39 = arith.constant 0 : i32
    %dma_start3A_40 = tpu.memref_slice %arg2[%add3A_37, %dma_start3A_38, %dma_start3A_39] : memref<64x512x512xf32, #tpu.memory_space<hbm>> -> memref<1x56x512xf32, #tpu.memory_space<hbm>>
    %dma_start3A_41 = tpu.memref_squeeze %dma_start3A_40 : memref<1x56x512xf32, #tpu.memory_space<hbm>> -> memref<56x512xf32, #tpu.memory_space<hbm>>
    %dma_start3A_42 = arith.constant 56 : i32
    %dma_start3A_43 = arith.constant 0 : i32
    %dma_start3A_44 = tpu.memref_slice %arg2[%add3A_37, %dma_start3A_42, %dma_start3A_43] : memref<64x512x512xf32, #tpu.memory_space<hbm>> -> memref<1x56x512xf32, #tpu.memory_space<hbm>>
    %dma_start3A_45 = tpu.memref_squeeze %dma_start3A_44 : memref<1x56x512xf32, #tpu.memory_space<hbm>> -> memref<56x512xf32, #tpu.memory_space<hbm>>
    tpu.enqueue_dma source(%dma_start3A_45 : memref<56x512xf32, #tpu.memory_space<hbm>>) target(%arg6 : memref<56x512xf32, #tpu.memory_space<vmem>>) target_semaphore(%arg12 : memref<!tpu.dma_semaphore, #tpu.memory_space<semaphore_mem>>)
    %dma_start3A_46 = arith.constant 56 : i32
    %dma_start3A_47 = arith.constant 0 : i32
    %dma_start3A_48 = tpu.memref_slice %arg3[%add3A_37, %dma_start3A_46, %dma_start3A_47] : memref<64x512x512xf32, #tpu.memory_space<hbm>> -> memref<1x56x512xf32, #tpu.memory_space<hbm>>
    %dma_start3A_49 = tpu.memref_squeeze %dma_start3A_48 : memref<1x56x512xf32, #tpu.memory_space<hbm>> -> memref<56x512xf32, #tpu.memory_space<hbm>>
    %dma_start3A_50 = arith.constant 56 : i32
    %dma_start3A_51 = arith.constant 0 : i32
    %dma_start3A_52 = tpu.memref_slice %arg3[%add3A_37, %dma_start3A_50, %dma_start3A_51] : memref<64x512x512xf32, #tpu.memory_space<hbm>> -> memref<1x56x512xf32, #tpu.memory_space<hbm>>
    %dma_start3A_53 = tpu.memref_squeeze %dma_start3A_52 : memref<1x56x512xf32, #tpu.memory_space<hbm>> -> memref<56x512xf32, #tpu.memory_space<hbm>>
    tpu.enqueue_dma source(%dma_start3A_53 : memref<56x512xf32, #tpu.memory_space<hbm>>) target(%arg8 : memref<56x512xf32, #tpu.memory_space<vmem>>) target_semaphore(%arg14 : memref<!tpu.dma_semaphore, #tpu.memory_space<semaphore_mem>>)
    %dma_wait3A = arith.constant 0 : i32
    %dma_wait3A_54 = arith.constant 0 : i32
    %dma_wait3A_55 = arith.constant 0 : i32
    %dma_wait3A_56 = tpu.memref_slice %arg2[%dma_wait3A, %dma_wait3A_54, %dma_wait3A_55] : memref<64x512x512xf32, #tpu.memory_space<hbm>> -> memref<1x56x512xf32, #tpu.memory_space<hbm>>
    %dma_wait3A_57 = tpu.memref_squeeze %dma_wait3A_56 : memref<1x56x512xf32, #tpu.memory_space<hbm>> -> memref<56x512xf32, #tpu.memory_space<hbm>>
    %dma_wait3A_58 = arith.constant 0 : i32
    %dma_wait3A_59 = arith.constant 0 : i32
    %dma_wait3A_60 = tpu.memref_slice %arg2[%dma_wait3A, %dma_wait3A_58, %dma_wait3A_59] : memref<64x512x512xf32, #tpu.memory_space<hbm>> -> memref<1x56x512xf32, #tpu.memory_space<hbm>>
    %dma_wait3A_61 = tpu.memref_squeeze %dma_wait3A_60 : memref<1x56x512xf32, #tpu.memory_space<hbm>> -> memref<56x512xf32, #tpu.memory_space<hbm>>
    tpu.wait_dma2 semaphore(%arg11 : memref<!tpu.dma_semaphore, #tpu.memory_space<semaphore_mem>>) src(%dma_wait3A_61 : memref<56x512xf32, #tpu.memory_space<hbm>>) dst(%arg5 : memref<56x512xf32, #tpu.memory_space<vmem>>)
    %dma_wait3A_62 = arith.constant 0 : i32
    %dma_wait3A_63 = arith.constant 0 : i32
    %dma_wait3A_64 = arith.constant 0 : i32
    %dma_wait3A_65 = tpu.memref_slice %arg3[%dma_wait3A_62, %dma_wait3A_63, %dma_wait3A_64] : memref<64x512x512xf32, #tpu.memory_space<hbm>> -> memref<1x56x512xf32, #tpu.memory_space<hbm>>
    %dma_wait3A_66 = tpu.memref_squeeze %dma_wait3A_65 : memref<1x56x512xf32, #tpu.memory_space<hbm>> -> memref<56x512xf32, #tpu.memory_space<hbm>>
    %dma_wait3A_67 = arith.constant 0 : i32
    %dma_wait3A_68 = arith.constant 0 : i32
    %dma_wait3A_69 = tpu.memref_slice %arg3[%dma_wait3A_62, %dma_wait3A_67, %dma_wait3A_68] : memref<64x512x512xf32, #tpu.memory_space<hbm>> -> memref<1x56x512xf32, #tpu.memory_space<hbm>>
    %dma_wait3A_70 = tpu.memref_squeeze %dma_wait3A_69 : memref<1x56x512xf32, #tpu.memory_space<hbm>> -> memref<56x512xf32, #tpu.memory_space<hbm>>
    tpu.wait_dma2 semaphore(%arg13 : memref<!tpu.dma_semaphore, #tpu.memory_space<semaphore_mem>>) src(%dma_wait3A_70 : memref<56x512xf32, #tpu.memory_space<hbm>>) dst(%arg7 : memref<56x512xf32, #tpu.memory_space<vmem>>)
    %parallel_loop3A = arith.constant 0 : i32
    %parallel_loop3A_71 = arith.constant 1792 : i32
    %parallel_loop3A_72 = arith.constant 1 : i32
    scf.for %parallel_loop3A_1405 = %parallel_loop3A to %parallel_loop3A_71 step %parallel_loop3A_72  : i32 {
      %parallel_loop3A_1406 = arith.constant 5 : i32
      %parallel_loop3A_1407 = arith.shrsi %parallel_loop3A_1405, %parallel_loop3A_1406 : i32
      %parallel_loop3A_1408 = arith.constant 31 : i32
      %parallel_loop3A_1409 = arith.andi %parallel_loop3A_1405, %parallel_loop3A_1408 : i32
      %parallel_loop3A_1410 = arith.constant 16 : i32
      %parallel_loop3A_1411 = arith.muli %parallel_loop3A_1409, %parallel_loop3A_1410 : i32
      %parallel_loop3A_1412 = tpu.assume_multiple %parallel_loop3A_1411, 16 : i32
      %parallel_loop3A_1413 = arith.index_cast %parallel_loop3A_1407 : i32 to index
      %parallel_loop3A_1414 = arith.index_cast %parallel_loop3A_1412 : i32 to index
      %parallel_loop3A_1415 = tpu.vector_load %arg5[%parallel_loop3A_1413, %parallel_loop3A_1414] {strides = array<i32>} : memref<56x512xf32, #tpu.memory_space<vmem>>, vector<16xf32>,
      %parallel_loop3A_1416 = arith.index_cast %parallel_loop3A_1407 : i32 to index
      %parallel_loop3A_1417 = arith.index_cast %parallel_loop3A_1412 : i32 to index
      %parallel_loop3A_1418 = tpu.vector_load %arg7[%parallel_loop3A_1416, %parallel_loop3A_1417] {strides = array<i32>} : memref<56x512xf32, #tpu.memory_space<vmem>>, vector<16xf32>,
      %parallel_loop3A_1419 = arith.constant 6.400000e+01 : f32
      %parallel_loop3A_1420 = vector.broadcast %parallel_loop3A_1419 : f32 to vector<16xf32>
      %parallel_loop3A_1421 = arith.mulf %parallel_loop3A_1415, %parallel_loop3A_1420 : vector<16xf32>
      %parallel_loop3A_1422 = arith.addf %parallel_loop3A_1421, %parallel_loop3A_1418 : vector<16xf32>
      %parallel_loop3A_1423 = arith.fptosi %parallel_loop3A_1422 : vector<16xf32> to vector<16xi32>
      %parallel_loop3A_1424 = arith.constant 4 : i32
      %parallel_loop3A_1425 = vector.broadcast %parallel_loop3A_1424 : i32 to vector<16xi32>
      %parallel_loop3A_1426 = arith.shli %parallel_loop3A_1423, %parallel_loop3A_1425 : vector<16xi32>
      %parallel_loop3A_1427 = arith.addi %parallel_loop3A_1426, %add3A_11 : vector<16xi32>
      tpu.vector_store_idx %arg9[%parallel_loop3A_1427], %broadcast_in_dim3A_1 {add = true} : memref<2080xf32, #tpu.memory_space<vmem>>[vector<16xi32>], vector<16xf32>,
    } {sc.loop_unroll_factor = 8 : i64, sc.parallel_access}
    %mul3A_73 = arith.constant 2 : i32
    %mul3A_74 = arith.muli %add3A, %mul3A_73 : i32
    %add3A_75 = arith.constant 0 : i32
    %add3A_76 = arith.addi %mul3A_74, %add3A_75 : i32
    %dma_start3A_77 = arith.constant 112 : i32
    %dma_start3A_78 = arith.constant 0 : i32
    %dma_start3A_79 = tpu.memref_slice %arg2[%add3A_76, %dma_start3A_77, %dma_start3A_78] : memref<64x512x512xf32, #tpu.memory_space<hbm>> -> memref<1x56x512xf32, #tpu.memory_space<hbm>>
    %dma_start3A_80 = tpu.memref_squeeze %dma_start3A_79 : memref<1x56x512xf32, #tpu.memory_space<hbm>> -> memref<56x512xf32, #tpu.memory_space<hbm>>
    %dma_start3A_81 = arith.constant 112 : i32
    %dma_start3A_82 = arith.constant 0 : i32
    %dma_start3A_83 = tpu.memref_slice %arg2[%add3A_76, %dma_start3A_81, %dma_start3A_82] : memref<64x512x512xf32, #tpu.memory_space<hbm>> -> memref<1x56x512xf32, #tpu.memory_space<hbm>>
    %dma_start3A_84 = tpu.memref_squeeze %dma_start3A_83 : memref<1x56x512xf32, #tpu.memory_space<hbm>> -> memref<56x512xf32, #tpu.memory_space<hbm>>
    tpu.enqueue_dma source(%dma_start3A_84 : memref<56x512xf32, #tpu.memory_space<hbm>>) target(%arg5 : memref<56x512xf32, #tpu.memory_space<vmem>>) target_semaphore(%arg11 : memref<!tpu.dma_semaphore, #tpu.memory_space<semaphore_mem>>)
    %dma_start3A_85 = arith.constant 112 : i32
    %dma_start3A_86 = arith.constant 0 : i32
    %dma_start3A_87 = tpu.memref_slice %arg3[%add3A_76, %dma_start3A_85, %dma_start3A_86] : memref<64x512x512xf32, #tpu.memory_space<hbm>> -> memref<1x56x512xf32, #tpu.memory_space<hbm>>
    %dma_start3A_88 = tpu.memref_squeeze %dma_start3A_87 : memref<1x56x512xf32, #tpu.memory_space<hbm>> -> memref<56x512xf32, #tpu.memory_space<hbm>>
    %dma_start3A_89 = arith.constant 112 : i32
    %dma_start3A_90 = arith.constant 0 : i32
    %dma_start3A_91 = tpu.memref_slice %arg3[%add3A_76, %dma_start3A_89, %dma_start3A_90] : memref<64x512x512xf32, #tpu.memory_space<hbm>> -> memref<1x56x512xf32, #tpu.memory_space<hbm>>
    %dma_start3A_92 = tpu.memref_squeeze %dma_start3A_91 : memref<1x56x512xf32, #tpu.memory_space<hbm>> -> memref<56x512xf32, #tpu.memory_space<hbm>>
    tpu.enqueue_dma source(%dma_start3A_92 : memref<56x512xf32, #tpu.memory_space<hbm>>) target(%arg7 : memref<56x512xf32, #tpu.memory_space<vmem>>) target_semaphore(%arg13 : memref<!tpu.dma_semaphore, #tpu.memory_space<semaphore_mem>>)
    %dma_wait3A_93 = arith.constant 0 : i32
    %dma_wait3A_94 = arith.constant 0 : i32
    %dma_wait3A_95 = arith.constant 0 : i32
    %dma_wait3A_96 = tpu.memref_slice %arg2[%dma_wait3A_93, %dma_wait3A_94, %dma_wait3A_95] : memref<64x512x512xf32, #tpu.memory_space<hbm>> -> memref<1x56x512xf32, #tpu.memory_space<hbm>>
    %dma_wait3A_97 = tpu.memref_squeeze %dma_wait3A_96 : memref<1x56x512xf32, #tpu.memory_space<hbm>> -> memref<56x512xf32, #tpu.memory_space<hbm>>
    %dma_wait3A_98 = arith.constant 0 : i32
    %dma_wait3A_99 = arith.constant 0 : i32
    %dma_wait3A_100 = tpu.memref_slice %arg2[%dma_wait3A_93, %dma_wait3A_98, %dma_wait3A_99] : memref<64x512x512xf32, #tpu.memory_space<hbm>> -> memref<1x56x512xf32, #tpu.memory_space<hbm>>
    %dma_wait3A_101 = tpu.memref_squeeze %dma_wait3A_100 : memref<1x56x512xf32, #tpu.memory_space<hbm>> -> memref<56x512xf32, #tpu.memory_space<hbm>>
    tpu.wait_dma2 semaphore(%arg12 : memref<!tpu.dma_semaphore, #tpu.memory_space<semaphore_mem>>) src(%dma_wait3A_101 : memref<56x512xf32, #tpu.memory_space<hbm>>) dst(%arg6 : memref<56x512xf32, #tpu.memory_space<vmem>>)
    %dma_wait3A_102 = arith.constant 0 : i32
    %dma_wait3A_103 = arith.constant 0 : i32
    %dma_wait3A_104 = arith.constant 0 : i32
    %dma_wait3A_105 = tpu.memref_slice %arg3[%dma_wait3A_102, %dma_wait3A_103, %dma_wait3A_104] : memref<64x512x512xf32, #tpu.memory_space<hbm>> -> memref<1x56x512xf32, #tpu.memory_space<hbm>>
    %dma_wait3A_106 = tpu.memref_squeeze %dma_wait3A_105 : memref<1x56x512xf32, #tpu.memory_space<hbm>> -> memref<56x512xf32, #tpu.memory_space<hbm>>
    %dma_wait3A_107 = arith.constant 0 : i32
    %dma_wait3A_108 = arith.constant 0 : i32
    %dma_wait3A_109 = tpu.memref_slice %arg3[%dma_wait3A_102, %dma_wait3A_107, %dma_wait3A_108] : memref<64x512x512xf32, #tpu.memory_space<hbm>> -> memref<1x56x512xf32, #tpu.memory_space<hbm>>
    %dma_wait3A_110 = tpu.memref_squeeze %dma_wait3A_109 : memref<1x56x512xf32, #tpu.memory_space<hbm>> -> memref<56x512xf32, #tpu.memory_space<hbm>>
    tpu.wait_dma2 semaphore(%arg14 : memref<!tpu.dma_semaphore, #tpu.memory_space<semaphore_mem>>) src(%dma_wait3A_110 : memref<56x512xf32, #tpu.memory_space<hbm>>) dst(%arg8 : memref<56x512xf32, #tpu.memory_space<vmem>>)
    %parallel_loop3A_111 = arith.constant 0 : i32
    %parallel_loop3A_112 = arith.constant 1792 : i32
    %parallel_loop3A_113 = arith.constant 1 : i32
    scf.for %parallel_loop3A_1405 = %parallel_loop3A_111 to %parallel_loop3A_112 step %parallel_loop3A_113  : i32 {
      %parallel_loop3A_1406 = arith.constant 5 : i32
      %parallel_loop3A_1407 = arith.shrsi %parallel_loop3A_1405, %parallel_loop3A_1406 : i32
      %parallel_loop3A_1408 = arith.constant 31 : i32
      %parallel_loop3A_1409 = arith.andi %parallel_loop3A_1405, %parallel_loop3A_1408 : i32
      %parallel_loop3A_1410 = arith.constant 16 : i32
      %parallel_loop3A_1411 = arith.muli %parallel_loop3A_1409, %parallel_loop3A_1410 : i32
      %parallel_loop3A_1412 = tpu.assume_multiple %parallel_loop3A_1411, 16 : i32
      %parallel_loop3A_1413 = arith.index_cast %parallel_loop3A_1407 : i32 to index
      %parallel_loop3A_1414 = arith.index_cast %parallel_loop3A_1412 : i32 to index
      %parallel_loop3A_1415 = tpu.vector_load %arg6[%parallel_loop3A_1413, %parallel_loop3A_1414] {strides = array<i32>} : memref<56x512xf32, #tpu.memory_space<vmem>>, vector<16xf32>,
      %parallel_loop3A_1416 = arith.index_cast %parallel_loop3A_1407 : i32 to index
      %parallel_loop3A_1417 = arith.index_cast %parallel_loop3A_1412 : i32 to index
      %parallel_loop3A_1418 = tpu.vector_load %arg8[%parallel_loop3A_1416, %parallel_loop3A_1417] {strides = array<i32>} : memref<56x512xf32, #tpu.memory_space<vmem>>, vector<16xf32>,
      %parallel_loop3A_1419 = arith.constant 6.400000e+01 : f32
      %parallel_loop3A_1420 = vector.broadcast %parallel_loop3A_1419 : f32 to vector<16xf32>
      %parallel_loop3A_1421 = arith.mulf %parallel_loop3A_1415, %parallel_loop3A_1420 : vector<16xf32>
      %parallel_loop3A_1422 = arith.addf %parallel_loop3A_1421, %parallel_loop3A_1418 : vector<16xf32>
      %parallel_loop3A_1423 = arith.fptosi %parallel_loop3A_1422 : vector<16xf32> to vector<16xi32>
      %parallel_loop3A_1424 = arith.constant 4 : i32
      %parallel_loop3A_1425 = vector.broadcast %parallel_loop3A_1424 : i32 to vector<16xi32>
      %parallel_loop3A_1426 = arith.shli %parallel_loop3A_1423, %parallel_loop3A_1425 : vector<16xi32>
      %parallel_loop3A_1427 = arith.addi %parallel_loop3A_1426, %add3A_11 : vector<16xi32>
      tpu.vector_store_idx %arg9[%parallel_loop3A_1427], %broadcast_in_dim3A_1 {add = true} : memref<2080xf32, #tpu.memory_space<vmem>>[vector<16xi32>], vector<16xf32>,
    } {sc.loop_unroll_factor = 8 : i64, sc.parallel_access}
    %mul3A_114 = arith.constant 2 : i32
    %mul3A_115 = arith.muli %add3A, %mul3A_114 : i32
    %add3A_116 = arith.constant 0 : i32
    %add3A_117 = arith.addi %mul3A_115, %add3A_116 : i32
    %dma_start3A_118 = arith.constant 168 : i32
    %dma_start3A_119 = arith.constant 0 : i32
    %dma_start3A_120 = tpu.memref_slice %arg2[%add3A_117, %dma_start3A_118, %dma_start3A_119] : memref<64x512x512xf32, #tpu.memory_space<hbm>> -> memref<1x56x512xf32, #tpu.memory_space<hbm>>
    %dma_start3A_121 = tpu.memref_squeeze %dma_start3A_120 : memref<1x56x512xf32, #tpu.memory_space<hbm>> -> memref<56x512xf32, #tpu.memory_space<hbm>>
    %dma_start3A_122 = arith.constant 168 : i32
    %dma_start3A_123 = arith.constant 0 : i32
    %dma_start3A_124 = tpu.memref_slice %arg2[%add3A_117, %dma_start3A_122, %dma_start3A_123] : memref<64x512x512xf32, #tpu.memory_space<hbm>> -> memref<1x56x512xf32, #tpu.memory_space<hbm>>
    %dma_start3A_125 = tpu.memref_squeeze %dma_start3A_124 : memref<1x56x512xf32, #tpu.memory_space<hbm>> -> memref<56x512xf32, #tpu.memory_space<hbm>>
    tpu.enqueue_dma source(%dma_start3A_125 : memref<56x512xf32, #tpu.memory_space<hbm>>) target(%arg6 : memref<56x512xf32, #tpu.memory_space<vmem>>) target_semaphore(%arg12 : memref<!tpu.dma_semaphore, #tpu.memory_space<semaphore_mem>>)
    %dma_start3A_126 = arith.constant 168 : i32
    %dma_start3A_127 = arith.constant 0 : i32
    %dma_start3A_128 = tpu.memref_slice %arg3[%add3A_117, %dma_start3A_126, %dma_start3A_127] : memref<64x512x512xf32, #tpu.memory_space<hbm>> -> memref<1x56x512xf32, #tpu.memory_space<hbm>>
    %dma_start3A_129 = tpu.memref_squeeze %dma_start3A_128 : memref<1x56x512xf32, #tpu.memory_space<hbm>> -> memref<56x512xf32, #tpu.memory_space<hbm>>
    %dma_start3A_130 = arith.constant 168 : i32
    %dma_start3A_131 = arith.constant 0 : i32
    %dma_start3A_132 = tpu.memref_slice %arg3[%add3A_117, %dma_start3A_130, %dma_start3A_131] : memref<64x512x512xf32, #tpu.memory_space<hbm>> -> memref<1x56x512xf32, #tpu.memory_space<hbm>>
    %dma_start3A_133 = tpu.memref_squeeze %dma_start3A_132 : memref<1x56x512xf32, #tpu.memory_space<hbm>> -> memref<56x512xf32, #tpu.memory_space<hbm>>
    tpu.enqueue_dma source(%dma_start3A_133 : memref<56x512xf32, #tpu.memory_space<hbm>>) target(%arg8 : memref<56x512xf32, #tpu.memory_space<vmem>>) target_semaphore(%arg14 : memref<!tpu.dma_semaphore, #tpu.memory_space<semaphore_mem>>)
    %dma_wait3A_134 = arith.constant 0 : i32
    %dma_wait3A_135 = arith.constant 0 : i32
    %dma_wait3A_136 = arith.constant 0 : i32
    %dma_wait3A_137 = tpu.memref_slice %arg2[%dma_wait3A_134, %dma_wait3A_135, %dma_wait3A_136] : memref<64x512x512xf32, #tpu.memory_space<hbm>> -> memref<1x56x512xf32, #tpu.memory_space<hbm>>
    %dma_wait3A_138 = tpu.memref_squeeze %dma_wait3A_137 : memref<1x56x512xf32, #tpu.memory_space<hbm>> -> memref<56x512xf32, #tpu.memory_space<hbm>>
    %dma_wait3A_139 = arith.constant 0 : i32
    %dma_wait3A_140 = arith.constant 0 : i32
    %dma_wait3A_141 = tpu.memref_slice %arg2[%dma_wait3A_134, %dma_wait3A_139, %dma_wait3A_140] : memref<64x512x512xf32, #tpu.memory_space<hbm>> -> memref<1x56x512xf32, #tpu.memory_space<hbm>>
    %dma_wait3A_142 = tpu.memref_squeeze %dma_wait3A_141 : memref<1x56x512xf32, #tpu.memory_space<hbm>> -> memref<56x512xf32, #tpu.memory_space<hbm>>
    tpu.wait_dma2 semaphore(%arg11 : memref<!tpu.dma_semaphore, #tpu.memory_space<semaphore_mem>>) src(%dma_wait3A_142 : memref<56x512xf32, #tpu.memory_space<hbm>>) dst(%arg5 : memref<56x512xf32, #tpu.memory_space<vmem>>)
    %dma_wait3A_143 = arith.constant 0 : i32
    %dma_wait3A_144 = arith.constant 0 : i32
    %dma_wait3A_145 = arith.constant 0 : i32
    %dma_wait3A_146 = tpu.memref_slice %arg3[%dma_wait3A_143, %dma_wait3A_144, %dma_wait3A_145] : memref<64x512x512xf32, #tpu.memory_space<hbm>> -> memref<1x56x512xf32, #tpu.memory_space<hbm>>
    %dma_wait3A_147 = tpu.memref_squeeze %dma_wait3A_146 : memref<1x56x512xf32, #tpu.memory_space<hbm>> -> memref<56x512xf32, #tpu.memory_space<hbm>>
    %dma_wait3A_148 = arith.constant 0 : i32
    %dma_wait3A_149 = arith.constant 0 : i32
    %dma_wait3A_150 = tpu.memref_slice %arg3[%dma_wait3A_143, %dma_wait3A_148, %dma_wait3A_149] : memref<64x512x512xf32, #tpu.memory_space<hbm>> -> memref<1x56x512xf32, #tpu.memory_space<hbm>>
    %dma_wait3A_151 = tpu.memref_squeeze %dma_wait3A_150 : memref<1x56x512xf32, #tpu.memory_space<hbm>> -> memref<56x512xf32, #tpu.memory_space<hbm>>
    tpu.wait_dma2 semaphore(%arg13 : memref<!tpu.dma_semaphore, #tpu.memory_space<semaphore_mem>>) src(%dma_wait3A_151 : memref<56x512xf32, #tpu.memory_space<hbm>>) dst(%arg7 : memref<56x512xf32, #tpu.memory_space<vmem>>)
    %parallel_loop3A_152 = arith.constant 0 : i32
    %parallel_loop3A_153 = arith.constant 1792 : i32
    %parallel_loop3A_154 = arith.constant 1 : i32
    scf.for %parallel_loop3A_1405 = %parallel_loop3A_152 to %parallel_loop3A_153 step %parallel_loop3A_154  : i32 {
      %parallel_loop3A_1406 = arith.constant 5 : i32
      %parallel_loop3A_1407 = arith.shrsi %parallel_loop3A_1405, %parallel_loop3A_1406 : i32
      %parallel_loop3A_1408 = arith.constant 31 : i32
      %parallel_loop3A_1409 = arith.andi %parallel_loop3A_1405, %parallel_loop3A_1408 : i32
      %parallel_loop3A_1410 = arith.constant 16 : i32
      %parallel_loop3A_1411 = arith.muli %parallel_loop3A_1409, %parallel_loop3A_1410 : i32
      %parallel_loop3A_1412 = tpu.assume_multiple %parallel_loop3A_1411, 16 : i32
      %parallel_loop3A_1413 = arith.index_cast %parallel_loop3A_1407 : i32 to index
      %parallel_loop3A_1414 = arith.index_cast %parallel_loop3A_1412 : i32 to index
      %parallel_loop3A_1415 = tpu.vector_load %arg5[%parallel_loop3A_1413, %parallel_loop3A_1414] {strides = array<i32>} : memref<56x512xf32, #tpu.memory_space<vmem>>, vector<16xf32>,
      %parallel_loop3A_1416 = arith.index_cast %parallel_loop3A_1407 : i32 to index
      %parallel_loop3A_1417 = arith.index_cast %parallel_loop3A_1412 : i32 to index
      %parallel_loop3A_1418 = tpu.vector_load %arg7[%parallel_loop3A_1416, %parallel_loop3A_1417] {strides = array<i32>} : memref<56x512xf32, #tpu.memory_space<vmem>>, vector<16xf32>,
      %parallel_loop3A_1419 = arith.constant 6.400000e+01 : f32
      %parallel_loop3A_1420 = vector.broadcast %parallel_loop3A_1419 : f32 to vector<16xf32>
      %parallel_loop3A_1421 = arith.mulf %parallel_loop3A_1415, %parallel_loop3A_1420 : vector<16xf32>
      %parallel_loop3A_1422 = arith.addf %parallel_loop3A_1421, %parallel_loop3A_1418 : vector<16xf32>
      %parallel_loop3A_1423 = arith.fptosi %parallel_loop3A_1422 : vector<16xf32> to vector<16xi32>
      %parallel_loop3A_1424 = arith.constant 4 : i32
      %parallel_loop3A_1425 = vector.broadcast %parallel_loop3A_1424 : i32 to vector<16xi32>
      %parallel_loop3A_1426 = arith.shli %parallel_loop3A_1423, %parallel_loop3A_1425 : vector<16xi32>
      %parallel_loop3A_1427 = arith.addi %parallel_loop3A_1426, %add3A_11 : vector<16xi32>
      tpu.vector_store_idx %arg9[%parallel_loop3A_1427], %broadcast_in_dim3A_1 {add = true} : memref<2080xf32, #tpu.memory_space<vmem>>[vector<16xi32>], vector<16xf32>,
    } {sc.loop_unroll_factor = 8 : i64, sc.parallel_access}
    %mul3A_155 = arith.constant 2 : i32
    %mul3A_156 = arith.muli %add3A, %mul3A_155 : i32
    %add3A_157 = arith.constant 0 : i32
    %add3A_158 = arith.addi %mul3A_156, %add3A_157 : i32
    %dma_start3A_159 = arith.constant 224 : i32
    %dma_start3A_160 = arith.constant 0 : i32
    %dma_start3A_161 = tpu.memref_slice %arg2[%add3A_158, %dma_start3A_159, %dma_start3A_160] : memref<64x512x512xf32, #tpu.memory_space<hbm>> -> memref<1x56x512xf32, #tpu.memory_space<hbm>>
    %dma_start3A_162 = tpu.memref_squeeze %dma_start3A_161 : memref<1x56x512xf32, #tpu.memory_space<hbm>> -> memref<56x512xf32, #tpu.memory_space<hbm>>
    %dma_start3A_163 = arith.constant 224 : i32
    %dma_start3A_164 = arith.constant 0 : i32
    %dma_start3A_165 = tpu.memref_slice %arg2[%add3A_158, %dma_start3A_163, %dma_start3A_164] : memref<64x512x512xf32, #tpu.memory_space<hbm>> -> memref<1x56x512xf32, #tpu.memory_space<hbm>>
    %dma_start3A_166 = tpu.memref_squeeze %dma_start3A_165 : memref<1x56x512xf32, #tpu.memory_space<hbm>> -> memref<56x512xf32, #tpu.memory_space<hbm>>
    tpu.enqueue_dma source(%dma_start3A_166 : memref<56x512xf32, #tpu.memory_space<hbm>>) target(%arg5 : memref<56x512xf32, #tpu.memory_space<vmem>>) target_semaphore(%arg11 : memref<!tpu.dma_semaphore, #tpu.memory_space<semaphore_mem>>)
    %dma_start3A_167 = arith.constant 224 : i32
    %dma_start3A_168 = arith.constant 0 : i32
    %dma_start3A_169 = tpu.memref_slice %arg3[%add3A_158, %dma_start3A_167, %dma_start3A_168] : memref<64x512x512xf32, #tpu.memory_space<hbm>> -> memref<1x56x512xf32, #tpu.memory_space<hbm>>
    %dma_start3A_170 = tpu.memref_squeeze %dma_start3A_169 : memref<1x56x512xf32, #tpu.memory_space<hbm>> -> memref<56x512xf32, #tpu.memory_space<hbm>>
    %dma_start3A_171 = arith.constant 224 : i32
    %dma_start3A_172 = arith.constant 0 : i32
    %dma_start3A_173 = tpu.memref_slice %arg3[%add3A_158, %dma_start3A_171, %dma_start3A_172] : memref<64x512x512xf32, #tpu.memory_space<hbm>> -> memref<1x56x512xf32, #tpu.memory_space<hbm>>
    %dma_start3A_174 = tpu.memref_squeeze %dma_start3A_173 : memref<1x56x512xf32, #tpu.memory_space<hbm>> -> memref<56x512xf32, #tpu.memory_space<hbm>>
    tpu.enqueue_dma source(%dma_start3A_174 : memref<56x512xf32, #tpu.memory_space<hbm>>) target(%arg7 : memref<56x512xf32, #tpu.memory_space<vmem>>) target_semaphore(%arg13 : memref<!tpu.dma_semaphore, #tpu.memory_space<semaphore_mem>>)
    %dma_wait3A_175 = arith.constant 0 : i32
    %dma_wait3A_176 = arith.constant 0 : i32
    %dma_wait3A_177 = arith.constant 0 : i32
    %dma_wait3A_178 = tpu.memref_slice %arg2[%dma_wait3A_175, %dma_wait3A_176, %dma_wait3A_177] : memref<64x512x512xf32, #tpu.memory_space<hbm>> -> memref<1x56x512xf32, #tpu.memory_space<hbm>>
    %dma_wait3A_179 = tpu.memref_squeeze %dma_wait3A_178 : memref<1x56x512xf32, #tpu.memory_space<hbm>> -> memref<56x512xf32, #tpu.memory_space<hbm>>
    %dma_wait3A_180 = arith.constant 0 : i32
    %dma_wait3A_181 = arith.constant 0 : i32
    %dma_wait3A_182 = tpu.memref_slice %arg2[%dma_wait3A_175, %dma_wait3A_180, %dma_wait3A_181] : memref<64x512x512xf32, #tpu.memory_space<hbm>> -> memref<1x56x512xf32, #tpu.memory_space<hbm>>
    %dma_wait3A_183 = tpu.memref_squeeze %dma_wait3A_182 : memref<1x56x512xf32, #tpu.memory_space<hbm>> -> memref<56x512xf32, #tpu.memory_space<hbm>>
    tpu.wait_dma2 semaphore(%arg12 : memref<!tpu.dma_semaphore, #tpu.memory_space<semaphore_mem>>) src(%dma_wait3A_183 : memref<56x512xf32, #tpu.memory_space<hbm>>) dst(%arg6 : memref<56x512xf32, #tpu.memory_space<vmem>>)
    %dma_wait3A_184 = arith.constant 0 : i32
    %dma_wait3A_185 = arith.constant 0 : i32
    %dma_wait3A_186 = arith.constant 0 : i32
    %dma_wait3A_187 = tpu.memref_slice %arg3[%dma_wait3A_184, %dma_wait3A_185, %dma_wait3A_186] : memref<64x512x512xf32, #tpu.memory_space<hbm>> -> memref<1x56x512xf32, #tpu.memory_space<hbm>>
    %dma_wait3A_188 = tpu.memref_squeeze %dma_wait3A_187 : memref<1x56x512xf32, #tpu.memory_space<hbm>> -> memref<56x512xf32, #tpu.memory_space<hbm>>
    %dma_wait3A_189 = arith.constant 0 : i32
    %dma_wait3A_190 = arith.constant 0 : i32
    %dma_wait3A_191 = tpu.memref_slice %arg3[%dma_wait3A_184, %dma_wait3A_189, %dma_wait3A_190] : memref<64x512x512xf32, #tpu.memory_space<hbm>> -> memref<1x56x512xf32, #tpu.memory_space<hbm>>
    %dma_wait3A_192 = tpu.memref_squeeze %dma_wait3A_191 : memref<1x56x512xf32, #tpu.memory_space<hbm>> -> memref<56x512xf32, #tpu.memory_space<hbm>>
    tpu.wait_dma2 semaphore(%arg14 : memref<!tpu.dma_semaphore, #tpu.memory_space<semaphore_mem>>) src(%dma_wait3A_192 : memref<56x512xf32, #tpu.memory_space<hbm>>) dst(%arg8 : memref<56x512xf32, #tpu.memory_space<vmem>>)
    %parallel_loop3A_193 = arith.constant 0 : i32
    %parallel_loop3A_194 = arith.constant 1792 : i32
    %parallel_loop3A_195 = arith.constant 1 : i32
    scf.for %parallel_loop3A_1405 = %parallel_loop3A_193 to %parallel_loop3A_194 step %parallel_loop3A_195  : i32 {
      %parallel_loop3A_1406 = arith.constant 5 : i32
      %parallel_loop3A_1407 = arith.shrsi %parallel_loop3A_1405, %parallel_loop3A_1406 : i32
      %parallel_loop3A_1408 = arith.constant 31 : i32
      %parallel_loop3A_1409 = arith.andi %parallel_loop3A_1405, %parallel_loop3A_1408 : i32
      %parallel_loop3A_1410 = arith.constant 16 : i32
      %parallel_loop3A_1411 = arith.muli %parallel_loop3A_1409, %parallel_loop3A_1410 : i32
      %parallel_loop3A_1412 = tpu.assume_multiple %parallel_loop3A_1411, 16 : i32
      %parallel_loop3A_1413 = arith.index_cast %parallel_loop3A_1407 : i32 to index
      %parallel_loop3A_1414 = arith.index_cast %parallel_loop3A_1412 : i32 to index
      %parallel_loop3A_1415 = tpu.vector_load %arg6[%parallel_loop3A_1413, %parallel_loop3A_1414] {strides = array<i32>} : memref<56x512xf32, #tpu.memory_space<vmem>>, vector<16xf32>,
      %parallel_loop3A_1416 = arith.index_cast %parallel_loop3A_1407 : i32 to index
      %parallel_loop3A_1417 = arith.index_cast %parallel_loop3A_1412 : i32 to index
      %parallel_loop3A_1418 = tpu.vector_load %arg8[%parallel_loop3A_1416, %parallel_loop3A_1417] {strides = array<i32>} : memref<56x512xf32, #tpu.memory_space<vmem>>, vector<16xf32>,
      %parallel_loop3A_1419 = arith.constant 6.400000e+01 : f32
      %parallel_loop3A_1420 = vector.broadcast %parallel_loop3A_1419 : f32 to vector<16xf32>
      %parallel_loop3A_1421 = arith.mulf %parallel_loop3A_1415, %parallel_loop3A_1420 : vector<16xf32>
      %parallel_loop3A_1422 = arith.addf %parallel_loop3A_1421, %parallel_loop3A_1418 : vector<16xf32>
      %parallel_loop3A_1423 = arith.fptosi %parallel_loop3A_1422 : vector<16xf32> to vector<16xi32>
      %parallel_loop3A_1424 = arith.constant 4 : i32
      %parallel_loop3A_1425 = vector.broadcast %parallel_loop3A_1424 : i32 to vector<16xi32>
      %parallel_loop3A_1426 = arith.shli %parallel_loop3A_1423, %parallel_loop3A_1425 : vector<16xi32>
      %parallel_loop3A_1427 = arith.addi %parallel_loop3A_1426, %add3A_11 : vector<16xi32>
      tpu.vector_store_idx %arg9[%parallel_loop3A_1427], %broadcast_in_dim3A_1 {add = true} : memref<2080xf32, #tpu.memory_space<vmem>>[vector<16xi32>], vector<16xf32>,
    } {sc.loop_unroll_factor = 8 : i64, sc.parallel_access}
    %mul3A_196 = arith.constant 2 : i32
    %mul3A_197 = arith.muli %add3A, %mul3A_196 : i32
    %add3A_198 = arith.constant 0 : i32
    %add3A_199 = arith.addi %mul3A_197, %add3A_198 : i32
    %dma_start3A_200 = arith.constant 280 : i32
    %dma_start3A_201 = arith.constant 0 : i32
    %dma_start3A_202 = tpu.memref_slice %arg2[%add3A_199, %dma_start3A_200, %dma_start3A_201] : memref<64x512x512xf32, #tpu.memory_space<hbm>> -> memref<1x56x512xf32, #tpu.memory_space<hbm>>
    %dma_start3A_203 = tpu.memref_squeeze %dma_start3A_202 : memref<1x56x512xf32, #tpu.memory_space<hbm>> -> memref<56x512xf32, #tpu.memory_space<hbm>>
    %dma_start3A_204 = arith.constant 280 : i32
    %dma_start3A_205 = arith.constant 0 : i32
    %dma_start3A_206 = tpu.memref_slice %arg2[%add3A_199, %dma_start3A_204, %dma_start3A_205] : memref<64x512x512xf32, #tpu.memory_space<hbm>> -> memref<1x56x512xf32, #tpu.memory_space<hbm>>
    %dma_start3A_207 = tpu.memref_squeeze %dma_start3A_206 : memref<1x56x512xf32, #tpu.memory_space<hbm>> -> memref<56x512xf32, #tpu.memory_space<hbm>>
    tpu.enqueue_dma source(%dma_start3A_207 : memref<56x512xf32, #tpu.memory_space<hbm>>) target(%arg6 : memref<56x512xf32, #tpu.memory_space<vmem>>) target_semaphore(%arg12 : memref<!tpu.dma_semaphore, #tpu.memory_space<semaphore_mem>>)
    %dma_start3A_208 = arith.constant 280 : i32
    %dma_start3A_209 = arith.constant 0 : i32
    %dma_start3A_210 = tpu.memref_slice %arg3[%add3A_199, %dma_start3A_208, %dma_start3A_209] : memref<64x512x512xf32, #tpu.memory_space<hbm>> -> memref<1x56x512xf32, #tpu.memory_space<hbm>>
    %dma_start3A_211 = tpu.memref_squeeze %dma_start3A_210 : memref<1x56x512xf32, #tpu.memory_space<hbm>> -> memref<56x512xf32, #tpu.memory_space<hbm>>
    %dma_start3A_212 = arith.constant 280 : i32
    %dma_start3A_213 = arith.constant 0 : i32
    %dma_start3A_214 = tpu.memref_slice %arg3[%add3A_199, %dma_start3A_212, %dma_start3A_213] : memref<64x512x512xf32, #tpu.memory_space<hbm>> -> memref<1x56x512xf32, #tpu.memory_space<hbm>>
    %dma_start3A_215 = tpu.memref_squeeze %dma_start3A_214 : memref<1x56x512xf32, #tpu.memory_space<hbm>> -> memref<56x512xf32, #tpu.memory_space<hbm>>
    tpu.enqueue_dma source(%dma_start3A_215 : memref<56x512xf32, #tpu.memory_space<hbm>>) target(%arg8 : memref<56x512xf32, #tpu.memory_space<vmem>>) target_semaphore(%arg14 : memref<!tpu.dma_semaphore, #tpu.memory_space<semaphore_mem>>)
    %dma_wait3A_216 = arith.constant 0 : i32
    %dma_wait3A_217 = arith.constant 0 : i32
    %dma_wait3A_218 = arith.constant 0 : i32
    %dma_wait3A_219 = tpu.memref_slice %arg2[%dma_wait3A_216, %dma_wait3A_217, %dma_wait3A_218] : memref<64x512x512xf32, #tpu.memory_space<hbm>> -> memref<1x56x512xf32, #tpu.memory_space<hbm>>
    %dma_wait3A_220 = tpu.memref_squeeze %dma_wait3A_219 : memref<1x56x512xf32, #tpu.memory_space<hbm>> -> memref<56x512xf32, #tpu.memory_space<hbm>>
    %dma_wait3A_221 = arith.constant 0 : i32
    %dma_wait3A_222 = arith.constant 0 : i32
    %dma_wait3A_223 = tpu.memref_slice %arg2[%dma_wait3A_216, %dma_wait3A_221, %dma_wait3A_222] : memref<64x512x512xf32, #tpu.memory_space<hbm>> -> memref<1x56x512xf32, #tpu.memory_space<hbm>>
    %dma_wait3A_224 = tpu.memref_squeeze %dma_wait3A_223 : memref<1x56x512xf32, #tpu.memory_space<hbm>> -> memref<56x512xf32, #tpu.memory_space<hbm>>
    tpu.wait_dma2 semaphore(%arg11 : memref<!tpu.dma_semaphore, #tpu.memory_space<semaphore_mem>>) src(%dma_wait3A_224 : memref<56x512xf32, #tpu.memory_space<hbm>>) dst(%arg5 : memref<56x512xf32, #tpu.memory_space<vmem>>)
    %dma_wait3A_225 = arith.constant 0 : i32
    %dma_wait3A_226 = arith.constant 0 : i32
    %dma_wait3A_227 = arith.constant 0 : i32
    %dma_wait3A_228 = tpu.memref_slice %arg3[%dma_wait3A_225, %dma_wait3A_226, %dma_wait3A_227] : memref<64x512x512xf32, #tpu.memory_space<hbm>> -> memref<1x56x512xf32, #tpu.memory_space<hbm>>
    %dma_wait3A_229 = tpu.memref_squeeze %dma_wait3A_228 : memref<1x56x512xf32, #tpu.memory_space<hbm>> -> memref<56x512xf32, #tpu.memory_space<hbm>>
    %dma_wait3A_230 = arith.constant 0 : i32
    %dma_wait3A_231 = arith.constant 0 : i32
    %dma_wait3A_232 = tpu.memref_slice %arg3[%dma_wait3A_225, %dma_wait3A_230, %dma_wait3A_231] : memref<64x512x512xf32, #tpu.memory_space<hbm>> -> memref<1x56x512xf32, #tpu.memory_space<hbm>>
    %dma_wait3A_233 = tpu.memref_squeeze %dma_wait3A_232 : memref<1x56x512xf32, #tpu.memory_space<hbm>> -> memref<56x512xf32, #tpu.memory_space<hbm>>
    tpu.wait_dma2 semaphore(%arg13 : memref<!tpu.dma_semaphore, #tpu.memory_space<semaphore_mem>>) src(%dma_wait3A_233 : memref<56x512xf32, #tpu.memory_space<hbm>>) dst(%arg7 : memref<56x512xf32, #tpu.memory_space<vmem>>)
    %parallel_loop3A_234 = arith.constant 0 : i32
    %parallel_loop3A_235 = arith.constant 1792 : i32
    %parallel_loop3A_236 = arith.constant 1 : i32
    scf.for %parallel_loop3A_1405 = %parallel_loop3A_234 to %parallel_loop3A_235 step %parallel_loop3A_236  : i32 {
      %parallel_loop3A_1406 = arith.constant 5 : i32
      %parallel_loop3A_1407 = arith.shrsi %parallel_loop3A_1405, %parallel_loop3A_1406 : i32
      %parallel_loop3A_1408 = arith.constant 31 : i32
      %parallel_loop3A_1409 = arith.andi %parallel_loop3A_1405, %parallel_loop3A_1408 : i32
      %parallel_loop3A_1410 = arith.constant 16 : i32
      %parallel_loop3A_1411 = arith.muli %parallel_loop3A_1409, %parallel_loop3A_1410 : i32
      %parallel_loop3A_1412 = tpu.assume_multiple %parallel_loop3A_1411, 16 : i32
      %parallel_loop3A_1413 = arith.index_cast %parallel_loop3A_1407 : i32 to index
      %parallel_loop3A_1414 = arith.index_cast %parallel_loop3A_1412 : i32 to index
      %parallel_loop3A_1415 = tpu.vector_load %arg5[%parallel_loop3A_1413, %parallel_loop3A_1414] {strides = array<i32>} : memref<56x512xf32, #tpu.memory_space<vmem>>, vector<16xf32>,
      %parallel_loop3A_1416 = arith.index_cast %parallel_loop3A_1407 : i32 to index
      %parallel_loop3A_1417 = arith.index_cast %parallel_loop3A_1412 : i32 to index
      %parallel_loop3A_1418 = tpu.vector_load %arg7[%parallel_loop3A_1416, %parallel_loop3A_1417] {strides = array<i32>} : memref<56x512xf32, #tpu.memory_space<vmem>>, vector<16xf32>,
      %parallel_loop3A_1419 = arith.constant 6.400000e+01 : f32
      %parallel_loop3A_1420 = vector.broadcast %parallel_loop3A_1419 : f32 to vector<16xf32>
      %parallel_loop3A_1421 = arith.mulf %parallel_loop3A_1415, %parallel_loop3A_1420 : vector<16xf32>
      %parallel_loop3A_1422 = arith.addf %parallel_loop3A_1421, %parallel_loop3A_1418 : vector<16xf32>
      %parallel_loop3A_1423 = arith.fptosi %parallel_loop3A_1422 : vector<16xf32> to vector<16xi32>
      %parallel_loop3A_1424 = arith.constant 4 : i32
      %parallel_loop3A_1425 = vector.broadcast %parallel_loop3A_1424 : i32 to vector<16xi32>
      %parallel_loop3A_1426 = arith.shli %parallel_loop3A_1423, %parallel_loop3A_1425 : vector<16xi32>
      %parallel_loop3A_1427 = arith.addi %parallel_loop3A_1426, %add3A_11 : vector<16xi32>
      tpu.vector_store_idx %arg9[%parallel_loop3A_1427], %broadcast_in_dim3A_1 {add = true} : memref<2080xf32, #tpu.memory_space<vmem>>[vector<16xi32>], vector<16xf32>,
    } {sc.loop_unroll_factor = 8 : i64, sc.parallel_access}
    %mul3A_237 = arith.constant 2 : i32
    %mul3A_238 = arith.muli %add3A, %mul3A_237 : i32
    %add3A_239 = arith.constant 0 : i32
    %add3A_240 = arith.addi %mul3A_238, %add3A_239 : i32
    %dma_start3A_241 = arith.constant 336 : i32
    %dma_start3A_242 = arith.constant 0 : i32
    %dma_start3A_243 = tpu.memref_slice %arg2[%add3A_240, %dma_start3A_241, %dma_start3A_242] : memref<64x512x512xf32, #tpu.memory_space<hbm>> -> memref<1x56x512xf32, #tpu.memory_space<hbm>>
    %dma_start3A_244 = tpu.memref_squeeze %dma_start3A_243 : memref<1x56x512xf32, #tpu.memory_space<hbm>> -> memref<56x512xf32, #tpu.memory_space<hbm>>
    %dma_start3A_245 = arith.constant 336 : i32
    %dma_start3A_246 = arith.constant 0 : i32
    %dma_start3A_247 = tpu.memref_slice %arg2[%add3A_240, %dma_start3A_245, %dma_start3A_246] : memref<64x512x512xf32, #tpu.memory_space<hbm>> -> memref<1x56x512xf32, #tpu.memory_space<hbm>>
    %dma_start3A_248 = tpu.memref_squeeze %dma_start3A_247 : memref<1x56x512xf32, #tpu.memory_space<hbm>> -> memref<56x512xf32, #tpu.memory_space<hbm>>
    tpu.enqueue_dma source(%dma_start3A_248 : memref<56x512xf32, #tpu.memory_space<hbm>>) target(%arg5 : memref<56x512xf32, #tpu.memory_space<vmem>>) target_semaphore(%arg11 : memref<!tpu.dma_semaphore, #tpu.memory_space<semaphore_mem>>)
    %dma_start3A_249 = arith.constant 336 : i32
    %dma_start3A_250 = arith.constant 0 : i32
    %dma_start3A_251 = tpu.memref_slice %arg3[%add3A_240, %dma_start3A_249, %dma_start3A_250] : memref<64x512x512xf32, #tpu.memory_space<hbm>> -> memref<1x56x512xf32, #tpu.memory_space<hbm>>
    %dma_start3A_252 = tpu.memref_squeeze %dma_start3A_251 : memref<1x56x512xf32, #tpu.memory_space<hbm>> -> memref<56x512xf32, #tpu.memory_space<hbm>>
    %dma_start3A_253 = arith.constant 336 : i32
    %dma_start3A_254 = arith.constant 0 : i32
    %dma_start3A_255 = tpu.memref_slice %arg3[%add3A_240, %dma_start3A_253, %dma_start3A_254] : memref<64x512x512xf32, #tpu.memory_space<hbm>> -> memref<1x56x512xf32, #tpu.memory_space<hbm>>
    %dma_start3A_256 = tpu.memref_squeeze %dma_start3A_255 : memref<1x56x512xf32, #tpu.memory_space<hbm>> -> memref<56x512xf32, #tpu.memory_space<hbm>>
    tpu.enqueue_dma source(%dma_start3A_256 : memref<56x512xf32, #tpu.memory_space<hbm>>) target(%arg7 : memref<56x512xf32, #tpu.memory_space<vmem>>) target_semaphore(%arg13 : memref<!tpu.dma_semaphore, #tpu.memory_space<semaphore_mem>>)
    %dma_wait3A_257 = arith.constant 0 : i32
    %dma_wait3A_258 = arith.constant 0 : i32
    %dma_wait3A_259 = arith.constant 0 : i32
    %dma_wait3A_260 = tpu.memref_slice %arg2[%dma_wait3A_257, %dma_wait3A_258, %dma_wait3A_259] : memref<64x512x512xf32, #tpu.memory_space<hbm>> -> memref<1x56x512xf32, #tpu.memory_space<hbm>>
    %dma_wait3A_261 = tpu.memref_squeeze %dma_wait3A_260 : memref<1x56x512xf32, #tpu.memory_space<hbm>> -> memref<56x512xf32, #tpu.memory_space<hbm>>
    %dma_wait3A_262 = arith.constant 0 : i32
    %dma_wait3A_263 = arith.constant 0 : i32
    %dma_wait3A_264 = tpu.memref_slice %arg2[%dma_wait3A_257, %dma_wait3A_262, %dma_wait3A_263] : memref<64x512x512xf32, #tpu.memory_space<hbm>> -> memref<1x56x512xf32, #tpu.memory_space<hbm>>
    %dma_wait3A_265 = tpu.memref_squeeze %dma_wait3A_264 : memref<1x56x512xf32, #tpu.memory_space<hbm>> -> memref<56x512xf32, #tpu.memory_space<hbm>>
    tpu.wait_dma2 semaphore(%arg12 : memref<!tpu.dma_semaphore, #tpu.memory_space<semaphore_mem>>) src(%dma_wait3A_265 : memref<56x512xf32, #tpu.memory_space<hbm>>) dst(%arg6 : memref<56x512xf32, #tpu.memory_space<vmem>>)
    %dma_wait3A_266 = arith.constant 0 : i32
    %dma_wait3A_267 = arith.constant 0 : i32
    %dma_wait3A_268 = arith.constant 0 : i32
    %dma_wait3A_269 = tpu.memref_slice %arg3[%dma_wait3A_266, %dma_wait3A_267, %dma_wait3A_268] : memref<64x512x512xf32, #tpu.memory_space<hbm>> -> memref<1x56x512xf32, #tpu.memory_space<hbm>>
    %dma_wait3A_270 = tpu.memref_squeeze %dma_wait3A_269 : memref<1x56x512xf32, #tpu.memory_space<hbm>> -> memref<56x512xf32, #tpu.memory_space<hbm>>
    %dma_wait3A_271 = arith.constant 0 : i32
    %dma_wait3A_272 = arith.constant 0 : i32
    %dma_wait3A_273 = tpu.memref_slice %arg3[%dma_wait3A_266, %dma_wait3A_271, %dma_wait3A_272] : memref<64x512x512xf32, #tpu.memory_space<hbm>> -> memref<1x56x512xf32, #tpu.memory_space<hbm>>
    %dma_wait3A_274 = tpu.memref_squeeze %dma_wait3A_273 : memref<1x56x512xf32, #tpu.memory_space<hbm>> -> memref<56x512xf32, #tpu.memory_space<hbm>>
    tpu.wait_dma2 semaphore(%arg14 : memref<!tpu.dma_semaphore, #tpu.memory_space<semaphore_mem>>) src(%dma_wait3A_274 : memref<56x512xf32, #tpu.memory_space<hbm>>) dst(%arg8 : memref<56x512xf32, #tpu.memory_space<vmem>>)
    %parallel_loop3A_275 = arith.constant 0 : i32
    %parallel_loop3A_276 = arith.constant 1792 : i32
    %parallel_loop3A_277 = arith.constant 1 : i32
    scf.for %parallel_loop3A_1405 = %parallel_loop3A_275 to %parallel_loop3A_276 step %parallel_loop3A_277  : i32 {
      %parallel_loop3A_1406 = arith.constant 5 : i32
      %parallel_loop3A_1407 = arith.shrsi %parallel_loop3A_1405, %parallel_loop3A_1406 : i32
      %parallel_loop3A_1408 = arith.constant 31 : i32
      %parallel_loop3A_1409 = arith.andi %parallel_loop3A_1405, %parallel_loop3A_1408 : i32
      %parallel_loop3A_1410 = arith.constant 16 : i32
      %parallel_loop3A_1411 = arith.muli %parallel_loop3A_1409, %parallel_loop3A_1410 : i32
      %parallel_loop3A_1412 = tpu.assume_multiple %parallel_loop3A_1411, 16 : i32
      %parallel_loop3A_1413 = arith.index_cast %parallel_loop3A_1407 : i32 to index
      %parallel_loop3A_1414 = arith.index_cast %parallel_loop3A_1412 : i32 to index
      %parallel_loop3A_1415 = tpu.vector_load %arg6[%parallel_loop3A_1413, %parallel_loop3A_1414] {strides = array<i32>} : memref<56x512xf32, #tpu.memory_space<vmem>>, vector<16xf32>,
      %parallel_loop3A_1416 = arith.index_cast %parallel_loop3A_1407 : i32 to index
      %parallel_loop3A_1417 = arith.index_cast %parallel_loop3A_1412 : i32 to index
      %parallel_loop3A_1418 = tpu.vector_load %arg8[%parallel_loop3A_1416, %parallel_loop3A_1417] {strides = array<i32>} : memref<56x512xf32, #tpu.memory_space<vmem>>, vector<16xf32>,
      %parallel_loop3A_1419 = arith.constant 6.400000e+01 : f32
      %parallel_loop3A_1420 = vector.broadcast %parallel_loop3A_1419 : f32 to vector<16xf32>
      %parallel_loop3A_1421 = arith.mulf %parallel_loop3A_1415, %parallel_loop3A_1420 : vector<16xf32>
      %parallel_loop3A_1422 = arith.addf %parallel_loop3A_1421, %parallel_loop3A_1418 : vector<16xf32>
      %parallel_loop3A_1423 = arith.fptosi %parallel_loop3A_1422 : vector<16xf32> to vector<16xi32>
      %parallel_loop3A_1424 = arith.constant 4 : i32
      %parallel_loop3A_1425 = vector.broadcast %parallel_loop3A_1424 : i32 to vector<16xi32>
      %parallel_loop3A_1426 = arith.shli %parallel_loop3A_1423, %parallel_loop3A_1425 : vector<16xi32>
      %parallel_loop3A_1427 = arith.addi %parallel_loop3A_1426, %add3A_11 : vector<16xi32>
      tpu.vector_store_idx %arg9[%parallel_loop3A_1427], %broadcast_in_dim3A_1 {add = true} : memref<2080xf32, #tpu.memory_space<vmem>>[vector<16xi32>], vector<16xf32>,
    } {sc.loop_unroll_factor = 8 : i64, sc.parallel_access}
    %mul3A_278 = arith.constant 2 : i32
    %mul3A_279 = arith.muli %add3A, %mul3A_278 : i32
    %add3A_280 = arith.constant 0 : i32
    %add3A_281 = arith.addi %mul3A_279, %add3A_280 : i32
    %dma_start3A_282 = arith.constant 392 : i32
    %dma_start3A_283 = arith.constant 0 : i32
    %dma_start3A_284 = tpu.memref_slice %arg2[%add3A_281, %dma_start3A_282, %dma_start3A_283] : memref<64x512x512xf32, #tpu.memory_space<hbm>> -> memref<1x56x512xf32, #tpu.memory_space<hbm>>
    %dma_start3A_285 = tpu.memref_squeeze %dma_start3A_284 : memref<1x56x512xf32, #tpu.memory_space<hbm>> -> memref<56x512xf32, #tpu.memory_space<hbm>>
    %dma_start3A_286 = arith.constant 392 : i32
    %dma_start3A_287 = arith.constant 0 : i32
    %dma_start3A_288 = tpu.memref_slice %arg2[%add3A_281, %dma_start3A_286, %dma_start3A_287] : memref<64x512x512xf32, #tpu.memory_space<hbm>> -> memref<1x56x512xf32, #tpu.memory_space<hbm>>
    %dma_start3A_289 = tpu.memref_squeeze %dma_start3A_288 : memref<1x56x512xf32, #tpu.memory_space<hbm>> -> memref<56x512xf32, #tpu.memory_space<hbm>>
    tpu.enqueue_dma source(%dma_start3A_289 : memref<56x512xf32, #tpu.memory_space<hbm>>) target(%arg6 : memref<56x512xf32, #tpu.memory_space<vmem>>) target_semaphore(%arg12 : memref<!tpu.dma_semaphore, #tpu.memory_space<semaphore_mem>>)
    %dma_start3A_290 = arith.constant 392 : i32
    %dma_start3A_291 = arith.constant 0 : i32
    %dma_start3A_292 = tpu.memref_slice %arg3[%add3A_281, %dma_start3A_290, %dma_start3A_291] : memref<64x512x512xf32, #tpu.memory_space<hbm>> -> memref<1x56x512xf32, #tpu.memory_space<hbm>>
    %dma_start3A_293 = tpu.memref_squeeze %dma_start3A_292 : memref<1x56x512xf32, #tpu.memory_space<hbm>> -> memref<56x512xf32, #tpu.memory_space<hbm>>
    %dma_start3A_294 = arith.constant 392 : i32
    %dma_start3A_295 = arith.constant 0 : i32
    %dma_start3A_296 = tpu.memref_slice %arg3[%add3A_281, %dma_start3A_294, %dma_start3A_295] : memref<64x512x512xf32, #tpu.memory_space<hbm>> -> memref<1x56x512xf32, #tpu.memory_space<hbm>>
    %dma_start3A_297 = tpu.memref_squeeze %dma_start3A_296 : memref<1x56x512xf32, #tpu.memory_space<hbm>> -> memref<56x512xf32, #tpu.memory_space<hbm>>
    tpu.enqueue_dma source(%dma_start3A_297 : memref<56x512xf32, #tpu.memory_space<hbm>>) target(%arg8 : memref<56x512xf32, #tpu.memory_space<vmem>>) target_semaphore(%arg14 : memref<!tpu.dma_semaphore, #tpu.memory_space<semaphore_mem>>)
    %dma_wait3A_298 = arith.constant 0 : i32
    %dma_wait3A_299 = arith.constant 0 : i32
    %dma_wait3A_300 = arith.constant 0 : i32
    %dma_wait3A_301 = tpu.memref_slice %arg2[%dma_wait3A_298, %dma_wait3A_299, %dma_wait3A_300] : memref<64x512x512xf32, #tpu.memory_space<hbm>> -> memref<1x56x512xf32, #tpu.memory_space<hbm>>
    %dma_wait3A_302 = tpu.memref_squeeze %dma_wait3A_301 : memref<1x56x512xf32, #tpu.memory_space<hbm>> -> memref<56x512xf32, #tpu.memory_space<hbm>>
    %dma_wait3A_303 = arith.constant 0 : i32
    %dma_wait3A_304 = arith.constant 0 : i32
    %dma_wait3A_305 = tpu.memref_slice %arg2[%dma_wait3A_298, %dma_wait3A_303, %dma_wait3A_304] : memref<64x512x512xf32, #tpu.memory_space<hbm>> -> memref<1x56x512xf32, #tpu.memory_space<hbm>>
    %dma_wait3A_306 = tpu.memref_squeeze %dma_wait3A_305 : memref<1x56x512xf32, #tpu.memory_space<hbm>> -> memref<56x512xf32, #tpu.memory_space<hbm>>
    tpu.wait_dma2 semaphore(%arg11 : memref<!tpu.dma_semaphore, #tpu.memory_space<semaphore_mem>>) src(%dma_wait3A_306 : memref<56x512xf32, #tpu.memory_space<hbm>>) dst(%arg5 : memref<56x512xf32, #tpu.memory_space<vmem>>)
    %dma_wait3A_307 = arith.constant 0 : i32
    %dma_wait3A_308 = arith.constant 0 : i32
    %dma_wait3A_309 = arith.constant 0 : i32
    %dma_wait3A_310 = tpu.memref_slice %arg3[%dma_wait3A_307, %dma_wait3A_308, %dma_wait3A_309] : memref<64x512x512xf32, #tpu.memory_space<hbm>> -> memref<1x56x512xf32, #tpu.memory_space<hbm>>
    %dma_wait3A_311 = tpu.memref_squeeze %dma_wait3A_310 : memref<1x56x512xf32, #tpu.memory_space<hbm>> -> memref<56x512xf32, #tpu.memory_space<hbm>>
    %dma_wait3A_312 = arith.constant 0 : i32
    %dma_wait3A_313 = arith.constant 0 : i32
    %dma_wait3A_314 = tpu.memref_slice %arg3[%dma_wait3A_307, %dma_wait3A_312, %dma_wait3A_313] : memref<64x512x512xf32, #tpu.memory_space<hbm>> -> memref<1x56x512xf32, #tpu.memory_space<hbm>>
    %dma_wait3A_315 = tpu.memref_squeeze %dma_wait3A_314 : memref<1x56x512xf32, #tpu.memory_space<hbm>> -> memref<56x512xf32, #tpu.memory_space<hbm>>
    tpu.wait_dma2 semaphore(%arg13 : memref<!tpu.dma_semaphore, #tpu.memory_space<semaphore_mem>>) src(%dma_wait3A_315 : memref<56x512xf32, #tpu.memory_space<hbm>>) dst(%arg7 : memref<56x512xf32, #tpu.memory_space<vmem>>)
    %parallel_loop3A_316 = arith.constant 0 : i32
    %parallel_loop3A_317 = arith.constant 1792 : i32
    %parallel_loop3A_318 = arith.constant 1 : i32
    scf.for %parallel_loop3A_1405 = %parallel_loop3A_316 to %parallel_loop3A_317 step %parallel_loop3A_318  : i32 {
      %parallel_loop3A_1406 = arith.constant 5 : i32
      %parallel_loop3A_1407 = arith.shrsi %parallel_loop3A_1405, %parallel_loop3A_1406 : i32
      %parallel_loop3A_1408 = arith.constant 31 : i32
      %parallel_loop3A_1409 = arith.andi %parallel_loop3A_1405, %parallel_loop3A_1408 : i32
      %parallel_loop3A_1410 = arith.constant 16 : i32
      %parallel_loop3A_1411 = arith.muli %parallel_loop3A_1409, %parallel_loop3A_1410 : i32
      %parallel_loop3A_1412 = tpu.assume_multiple %parallel_loop3A_1411, 16 : i32
      %parallel_loop3A_1413 = arith.index_cast %parallel_loop3A_1407 : i32 to index
      %parallel_loop3A_1414 = arith.index_cast %parallel_loop3A_1412 : i32 to index
      %parallel_loop3A_1415 = tpu.vector_load %arg5[%parallel_loop3A_1413, %parallel_loop3A_1414] {strides = array<i32>} : memref<56x512xf32, #tpu.memory_space<vmem>>, vector<16xf32>,
      %parallel_loop3A_1416 = arith.index_cast %parallel_loop3A_1407 : i32 to index
      %parallel_loop3A_1417 = arith.index_cast %parallel_loop3A_1412 : i32 to index
      %parallel_loop3A_1418 = tpu.vector_load %arg7[%parallel_loop3A_1416, %parallel_loop3A_1417] {strides = array<i32>} : memref<56x512xf32, #tpu.memory_space<vmem>>, vector<16xf32>,
      %parallel_loop3A_1419 = arith.constant 6.400000e+01 : f32
      %parallel_loop3A_1420 = vector.broadcast %parallel_loop3A_1419 : f32 to vector<16xf32>
      %parallel_loop3A_1421 = arith.mulf %parallel_loop3A_1415, %parallel_loop3A_1420 : vector<16xf32>
      %parallel_loop3A_1422 = arith.addf %parallel_loop3A_1421, %parallel_loop3A_1418 : vector<16xf32>
      %parallel_loop3A_1423 = arith.fptosi %parallel_loop3A_1422 : vector<16xf32> to vector<16xi32>
      %parallel_loop3A_1424 = arith.constant 4 : i32
      %parallel_loop3A_1425 = vector.broadcast %parallel_loop3A_1424 : i32 to vector<16xi32>
      %parallel_loop3A_1426 = arith.shli %parallel_loop3A_1423, %parallel_loop3A_1425 : vector<16xi32>
      %parallel_loop3A_1427 = arith.addi %parallel_loop3A_1426, %add3A_11 : vector<16xi32>
      tpu.vector_store_idx %arg9[%parallel_loop3A_1427], %broadcast_in_dim3A_1 {add = true} : memref<2080xf32, #tpu.memory_space<vmem>>[vector<16xi32>], vector<16xf32>,
    } {sc.loop_unroll_factor = 8 : i64, sc.parallel_access}
    %mul3A_319 = arith.constant 2 : i32
    %mul3A_320 = arith.muli %add3A, %mul3A_319 : i32
    %add3A_321 = arith.constant 1 : i32
    %add3A_322 = arith.addi %mul3A_320, %add3A_321 : i32
    %dma_start3A_323 = arith.constant 0 : i32
    %dma_start3A_324 = arith.constant 0 : i32
    %dma_start3A_325 = tpu.memref_slice %arg2[%add3A_322, %dma_start3A_323, %dma_start3A_324] : memref<64x512x512xf32, #tpu.memory_space<hbm>> -> memref<1x56x512xf32, #tpu.memory_space<hbm>>
    %dma_start3A_326 = tpu.memref_squeeze %dma_start3A_325 : memref<1x56x512xf32, #tpu.memory_space<hbm>> -> memref<56x512xf32, #tpu.memory_space<hbm>>
    %dma_start3A_327 = arith.constant 0 : i32
    %dma_start3A_328 = arith.constant 0 : i32
    %dma_start3A_329 = tpu.memref_slice %arg2[%add3A_322, %dma_start3A_327, %dma_start3A_328] : memref<64x512x512xf32, #tpu.memory_space<hbm>> -> memref<1x56x512xf32, #tpu.memory_space<hbm>>
    %dma_start3A_330 = tpu.memref_squeeze %dma_start3A_329 : memref<1x56x512xf32, #tpu.memory_space<hbm>> -> memref<56x512xf32, #tpu.memory_space<hbm>>
    tpu.enqueue_dma source(%dma_start3A_330 : memref<56x512xf32, #tpu.memory_space<hbm>>) target(%arg5 : memref<56x512xf32, #tpu.memory_space<vmem>>) target_semaphore(%arg11 : memref<!tpu.dma_semaphore, #tpu.memory_space<semaphore_mem>>)
    %dma_start3A_331 = arith.constant 0 : i32
    %dma_start3A_332 = arith.constant 0 : i32
    %dma_start3A_333 = tpu.memref_slice %arg3[%add3A_322, %dma_start3A_331, %dma_start3A_332] : memref<64x512x512xf32, #tpu.memory_space<hbm>> -> memref<1x56x512xf32, #tpu.memory_space<hbm>>
    %dma_start3A_334 = tpu.memref_squeeze %dma_start3A_333 : memref<1x56x512xf32, #tpu.memory_space<hbm>> -> memref<56x512xf32, #tpu.memory_space<hbm>>
    %dma_start3A_335 = arith.constant 0 : i32
    %dma_start3A_336 = arith.constant 0 : i32
    %dma_start3A_337 = tpu.memref_slice %arg3[%add3A_322, %dma_start3A_335, %dma_start3A_336] : memref<64x512x512xf32, #tpu.memory_space<hbm>> -> memref<1x56x512xf32, #tpu.memory_space<hbm>>
    %dma_start3A_338 = tpu.memref_squeeze %dma_start3A_337 : memref<1x56x512xf32, #tpu.memory_space<hbm>> -> memref<56x512xf32, #tpu.memory_space<hbm>>
    tpu.enqueue_dma source(%dma_start3A_338 : memref<56x512xf32, #tpu.memory_space<hbm>>) target(%arg7 : memref<56x512xf32, #tpu.memory_space<vmem>>) target_semaphore(%arg13 : memref<!tpu.dma_semaphore, #tpu.memory_space<semaphore_mem>>)
    %dma_wait3A_339 = arith.constant 0 : i32
    %dma_wait3A_340 = arith.constant 0 : i32
    %dma_wait3A_341 = arith.constant 0 : i32
    %dma_wait3A_342 = tpu.memref_slice %arg2[%dma_wait3A_339, %dma_wait3A_340, %dma_wait3A_341] : memref<64x512x512xf32, #tpu.memory_space<hbm>> -> memref<1x56x512xf32, #tpu.memory_space<hbm>>
    %dma_wait3A_343 = tpu.memref_squeeze %dma_wait3A_342 : memref<1x56x512xf32, #tpu.memory_space<hbm>> -> memref<56x512xf32, #tpu.memory_space<hbm>>
    %dma_wait3A_344 = arith.constant 0 : i32
    %dma_wait3A_345 = arith.constant 0 : i32
    %dma_wait3A_346 = tpu.memref_slice %arg2[%dma_wait3A_339, %dma_wait3A_344, %dma_wait3A_345] : memref<64x512x512xf32, #tpu.memory_space<hbm>> -> memref<1x56x512xf32, #tpu.memory_space<hbm>>
    %dma_wait3A_347 = tpu.memref_squeeze %dma_wait3A_346 : memref<1x56x512xf32, #tpu.memory_space<hbm>> -> memref<56x512xf32, #tpu.memory_space<hbm>>
    tpu.wait_dma2 semaphore(%arg12 : memref<!tpu.dma_semaphore, #tpu.memory_space<semaphore_mem>>) src(%dma_wait3A_347 : memref<56x512xf32, #tpu.memory_space<hbm>>) dst(%arg6 : memref<56x512xf32, #tpu.memory_space<vmem>>)
    %dma_wait3A_348 = arith.constant 0 : i32
    %dma_wait3A_349 = arith.constant 0 : i32
    %dma_wait3A_350 = arith.constant 0 : i32
    %dma_wait3A_351 = tpu.memref_slice %arg3[%dma_wait3A_348, %dma_wait3A_349, %dma_wait3A_350] : memref<64x512x512xf32, #tpu.memory_space<hbm>> -> memref<1x56x512xf32, #tpu.memory_space<hbm>>
    %dma_wait3A_352 = tpu.memref_squeeze %dma_wait3A_351 : memref<1x56x512xf32, #tpu.memory_space<hbm>> -> memref<56x512xf32, #tpu.memory_space<hbm>>
    %dma_wait3A_353 = arith.constant 0 : i32
    %dma_wait3A_354 = arith.constant 0 : i32
    %dma_wait3A_355 = tpu.memref_slice %arg3[%dma_wait3A_348, %dma_wait3A_353, %dma_wait3A_354] : memref<64x512x512xf32, #tpu.memory_space<hbm>> -> memref<1x56x512xf32, #tpu.memory_space<hbm>>
    %dma_wait3A_356 = tpu.memref_squeeze %dma_wait3A_355 : memref<1x56x512xf32, #tpu.memory_space<hbm>> -> memref<56x512xf32, #tpu.memory_space<hbm>>
    tpu.wait_dma2 semaphore(%arg14 : memref<!tpu.dma_semaphore, #tpu.memory_space<semaphore_mem>>) src(%dma_wait3A_356 : memref<56x512xf32, #tpu.memory_space<hbm>>) dst(%arg8 : memref<56x512xf32, #tpu.memory_space<vmem>>)
    %parallel_loop3A_357 = arith.constant 0 : i32
    %parallel_loop3A_358 = arith.constant 1792 : i32
    %parallel_loop3A_359 = arith.constant 1 : i32
    scf.for %parallel_loop3A_1405 = %parallel_loop3A_357 to %parallel_loop3A_358 step %parallel_loop3A_359  : i32 {
      %parallel_loop3A_1406 = arith.constant 5 : i32
      %parallel_loop3A_1407 = arith.shrsi %parallel_loop3A_1405, %parallel_loop3A_1406 : i32
      %parallel_loop3A_1408 = arith.constant 31 : i32
      %parallel_loop3A_1409 = arith.andi %parallel_loop3A_1405, %parallel_loop3A_1408 : i32
      %parallel_loop3A_1410 = arith.constant 16 : i32
      %parallel_loop3A_1411 = arith.muli %parallel_loop3A_1409, %parallel_loop3A_1410 : i32
      %parallel_loop3A_1412 = tpu.assume_multiple %parallel_loop3A_1411, 16 : i32
      %parallel_loop3A_1413 = arith.index_cast %parallel_loop3A_1407 : i32 to index
      %parallel_loop3A_1414 = arith.index_cast %parallel_loop3A_1412 : i32 to index
      %parallel_loop3A_1415 = tpu.vector_load %arg6[%parallel_loop3A_1413, %parallel_loop3A_1414] {strides = array<i32>} : memref<56x512xf32, #tpu.memory_space<vmem>>, vector<16xf32>,
      %parallel_loop3A_1416 = arith.index_cast %parallel_loop3A_1407 : i32 to index
      %parallel_loop3A_1417 = arith.index_cast %parallel_loop3A_1412 : i32 to index
      %parallel_loop3A_1418 = tpu.vector_load %arg8[%parallel_loop3A_1416, %parallel_loop3A_1417] {strides = array<i32>} : memref<56x512xf32, #tpu.memory_space<vmem>>, vector<16xf32>,
      %parallel_loop3A_1419 = arith.constant 6.400000e+01 : f32
      %parallel_loop3A_1420 = vector.broadcast %parallel_loop3A_1419 : f32 to vector<16xf32>
      %parallel_loop3A_1421 = arith.mulf %parallel_loop3A_1415, %parallel_loop3A_1420 : vector<16xf32>
      %parallel_loop3A_1422 = arith.addf %parallel_loop3A_1421, %parallel_loop3A_1418 : vector<16xf32>
      %parallel_loop3A_1423 = arith.fptosi %parallel_loop3A_1422 : vector<16xf32> to vector<16xi32>
      %parallel_loop3A_1424 = arith.constant 4 : i32
      %parallel_loop3A_1425 = vector.broadcast %parallel_loop3A_1424 : i32 to vector<16xi32>
      %parallel_loop3A_1426 = arith.shli %parallel_loop3A_1423, %parallel_loop3A_1425 : vector<16xi32>
      %parallel_loop3A_1427 = arith.addi %parallel_loop3A_1426, %add3A_11 : vector<16xi32>
      tpu.vector_store_idx %arg9[%parallel_loop3A_1427], %broadcast_in_dim3A_1 {add = true} : memref<2080xf32, #tpu.memory_space<vmem>>[vector<16xi32>], vector<16xf32>,
    } {sc.loop_unroll_factor = 8 : i64, sc.parallel_access}
    %mul3A_360 = arith.constant 2 : i32
    %mul3A_361 = arith.muli %add3A, %mul3A_360 : i32
    %add3A_362 = arith.constant 1 : i32
    %add3A_363 = arith.addi %mul3A_361, %add3A_362 : i32
    %dma_start3A_364 = arith.constant 56 : i32
    %dma_start3A_365 = arith.constant 0 : i32
    %dma_start3A_366 = tpu.memref_slice %arg2[%add3A_363, %dma_start3A_364, %dma_start3A_365] : memref<64x512x512xf32, #tpu.memory_space<hbm>> -> memref<1x56x512xf32, #tpu.memory_space<hbm>>
    %dma_start3A_367 = tpu.memref_squeeze %dma_start3A_366 : memref<1x56x512xf32, #tpu.memory_space<hbm>> -> memref<56x512xf32, #tpu.memory_space<hbm>>
    %dma_start3A_368 = arith.constant 56 : i32
    %dma_start3A_369 = arith.constant 0 : i32
    %dma_start3A_370 = tpu.memref_slice %arg2[%add3A_363, %dma_start3A_368, %dma_start3A_369] : memref<64x512x512xf32, #tpu.memory_space<hbm>> -> memref<1x56x512xf32, #tpu.memory_space<hbm>>
    %dma_start3A_371 = tpu.memref_squeeze %dma_start3A_370 : memref<1x56x512xf32, #tpu.memory_space<hbm>> -> memref<56x512xf32, #tpu.memory_space<hbm>>
    tpu.enqueue_dma source(%dma_start3A_371 : memref<56x512xf32, #tpu.memory_space<hbm>>) target(%arg6 : memref<56x512xf32, #tpu.memory_space<vmem>>) target_semaphore(%arg12 : memref<!tpu.dma_semaphore, #tpu.memory_space<semaphore_mem>>)
    %dma_start3A_372 = arith.constant 56 : i32
    %dma_start3A_373 = arith.constant 0 : i32
    %dma_start3A_374 = tpu.memref_slice %arg3[%add3A_363, %dma_start3A_372, %dma_start3A_373] : memref<64x512x512xf32, #tpu.memory_space<hbm>> -> memref<1x56x512xf32, #tpu.memory_space<hbm>>
    %dma_start3A_375 = tpu.memref_squeeze %dma_start3A_374 : memref<1x56x512xf32, #tpu.memory_space<hbm>> -> memref<56x512xf32, #tpu.memory_space<hbm>>
    %dma_start3A_376 = arith.constant 56 : i32
    %dma_start3A_377 = arith.constant 0 : i32
    %dma_start3A_378 = tpu.memref_slice %arg3[%add3A_363, %dma_start3A_376, %dma_start3A_377] : memref<64x512x512xf32, #tpu.memory_space<hbm>> -> memref<1x56x512xf32, #tpu.memory_space<hbm>>
    %dma_start3A_379 = tpu.memref_squeeze %dma_start3A_378 : memref<1x56x512xf32, #tpu.memory_space<hbm>> -> memref<56x512xf32, #tpu.memory_space<hbm>>
    tpu.enqueue_dma source(%dma_start3A_379 : memref<56x512xf32, #tpu.memory_space<hbm>>) target(%arg8 : memref<56x512xf32, #tpu.memory_space<vmem>>) target_semaphore(%arg14 : memref<!tpu.dma_semaphore, #tpu.memory_space<semaphore_mem>>)
    %dma_wait3A_380 = arith.constant 0 : i32
    %dma_wait3A_381 = arith.constant 0 : i32
    %dma_wait3A_382 = arith.constant 0 : i32
    %dma_wait3A_383 = tpu.memref_slice %arg2[%dma_wait3A_380, %dma_wait3A_381, %dma_wait3A_382] : memref<64x512x512xf32, #tpu.memory_space<hbm>> -> memref<1x56x512xf32, #tpu.memory_space<hbm>>
    %dma_wait3A_384 = tpu.memref_squeeze %dma_wait3A_383 : memref<1x56x512xf32, #tpu.memory_space<hbm>> -> memref<56x512xf32, #tpu.memory_space<hbm>>
    %dma_wait3A_385 = arith.constant 0 : i32
    %dma_wait3A_386 = arith.constant 0 : i32
    %dma_wait3A_387 = tpu.memref_slice %arg2[%dma_wait3A_380, %dma_wait3A_385, %dma_wait3A_386] : memref<64x512x512xf32, #tpu.memory_space<hbm>> -> memref<1x56x512xf32, #tpu.memory_space<hbm>>
    %dma_wait3A_388 = tpu.memref_squeeze %dma_wait3A_387 : memref<1x56x512xf32, #tpu.memory_space<hbm>> -> memref<56x512xf32, #tpu.memory_space<hbm>>
    tpu.wait_dma2 semaphore(%arg11 : memref<!tpu.dma_semaphore, #tpu.memory_space<semaphore_mem>>) src(%dma_wait3A_388 : memref<56x512xf32, #tpu.memory_space<hbm>>) dst(%arg5 : memref<56x512xf32, #tpu.memory_space<vmem>>)
    %dma_wait3A_389 = arith.constant 0 : i32
    %dma_wait3A_390 = arith.constant 0 : i32
    %dma_wait3A_391 = arith.constant 0 : i32
    %dma_wait3A_392 = tpu.memref_slice %arg3[%dma_wait3A_389, %dma_wait3A_390, %dma_wait3A_391] : memref<64x512x512xf32, #tpu.memory_space<hbm>> -> memref<1x56x512xf32, #tpu.memory_space<hbm>>
    %dma_wait3A_393 = tpu.memref_squeeze %dma_wait3A_392 : memref<1x56x512xf32, #tpu.memory_space<hbm>> -> memref<56x512xf32, #tpu.memory_space<hbm>>
    %dma_wait3A_394 = arith.constant 0 : i32
    %dma_wait3A_395 = arith.constant 0 : i32
    %dma_wait3A_396 = tpu.memref_slice %arg3[%dma_wait3A_389, %dma_wait3A_394, %dma_wait3A_395] : memref<64x512x512xf32, #tpu.memory_space<hbm>> -> memref<1x56x512xf32, #tpu.memory_space<hbm>>
    %dma_wait3A_397 = tpu.memref_squeeze %dma_wait3A_396 : memref<1x56x512xf32, #tpu.memory_space<hbm>> -> memref<56x512xf32, #tpu.memory_space<hbm>>
    tpu.wait_dma2 semaphore(%arg13 : memref<!tpu.dma_semaphore, #tpu.memory_space<semaphore_mem>>) src(%dma_wait3A_397 : memref<56x512xf32, #tpu.memory_space<hbm>>) dst(%arg7 : memref<56x512xf32, #tpu.memory_space<vmem>>)
    %parallel_loop3A_398 = arith.constant 0 : i32
    %parallel_loop3A_399 = arith.constant 1792 : i32
    %parallel_loop3A_400 = arith.constant 1 : i32
    scf.for %parallel_loop3A_1405 = %parallel_loop3A_398 to %parallel_loop3A_399 step %parallel_loop3A_400  : i32 {
      %parallel_loop3A_1406 = arith.constant 5 : i32
      %parallel_loop3A_1407 = arith.shrsi %parallel_loop3A_1405, %parallel_loop3A_1406 : i32
      %parallel_loop3A_1408 = arith.constant 31 : i32
      %parallel_loop3A_1409 = arith.andi %parallel_loop3A_1405, %parallel_loop3A_1408 : i32
      %parallel_loop3A_1410 = arith.constant 16 : i32
      %parallel_loop3A_1411 = arith.muli %parallel_loop3A_1409, %parallel_loop3A_1410 : i32
      %parallel_loop3A_1412 = tpu.assume_multiple %parallel_loop3A_1411, 16 : i32
      %parallel_loop3A_1413 = arith.index_cast %parallel_loop3A_1407 : i32 to index
      %parallel_loop3A_1414 = arith.index_cast %parallel_loop3A_1412 : i32 to index
      %parallel_loop3A_1415 = tpu.vector_load %arg5[%parallel_loop3A_1413, %parallel_loop3A_1414] {strides = array<i32>} : memref<56x512xf32, #tpu.memory_space<vmem>>, vector<16xf32>,
      %parallel_loop3A_1416 = arith.index_cast %parallel_loop3A_1407 : i32 to index
      %parallel_loop3A_1417 = arith.index_cast %parallel_loop3A_1412 : i32 to index
      %parallel_loop3A_1418 = tpu.vector_load %arg7[%parallel_loop3A_1416, %parallel_loop3A_1417] {strides = array<i32>} : memref<56x512xf32, #tpu.memory_space<vmem>>, vector<16xf32>,
      %parallel_loop3A_1419 = arith.constant 6.400000e+01 : f32
      %parallel_loop3A_1420 = vector.broadcast %parallel_loop3A_1419 : f32 to vector<16xf32>
      %parallel_loop3A_1421 = arith.mulf %parallel_loop3A_1415, %parallel_loop3A_1420 : vector<16xf32>
      %parallel_loop3A_1422 = arith.addf %parallel_loop3A_1421, %parallel_loop3A_1418 : vector<16xf32>
      %parallel_loop3A_1423 = arith.fptosi %parallel_loop3A_1422 : vector<16xf32> to vector<16xi32>
      %parallel_loop3A_1424 = arith.constant 4 : i32
      %parallel_loop3A_1425 = vector.broadcast %parallel_loop3A_1424 : i32 to vector<16xi32>
      %parallel_loop3A_1426 = arith.shli %parallel_loop3A_1423, %parallel_loop3A_1425 : vector<16xi32>
      %parallel_loop3A_1427 = arith.addi %parallel_loop3A_1426, %add3A_14 : vector<16xi32>
      tpu.vector_store_idx %arg9[%parallel_loop3A_1427], %broadcast_in_dim3A_1 {add = true} : memref<2080xf32, #tpu.memory_space<vmem>>[vector<16xi32>], vector<16xf32>,
    } {sc.loop_unroll_factor = 8 : i64, sc.parallel_access}
    %mul3A_401 = arith.constant 2 : i32
    %mul3A_402 = arith.muli %add3A, %mul3A_401 : i32
    %add3A_403 = arith.constant 1 : i32
    %add3A_404 = arith.addi %mul3A_402, %add3A_403 : i32
    %dma_start3A_405 = arith.constant 112 : i32
    %dma_start3A_406 = arith.constant 0 : i32
    %dma_start3A_407 = tpu.memref_slice %arg2[%add3A_404, %dma_start3A_405, %dma_start3A_406] : memref<64x512x512xf32, #tpu.memory_space<hbm>> -> memref<1x56x512xf32, #tpu.memory_space<hbm>>
    %dma_start3A_408 = tpu.memref_squeeze %dma_start3A_407 : memref<1x56x512xf32, #tpu.memory_space<hbm>> -> memref<56x512xf32, #tpu.memory_space<hbm>>
    %dma_start3A_409 = arith.constant 112 : i32
    %dma_start3A_410 = arith.constant 0 : i32
    %dma_start3A_411 = tpu.memref_slice %arg2[%add3A_404, %dma_start3A_409, %dma_start3A_410] : memref<64x512x512xf32, #tpu.memory_space<hbm>> -> memref<1x56x512xf32, #tpu.memory_space<hbm>>
    %dma_start3A_412 = tpu.memref_squeeze %dma_start3A_411 : memref<1x56x512xf32, #tpu.memory_space<hbm>> -> memref<56x512xf32, #tpu.memory_space<hbm>>
    tpu.enqueue_dma source(%dma_start3A_412 : memref<56x512xf32, #tpu.memory_space<hbm>>) target(%arg5 : memref<56x512xf32, #tpu.memory_space<vmem>>) target_semaphore(%arg11 : memref<!tpu.dma_semaphore, #tpu.memory_space<semaphore_mem>>)
    %dma_start3A_413 = arith.constant 112 : i32
    %dma_start3A_414 = arith.constant 0 : i32
    %dma_start3A_415 = tpu.memref_slice %arg3[%add3A_404, %dma_start3A_413, %dma_start3A_414] : memref<64x512x512xf32, #tpu.memory_space<hbm>> -> memref<1x56x512xf32, #tpu.memory_space<hbm>>
    %dma_start3A_416 = tpu.memref_squeeze %dma_start3A_415 : memref<1x56x512xf32, #tpu.memory_space<hbm>> -> memref<56x512xf32, #tpu.memory_space<hbm>>
    %dma_start3A_417 = arith.constant 112 : i32
    %dma_start3A_418 = arith.constant 0 : i32
    %dma_start3A_419 = tpu.memref_slice %arg3[%add3A_404, %dma_start3A_417, %dma_start3A_418] : memref<64x512x512xf32, #tpu.memory_space<hbm>> -> memref<1x56x512xf32, #tpu.memory_space<hbm>>
    %dma_start3A_420 = tpu.memref_squeeze %dma_start3A_419 : memref<1x56x512xf32, #tpu.memory_space<hbm>> -> memref<56x512xf32, #tpu.memory_space<hbm>>
    tpu.enqueue_dma source(%dma_start3A_420 : memref<56x512xf32, #tpu.memory_space<hbm>>) target(%arg7 : memref<56x512xf32, #tpu.memory_space<vmem>>) target_semaphore(%arg13 : memref<!tpu.dma_semaphore, #tpu.memory_space<semaphore_mem>>)
    %dma_wait3A_421 = arith.constant 0 : i32
    %dma_wait3A_422 = arith.constant 0 : i32
    %dma_wait3A_423 = arith.constant 0 : i32
    %dma_wait3A_424 = tpu.memref_slice %arg2[%dma_wait3A_421, %dma_wait3A_422, %dma_wait3A_423] : memref<64x512x512xf32, #tpu.memory_space<hbm>> -> memref<1x56x512xf32, #tpu.memory_space<hbm>>
    %dma_wait3A_425 = tpu.memref_squeeze %dma_wait3A_424 : memref<1x56x512xf32, #tpu.memory_space<hbm>> -> memref<56x512xf32, #tpu.memory_space<hbm>>
    %dma_wait3A_426 = arith.constant 0 : i32
    %dma_wait3A_427 = arith.constant 0 : i32
    %dma_wait3A_428 = tpu.memref_slice %arg2[%dma_wait3A_421, %dma_wait3A_426, %dma_wait3A_427] : memref<64x512x512xf32, #tpu.memory_space<hbm>> -> memref<1x56x512xf32, #tpu.memory_space<hbm>>
    %dma_wait3A_429 = tpu.memref_squeeze %dma_wait3A_428 : memref<1x56x512xf32, #tpu.memory_space<hbm>> -> memref<56x512xf32, #tpu.memory_space<hbm>>
    tpu.wait_dma2 semaphore(%arg12 : memref<!tpu.dma_semaphore, #tpu.memory_space<semaphore_mem>>) src(%dma_wait3A_429 : memref<56x512xf32, #tpu.memory_space<hbm>>) dst(%arg6 : memref<56x512xf32, #tpu.memory_space<vmem>>)
    %dma_wait3A_430 = arith.constant 0 : i32
    %dma_wait3A_431 = arith.constant 0 : i32
    %dma_wait3A_432 = arith.constant 0 : i32
    %dma_wait3A_433 = tpu.memref_slice %arg3[%dma_wait3A_430, %dma_wait3A_431, %dma_wait3A_432] : memref<64x512x512xf32, #tpu.memory_space<hbm>> -> memref<1x56x512xf32, #tpu.memory_space<hbm>>
    %dma_wait3A_434 = tpu.memref_squeeze %dma_wait3A_433 : memref<1x56x512xf32, #tpu.memory_space<hbm>> -> memref<56x512xf32, #tpu.memory_space<hbm>>
    %dma_wait3A_435 = arith.constant 0 : i32
    %dma_wait3A_436 = arith.constant 0 : i32
    %dma_wait3A_437 = tpu.memref_slice %arg3[%dma_wait3A_430, %dma_wait3A_435, %dma_wait3A_436] : memref<64x512x512xf32, #tpu.memory_space<hbm>> -> memref<1x56x512xf32, #tpu.memory_space<hbm>>
    %dma_wait3A_438 = tpu.memref_squeeze %dma_wait3A_437 : memref<1x56x512xf32, #tpu.memory_space<hbm>> -> memref<56x512xf32, #tpu.memory_space<hbm>>
    tpu.wait_dma2 semaphore(%arg14 : memref<!tpu.dma_semaphore, #tpu.memory_space<semaphore_mem>>) src(%dma_wait3A_438 : memref<56x512xf32, #tpu.memory_space<hbm>>) dst(%arg8 : memref<56x512xf32, #tpu.memory_space<vmem>>)
    %parallel_loop3A_439 = arith.constant 0 : i32
    %parallel_loop3A_440 = arith.constant 1792 : i32
    %parallel_loop3A_441 = arith.constant 1 : i32
    scf.for %parallel_loop3A_1405 = %parallel_loop3A_439 to %parallel_loop3A_440 step %parallel_loop3A_441  : i32 {
      %parallel_loop3A_1406 = arith.constant 5 : i32
      %parallel_loop3A_1407 = arith.shrsi %parallel_loop3A_1405, %parallel_loop3A_1406 : i32
      %parallel_loop3A_1408 = arith.constant 31 : i32
      %parallel_loop3A_1409 = arith.andi %parallel_loop3A_1405, %parallel_loop3A_1408 : i32
      %parallel_loop3A_1410 = arith.constant 16 : i32
      %parallel_loop3A_1411 = arith.muli %parallel_loop3A_1409, %parallel_loop3A_1410 : i32
      %parallel_loop3A_1412 = tpu.assume_multiple %parallel_loop3A_1411, 16 : i32
      %parallel_loop3A_1413 = arith.index_cast %parallel_loop3A_1407 : i32 to index
      %parallel_loop3A_1414 = arith.index_cast %parallel_loop3A_1412 : i32 to index
      %parallel_loop3A_1415 = tpu.vector_load %arg6[%parallel_loop3A_1413, %parallel_loop3A_1414] {strides = array<i32>} : memref<56x512xf32, #tpu.memory_space<vmem>>, vector<16xf32>,
      %parallel_loop3A_1416 = arith.index_cast %parallel_loop3A_1407 : i32 to index
      %parallel_loop3A_1417 = arith.index_cast %parallel_loop3A_1412 : i32 to index
      %parallel_loop3A_1418 = tpu.vector_load %arg8[%parallel_loop3A_1416, %parallel_loop3A_1417] {strides = array<i32>} : memref<56x512xf32, #tpu.memory_space<vmem>>, vector<16xf32>,
      %parallel_loop3A_1419 = arith.constant 6.400000e+01 : f32
      %parallel_loop3A_1420 = vector.broadcast %parallel_loop3A_1419 : f32 to vector<16xf32>
      %parallel_loop3A_1421 = arith.mulf %parallel_loop3A_1415, %parallel_loop3A_1420 : vector<16xf32>
      %parallel_loop3A_1422 = arith.addf %parallel_loop3A_1421, %parallel_loop3A_1418 : vector<16xf32>
      %parallel_loop3A_1423 = arith.fptosi %parallel_loop3A_1422 : vector<16xf32> to vector<16xi32>
      %parallel_loop3A_1424 = arith.constant 4 : i32
      %parallel_loop3A_1425 = vector.broadcast %parallel_loop3A_1424 : i32 to vector<16xi32>
      %parallel_loop3A_1426 = arith.shli %parallel_loop3A_1423, %parallel_loop3A_1425 : vector<16xi32>
      %parallel_loop3A_1427 = arith.addi %parallel_loop3A_1426, %add3A_14 : vector<16xi32>
      tpu.vector_store_idx %arg9[%parallel_loop3A_1427], %broadcast_in_dim3A_1 {add = true} : memref<2080xf32, #tpu.memory_space<vmem>>[vector<16xi32>], vector<16xf32>,
    } {sc.loop_unroll_factor = 8 : i64, sc.parallel_access}
    %mul3A_442 = arith.constant 2 : i32
    %mul3A_443 = arith.muli %add3A, %mul3A_442 : i32
    %add3A_444 = arith.constant 1 : i32
    %add3A_445 = arith.addi %mul3A_443, %add3A_444 : i32
    %dma_start3A_446 = arith.constant 168 : i32
    %dma_start3A_447 = arith.constant 0 : i32
    %dma_start3A_448 = tpu.memref_slice %arg2[%add3A_445, %dma_start3A_446, %dma_start3A_447] : memref<64x512x512xf32, #tpu.memory_space<hbm>> -> memref<1x56x512xf32, #tpu.memory_space<hbm>>
    %dma_start3A_449 = tpu.memref_squeeze %dma_start3A_448 : memref<1x56x512xf32, #tpu.memory_space<hbm>> -> memref<56x512xf32, #tpu.memory_space<hbm>>
    %dma_start3A_450 = arith.constant 168 : i32
    %dma_start3A_451 = arith.constant 0 : i32
    %dma_start3A_452 = tpu.memref_slice %arg2[%add3A_445, %dma_start3A_450, %dma_start3A_451] : memref<64x512x512xf32, #tpu.memory_space<hbm>> -> memref<1x56x512xf32, #tpu.memory_space<hbm>>
    %dma_start3A_453 = tpu.memref_squeeze %dma_start3A_452 : memref<1x56x512xf32, #tpu.memory_space<hbm>> -> memref<56x512xf32, #tpu.memory_space<hbm>>
    tpu.enqueue_dma source(%dma_start3A_453 : memref<56x512xf32, #tpu.memory_space<hbm>>) target(%arg6 : memref<56x512xf32, #tpu.memory_space<vmem>>) target_semaphore(%arg12 : memref<!tpu.dma_semaphore, #tpu.memory_space<semaphore_mem>>)
    %dma_start3A_454 = arith.constant 168 : i32
    %dma_start3A_455 = arith.constant 0 : i32
    %dma_start3A_456 = tpu.memref_slice %arg3[%add3A_445, %dma_start3A_454, %dma_start3A_455] : memref<64x512x512xf32, #tpu.memory_space<hbm>> -> memref<1x56x512xf32, #tpu.memory_space<hbm>>
    %dma_start3A_457 = tpu.memref_squeeze %dma_start3A_456 : memref<1x56x512xf32, #tpu.memory_space<hbm>> -> memref<56x512xf32, #tpu.memory_space<hbm>>
    %dma_start3A_458 = arith.constant 168 : i32
    %dma_start3A_459 = arith.constant 0 : i32
    %dma_start3A_460 = tpu.memref_slice %arg3[%add3A_445, %dma_start3A_458, %dma_start3A_459] : memref<64x512x512xf32, #tpu.memory_space<hbm>> -> memref<1x56x512xf32, #tpu.memory_space<hbm>>
    %dma_start3A_461 = tpu.memref_squeeze %dma_start3A_460 : memref<1x56x512xf32, #tpu.memory_space<hbm>> -> memref<56x512xf32, #tpu.memory_space<hbm>>
    tpu.enqueue_dma source(%dma_start3A_461 : memref<56x512xf32, #tpu.memory_space<hbm>>) target(%arg8 : memref<56x512xf32, #tpu.memory_space<vmem>>) target_semaphore(%arg14 : memref<!tpu.dma_semaphore, #tpu.memory_space<semaphore_mem>>)
    %dma_wait3A_462 = arith.constant 0 : i32
    %dma_wait3A_463 = arith.constant 0 : i32
    %dma_wait3A_464 = arith.constant 0 : i32
    %dma_wait3A_465 = tpu.memref_slice %arg2[%dma_wait3A_462, %dma_wait3A_463, %dma_wait3A_464] : memref<64x512x512xf32, #tpu.memory_space<hbm>> -> memref<1x56x512xf32, #tpu.memory_space<hbm>>
    %dma_wait3A_466 = tpu.memref_squeeze %dma_wait3A_465 : memref<1x56x512xf32, #tpu.memory_space<hbm>> -> memref<56x512xf32, #tpu.memory_space<hbm>>
    %dma_wait3A_467 = arith.constant 0 : i32
    %dma_wait3A_468 = arith.constant 0 : i32
    %dma_wait3A_469 = tpu.memref_slice %arg2[%dma_wait3A_462, %dma_wait3A_467, %dma_wait3A_468] : memref<64x512x512xf32, #tpu.memory_space<hbm>> -> memref<1x56x512xf32, #tpu.memory_space<hbm>>
    %dma_wait3A_470 = tpu.memref_squeeze %dma_wait3A_469 : memref<1x56x512xf32, #tpu.memory_space<hbm>> -> memref<56x512xf32, #tpu.memory_space<hbm>>
    tpu.wait_dma2 semaphore(%arg11 : memref<!tpu.dma_semaphore, #tpu.memory_space<semaphore_mem>>) src(%dma_wait3A_470 : memref<56x512xf32, #tpu.memory_space<hbm>>) dst(%arg5 : memref<56x512xf32, #tpu.memory_space<vmem>>)
    %dma_wait3A_471 = arith.constant 0 : i32
    %dma_wait3A_472 = arith.constant 0 : i32
    %dma_wait3A_473 = arith.constant 0 : i32
    %dma_wait3A_474 = tpu.memref_slice %arg3[%dma_wait3A_471, %dma_wait3A_472, %dma_wait3A_473] : memref<64x512x512xf32, #tpu.memory_space<hbm>> -> memref<1x56x512xf32, #tpu.memory_space<hbm>>
    %dma_wait3A_475 = tpu.memref_squeeze %dma_wait3A_474 : memref<1x56x512xf32, #tpu.memory_space<hbm>> -> memref<56x512xf32, #tpu.memory_space<hbm>>
    %dma_wait3A_476 = arith.constant 0 : i32
    %dma_wait3A_477 = arith.constant 0 : i32
    %dma_wait3A_478 = tpu.memref_slice %arg3[%dma_wait3A_471, %dma_wait3A_476, %dma_wait3A_477] : memref<64x512x512xf32, #tpu.memory_space<hbm>> -> memref<1x56x512xf32, #tpu.memory_space<hbm>>
    %dma_wait3A_479 = tpu.memref_squeeze %dma_wait3A_478 : memref<1x56x512xf32, #tpu.memory_space<hbm>> -> memref<56x512xf32, #tpu.memory_space<hbm>>
    tpu.wait_dma2 semaphore(%arg13 : memref<!tpu.dma_semaphore, #tpu.memory_space<semaphore_mem>>) src(%dma_wait3A_479 : memref<56x512xf32, #tpu.memory_space<hbm>>) dst(%arg7 : memref<56x512xf32, #tpu.memory_space<vmem>>)
    %parallel_loop3A_480 = arith.constant 0 : i32
    %parallel_loop3A_481 = arith.constant 1792 : i32
    %parallel_loop3A_482 = arith.constant 1 : i32
    scf.for %parallel_loop3A_1405 = %parallel_loop3A_480 to %parallel_loop3A_481 step %parallel_loop3A_482  : i32 {
      %parallel_loop3A_1406 = arith.constant 5 : i32
      %parallel_loop3A_1407 = arith.shrsi %parallel_loop3A_1405, %parallel_loop3A_1406 : i32
      %parallel_loop3A_1408 = arith.constant 31 : i32
      %parallel_loop3A_1409 = arith.andi %parallel_loop3A_1405, %parallel_loop3A_1408 : i32
      %parallel_loop3A_1410 = arith.constant 16 : i32
      %parallel_loop3A_1411 = arith.muli %parallel_loop3A_1409, %parallel_loop3A_1410 : i32
      %parallel_loop3A_1412 = tpu.assume_multiple %parallel_loop3A_1411, 16 : i32
      %parallel_loop3A_1413 = arith.index_cast %parallel_loop3A_1407 : i32 to index
      %parallel_loop3A_1414 = arith.index_cast %parallel_loop3A_1412 : i32 to index
      %parallel_loop3A_1415 = tpu.vector_load %arg5[%parallel_loop3A_1413, %parallel_loop3A_1414] {strides = array<i32>} : memref<56x512xf32, #tpu.memory_space<vmem>>, vector<16xf32>,
      %parallel_loop3A_1416 = arith.index_cast %parallel_loop3A_1407 : i32 to index
      %parallel_loop3A_1417 = arith.index_cast %parallel_loop3A_1412 : i32 to index
      %parallel_loop3A_1418 = tpu.vector_load %arg7[%parallel_loop3A_1416, %parallel_loop3A_1417] {strides = array<i32>} : memref<56x512xf32, #tpu.memory_space<vmem>>, vector<16xf32>,
      %parallel_loop3A_1419 = arith.constant 6.400000e+01 : f32
      %parallel_loop3A_1420 = vector.broadcast %parallel_loop3A_1419 : f32 to vector<16xf32>
      %parallel_loop3A_1421 = arith.mulf %parallel_loop3A_1415, %parallel_loop3A_1420 : vector<16xf32>
      %parallel_loop3A_1422 = arith.addf %parallel_loop3A_1421, %parallel_loop3A_1418 : vector<16xf32>
      %parallel_loop3A_1423 = arith.fptosi %parallel_loop3A_1422 : vector<16xf32> to vector<16xi32>
      %parallel_loop3A_1424 = arith.constant 4 : i32
      %parallel_loop3A_1425 = vector.broadcast %parallel_loop3A_1424 : i32 to vector<16xi32>
      %parallel_loop3A_1426 = arith.shli %parallel_loop3A_1423, %parallel_loop3A_1425 : vector<16xi32>
      %parallel_loop3A_1427 = arith.addi %parallel_loop3A_1426, %add3A_14 : vector<16xi32>
      tpu.vector_store_idx %arg9[%parallel_loop3A_1427], %broadcast_in_dim3A_1 {add = true} : memref<2080xf32, #tpu.memory_space<vmem>>[vector<16xi32>], vector<16xf32>,
    } {sc.loop_unroll_factor = 8 : i64, sc.parallel_access}
    %mul3A_483 = arith.constant 2 : i32
    %mul3A_484 = arith.muli %add3A, %mul3A_483 : i32
    %add3A_485 = arith.constant 1 : i32
    %add3A_486 = arith.addi %mul3A_484, %add3A_485 : i32
    %dma_start3A_487 = arith.constant 224 : i32
    %dma_start3A_488 = arith.constant 0 : i32
    %dma_start3A_489 = tpu.memref_slice %arg2[%add3A_486, %dma_start3A_487, %dma_start3A_488] : memref<64x512x512xf32, #tpu.memory_space<hbm>> -> memref<1x56x512xf32, #tpu.memory_space<hbm>>
    %dma_start3A_490 = tpu.memref_squeeze %dma_start3A_489 : memref<1x56x512xf32, #tpu.memory_space<hbm>> -> memref<56x512xf32, #tpu.memory_space<hbm>>
    %dma_start3A_491 = arith.constant 224 : i32
    %dma_start3A_492 = arith.constant 0 : i32
    %dma_start3A_493 = tpu.memref_slice %arg2[%add3A_486, %dma_start3A_491, %dma_start3A_492] : memref<64x512x512xf32, #tpu.memory_space<hbm>> -> memref<1x56x512xf32, #tpu.memory_space<hbm>>
    %dma_start3A_494 = tpu.memref_squeeze %dma_start3A_493 : memref<1x56x512xf32, #tpu.memory_space<hbm>> -> memref<56x512xf32, #tpu.memory_space<hbm>>
    tpu.enqueue_dma source(%dma_start3A_494 : memref<56x512xf32, #tpu.memory_space<hbm>>) target(%arg5 : memref<56x512xf32, #tpu.memory_space<vmem>>) target_semaphore(%arg11 : memref<!tpu.dma_semaphore, #tpu.memory_space<semaphore_mem>>)
    %dma_start3A_495 = arith.constant 224 : i32
    %dma_start3A_496 = arith.constant 0 : i32
    %dma_start3A_497 = tpu.memref_slice %arg3[%add3A_486, %dma_start3A_495, %dma_start3A_496] : memref<64x512x512xf32, #tpu.memory_space<hbm>> -> memref<1x56x512xf32, #tpu.memory_space<hbm>>
    %dma_start3A_498 = tpu.memref_squeeze %dma_start3A_497 : memref<1x56x512xf32, #tpu.memory_space<hbm>> -> memref<56x512xf32, #tpu.memory_space<hbm>>
    %dma_start3A_499 = arith.constant 224 : i32
    %dma_start3A_500 = arith.constant 0 : i32
    %dma_start3A_501 = tpu.memref_slice %arg3[%add3A_486, %dma_start3A_499, %dma_start3A_500] : memref<64x512x512xf32, #tpu.memory_space<hbm>> -> memref<1x56x512xf32, #tpu.memory_space<hbm>>
    %dma_start3A_502 = tpu.memref_squeeze %dma_start3A_501 : memref<1x56x512xf32, #tpu.memory_space<hbm>> -> memref<56x512xf32, #tpu.memory_space<hbm>>
    tpu.enqueue_dma source(%dma_start3A_502 : memref<56x512xf32, #tpu.memory_space<hbm>>) target(%arg7 : memref<56x512xf32, #tpu.memory_space<vmem>>) target_semaphore(%arg13 : memref<!tpu.dma_semaphore, #tpu.memory_space<semaphore_mem>>)
    %dma_wait3A_503 = arith.constant 0 : i32
    %dma_wait3A_504 = arith.constant 0 : i32
    %dma_wait3A_505 = arith.constant 0 : i32
    %dma_wait3A_506 = tpu.memref_slice %arg2[%dma_wait3A_503, %dma_wait3A_504, %dma_wait3A_505] : memref<64x512x512xf32, #tpu.memory_space<hbm>> -> memref<1x56x512xf32, #tpu.memory_space<hbm>>
    %dma_wait3A_507 = tpu.memref_squeeze %dma_wait3A_506 : memref<1x56x512xf32, #tpu.memory_space<hbm>> -> memref<56x512xf32, #tpu.memory_space<hbm>>
    %dma_wait3A_508 = arith.constant 0 : i32
    %dma_wait3A_509 = arith.constant 0 : i32
    %dma_wait3A_510 = tpu.memref_slice %arg2[%dma_wait3A_503, %dma_wait3A_508, %dma_wait3A_509] : memref<64x512x512xf32, #tpu.memory_space<hbm>> -> memref<1x56x512xf32, #tpu.memory_space<hbm>>
    %dma_wait3A_511 = tpu.memref_squeeze %dma_wait3A_510 : memref<1x56x512xf32, #tpu.memory_space<hbm>> -> memref<56x512xf32, #tpu.memory_space<hbm>>
    tpu.wait_dma2 semaphore(%arg12 : memref<!tpu.dma_semaphore, #tpu.memory_space<semaphore_mem>>) src(%dma_wait3A_511 : memref<56x512xf32, #tpu.memory_space<hbm>>) dst(%arg6 : memref<56x512xf32, #tpu.memory_space<vmem>>)
    %dma_wait3A_512 = arith.constant 0 : i32
    %dma_wait3A_513 = arith.constant 0 : i32
    %dma_wait3A_514 = arith.constant 0 : i32
    %dma_wait3A_515 = tpu.memref_slice %arg3[%dma_wait3A_512, %dma_wait3A_513, %dma_wait3A_514] : memref<64x512x512xf32, #tpu.memory_space<hbm>> -> memref<1x56x512xf32, #tpu.memory_space<hbm>>
    %dma_wait3A_516 = tpu.memref_squeeze %dma_wait3A_515 : memref<1x56x512xf32, #tpu.memory_space<hbm>> -> memref<56x512xf32, #tpu.memory_space<hbm>>
    %dma_wait3A_517 = arith.constant 0 : i32
    %dma_wait3A_518 = arith.constant 0 : i32
    %dma_wait3A_519 = tpu.memref_slice %arg3[%dma_wait3A_512, %dma_wait3A_517, %dma_wait3A_518] : memref<64x512x512xf32, #tpu.memory_space<hbm>> -> memref<1x56x512xf32, #tpu.memory_space<hbm>>
    %dma_wait3A_520 = tpu.memref_squeeze %dma_wait3A_519 : memref<1x56x512xf32, #tpu.memory_space<hbm>> -> memref<56x512xf32, #tpu.memory_space<hbm>>
    tpu.wait_dma2 semaphore(%arg14 : memref<!tpu.dma_semaphore, #tpu.memory_space<semaphore_mem>>) src(%dma_wait3A_520 : memref<56x512xf32, #tpu.memory_space<hbm>>) dst(%arg8 : memref<56x512xf32, #tpu.memory_space<vmem>>)
    %parallel_loop3A_521 = arith.constant 0 : i32
    %parallel_loop3A_522 = arith.constant 1792 : i32
    %parallel_loop3A_523 = arith.constant 1 : i32
    scf.for %parallel_loop3A_1405 = %parallel_loop3A_521 to %parallel_loop3A_522 step %parallel_loop3A_523  : i32 {
      %parallel_loop3A_1406 = arith.constant 5 : i32
      %parallel_loop3A_1407 = arith.shrsi %parallel_loop3A_1405, %parallel_loop3A_1406 : i32
      %parallel_loop3A_1408 = arith.constant 31 : i32
      %parallel_loop3A_1409 = arith.andi %parallel_loop3A_1405, %parallel_loop3A_1408 : i32
      %parallel_loop3A_1410 = arith.constant 16 : i32
      %parallel_loop3A_1411 = arith.muli %parallel_loop3A_1409, %parallel_loop3A_1410 : i32
      %parallel_loop3A_1412 = tpu.assume_multiple %parallel_loop3A_1411, 16 : i32
      %parallel_loop3A_1413 = arith.index_cast %parallel_loop3A_1407 : i32 to index
      %parallel_loop3A_1414 = arith.index_cast %parallel_loop3A_1412 : i32 to index
      %parallel_loop3A_1415 = tpu.vector_load %arg6[%parallel_loop3A_1413, %parallel_loop3A_1414] {strides = array<i32>} : memref<56x512xf32, #tpu.memory_space<vmem>>, vector<16xf32>,
      %parallel_loop3A_1416 = arith.index_cast %parallel_loop3A_1407 : i32 to index
      %parallel_loop3A_1417 = arith.index_cast %parallel_loop3A_1412 : i32 to index
      %parallel_loop3A_1418 = tpu.vector_load %arg8[%parallel_loop3A_1416, %parallel_loop3A_1417] {strides = array<i32>} : memref<56x512xf32, #tpu.memory_space<vmem>>, vector<16xf32>,
      %parallel_loop3A_1419 = arith.constant 6.400000e+01 : f32
      %parallel_loop3A_1420 = vector.broadcast %parallel_loop3A_1419 : f32 to vector<16xf32>
      %parallel_loop3A_1421 = arith.mulf %parallel_loop3A_1415, %parallel_loop3A_1420 : vector<16xf32>
      %parallel_loop3A_1422 = arith.addf %parallel_loop3A_1421, %parallel_loop3A_1418 : vector<16xf32>
      %parallel_loop3A_1423 = arith.fptosi %parallel_loop3A_1422 : vector<16xf32> to vector<16xi32>
      %parallel_loop3A_1424 = arith.constant 4 : i32
      %parallel_loop3A_1425 = vector.broadcast %parallel_loop3A_1424 : i32 to vector<16xi32>
      %parallel_loop3A_1426 = arith.shli %parallel_loop3A_1423, %parallel_loop3A_1425 : vector<16xi32>
      %parallel_loop3A_1427 = arith.addi %parallel_loop3A_1426, %add3A_14 : vector<16xi32>
      tpu.vector_store_idx %arg9[%parallel_loop3A_1427], %broadcast_in_dim3A_1 {add = true} : memref<2080xf32, #tpu.memory_space<vmem>>[vector<16xi32>], vector<16xf32>,
    } {sc.loop_unroll_factor = 8 : i64, sc.parallel_access}
    %mul3A_524 = arith.constant 2 : i32
    %mul3A_525 = arith.muli %add3A, %mul3A_524 : i32
    %add3A_526 = arith.constant 1 : i32
    %add3A_527 = arith.addi %mul3A_525, %add3A_526 : i32
    %dma_start3A_528 = arith.constant 280 : i32
    %dma_start3A_529 = arith.constant 0 : i32
    %dma_start3A_530 = tpu.memref_slice %arg2[%add3A_527, %dma_start3A_528, %dma_start3A_529] : memref<64x512x512xf32, #tpu.memory_space<hbm>> -> memref<1x56x512xf32, #tpu.memory_space<hbm>>
    %dma_start3A_531 = tpu.memref_squeeze %dma_start3A_530 : memref<1x56x512xf32, #tpu.memory_space<hbm>> -> memref<56x512xf32, #tpu.memory_space<hbm>>
    %dma_start3A_532 = arith.constant 280 : i32
    %dma_start3A_533 = arith.constant 0 : i32
    %dma_start3A_534 = tpu.memref_slice %arg2[%add3A_527, %dma_start3A_532, %dma_start3A_533] : memref<64x512x512xf32, #tpu.memory_space<hbm>> -> memref<1x56x512xf32, #tpu.memory_space<hbm>>
    %dma_start3A_535 = tpu.memref_squeeze %dma_start3A_534 : memref<1x56x512xf32, #tpu.memory_space<hbm>> -> memref<56x512xf32, #tpu.memory_space<hbm>>
    tpu.enqueue_dma source(%dma_start3A_535 : memref<56x512xf32, #tpu.memory_space<hbm>>) target(%arg6 : memref<56x512xf32, #tpu.memory_space<vmem>>) target_semaphore(%arg12 : memref<!tpu.dma_semaphore, #tpu.memory_space<semaphore_mem>>)
    %dma_start3A_536 = arith.constant 280 : i32
    %dma_start3A_537 = arith.constant 0 : i32
    %dma_start3A_538 = tpu.memref_slice %arg3[%add3A_527, %dma_start3A_536, %dma_start3A_537] : memref<64x512x512xf32, #tpu.memory_space<hbm>> -> memref<1x56x512xf32, #tpu.memory_space<hbm>>
    %dma_start3A_539 = tpu.memref_squeeze %dma_start3A_538 : memref<1x56x512xf32, #tpu.memory_space<hbm>> -> memref<56x512xf32, #tpu.memory_space<hbm>>
    %dma_start3A_540 = arith.constant 280 : i32
    %dma_start3A_541 = arith.constant 0 : i32
    %dma_start3A_542 = tpu.memref_slice %arg3[%add3A_527, %dma_start3A_540, %dma_start3A_541] : memref<64x512x512xf32, #tpu.memory_space<hbm>> -> memref<1x56x512xf32, #tpu.memory_space<hbm>>
    %dma_start3A_543 = tpu.memref_squeeze %dma_start3A_542 : memref<1x56x512xf32, #tpu.memory_space<hbm>> -> memref<56x512xf32, #tpu.memory_space<hbm>>
    tpu.enqueue_dma source(%dma_start3A_543 : memref<56x512xf32, #tpu.memory_space<hbm>>) target(%arg8 : memref<56x512xf32, #tpu.memory_space<vmem>>) target_semaphore(%arg14 : memref<!tpu.dma_semaphore, #tpu.memory_space<semaphore_mem>>)
    %dma_wait3A_544 = arith.constant 0 : i32
    %dma_wait3A_545 = arith.constant 0 : i32
    %dma_wait3A_546 = arith.constant 0 : i32
    %dma_wait3A_547 = tpu.memref_slice %arg2[%dma_wait3A_544, %dma_wait3A_545, %dma_wait3A_546] : memref<64x512x512xf32, #tpu.memory_space<hbm>> -> memref<1x56x512xf32, #tpu.memory_space<hbm>>
    %dma_wait3A_548 = tpu.memref_squeeze %dma_wait3A_547 : memref<1x56x512xf32, #tpu.memory_space<hbm>> -> memref<56x512xf32, #tpu.memory_space<hbm>>
    %dma_wait3A_549 = arith.constant 0 : i32
    %dma_wait3A_550 = arith.constant 0 : i32
    %dma_wait3A_551 = tpu.memref_slice %arg2[%dma_wait3A_544, %dma_wait3A_549, %dma_wait3A_550] : memref<64x512x512xf32, #tpu.memory_space<hbm>> -> memref<1x56x512xf32, #tpu.memory_space<hbm>>
    %dma_wait3A_552 = tpu.memref_squeeze %dma_wait3A_551 : memref<1x56x512xf32, #tpu.memory_space<hbm>> -> memref<56x512xf32, #tpu.memory_space<hbm>>
    tpu.wait_dma2 semaphore(%arg11 : memref<!tpu.dma_semaphore, #tpu.memory_space<semaphore_mem>>) src(%dma_wait3A_552 : memref<56x512xf32, #tpu.memory_space<hbm>>) dst(%arg5 : memref<56x512xf32, #tpu.memory_space<vmem>>)
    %dma_wait3A_553 = arith.constant 0 : i32
    %dma_wait3A_554 = arith.constant 0 : i32
    %dma_wait3A_555 = arith.constant 0 : i32
    %dma_wait3A_556 = tpu.memref_slice %arg3[%dma_wait3A_553, %dma_wait3A_554, %dma_wait3A_555] : memref<64x512x512xf32, #tpu.memory_space<hbm>> -> memref<1x56x512xf32, #tpu.memory_space<hbm>>
    %dma_wait3A_557 = tpu.memref_squeeze %dma_wait3A_556 : memref<1x56x512xf32, #tpu.memory_space<hbm>> -> memref<56x512xf32, #tpu.memory_space<hbm>>
    %dma_wait3A_558 = arith.constant 0 : i32
    %dma_wait3A_559 = arith.constant 0 : i32
    %dma_wait3A_560 = tpu.memref_slice %arg3[%dma_wait3A_553, %dma_wait3A_558, %dma_wait3A_559] : memref<64x512x512xf32, #tpu.memory_space<hbm>> -> memref<1x56x512xf32, #tpu.memory_space<hbm>>
    %dma_wait3A_561 = tpu.memref_squeeze %dma_wait3A_560 : memref<1x56x512xf32, #tpu.memory_space<hbm>> -> memref<56x512xf32, #tpu.memory_space<hbm>>
    tpu.wait_dma2 semaphore(%arg13 : memref<!tpu.dma_semaphore, #tpu.memory_space<semaphore_mem>>) src(%dma_wait3A_561 : memref<56x512xf32, #tpu.memory_space<hbm>>) dst(%arg7 : memref<56x512xf32, #tpu.memory_space<vmem>>)
    %parallel_loop3A_562 = arith.constant 0 : i32
    %parallel_loop3A_563 = arith.constant 1792 : i32
    %parallel_loop3A_564 = arith.constant 1 : i32
    scf.for %parallel_loop3A_1405 = %parallel_loop3A_562 to %parallel_loop3A_563 step %parallel_loop3A_564  : i32 {
      %parallel_loop3A_1406 = arith.constant 5 : i32
      %parallel_loop3A_1407 = arith.shrsi %parallel_loop3A_1405, %parallel_loop3A_1406 : i32
      %parallel_loop3A_1408 = arith.constant 31 : i32
      %parallel_loop3A_1409 = arith.andi %parallel_loop3A_1405, %parallel_loop3A_1408 : i32
      %parallel_loop3A_1410 = arith.constant 16 : i32
      %parallel_loop3A_1411 = arith.muli %parallel_loop3A_1409, %parallel_loop3A_1410 : i32
      %parallel_loop3A_1412 = tpu.assume_multiple %parallel_loop3A_1411, 16 : i32
      %parallel_loop3A_1413 = arith.index_cast %parallel_loop3A_1407 : i32 to index
      %parallel_loop3A_1414 = arith.index_cast %parallel_loop3A_1412 : i32 to index
      %parallel_loop3A_1415 = tpu.vector_load %arg5[%parallel_loop3A_1413, %parallel_loop3A_1414] {strides = array<i32>} : memref<56x512xf32, #tpu.memory_space<vmem>>, vector<16xf32>,
      %parallel_loop3A_1416 = arith.index_cast %parallel_loop3A_1407 : i32 to index
      %parallel_loop3A_1417 = arith.index_cast %parallel_loop3A_1412 : i32 to index
      %parallel_loop3A_1418 = tpu.vector_load %arg7[%parallel_loop3A_1416, %parallel_loop3A_1417] {strides = array<i32>} : memref<56x512xf32, #tpu.memory_space<vmem>>, vector<16xf32>,
      %parallel_loop3A_1419 = arith.constant 6.400000e+01 : f32
      %parallel_loop3A_1420 = vector.broadcast %parallel_loop3A_1419 : f32 to vector<16xf32>
      %parallel_loop3A_1421 = arith.mulf %parallel_loop3A_1415, %parallel_loop3A_1420 : vector<16xf32>
      %parallel_loop3A_1422 = arith.addf %parallel_loop3A_1421, %parallel_loop3A_1418 : vector<16xf32>
      %parallel_loop3A_1423 = arith.fptosi %parallel_loop3A_1422 : vector<16xf32> to vector<16xi32>
      %parallel_loop3A_1424 = arith.constant 4 : i32
      %parallel_loop3A_1425 = vector.broadcast %parallel_loop3A_1424 : i32 to vector<16xi32>
      %parallel_loop3A_1426 = arith.shli %parallel_loop3A_1423, %parallel_loop3A_1425 : vector<16xi32>
      %parallel_loop3A_1427 = arith.addi %parallel_loop3A_1426, %add3A_14 : vector<16xi32>
      tpu.vector_store_idx %arg9[%parallel_loop3A_1427], %broadcast_in_dim3A_1 {add = true} : memref<2080xf32, #tpu.memory_space<vmem>>[vector<16xi32>], vector<16xf32>,
    } {sc.loop_unroll_factor = 8 : i64, sc.parallel_access}
    %mul3A_565 = arith.constant 2 : i32
    %mul3A_566 = arith.muli %add3A, %mul3A_565 : i32
    %add3A_567 = arith.constant 1 : i32
    %add3A_568 = arith.addi %mul3A_566, %add3A_567 : i32
    %dma_start3A_569 = arith.constant 336 : i32
    %dma_start3A_570 = arith.constant 0 : i32
    %dma_start3A_571 = tpu.memref_slice %arg2[%add3A_568, %dma_start3A_569, %dma_start3A_570] : memref<64x512x512xf32, #tpu.memory_space<hbm>> -> memref<1x56x512xf32, #tpu.memory_space<hbm>>
    %dma_start3A_572 = tpu.memref_squeeze %dma_start3A_571 : memref<1x56x512xf32, #tpu.memory_space<hbm>> -> memref<56x512xf32, #tpu.memory_space<hbm>>
    %dma_start3A_573 = arith.constant 336 : i32
    %dma_start3A_574 = arith.constant 0 : i32
    %dma_start3A_575 = tpu.memref_slice %arg2[%add3A_568, %dma_start3A_573, %dma_start3A_574] : memref<64x512x512xf32, #tpu.memory_space<hbm>> -> memref<1x56x512xf32, #tpu.memory_space<hbm>>
    %dma_start3A_576 = tpu.memref_squeeze %dma_start3A_575 : memref<1x56x512xf32, #tpu.memory_space<hbm>> -> memref<56x512xf32, #tpu.memory_space<hbm>>
    tpu.enqueue_dma source(%dma_start3A_576 : memref<56x512xf32, #tpu.memory_space<hbm>>) target(%arg5 : memref<56x512xf32, #tpu.memory_space<vmem>>) target_semaphore(%arg11 : memref<!tpu.dma_semaphore, #tpu.memory_space<semaphore_mem>>)
    %dma_start3A_577 = arith.constant 336 : i32
    %dma_start3A_578 = arith.constant 0 : i32
    %dma_start3A_579 = tpu.memref_slice %arg3[%add3A_568, %dma_start3A_577, %dma_start3A_578] : memref<64x512x512xf32, #tpu.memory_space<hbm>> -> memref<1x56x512xf32, #tpu.memory_space<hbm>>
    %dma_start3A_580 = tpu.memref_squeeze %dma_start3A_579 : memref<1x56x512xf32, #tpu.memory_space<hbm>> -> memref<56x512xf32, #tpu.memory_space<hbm>>
    %dma_start3A_581 = arith.constant 336 : i32
    %dma_start3A_582 = arith.constant 0 : i32
    %dma_start3A_583 = tpu.memref_slice %arg3[%add3A_568, %dma_start3A_581, %dma_start3A_582] : memref<64x512x512xf32, #tpu.memory_space<hbm>> -> memref<1x56x512xf32, #tpu.memory_space<hbm>>
    %dma_start3A_584 = tpu.memref_squeeze %dma_start3A_583 : memref<1x56x512xf32, #tpu.memory_space<hbm>> -> memref<56x512xf32, #tpu.memory_space<hbm>>
    tpu.enqueue_dma source(%dma_start3A_584 : memref<56x512xf32, #tpu.memory_space<hbm>>) target(%arg7 : memref<56x512xf32, #tpu.memory_space<vmem>>) target_semaphore(%arg13 : memref<!tpu.dma_semaphore, #tpu.memory_space<semaphore_mem>>)
    %dma_wait3A_585 = arith.constant 0 : i32
    %dma_wait3A_586 = arith.constant 0 : i32
    %dma_wait3A_587 = arith.constant 0 : i32
    %dma_wait3A_588 = tpu.memref_slice %arg2[%dma_wait3A_585, %dma_wait3A_586, %dma_wait3A_587] : memref<64x512x512xf32, #tpu.memory_space<hbm>> -> memref<1x56x512xf32, #tpu.memory_space<hbm>>
    %dma_wait3A_589 = tpu.memref_squeeze %dma_wait3A_588 : memref<1x56x512xf32, #tpu.memory_space<hbm>> -> memref<56x512xf32, #tpu.memory_space<hbm>>
    %dma_wait3A_590 = arith.constant 0 : i32
    %dma_wait3A_591 = arith.constant 0 : i32
    %dma_wait3A_592 = tpu.memref_slice %arg2[%dma_wait3A_585, %dma_wait3A_590, %dma_wait3A_591] : memref<64x512x512xf32, #tpu.memory_space<hbm>> -> memref<1x56x512xf32, #tpu.memory_space<hbm>>
    %dma_wait3A_593 = tpu.memref_squeeze %dma_wait3A_592 : memref<1x56x512xf32, #tpu.memory_space<hbm>> -> memref<56x512xf32, #tpu.memory_space<hbm>>
    tpu.wait_dma2 semaphore(%arg12 : memref<!tpu.dma_semaphore, #tpu.memory_space<semaphore_mem>>) src(%dma_wait3A_593 : memref<56x512xf32, #tpu.memory_space<hbm>>) dst(%arg6 : memref<56x512xf32, #tpu.memory_space<vmem>>)
    %dma_wait3A_594 = arith.constant 0 : i32
    %dma_wait3A_595 = arith.constant 0 : i32
    %dma_wait3A_596 = arith.constant 0 : i32
    %dma_wait3A_597 = tpu.memref_slice %arg3[%dma_wait3A_594, %dma_wait3A_595, %dma_wait3A_596] : memref<64x512x512xf32, #tpu.memory_space<hbm>> -> memref<1x56x512xf32, #tpu.memory_space<hbm>>
    %dma_wait3A_598 = tpu.memref_squeeze %dma_wait3A_597 : memref<1x56x512xf32, #tpu.memory_space<hbm>> -> memref<56x512xf32, #tpu.memory_space<hbm>>
    %dma_wait3A_599 = arith.constant 0 : i32
    %dma_wait3A_600 = arith.constant 0 : i32
    %dma_wait3A_601 = tpu.memref_slice %arg3[%dma_wait3A_594, %dma_wait3A_599, %dma_wait3A_600] : memref<64x512x512xf32, #tpu.memory_space<hbm>> -> memref<1x56x512xf32, #tpu.memory_space<hbm>>
    %dma_wait3A_602 = tpu.memref_squeeze %dma_wait3A_601 : memref<1x56x512xf32, #tpu.memory_space<hbm>> -> memref<56x512xf32, #tpu.memory_space<hbm>>
    tpu.wait_dma2 semaphore(%arg14 : memref<!tpu.dma_semaphore, #tpu.memory_space<semaphore_mem>>) src(%dma_wait3A_602 : memref<56x512xf32, #tpu.memory_space<hbm>>) dst(%arg8 : memref<56x512xf32, #tpu.memory_space<vmem>>)
    %parallel_loop3A_603 = arith.constant 0 : i32
    %parallel_loop3A_604 = arith.constant 1792 : i32
    %parallel_loop3A_605 = arith.constant 1 : i32
    scf.for %parallel_loop3A_1405 = %parallel_loop3A_603 to %parallel_loop3A_604 step %parallel_loop3A_605  : i32 {
      %parallel_loop3A_1406 = arith.constant 5 : i32
      %parallel_loop3A_1407 = arith.shrsi %parallel_loop3A_1405, %parallel_loop3A_1406 : i32
      %parallel_loop3A_1408 = arith.constant 31 : i32
      %parallel_loop3A_1409 = arith.andi %parallel_loop3A_1405, %parallel_loop3A_1408 : i32
      %parallel_loop3A_1410 = arith.constant 16 : i32
      %parallel_loop3A_1411 = arith.muli %parallel_loop3A_1409, %parallel_loop3A_1410 : i32
      %parallel_loop3A_1412 = tpu.assume_multiple %parallel_loop3A_1411, 16 : i32
      %parallel_loop3A_1413 = arith.index_cast %parallel_loop3A_1407 : i32 to index
      %parallel_loop3A_1414 = arith.index_cast %parallel_loop3A_1412 : i32 to index
      %parallel_loop3A_1415 = tpu.vector_load %arg6[%parallel_loop3A_1413, %parallel_loop3A_1414] {strides = array<i32>} : memref<56x512xf32, #tpu.memory_space<vmem>>, vector<16xf32>,
      %parallel_loop3A_1416 = arith.index_cast %parallel_loop3A_1407 : i32 to index
      %parallel_loop3A_1417 = arith.index_cast %parallel_loop3A_1412 : i32 to index
      %parallel_loop3A_1418 = tpu.vector_load %arg8[%parallel_loop3A_1416, %parallel_loop3A_1417] {strides = array<i32>} : memref<56x512xf32, #tpu.memory_space<vmem>>, vector<16xf32>,
      %parallel_loop3A_1419 = arith.constant 6.400000e+01 : f32
      %parallel_loop3A_1420 = vector.broadcast %parallel_loop3A_1419 : f32 to vector<16xf32>
      %parallel_loop3A_1421 = arith.mulf %parallel_loop3A_1415, %parallel_loop3A_1420 : vector<16xf32>
      %parallel_loop3A_1422 = arith.addf %parallel_loop3A_1421, %parallel_loop3A_1418 : vector<16xf32>
      %parallel_loop3A_1423 = arith.fptosi %parallel_loop3A_1422 : vector<16xf32> to vector<16xi32>
      %parallel_loop3A_1424 = arith.constant 4 : i32
      %parallel_loop3A_1425 = vector.broadcast %parallel_loop3A_1424 : i32 to vector<16xi32>
      %parallel_loop3A_1426 = arith.shli %parallel_loop3A_1423, %parallel_loop3A_1425 : vector<16xi32>
      %parallel_loop3A_1427 = arith.addi %parallel_loop3A_1426, %add3A_14 : vector<16xi32>
      tpu.vector_store_idx %arg9[%parallel_loop3A_1427], %broadcast_in_dim3A_1 {add = true} : memref<2080xf32, #tpu.memory_space<vmem>>[vector<16xi32>], vector<16xf32>,
    } {sc.loop_unroll_factor = 8 : i64, sc.parallel_access}
    %mul3A_606 = arith.constant 2 : i32
    %mul3A_607 = arith.muli %add3A, %mul3A_606 : i32
    %add3A_608 = arith.constant 1 : i32
    %add3A_609 = arith.addi %mul3A_607, %add3A_608 : i32
    %dma_start3A_610 = arith.constant 392 : i32
    %dma_start3A_611 = arith.constant 0 : i32
    %dma_start3A_612 = tpu.memref_slice %arg2[%add3A_609, %dma_start3A_610, %dma_start3A_611] : memref<64x512x512xf32, #tpu.memory_space<hbm>> -> memref<1x56x512xf32, #tpu.memory_space<hbm>>
    %dma_start3A_613 = tpu.memref_squeeze %dma_start3A_612 : memref<1x56x512xf32, #tpu.memory_space<hbm>> -> memref<56x512xf32, #tpu.memory_space<hbm>>
    %dma_start3A_614 = arith.constant 392 : i32
    %dma_start3A_615 = arith.constant 0 : i32
    %dma_start3A_616 = tpu.memref_slice %arg2[%add3A_609, %dma_start3A_614, %dma_start3A_615] : memref<64x512x512xf32, #tpu.memory_space<hbm>> -> memref<1x56x512xf32, #tpu.memory_space<hbm>>
    %dma_start3A_617 = tpu.memref_squeeze %dma_start3A_616 : memref<1x56x512xf32, #tpu.memory_space<hbm>> -> memref<56x512xf32, #tpu.memory_space<hbm>>
    tpu.enqueue_dma source(%dma_start3A_617 : memref<56x512xf32, #tpu.memory_space<hbm>>) target(%arg6 : memref<56x512xf32, #tpu.memory_space<vmem>>) target_semaphore(%arg12 : memref<!tpu.dma_semaphore, #tpu.memory_space<semaphore_mem>>)
    %dma_start3A_618 = arith.constant 392 : i32
    %dma_start3A_619 = arith.constant 0 : i32
    %dma_start3A_620 = tpu.memref_slice %arg3[%add3A_609, %dma_start3A_618, %dma_start3A_619] : memref<64x512x512xf32, #tpu.memory_space<hbm>> -> memref<1x56x512xf32, #tpu.memory_space<hbm>>
    %dma_start3A_621 = tpu.memref_squeeze %dma_start3A_620 : memref<1x56x512xf32, #tpu.memory_space<hbm>> -> memref<56x512xf32, #tpu.memory_space<hbm>>
    %dma_start3A_622 = arith.constant 392 : i32
    %dma_start3A_623 = arith.constant 0 : i32
    %dma_start3A_624 = tpu.memref_slice %arg3[%add3A_609, %dma_start3A_622, %dma_start3A_623] : memref<64x512x512xf32, #tpu.memory_space<hbm>> -> memref<1x56x512xf32, #tpu.memory_space<hbm>>
    %dma_start3A_625 = tpu.memref_squeeze %dma_start3A_624 : memref<1x56x512xf32, #tpu.memory_space<hbm>> -> memref<56x512xf32, #tpu.memory_space<hbm>>
    tpu.enqueue_dma source(%dma_start3A_625 : memref<56x512xf32, #tpu.memory_space<hbm>>) target(%arg8 : memref<56x512xf32, #tpu.memory_space<vmem>>) target_semaphore(%arg14 : memref<!tpu.dma_semaphore, #tpu.memory_space<semaphore_mem>>)
    %dma_wait3A_626 = arith.constant 0 : i32
    %dma_wait3A_627 = arith.constant 0 : i32
    %dma_wait3A_628 = arith.constant 0 : i32
    %dma_wait3A_629 = tpu.memref_slice %arg2[%dma_wait3A_626, %dma_wait3A_627, %dma_wait3A_628] : memref<64x512x512xf32, #tpu.memory_space<hbm>> -> memref<1x56x512xf32, #tpu.memory_space<hbm>>
    %dma_wait3A_630 = tpu.memref_squeeze %dma_wait3A_629 : memref<1x56x512xf32, #tpu.memory_space<hbm>> -> memref<56x512xf32, #tpu.memory_space<hbm>>
    %dma_wait3A_631 = arith.constant 0 : i32
    %dma_wait3A_632 = arith.constant 0 : i32
    %dma_wait3A_633 = tpu.memref_slice %arg2[%dma_wait3A_626, %dma_wait3A_631, %dma_wait3A_632] : memref<64x512x512xf32, #tpu.memory_space<hbm>> -> memref<1x56x512xf32, #tpu.memory_space<hbm>>
    %dma_wait3A_634 = tpu.memref_squeeze %dma_wait3A_633 : memref<1x56x512xf32, #tpu.memory_space<hbm>> -> memref<56x512xf32, #tpu.memory_space<hbm>>
    tpu.wait_dma2 semaphore(%arg11 : memref<!tpu.dma_semaphore, #tpu.memory_space<semaphore_mem>>) src(%dma_wait3A_634 : memref<56x512xf32, #tpu.memory_space<hbm>>) dst(%arg5 : memref<56x512xf32, #tpu.memory_space<vmem>>)
    %dma_wait3A_635 = arith.constant 0 : i32
    %dma_wait3A_636 = arith.constant 0 : i32
    %dma_wait3A_637 = arith.constant 0 : i32
    %dma_wait3A_638 = tpu.memref_slice %arg3[%dma_wait3A_635, %dma_wait3A_636, %dma_wait3A_637] : memref<64x512x512xf32, #tpu.memory_space<hbm>> -> memref<1x56x512xf32, #tpu.memory_space<hbm>>
    %dma_wait3A_639 = tpu.memref_squeeze %dma_wait3A_638 : memref<1x56x512xf32, #tpu.memory_space<hbm>> -> memref<56x512xf32, #tpu.memory_space<hbm>>
    %dma_wait3A_640 = arith.constant 0 : i32
    %dma_wait3A_641 = arith.constant 0 : i32
    %dma_wait3A_642 = tpu.memref_slice %arg3[%dma_wait3A_635, %dma_wait3A_640, %dma_wait3A_641] : memref<64x512x512xf32, #tpu.memory_space<hbm>> -> memref<1x56x512xf32, #tpu.memory_space<hbm>>
    %dma_wait3A_643 = tpu.memref_squeeze %dma_wait3A_642 : memref<1x56x512xf32, #tpu.memory_space<hbm>> -> memref<56x512xf32, #tpu.memory_space<hbm>>
    tpu.wait_dma2 semaphore(%arg13 : memref<!tpu.dma_semaphore, #tpu.memory_space<semaphore_mem>>) src(%dma_wait3A_643 : memref<56x512xf32, #tpu.memory_space<hbm>>) dst(%arg7 : memref<56x512xf32, #tpu.memory_space<vmem>>)
    %parallel_loop3A_644 = arith.constant 0 : i32
    %parallel_loop3A_645 = arith.constant 1792 : i32
    %parallel_loop3A_646 = arith.constant 1 : i32
    scf.for %parallel_loop3A_1405 = %parallel_loop3A_644 to %parallel_loop3A_645 step %parallel_loop3A_646  : i32 {
      %parallel_loop3A_1406 = arith.constant 5 : i32
      %parallel_loop3A_1407 = arith.shrsi %parallel_loop3A_1405, %parallel_loop3A_1406 : i32
      %parallel_loop3A_1408 = arith.constant 31 : i32
      %parallel_loop3A_1409 = arith.andi %parallel_loop3A_1405, %parallel_loop3A_1408 : i32
      %parallel_loop3A_1410 = arith.constant 16 : i32
      %parallel_loop3A_1411 = arith.muli %parallel_loop3A_1409, %parallel_loop3A_1410 : i32
      %parallel_loop3A_1412 = tpu.assume_multiple %parallel_loop3A_1411, 16 : i32
      %parallel_loop3A_1413 = arith.index_cast %parallel_loop3A_1407 : i32 to index
      %parallel_loop3A_1414 = arith.index_cast %parallel_loop3A_1412 : i32 to index
      %parallel_loop3A_1415 = tpu.vector_load %arg5[%parallel_loop3A_1413, %parallel_loop3A_1414] {strides = array<i32>} : memref<56x512xf32, #tpu.memory_space<vmem>>, vector<16xf32>,
      %parallel_loop3A_1416 = arith.index_cast %parallel_loop3A_1407 : i32 to index
      %parallel_loop3A_1417 = arith.index_cast %parallel_loop3A_1412 : i32 to index
      %parallel_loop3A_1418 = tpu.vector_load %arg7[%parallel_loop3A_1416, %parallel_loop3A_1417] {strides = array<i32>} : memref<56x512xf32, #tpu.memory_space<vmem>>, vector<16xf32>,
      %parallel_loop3A_1419 = arith.constant 6.400000e+01 : f32
      %parallel_loop3A_1420 = vector.broadcast %parallel_loop3A_1419 : f32 to vector<16xf32>
      %parallel_loop3A_1421 = arith.mulf %parallel_loop3A_1415, %parallel_loop3A_1420 : vector<16xf32>
      %parallel_loop3A_1422 = arith.addf %parallel_loop3A_1421, %parallel_loop3A_1418 : vector<16xf32>
      %parallel_loop3A_1423 = arith.fptosi %parallel_loop3A_1422 : vector<16xf32> to vector<16xi32>
      %parallel_loop3A_1424 = arith.constant 4 : i32
      %parallel_loop3A_1425 = vector.broadcast %parallel_loop3A_1424 : i32 to vector<16xi32>
      %parallel_loop3A_1426 = arith.shli %parallel_loop3A_1423, %parallel_loop3A_1425 : vector<16xi32>
      %parallel_loop3A_1427 = arith.addi %parallel_loop3A_1426, %add3A_14 : vector<16xi32>
      tpu.vector_store_idx %arg9[%parallel_loop3A_1427], %broadcast_in_dim3A_1 {add = true} : memref<2080xf32, #tpu.memory_space<vmem>>[vector<16xi32>], vector<16xf32>,
    } {sc.loop_unroll_factor = 8 : i64, sc.parallel_access}
    %dma_wait3A_647 = arith.constant 0 : i32
    %dma_wait3A_648 = arith.constant 0 : i32
    %dma_wait3A_649 = arith.constant 0 : i32
    %dma_wait3A_650 = tpu.memref_slice %arg2[%dma_wait3A_647, %dma_wait3A_648, %dma_wait3A_649] : memref<64x512x512xf32, #tpu.memory_space<hbm>> -> memref<1x56x512xf32, #tpu.memory_space<hbm>>
    %dma_wait3A_651 = tpu.memref_squeeze %dma_wait3A_650 : memref<1x56x512xf32, #tpu.memory_space<hbm>> -> memref<56x512xf32, #tpu.memory_space<hbm>>
    %dma_wait3A_652 = arith.constant 0 : i32
    %dma_wait3A_653 = arith.constant 0 : i32
    %dma_wait3A_654 = tpu.memref_slice %arg2[%dma_wait3A_647, %dma_wait3A_652, %dma_wait3A_653] : memref<64x512x512xf32, #tpu.memory_space<hbm>> -> memref<1x56x512xf32, #tpu.memory_space<hbm>>
    %dma_wait3A_655 = tpu.memref_squeeze %dma_wait3A_654 : memref<1x56x512xf32, #tpu.memory_space<hbm>> -> memref<56x512xf32, #tpu.memory_space<hbm>>
    tpu.wait_dma2 semaphore(%arg12 : memref<!tpu.dma_semaphore, #tpu.memory_space<semaphore_mem>>) src(%dma_wait3A_655 : memref<56x512xf32, #tpu.memory_space<hbm>>) dst(%arg6 : memref<56x512xf32, #tpu.memory_space<vmem>>)
    %dma_wait3A_656 = arith.constant 0 : i32
    %dma_wait3A_657 = arith.constant 0 : i32
    %dma_wait3A_658 = arith.constant 0 : i32
    %dma_wait3A_659 = tpu.memref_slice %arg3[%dma_wait3A_656, %dma_wait3A_657, %dma_wait3A_658] : memref<64x512x512xf32, #tpu.memory_space<hbm>> -> memref<1x56x512xf32, #tpu.memory_space<hbm>>
    %dma_wait3A_660 = tpu.memref_squeeze %dma_wait3A_659 : memref<1x56x512xf32, #tpu.memory_space<hbm>> -> memref<56x512xf32, #tpu.memory_space<hbm>>
    %dma_wait3A_661 = arith.constant 0 : i32
    %dma_wait3A_662 = arith.constant 0 : i32
    %dma_wait3A_663 = tpu.memref_slice %arg3[%dma_wait3A_656, %dma_wait3A_661, %dma_wait3A_662] : memref<64x512x512xf32, #tpu.memory_space<hbm>> -> memref<1x56x512xf32, #tpu.memory_space<hbm>>
    %dma_wait3A_664 = tpu.memref_squeeze %dma_wait3A_663 : memref<1x56x512xf32, #tpu.memory_space<hbm>> -> memref<56x512xf32, #tpu.memory_space<hbm>>
    tpu.wait_dma2 semaphore(%arg14 : memref<!tpu.dma_semaphore, #tpu.memory_space<semaphore_mem>>) src(%dma_wait3A_664 : memref<56x512xf32, #tpu.memory_space<hbm>>) dst(%arg8 : memref<56x512xf32, #tpu.memory_space<vmem>>)
    %parallel_loop3A_665 = arith.constant 0 : i32
    %parallel_loop3A_666 = arith.constant 1792 : i32
    %parallel_loop3A_667 = arith.constant 1 : i32
    scf.for %parallel_loop3A_1405 = %parallel_loop3A_665 to %parallel_loop3A_666 step %parallel_loop3A_667  : i32 {
      %parallel_loop3A_1406 = arith.constant 5 : i32
      %parallel_loop3A_1407 = arith.shrsi %parallel_loop3A_1405, %parallel_loop3A_1406 : i32
      %parallel_loop3A_1408 = arith.constant 31 : i32
      %parallel_loop3A_1409 = arith.andi %parallel_loop3A_1405, %parallel_loop3A_1408 : i32
      %parallel_loop3A_1410 = arith.constant 16 : i32
      %parallel_loop3A_1411 = arith.muli %parallel_loop3A_1409, %parallel_loop3A_1410 : i32
      %parallel_loop3A_1412 = tpu.assume_multiple %parallel_loop3A_1411, 16 : i32
      %parallel_loop3A_1413 = arith.index_cast %parallel_loop3A_1407 : i32 to index
      %parallel_loop3A_1414 = arith.index_cast %parallel_loop3A_1412 : i32 to index
      %parallel_loop3A_1415 = tpu.vector_load %arg6[%parallel_loop3A_1413, %parallel_loop3A_1414] {strides = array<i32>} : memref<56x512xf32, #tpu.memory_space<vmem>>, vector<16xf32>,
      %parallel_loop3A_1416 = arith.index_cast %parallel_loop3A_1407 : i32 to index
      %parallel_loop3A_1417 = arith.index_cast %parallel_loop3A_1412 : i32 to index
      %parallel_loop3A_1418 = tpu.vector_load %arg8[%parallel_loop3A_1416, %parallel_loop3A_1417] {strides = array<i32>} : memref<56x512xf32, #tpu.memory_space<vmem>>, vector<16xf32>,
      %parallel_loop3A_1419 = arith.constant 6.400000e+01 : f32
      %parallel_loop3A_1420 = vector.broadcast %parallel_loop3A_1419 : f32 to vector<16xf32>
      %parallel_loop3A_1421 = arith.mulf %parallel_loop3A_1415, %parallel_loop3A_1420 : vector<16xf32>
      %parallel_loop3A_1422 = arith.addf %parallel_loop3A_1421, %parallel_loop3A_1418 : vector<16xf32>
      %parallel_loop3A_1423 = arith.fptosi %parallel_loop3A_1422 : vector<16xf32> to vector<16xi32>
      %parallel_loop3A_1424 = arith.constant 4 : i32
      %parallel_loop3A_1425 = vector.broadcast %parallel_loop3A_1424 : i32 to vector<16xi32>
      %parallel_loop3A_1426 = arith.shli %parallel_loop3A_1423, %parallel_loop3A_1425 : vector<16xi32>
      %parallel_loop3A_1427 = arith.addi %parallel_loop3A_1426, %add3A_14 : vector<16xi32>
      tpu.vector_store_idx %arg9[%parallel_loop3A_1427], %broadcast_in_dim3A_1 {add = true} : memref<2080xf32, #tpu.memory_space<vmem>>[vector<16xi32>], vector<16xf32>,
    } {sc.loop_unroll_factor = 8 : i64, sc.parallel_access}
    %mul3A_668 = arith.constant 2 : i32
    %mul3A_669 = arith.muli %add3A, %mul3A_668 : i32
    %add3A_670 = arith.constant 0 : i32
    %add3A_671 = arith.addi %mul3A_669, %add3A_670 : i32
    %add3A_672 = arith.constant 0 : i32
    %add3A_673 = vector.broadcast %add3A_672 : i32 to vector<16xi32>
    %add3A_674 = arith.addi %iota3A, %add3A_673 : vector<16xi32>
    %shift_left3A = arith.constant 4 : i32
    %shift_left3A_675 = vector.broadcast %shift_left3A : i32 to vector<16xi32>
    %shift_left3A_676 = arith.shli %add3A_674, %shift_left3A_675 : vector<16xi32>
    %add3A_677 = arith.constant 0 : i32
    %add3A_678 = vector.broadcast %add3A_677 : i32 to vector<16xi32>
    %add3A_679 = arith.addi %shift_left3A_676, %add3A_678 : vector<16xi32>
    %add3A_680 = arith.constant 0 : i32
    %add3A_681 = vector.broadcast %add3A_680 : i32 to vector<16xi32>
    %add3A_682 = arith.addi %add3A_679, %add3A_681 : vector<16xi32>
    %gather3A = tpu.vector_load_idx %arg9[%add3A_682] : memref<2080xf32, #tpu.memory_space<vmem>>[vector<16xi32>], vector<16xf32>,
    %add3A_683 = arith.addf %broadcast_in_dim3A_3, %gather3A : vector<16xf32>
    %add3A_684 = arith.constant 1 : i32
    %add3A_685 = vector.broadcast %add3A_684 : i32 to vector<16xi32>
    %add3A_686 = arith.addi %add3A_679, %add3A_685 : vector<16xi32>
    %gather3A_687 = tpu.vector_load_idx %arg9[%add3A_686] : memref<2080xf32, #tpu.memory_space<vmem>>[vector<16xi32>], vector<16xf32>,
    %add3A_688 = arith.addf %add3A_683, %gather3A_687 : vector<16xf32>
    %add3A_689 = arith.constant 2 : i32
    %add3A_690 = vector.broadcast %add3A_689 : i32 to vector<16xi32>
    %add3A_691 = arith.addi %add3A_679, %add3A_690 : vector<16xi32>
    %gather3A_692 = tpu.vector_load_idx %arg9[%add3A_691] : memref<2080xf32, #tpu.memory_space<vmem>>[vector<16xi32>], vector<16xf32>,
    %add3A_693 = arith.addf %add3A_688, %gather3A_692 : vector<16xf32>
    %add3A_694 = arith.constant 3 : i32
    %add3A_695 = vector.broadcast %add3A_694 : i32 to vector<16xi32>
    %add3A_696 = arith.addi %add3A_679, %add3A_695 : vector<16xi32>
    %gather3A_697 = tpu.vector_load_idx %arg9[%add3A_696] : memref<2080xf32, #tpu.memory_space<vmem>>[vector<16xi32>], vector<16xf32>,
    %add3A_698 = arith.addf %add3A_693, %gather3A_697 : vector<16xf32>
    %add3A_699 = arith.constant 4 : i32
    %add3A_700 = vector.broadcast %add3A_699 : i32 to vector<16xi32>
    %add3A_701 = arith.addi %add3A_679, %add3A_700 : vector<16xi32>
    %gather3A_702 = tpu.vector_load_idx %arg9[%add3A_701] : memref<2080xf32, #tpu.memory_space<vmem>>[vector<16xi32>], vector<16xf32>,
    %add3A_703 = arith.addf %add3A_698, %gather3A_702 : vector<16xf32>
    %add3A_704 = arith.constant 5 : i32
    %add3A_705 = vector.broadcast %add3A_704 : i32 to vector<16xi32>
    %add3A_706 = arith.addi %add3A_679, %add3A_705 : vector<16xi32>
    %gather3A_707 = tpu.vector_load_idx %arg9[%add3A_706] : memref<2080xf32, #tpu.memory_space<vmem>>[vector<16xi32>], vector<16xf32>,
    %add3A_708 = arith.addf %add3A_703, %gather3A_707 : vector<16xf32>
    %add3A_709 = arith.constant 6 : i32
    %add3A_710 = vector.broadcast %add3A_709 : i32 to vector<16xi32>
    %add3A_711 = arith.addi %add3A_679, %add3A_710 : vector<16xi32>
    %gather3A_712 = tpu.vector_load_idx %arg9[%add3A_711] : memref<2080xf32, #tpu.memory_space<vmem>>[vector<16xi32>], vector<16xf32>,
    %add3A_713 = arith.addf %add3A_708, %gather3A_712 : vector<16xf32>
    %add3A_714 = arith.constant 7 : i32
    %add3A_715 = vector.broadcast %add3A_714 : i32 to vector<16xi32>
    %add3A_716 = arith.addi %add3A_679, %add3A_715 : vector<16xi32>
    %gather3A_717 = tpu.vector_load_idx %arg9[%add3A_716] : memref<2080xf32, #tpu.memory_space<vmem>>[vector<16xi32>], vector<16xf32>,
    %add3A_718 = arith.addf %add3A_713, %gather3A_717 : vector<16xf32>
    %add3A_719 = arith.constant 8 : i32
    %add3A_720 = vector.broadcast %add3A_719 : i32 to vector<16xi32>
    %add3A_721 = arith.addi %add3A_679, %add3A_720 : vector<16xi32>
    %gather3A_722 = tpu.vector_load_idx %arg9[%add3A_721] : memref<2080xf32, #tpu.memory_space<vmem>>[vector<16xi32>], vector<16xf32>,
    %add3A_723 = arith.addf %add3A_718, %gather3A_722 : vector<16xf32>
    %add3A_724 = arith.constant 9 : i32
    %add3A_725 = vector.broadcast %add3A_724 : i32 to vector<16xi32>
    %add3A_726 = arith.addi %add3A_679, %add3A_725 : vector<16xi32>
    %gather3A_727 = tpu.vector_load_idx %arg9[%add3A_726] : memref<2080xf32, #tpu.memory_space<vmem>>[vector<16xi32>], vector<16xf32>,
    %add3A_728 = arith.addf %add3A_723, %gather3A_727 : vector<16xf32>
    %add3A_729 = arith.constant 10 : i32
    %add3A_730 = vector.broadcast %add3A_729 : i32 to vector<16xi32>
    %add3A_731 = arith.addi %add3A_679, %add3A_730 : vector<16xi32>
    %gather3A_732 = tpu.vector_load_idx %arg9[%add3A_731] : memref<2080xf32, #tpu.memory_space<vmem>>[vector<16xi32>], vector<16xf32>,
    %add3A_733 = arith.addf %add3A_728, %gather3A_732 : vector<16xf32>
    %add3A_734 = arith.constant 11 : i32
    %add3A_735 = vector.broadcast %add3A_734 : i32 to vector<16xi32>
    %add3A_736 = arith.addi %add3A_679, %add3A_735 : vector<16xi32>
    %gather3A_737 = tpu.vector_load_idx %arg9[%add3A_736] : memref<2080xf32, #tpu.memory_space<vmem>>[vector<16xi32>], vector<16xf32>,
    %add3A_738 = arith.addf %add3A_733, %gather3A_737 : vector<16xf32>
    %add3A_739 = arith.constant 12 : i32
    %add3A_740 = vector.broadcast %add3A_739 : i32 to vector<16xi32>
    %add3A_741 = arith.addi %add3A_679, %add3A_740 : vector<16xi32>
    %gather3A_742 = tpu.vector_load_idx %arg9[%add3A_741] : memref<2080xf32, #tpu.memory_space<vmem>>[vector<16xi32>], vector<16xf32>,
    %add3A_743 = arith.addf %add3A_738, %gather3A_742 : vector<16xf32>
    %add3A_744 = arith.constant 13 : i32
    %add3A_745 = vector.broadcast %add3A_744 : i32 to vector<16xi32>
    %add3A_746 = arith.addi %add3A_679, %add3A_745 : vector<16xi32>
    %gather3A_747 = tpu.vector_load_idx %arg9[%add3A_746] : memref<2080xf32, #tpu.memory_space<vmem>>[vector<16xi32>], vector<16xf32>,
    %add3A_748 = arith.addf %add3A_743, %gather3A_747 : vector<16xf32>
    %add3A_749 = arith.constant 14 : i32
    %add3A_750 = vector.broadcast %add3A_749 : i32 to vector<16xi32>
    %add3A_751 = arith.addi %add3A_679, %add3A_750 : vector<16xi32>
    %gather3A_752 = tpu.vector_load_idx %arg9[%add3A_751] : memref<2080xf32, #tpu.memory_space<vmem>>[vector<16xi32>], vector<16xf32>,
    %add3A_753 = arith.addf %add3A_748, %gather3A_752 : vector<16xf32>
    %add3A_754 = arith.constant 15 : i32
    %add3A_755 = vector.broadcast %add3A_754 : i32 to vector<16xi32>
    %add3A_756 = arith.addi %add3A_679, %add3A_755 : vector<16xi32>
    %gather3A_757 = tpu.vector_load_idx %arg9[%add3A_756] : memref<2080xf32, #tpu.memory_space<vmem>>[vector<16xi32>], vector<16xf32>,
    %add3A_758 = arith.addf %add3A_753, %gather3A_757 : vector<16xf32>
    %swap3A = arith.constant 0 : index
    %swap3A_759 = tpu.vector_load %arg10[%swap3A] {strides = array<i32>} : memref<64xf32, #tpu.memory_space<vmem>>, vector<16xf32>,
    tpu.vector_store %arg10[%swap3A], %add3A_758 {strides = array<i32>} : memref<64xf32, #tpu.memory_space<vmem>>, vector<16xf32>,
    %add3A_760 = arith.constant 16 : i32
    %add3A_761 = vector.broadcast %add3A_760 : i32 to vector<16xi32>
    %add3A_762 = arith.addi %iota3A, %add3A_761 : vector<16xi32>
    %shift_left3A_763 = arith.constant 4 : i32
    %shift_left3A_764 = vector.broadcast %shift_left3A_763 : i32 to vector<16xi32>
    %shift_left3A_765 = arith.shli %add3A_762, %shift_left3A_764 : vector<16xi32>
    %add3A_766 = arith.constant 0 : i32
    %add3A_767 = vector.broadcast %add3A_766 : i32 to vector<16xi32>
    %add3A_768 = arith.addi %shift_left3A_765, %add3A_767 : vector<16xi32>
    %add3A_769 = arith.constant 0 : i32
    %add3A_770 = vector.broadcast %add3A_769 : i32 to vector<16xi32>
    %add3A_771 = arith.addi %add3A_768, %add3A_770 : vector<16xi32>
    %gather3A_772 = tpu.vector_load_idx %arg9[%add3A_771] : memref<2080xf32, #tpu.memory_space<vmem>>[vector<16xi32>], vector<16xf32>,
    %add3A_773 = arith.addf %broadcast_in_dim3A_3, %gather3A_772 : vector<16xf32>
    %add3A_774 = arith.constant 1 : i32
    %add3A_775 = vector.broadcast %add3A_774 : i32 to vector<16xi32>
    %add3A_776 = arith.addi %add3A_768, %add3A_775 : vector<16xi32>
    %gather3A_777 = tpu.vector_load_idx %arg9[%add3A_776] : memref<2080xf32, #tpu.memory_space<vmem>>[vector<16xi32>], vector<16xf32>,
    %add3A_778 = arith.addf %add3A_773, %gather3A_777 : vector<16xf32>
    %add3A_779 = arith.constant 2 : i32
    %add3A_780 = vector.broadcast %add3A_779 : i32 to vector<16xi32>
    %add3A_781 = arith.addi %add3A_768, %add3A_780 : vector<16xi32>
    %gather3A_782 = tpu.vector_load_idx %arg9[%add3A_781] : memref<2080xf32, #tpu.memory_space<vmem>>[vector<16xi32>], vector<16xf32>,
    %add3A_783 = arith.addf %add3A_778, %gather3A_782 : vector<16xf32>
    %add3A_784 = arith.constant 3 : i32
    %add3A_785 = vector.broadcast %add3A_784 : i32 to vector<16xi32>
    %add3A_786 = arith.addi %add3A_768, %add3A_785 : vector<16xi32>
    %gather3A_787 = tpu.vector_load_idx %arg9[%add3A_786] : memref<2080xf32, #tpu.memory_space<vmem>>[vector<16xi32>], vector<16xf32>,
    %add3A_788 = arith.addf %add3A_783, %gather3A_787 : vector<16xf32>
    %add3A_789 = arith.constant 4 : i32
    %add3A_790 = vector.broadcast %add3A_789 : i32 to vector<16xi32>
    %add3A_791 = arith.addi %add3A_768, %add3A_790 : vector<16xi32>
    %gather3A_792 = tpu.vector_load_idx %arg9[%add3A_791] : memref<2080xf32, #tpu.memory_space<vmem>>[vector<16xi32>], vector<16xf32>,
    %add3A_793 = arith.addf %add3A_788, %gather3A_792 : vector<16xf32>
    %add3A_794 = arith.constant 5 : i32
    %add3A_795 = vector.broadcast %add3A_794 : i32 to vector<16xi32>
    %add3A_796 = arith.addi %add3A_768, %add3A_795 : vector<16xi32>
    %gather3A_797 = tpu.vector_load_idx %arg9[%add3A_796] : memref<2080xf32, #tpu.memory_space<vmem>>[vector<16xi32>], vector<16xf32>,
    %add3A_798 = arith.addf %add3A_793, %gather3A_797 : vector<16xf32>
    %add3A_799 = arith.constant 6 : i32
    %add3A_800 = vector.broadcast %add3A_799 : i32 to vector<16xi32>
    %add3A_801 = arith.addi %add3A_768, %add3A_800 : vector<16xi32>
    %gather3A_802 = tpu.vector_load_idx %arg9[%add3A_801] : memref<2080xf32, #tpu.memory_space<vmem>>[vector<16xi32>], vector<16xf32>,
    %add3A_803 = arith.addf %add3A_798, %gather3A_802 : vector<16xf32>
    %add3A_804 = arith.constant 7 : i32
    %add3A_805 = vector.broadcast %add3A_804 : i32 to vector<16xi32>
    %add3A_806 = arith.addi %add3A_768, %add3A_805 : vector<16xi32>
    %gather3A_807 = tpu.vector_load_idx %arg9[%add3A_806] : memref<2080xf32, #tpu.memory_space<vmem>>[vector<16xi32>], vector<16xf32>,
    %add3A_808 = arith.addf %add3A_803, %gather3A_807 : vector<16xf32>
    %add3A_809 = arith.constant 8 : i32
    %add3A_810 = vector.broadcast %add3A_809 : i32 to vector<16xi32>
    %add3A_811 = arith.addi %add3A_768, %add3A_810 : vector<16xi32>
    %gather3A_812 = tpu.vector_load_idx %arg9[%add3A_811] : memref<2080xf32, #tpu.memory_space<vmem>>[vector<16xi32>], vector<16xf32>,
    %add3A_813 = arith.addf %add3A_808, %gather3A_812 : vector<16xf32>
    %add3A_814 = arith.constant 9 : i32
    %add3A_815 = vector.broadcast %add3A_814 : i32 to vector<16xi32>
    %add3A_816 = arith.addi %add3A_768, %add3A_815 : vector<16xi32>
    %gather3A_817 = tpu.vector_load_idx %arg9[%add3A_816] : memref<2080xf32, #tpu.memory_space<vmem>>[vector<16xi32>], vector<16xf32>,
    %add3A_818 = arith.addf %add3A_813, %gather3A_817 : vector<16xf32>
    %add3A_819 = arith.constant 10 : i32
    %add3A_820 = vector.broadcast %add3A_819 : i32 to vector<16xi32>
    %add3A_821 = arith.addi %add3A_768, %add3A_820 : vector<16xi32>
    %gather3A_822 = tpu.vector_load_idx %arg9[%add3A_821] : memref<2080xf32, #tpu.memory_space<vmem>>[vector<16xi32>], vector<16xf32>,
    %add3A_823 = arith.addf %add3A_818, %gather3A_822 : vector<16xf32>
    %add3A_824 = arith.constant 11 : i32
    %add3A_825 = vector.broadcast %add3A_824 : i32 to vector<16xi32>
    %add3A_826 = arith.addi %add3A_768, %add3A_825 : vector<16xi32>
    %gather3A_827 = tpu.vector_load_idx %arg9[%add3A_826] : memref<2080xf32, #tpu.memory_space<vmem>>[vector<16xi32>], vector<16xf32>,
    %add3A_828 = arith.addf %add3A_823, %gather3A_827 : vector<16xf32>
    %add3A_829 = arith.constant 12 : i32
    %add3A_830 = vector.broadcast %add3A_829 : i32 to vector<16xi32>
    %add3A_831 = arith.addi %add3A_768, %add3A_830 : vector<16xi32>
    %gather3A_832 = tpu.vector_load_idx %arg9[%add3A_831] : memref<2080xf32, #tpu.memory_space<vmem>>[vector<16xi32>], vector<16xf32>,
    %add3A_833 = arith.addf %add3A_828, %gather3A_832 : vector<16xf32>
    %add3A_834 = arith.constant 13 : i32
    %add3A_835 = vector.broadcast %add3A_834 : i32 to vector<16xi32>
    %add3A_836 = arith.addi %add3A_768, %add3A_835 : vector<16xi32>
    %gather3A_837 = tpu.vector_load_idx %arg9[%add3A_836] : memref<2080xf32, #tpu.memory_space<vmem>>[vector<16xi32>], vector<16xf32>,
    %add3A_838 = arith.addf %add3A_833, %gather3A_837 : vector<16xf32>
    %add3A_839 = arith.constant 14 : i32
    %add3A_840 = vector.broadcast %add3A_839 : i32 to vector<16xi32>
    %add3A_841 = arith.addi %add3A_768, %add3A_840 : vector<16xi32>
    %gather3A_842 = tpu.vector_load_idx %arg9[%add3A_841] : memref<2080xf32, #tpu.memory_space<vmem>>[vector<16xi32>], vector<16xf32>,
    %add3A_843 = arith.addf %add3A_838, %gather3A_842 : vector<16xf32>
    %add3A_844 = arith.constant 15 : i32
    %add3A_845 = vector.broadcast %add3A_844 : i32 to vector<16xi32>
    %add3A_846 = arith.addi %add3A_768, %add3A_845 : vector<16xi32>
    %gather3A_847 = tpu.vector_load_idx %arg9[%add3A_846] : memref<2080xf32, #tpu.memory_space<vmem>>[vector<16xi32>], vector<16xf32>,
    %add3A_848 = arith.addf %add3A_843, %gather3A_847 : vector<16xf32>
    %swap3A_849 = arith.constant 16 : index
    %swap3A_850 = tpu.vector_load %arg10[%swap3A_849] {strides = array<i32>} : memref<64xf32, #tpu.memory_space<vmem>>, vector<16xf32>,
    tpu.vector_store %arg10[%swap3A_849], %add3A_848 {strides = array<i32>} : memref<64xf32, #tpu.memory_space<vmem>>, vector<16xf32>,
    %add3A_851 = arith.constant 32 : i32
    %add3A_852 = vector.broadcast %add3A_851 : i32 to vector<16xi32>
    %add3A_853 = arith.addi %iota3A, %add3A_852 : vector<16xi32>
    %shift_left3A_854 = arith.constant 4 : i32
    %shift_left3A_855 = vector.broadcast %shift_left3A_854 : i32 to vector<16xi32>
    %shift_left3A_856 = arith.shli %add3A_853, %shift_left3A_855 : vector<16xi32>
    %add3A_857 = arith.constant 0 : i32
    %add3A_858 = vector.broadcast %add3A_857 : i32 to vector<16xi32>
    %add3A_859 = arith.addi %shift_left3A_856, %add3A_858 : vector<16xi32>
    %add3A_860 = arith.constant 0 : i32
    %add3A_861 = vector.broadcast %add3A_860 : i32 to vector<16xi32>
    %add3A_862 = arith.addi %add3A_859, %add3A_861 : vector<16xi32>
    %gather3A_863 = tpu.vector_load_idx %arg9[%add3A_862] : memref<2080xf32, #tpu.memory_space<vmem>>[vector<16xi32>], vector<16xf32>,
    %add3A_864 = arith.addf %broadcast_in_dim3A_3, %gather3A_863 : vector<16xf32>
    %add3A_865 = arith.constant 1 : i32
    %add3A_866 = vector.broadcast %add3A_865 : i32 to vector<16xi32>
    %add3A_867 = arith.addi %add3A_859, %add3A_866 : vector<16xi32>
    %gather3A_868 = tpu.vector_load_idx %arg9[%add3A_867] : memref<2080xf32, #tpu.memory_space<vmem>>[vector<16xi32>], vector<16xf32>,
    %add3A_869 = arith.addf %add3A_864, %gather3A_868 : vector<16xf32>
    %add3A_870 = arith.constant 2 : i32
    %add3A_871 = vector.broadcast %add3A_870 : i32 to vector<16xi32>
    %add3A_872 = arith.addi %add3A_859, %add3A_871 : vector<16xi32>
    %gather3A_873 = tpu.vector_load_idx %arg9[%add3A_872] : memref<2080xf32, #tpu.memory_space<vmem>>[vector<16xi32>], vector<16xf32>,
    %add3A_874 = arith.addf %add3A_869, %gather3A_873 : vector<16xf32>
    %add3A_875 = arith.constant 3 : i32
    %add3A_876 = vector.broadcast %add3A_875 : i32 to vector<16xi32>
    %add3A_877 = arith.addi %add3A_859, %add3A_876 : vector<16xi32>
    %gather3A_878 = tpu.vector_load_idx %arg9[%add3A_877] : memref<2080xf32, #tpu.memory_space<vmem>>[vector<16xi32>], vector<16xf32>,
    %add3A_879 = arith.addf %add3A_874, %gather3A_878 : vector<16xf32>
    %add3A_880 = arith.constant 4 : i32
    %add3A_881 = vector.broadcast %add3A_880 : i32 to vector<16xi32>
    %add3A_882 = arith.addi %add3A_859, %add3A_881 : vector<16xi32>
    %gather3A_883 = tpu.vector_load_idx %arg9[%add3A_882] : memref<2080xf32, #tpu.memory_space<vmem>>[vector<16xi32>], vector<16xf32>,
    %add3A_884 = arith.addf %add3A_879, %gather3A_883 : vector<16xf32>
    %add3A_885 = arith.constant 5 : i32
    %add3A_886 = vector.broadcast %add3A_885 : i32 to vector<16xi32>
    %add3A_887 = arith.addi %add3A_859, %add3A_886 : vector<16xi32>
    %gather3A_888 = tpu.vector_load_idx %arg9[%add3A_887] : memref<2080xf32, #tpu.memory_space<vmem>>[vector<16xi32>], vector<16xf32>,
    %add3A_889 = arith.addf %add3A_884, %gather3A_888 : vector<16xf32>
    %add3A_890 = arith.constant 6 : i32
    %add3A_891 = vector.broadcast %add3A_890 : i32 to vector<16xi32>
    %add3A_892 = arith.addi %add3A_859, %add3A_891 : vector<16xi32>
    %gather3A_893 = tpu.vector_load_idx %arg9[%add3A_892] : memref<2080xf32, #tpu.memory_space<vmem>>[vector<16xi32>], vector<16xf32>,
    %add3A_894 = arith.addf %add3A_889, %gather3A_893 : vector<16xf32>
    %add3A_895 = arith.constant 7 : i32
    %add3A_896 = vector.broadcast %add3A_895 : i32 to vector<16xi32>
    %add3A_897 = arith.addi %add3A_859, %add3A_896 : vector<16xi32>
    %gather3A_898 = tpu.vector_load_idx %arg9[%add3A_897] : memref<2080xf32, #tpu.memory_space<vmem>>[vector<16xi32>], vector<16xf32>,
    %add3A_899 = arith.addf %add3A_894, %gather3A_898 : vector<16xf32>
    %add3A_900 = arith.constant 8 : i32
    %add3A_901 = vector.broadcast %add3A_900 : i32 to vector<16xi32>
    %add3A_902 = arith.addi %add3A_859, %add3A_901 : vector<16xi32>
    %gather3A_903 = tpu.vector_load_idx %arg9[%add3A_902] : memref<2080xf32, #tpu.memory_space<vmem>>[vector<16xi32>], vector<16xf32>,
    %add3A_904 = arith.addf %add3A_899, %gather3A_903 : vector<16xf32>
    %add3A_905 = arith.constant 9 : i32
    %add3A_906 = vector.broadcast %add3A_905 : i32 to vector<16xi32>
    %add3A_907 = arith.addi %add3A_859, %add3A_906 : vector<16xi32>
    %gather3A_908 = tpu.vector_load_idx %arg9[%add3A_907] : memref<2080xf32, #tpu.memory_space<vmem>>[vector<16xi32>], vector<16xf32>,
    %add3A_909 = arith.addf %add3A_904, %gather3A_908 : vector<16xf32>
    %add3A_910 = arith.constant 10 : i32
    %add3A_911 = vector.broadcast %add3A_910 : i32 to vector<16xi32>
    %add3A_912 = arith.addi %add3A_859, %add3A_911 : vector<16xi32>
    %gather3A_913 = tpu.vector_load_idx %arg9[%add3A_912] : memref<2080xf32, #tpu.memory_space<vmem>>[vector<16xi32>], vector<16xf32>,
    %add3A_914 = arith.addf %add3A_909, %gather3A_913 : vector<16xf32>
    %add3A_915 = arith.constant 11 : i32
    %add3A_916 = vector.broadcast %add3A_915 : i32 to vector<16xi32>
    %add3A_917 = arith.addi %add3A_859, %add3A_916 : vector<16xi32>
    %gather3A_918 = tpu.vector_load_idx %arg9[%add3A_917] : memref<2080xf32, #tpu.memory_space<vmem>>[vector<16xi32>], vector<16xf32>,
    %add3A_919 = arith.addf %add3A_914, %gather3A_918 : vector<16xf32>
    %add3A_920 = arith.constant 12 : i32
    %add3A_921 = vector.broadcast %add3A_920 : i32 to vector<16xi32>
    %add3A_922 = arith.addi %add3A_859, %add3A_921 : vector<16xi32>
    %gather3A_923 = tpu.vector_load_idx %arg9[%add3A_922] : memref<2080xf32, #tpu.memory_space<vmem>>[vector<16xi32>], vector<16xf32>,
    %add3A_924 = arith.addf %add3A_919, %gather3A_923 : vector<16xf32>
    %add3A_925 = arith.constant 13 : i32
    %add3A_926 = vector.broadcast %add3A_925 : i32 to vector<16xi32>
    %add3A_927 = arith.addi %add3A_859, %add3A_926 : vector<16xi32>
    %gather3A_928 = tpu.vector_load_idx %arg9[%add3A_927] : memref<2080xf32, #tpu.memory_space<vmem>>[vector<16xi32>], vector<16xf32>,
    %add3A_929 = arith.addf %add3A_924, %gather3A_928 : vector<16xf32>
    %add3A_930 = arith.constant 14 : i32
    %add3A_931 = vector.broadcast %add3A_930 : i32 to vector<16xi32>
    %add3A_932 = arith.addi %add3A_859, %add3A_931 : vector<16xi32>
    %gather3A_933 = tpu.vector_load_idx %arg9[%add3A_932] : memref<2080xf32, #tpu.memory_space<vmem>>[vector<16xi32>], vector<16xf32>,
    %add3A_934 = arith.addf %add3A_929, %gather3A_933 : vector<16xf32>
    %add3A_935 = arith.constant 15 : i32
    %add3A_936 = vector.broadcast %add3A_935 : i32 to vector<16xi32>
    %add3A_937 = arith.addi %add3A_859, %add3A_936 : vector<16xi32>
    %gather3A_938 = tpu.vector_load_idx %arg9[%add3A_937] : memref<2080xf32, #tpu.memory_space<vmem>>[vector<16xi32>], vector<16xf32>,
    %add3A_939 = arith.addf %add3A_934, %gather3A_938 : vector<16xf32>
    %swap3A_940 = arith.constant 32 : index
    %swap3A_941 = tpu.vector_load %arg10[%swap3A_940] {strides = array<i32>} : memref<64xf32, #tpu.memory_space<vmem>>, vector<16xf32>,
    tpu.vector_store %arg10[%swap3A_940], %add3A_939 {strides = array<i32>} : memref<64xf32, #tpu.memory_space<vmem>>, vector<16xf32>,
    %add3A_942 = arith.constant 48 : i32
    %add3A_943 = vector.broadcast %add3A_942 : i32 to vector<16xi32>
    %add3A_944 = arith.addi %iota3A, %add3A_943 : vector<16xi32>
    %shift_left3A_945 = arith.constant 4 : i32
    %shift_left3A_946 = vector.broadcast %shift_left3A_945 : i32 to vector<16xi32>
    %shift_left3A_947 = arith.shli %add3A_944, %shift_left3A_946 : vector<16xi32>
    %add3A_948 = arith.constant 0 : i32
    %add3A_949 = vector.broadcast %add3A_948 : i32 to vector<16xi32>
    %add3A_950 = arith.addi %shift_left3A_947, %add3A_949 : vector<16xi32>
    %add3A_951 = arith.constant 0 : i32
    %add3A_952 = vector.broadcast %add3A_951 : i32 to vector<16xi32>
    %add3A_953 = arith.addi %add3A_950, %add3A_952 : vector<16xi32>
    %gather3A_954 = tpu.vector_load_idx %arg9[%add3A_953] : memref<2080xf32, #tpu.memory_space<vmem>>[vector<16xi32>], vector<16xf32>,
    %add3A_955 = arith.addf %broadcast_in_dim3A_3, %gather3A_954 : vector<16xf32>
    %add3A_956 = arith.constant 1 : i32
    %add3A_957 = vector.broadcast %add3A_956 : i32 to vector<16xi32>
    %add3A_958 = arith.addi %add3A_950, %add3A_957 : vector<16xi32>
    %gather3A_959 = tpu.vector_load_idx %arg9[%add3A_958] : memref<2080xf32, #tpu.memory_space<vmem>>[vector<16xi32>], vector<16xf32>,
    %add3A_960 = arith.addf %add3A_955, %gather3A_959 : vector<16xf32>
    %add3A_961 = arith.constant 2 : i32
    %add3A_962 = vector.broadcast %add3A_961 : i32 to vector<16xi32>
    %add3A_963 = arith.addi %add3A_950, %add3A_962 : vector<16xi32>
    %gather3A_964 = tpu.vector_load_idx %arg9[%add3A_963] : memref<2080xf32, #tpu.memory_space<vmem>>[vector<16xi32>], vector<16xf32>,
    %add3A_965 = arith.addf %add3A_960, %gather3A_964 : vector<16xf32>
    %add3A_966 = arith.constant 3 : i32
    %add3A_967 = vector.broadcast %add3A_966 : i32 to vector<16xi32>
    %add3A_968 = arith.addi %add3A_950, %add3A_967 : vector<16xi32>
    %gather3A_969 = tpu.vector_load_idx %arg9[%add3A_968] : memref<2080xf32, #tpu.memory_space<vmem>>[vector<16xi32>], vector<16xf32>,
    %add3A_970 = arith.addf %add3A_965, %gather3A_969 : vector<16xf32>
    %add3A_971 = arith.constant 4 : i32
    %add3A_972 = vector.broadcast %add3A_971 : i32 to vector<16xi32>
    %add3A_973 = arith.addi %add3A_950, %add3A_972 : vector<16xi32>
    %gather3A_974 = tpu.vector_load_idx %arg9[%add3A_973] : memref<2080xf32, #tpu.memory_space<vmem>>[vector<16xi32>], vector<16xf32>,
    %add3A_975 = arith.addf %add3A_970, %gather3A_974 : vector<16xf32>
    %add3A_976 = arith.constant 5 : i32
    %add3A_977 = vector.broadcast %add3A_976 : i32 to vector<16xi32>
    %add3A_978 = arith.addi %add3A_950, %add3A_977 : vector<16xi32>
    %gather3A_979 = tpu.vector_load_idx %arg9[%add3A_978] : memref<2080xf32, #tpu.memory_space<vmem>>[vector<16xi32>], vector<16xf32>,
    %add3A_980 = arith.addf %add3A_975, %gather3A_979 : vector<16xf32>
    %add3A_981 = arith.constant 6 : i32
    %add3A_982 = vector.broadcast %add3A_981 : i32 to vector<16xi32>
    %add3A_983 = arith.addi %add3A_950, %add3A_982 : vector<16xi32>
    %gather3A_984 = tpu.vector_load_idx %arg9[%add3A_983] : memref<2080xf32, #tpu.memory_space<vmem>>[vector<16xi32>], vector<16xf32>,
    %add3A_985 = arith.addf %add3A_980, %gather3A_984 : vector<16xf32>
    %add3A_986 = arith.constant 7 : i32
    %add3A_987 = vector.broadcast %add3A_986 : i32 to vector<16xi32>
    %add3A_988 = arith.addi %add3A_950, %add3A_987 : vector<16xi32>
    %gather3A_989 = tpu.vector_load_idx %arg9[%add3A_988] : memref<2080xf32, #tpu.memory_space<vmem>>[vector<16xi32>], vector<16xf32>,
    %add3A_990 = arith.addf %add3A_985, %gather3A_989 : vector<16xf32>
    %add3A_991 = arith.constant 8 : i32
    %add3A_992 = vector.broadcast %add3A_991 : i32 to vector<16xi32>
    %add3A_993 = arith.addi %add3A_950, %add3A_992 : vector<16xi32>
    %gather3A_994 = tpu.vector_load_idx %arg9[%add3A_993] : memref<2080xf32, #tpu.memory_space<vmem>>[vector<16xi32>], vector<16xf32>,
    %add3A_995 = arith.addf %add3A_990, %gather3A_994 : vector<16xf32>
    %add3A_996 = arith.constant 9 : i32
    %add3A_997 = vector.broadcast %add3A_996 : i32 to vector<16xi32>
    %add3A_998 = arith.addi %add3A_950, %add3A_997 : vector<16xi32>
    %gather3A_999 = tpu.vector_load_idx %arg9[%add3A_998] : memref<2080xf32, #tpu.memory_space<vmem>>[vector<16xi32>], vector<16xf32>,
    %add3A_1000 = arith.addf %add3A_995, %gather3A_999 : vector<16xf32>
    %add3A_1001 = arith.constant 10 : i32
    %add3A_1002 = vector.broadcast %add3A_1001 : i32 to vector<16xi32>
    %add3A_1003 = arith.addi %add3A_950, %add3A_1002 : vector<16xi32>
    %gather3A_1004 = tpu.vector_load_idx %arg9[%add3A_1003] : memref<2080xf32, #tpu.memory_space<vmem>>[vector<16xi32>], vector<16xf32>,
    %add3A_1005 = arith.addf %add3A_1000, %gather3A_1004 : vector<16xf32>
    %add3A_1006 = arith.constant 11 : i32
    %add3A_1007 = vector.broadcast %add3A_1006 : i32 to vector<16xi32>
    %add3A_1008 = arith.addi %add3A_950, %add3A_1007 : vector<16xi32>
    %gather3A_1009 = tpu.vector_load_idx %arg9[%add3A_1008] : memref<2080xf32, #tpu.memory_space<vmem>>[vector<16xi32>], vector<16xf32>,
    %add3A_1010 = arith.addf %add3A_1005, %gather3A_1009 : vector<16xf32>
    %add3A_1011 = arith.constant 12 : i32
    %add3A_1012 = vector.broadcast %add3A_1011 : i32 to vector<16xi32>
    %add3A_1013 = arith.addi %add3A_950, %add3A_1012 : vector<16xi32>
    %gather3A_1014 = tpu.vector_load_idx %arg9[%add3A_1013] : memref<2080xf32, #tpu.memory_space<vmem>>[vector<16xi32>], vector<16xf32>,
    %add3A_1015 = arith.addf %add3A_1010, %gather3A_1014 : vector<16xf32>
    %add3A_1016 = arith.constant 13 : i32
    %add3A_1017 = vector.broadcast %add3A_1016 : i32 to vector<16xi32>
    %add3A_1018 = arith.addi %add3A_950, %add3A_1017 : vector<16xi32>
    %gather3A_1019 = tpu.vector_load_idx %arg9[%add3A_1018] : memref<2080xf32, #tpu.memory_space<vmem>>[vector<16xi32>], vector<16xf32>,
    %add3A_1020 = arith.addf %add3A_1015, %gather3A_1019 : vector<16xf32>
    %add3A_1021 = arith.constant 14 : i32
    %add3A_1022 = vector.broadcast %add3A_1021 : i32 to vector<16xi32>
    %add3A_1023 = arith.addi %add3A_950, %add3A_1022 : vector<16xi32>
    %gather3A_1024 = tpu.vector_load_idx %arg9[%add3A_1023] : memref<2080xf32, #tpu.memory_space<vmem>>[vector<16xi32>], vector<16xf32>,
    %add3A_1025 = arith.addf %add3A_1020, %gather3A_1024 : vector<16xf32>
    %add3A_1026 = arith.constant 15 : i32
    %add3A_1027 = vector.broadcast %add3A_1026 : i32 to vector<16xi32>
    %add3A_1028 = arith.addi %add3A_950, %add3A_1027 : vector<16xi32>
    %gather3A_1029 = tpu.vector_load_idx %arg9[%add3A_1028] : memref<2080xf32, #tpu.memory_space<vmem>>[vector<16xi32>], vector<16xf32>,
    %add3A_1030 = arith.addf %add3A_1025, %gather3A_1029 : vector<16xf32>
    %swap3A_1031 = arith.constant 48 : index
    %swap3A_1032 = tpu.vector_load %arg10[%swap3A_1031] {strides = array<i32>} : memref<64xf32, #tpu.memory_space<vmem>>, vector<16xf32>,
    tpu.vector_store %arg10[%swap3A_1031], %add3A_1030 {strides = array<i32>} : memref<64xf32, #tpu.memory_space<vmem>>, vector<16xf32>,
    %mul3A_1033 = arith.constant 64 : i32
    %mul3A_1034 = arith.muli %add3A_671, %mul3A_1033 : i32
    "tpu.region"() ({
      %run_scoped3A = tpu.sem_alloc : memref<!tpu.dma_semaphore, #tpu.memory_space<semaphore_mem>>
      %dma_start3A_1405 = tpu.memref_slice %arg4[%mul3A_1034] : memref<4096xf32, #tpu.memory_space<hbm>> -> memref<64xf32, #tpu.memory_space<hbm>>
      %dma_start3A_1406 = tpu.memref_slice %arg4[%mul3A_1034] : memref<4096xf32, #tpu.memory_space<hbm>> -> memref<64xf32, #tpu.memory_space<hbm>>
      tpu.enqueue_dma source(%arg10 : memref<64xf32, #tpu.memory_space<vmem>>) target(%dma_start3A_1406 : memref<64xf32, #tpu.memory_space<hbm>>) target_semaphore(%run_scoped3A : memref<!tpu.dma_semaphore, #tpu.memory_space<semaphore_mem>>)
      %dma_wait3A_1407 = tpu.memref_slice %arg4[%mul3A_1034] : memref<4096xf32, #tpu.memory_space<hbm>> -> memref<64xf32, #tpu.memory_space<hbm>>
      %dma_wait3A_1408 = tpu.memref_slice %arg4[%mul3A_1034] : memref<4096xf32, #tpu.memory_space<hbm>> -> memref<64xf32, #tpu.memory_space<hbm>>
      tpu.wait_dma2 semaphore(%run_scoped3A : memref<!tpu.dma_semaphore, #tpu.memory_space<semaphore_mem>>) src(%arg10 : memref<64xf32, #tpu.memory_space<vmem>>) dst(%dma_wait3A_1408 : memref<64xf32, #tpu.memory_space<hbm>>)
      tpu.yield
    }) : () -> ()
    %mul3A_1035 = arith.constant 2 : i32
    %mul3A_1036 = arith.muli %add3A, %mul3A_1035 : i32
    %add3A_1037 = arith.constant 1 : i32
    %add3A_1038 = arith.addi %mul3A_1036, %add3A_1037 : i32
    %add3A_1039 = arith.constant 0 : i32
    %add3A_1040 = vector.broadcast %add3A_1039 : i32 to vector<16xi32>
    %add3A_1041 = arith.addi %iota3A, %add3A_1040 : vector<16xi32>
    %shift_left3A_1042 = arith.constant 4 : i32
    %shift_left3A_1043 = vector.broadcast %shift_left3A_1042 : i32 to vector<16xi32>
    %shift_left3A_1044 = arith.shli %add3A_1041, %shift_left3A_1043 : vector<16xi32>
    %add3A_1045 = arith.constant 1040 : i32
    %add3A_1046 = vector.broadcast %add3A_1045 : i32 to vector<16xi32>
    %add3A_1047 = arith.addi %shift_left3A_1044, %add3A_1046 : vector<16xi32>
    %add3A_1048 = arith.constant 0 : i32
    %add3A_1049 = vector.broadcast %add3A_1048 : i32 to vector<16xi32>
    %add3A_1050 = arith.addi %add3A_1047, %add3A_1049 : vector<16xi32>
    %gather3A_1051 = tpu.vector_load_idx %arg9[%add3A_1050] : memref<2080xf32, #tpu.memory_space<vmem>>[vector<16xi32>], vector<16xf32>,
    %add3A_1052 = arith.addf %broadcast_in_dim3A_3, %gather3A_1051 : vector<16xf32>
    %add3A_1053 = arith.constant 1 : i32
    %add3A_1054 = vector.broadcast %add3A_1053 : i32 to vector<16xi32>
    %add3A_1055 = arith.addi %add3A_1047, %add3A_1054 : vector<16xi32>
    %gather3A_1056 = tpu.vector_load_idx %arg9[%add3A_1055] : memref<2080xf32, #tpu.memory_space<vmem>>[vector<16xi32>], vector<16xf32>,
    %add3A_1057 = arith.addf %add3A_1052, %gather3A_1056 : vector<16xf32>
    %add3A_1058 = arith.constant 2 : i32
    %add3A_1059 = vector.broadcast %add3A_1058 : i32 to vector<16xi32>
    %add3A_1060 = arith.addi %add3A_1047, %add3A_1059 : vector<16xi32>
    %gather3A_1061 = tpu.vector_load_idx %arg9[%add3A_1060] : memref<2080xf32, #tpu.memory_space<vmem>>[vector<16xi32>], vector<16xf32>,
    %add3A_1062 = arith.addf %add3A_1057, %gather3A_1061 : vector<16xf32>
    %add3A_1063 = arith.constant 3 : i32
    %add3A_1064 = vector.broadcast %add3A_1063 : i32 to vector<16xi32>
    %add3A_1065 = arith.addi %add3A_1047, %add3A_1064 : vector<16xi32>
    %gather3A_1066 = tpu.vector_load_idx %arg9[%add3A_1065] : memref<2080xf32, #tpu.memory_space<vmem>>[vector<16xi32>], vector<16xf32>,
    %add3A_1067 = arith.addf %add3A_1062, %gather3A_1066 : vector<16xf32>
    %add3A_1068 = arith.constant 4 : i32
    %add3A_1069 = vector.broadcast %add3A_1068 : i32 to vector<16xi32>
    %add3A_1070 = arith.addi %add3A_1047, %add3A_1069 : vector<16xi32>
    %gather3A_1071 = tpu.vector_load_idx %arg9[%add3A_1070] : memref<2080xf32, #tpu.memory_space<vmem>>[vector<16xi32>], vector<16xf32>,
    %add3A_1072 = arith.addf %add3A_1067, %gather3A_1071 : vector<16xf32>
    %add3A_1073 = arith.constant 5 : i32
    %add3A_1074 = vector.broadcast %add3A_1073 : i32 to vector<16xi32>
    %add3A_1075 = arith.addi %add3A_1047, %add3A_1074 : vector<16xi32>
    %gather3A_1076 = tpu.vector_load_idx %arg9[%add3A_1075] : memref<2080xf32, #tpu.memory_space<vmem>>[vector<16xi32>], vector<16xf32>,
    %add3A_1077 = arith.addf %add3A_1072, %gather3A_1076 : vector<16xf32>
    %add3A_1078 = arith.constant 6 : i32
    %add3A_1079 = vector.broadcast %add3A_1078 : i32 to vector<16xi32>
    %add3A_1080 = arith.addi %add3A_1047, %add3A_1079 : vector<16xi32>
    %gather3A_1081 = tpu.vector_load_idx %arg9[%add3A_1080] : memref<2080xf32, #tpu.memory_space<vmem>>[vector<16xi32>], vector<16xf32>,
    %add3A_1082 = arith.addf %add3A_1077, %gather3A_1081 : vector<16xf32>
    %add3A_1083 = arith.constant 7 : i32
    %add3A_1084 = vector.broadcast %add3A_1083 : i32 to vector<16xi32>
    %add3A_1085 = arith.addi %add3A_1047, %add3A_1084 : vector<16xi32>
    %gather3A_1086 = tpu.vector_load_idx %arg9[%add3A_1085] : memref<2080xf32, #tpu.memory_space<vmem>>[vector<16xi32>], vector<16xf32>,
    %add3A_1087 = arith.addf %add3A_1082, %gather3A_1086 : vector<16xf32>
    %add3A_1088 = arith.constant 8 : i32
    %add3A_1089 = vector.broadcast %add3A_1088 : i32 to vector<16xi32>
    %add3A_1090 = arith.addi %add3A_1047, %add3A_1089 : vector<16xi32>
    %gather3A_1091 = tpu.vector_load_idx %arg9[%add3A_1090] : memref<2080xf32, #tpu.memory_space<vmem>>[vector<16xi32>], vector<16xf32>,
    %add3A_1092 = arith.addf %add3A_1087, %gather3A_1091 : vector<16xf32>
    %add3A_1093 = arith.constant 9 : i32
    %add3A_1094 = vector.broadcast %add3A_1093 : i32 to vector<16xi32>
    %add3A_1095 = arith.addi %add3A_1047, %add3A_1094 : vector<16xi32>
    %gather3A_1096 = tpu.vector_load_idx %arg9[%add3A_1095] : memref<2080xf32, #tpu.memory_space<vmem>>[vector<16xi32>], vector<16xf32>,
    %add3A_1097 = arith.addf %add3A_1092, %gather3A_1096 : vector<16xf32>
    %add3A_1098 = arith.constant 10 : i32
    %add3A_1099 = vector.broadcast %add3A_1098 : i32 to vector<16xi32>
    %add3A_1100 = arith.addi %add3A_1047, %add3A_1099 : vector<16xi32>
    %gather3A_1101 = tpu.vector_load_idx %arg9[%add3A_1100] : memref<2080xf32, #tpu.memory_space<vmem>>[vector<16xi32>], vector<16xf32>,
    %add3A_1102 = arith.addf %add3A_1097, %gather3A_1101 : vector<16xf32>
    %add3A_1103 = arith.constant 11 : i32
    %add3A_1104 = vector.broadcast %add3A_1103 : i32 to vector<16xi32>
    %add3A_1105 = arith.addi %add3A_1047, %add3A_1104 : vector<16xi32>
    %gather3A_1106 = tpu.vector_load_idx %arg9[%add3A_1105] : memref<2080xf32, #tpu.memory_space<vmem>>[vector<16xi32>], vector<16xf32>,
    %add3A_1107 = arith.addf %add3A_1102, %gather3A_1106 : vector<16xf32>
    %add3A_1108 = arith.constant 12 : i32
    %add3A_1109 = vector.broadcast %add3A_1108 : i32 to vector<16xi32>
    %add3A_1110 = arith.addi %add3A_1047, %add3A_1109 : vector<16xi32>
    %gather3A_1111 = tpu.vector_load_idx %arg9[%add3A_1110] : memref<2080xf32, #tpu.memory_space<vmem>>[vector<16xi32>], vector<16xf32>,
    %add3A_1112 = arith.addf %add3A_1107, %gather3A_1111 : vector<16xf32>
    %add3A_1113 = arith.constant 13 : i32
    %add3A_1114 = vector.broadcast %add3A_1113 : i32 to vector<16xi32>
    %add3A_1115 = arith.addi %add3A_1047, %add3A_1114 : vector<16xi32>
    %gather3A_1116 = tpu.vector_load_idx %arg9[%add3A_1115] : memref<2080xf32, #tpu.memory_space<vmem>>[vector<16xi32>], vector<16xf32>,
    %add3A_1117 = arith.addf %add3A_1112, %gather3A_1116 : vector<16xf32>
    %add3A_1118 = arith.constant 14 : i32
    %add3A_1119 = vector.broadcast %add3A_1118 : i32 to vector<16xi32>
    %add3A_1120 = arith.addi %add3A_1047, %add3A_1119 : vector<16xi32>
    %gather3A_1121 = tpu.vector_load_idx %arg9[%add3A_1120] : memref<2080xf32, #tpu.memory_space<vmem>>[vector<16xi32>], vector<16xf32>,
    %add3A_1122 = arith.addf %add3A_1117, %gather3A_1121 : vector<16xf32>
    %add3A_1123 = arith.constant 15 : i32
    %add3A_1124 = vector.broadcast %add3A_1123 : i32 to vector<16xi32>
    %add3A_1125 = arith.addi %add3A_1047, %add3A_1124 : vector<16xi32>
    %gather3A_1126 = tpu.vector_load_idx %arg9[%add3A_1125] : memref<2080xf32, #tpu.memory_space<vmem>>[vector<16xi32>], vector<16xf32>,
    %add3A_1127 = arith.addf %add3A_1122, %gather3A_1126 : vector<16xf32>
    %swap3A_1128 = arith.constant 0 : index
    %swap3A_1129 = tpu.vector_load %arg10[%swap3A_1128] {strides = array<i32>} : memref<64xf32, #tpu.memory_space<vmem>>, vector<16xf32>,
    tpu.vector_store %arg10[%swap3A_1128], %add3A_1127 {strides = array<i32>} : memref<64xf32, #tpu.memory_space<vmem>>, vector<16xf32>,
    %add3A_1130 = arith.constant 16 : i32
    %add3A_1131 = vector.broadcast %add3A_1130 : i32 to vector<16xi32>
    %add3A_1132 = arith.addi %iota3A, %add3A_1131 : vector<16xi32>
    %shift_left3A_1133 = arith.constant 4 : i32
    %shift_left3A_1134 = vector.broadcast %shift_left3A_1133 : i32 to vector<16xi32>
    %shift_left3A_1135 = arith.shli %add3A_1132, %shift_left3A_1134 : vector<16xi32>
    %add3A_1136 = arith.constant 1040 : i32
    %add3A_1137 = vector.broadcast %add3A_1136 : i32 to vector<16xi32>
    %add3A_1138 = arith.addi %shift_left3A_1135, %add3A_1137 : vector<16xi32>
    %add3A_1139 = arith.constant 0 : i32
    %add3A_1140 = vector.broadcast %add3A_1139 : i32 to vector<16xi32>
    %add3A_1141 = arith.addi %add3A_1138, %add3A_1140 : vector<16xi32>
    %gather3A_1142 = tpu.vector_load_idx %arg9[%add3A_1141] : memref<2080xf32, #tpu.memory_space<vmem>>[vector<16xi32>], vector<16xf32>,
    %add3A_1143 = arith.addf %broadcast_in_dim3A_3, %gather3A_1142 : vector<16xf32>
    %add3A_1144 = arith.constant 1 : i32
    %add3A_1145 = vector.broadcast %add3A_1144 : i32 to vector<16xi32>
    %add3A_1146 = arith.addi %add3A_1138, %add3A_1145 : vector<16xi32>
    %gather3A_1147 = tpu.vector_load_idx %arg9[%add3A_1146] : memref<2080xf32, #tpu.memory_space<vmem>>[vector<16xi32>], vector<16xf32>,
    %add3A_1148 = arith.addf %add3A_1143, %gather3A_1147 : vector<16xf32>
    %add3A_1149 = arith.constant 2 : i32
    %add3A_1150 = vector.broadcast %add3A_1149 : i32 to vector<16xi32>
    %add3A_1151 = arith.addi %add3A_1138, %add3A_1150 : vector<16xi32>
    %gather3A_1152 = tpu.vector_load_idx %arg9[%add3A_1151] : memref<2080xf32, #tpu.memory_space<vmem>>[vector<16xi32>], vector<16xf32>,
    %add3A_1153 = arith.addf %add3A_1148, %gather3A_1152 : vector<16xf32>
    %add3A_1154 = arith.constant 3 : i32
    %add3A_1155 = vector.broadcast %add3A_1154 : i32 to vector<16xi32>
    %add3A_1156 = arith.addi %add3A_1138, %add3A_1155 : vector<16xi32>
    %gather3A_1157 = tpu.vector_load_idx %arg9[%add3A_1156] : memref<2080xf32, #tpu.memory_space<vmem>>[vector<16xi32>], vector<16xf32>,
    %add3A_1158 = arith.addf %add3A_1153, %gather3A_1157 : vector<16xf32>
    %add3A_1159 = arith.constant 4 : i32
    %add3A_1160 = vector.broadcast %add3A_1159 : i32 to vector<16xi32>
    %add3A_1161 = arith.addi %add3A_1138, %add3A_1160 : vector<16xi32>
    %gather3A_1162 = tpu.vector_load_idx %arg9[%add3A_1161] : memref<2080xf32, #tpu.memory_space<vmem>>[vector<16xi32>], vector<16xf32>,
    %add3A_1163 = arith.addf %add3A_1158, %gather3A_1162 : vector<16xf32>
    %add3A_1164 = arith.constant 5 : i32
    %add3A_1165 = vector.broadcast %add3A_1164 : i32 to vector<16xi32>
    %add3A_1166 = arith.addi %add3A_1138, %add3A_1165 : vector<16xi32>
    %gather3A_1167 = tpu.vector_load_idx %arg9[%add3A_1166] : memref<2080xf32, #tpu.memory_space<vmem>>[vector<16xi32>], vector<16xf32>,
    %add3A_1168 = arith.addf %add3A_1163, %gather3A_1167 : vector<16xf32>
    %add3A_1169 = arith.constant 6 : i32
    %add3A_1170 = vector.broadcast %add3A_1169 : i32 to vector<16xi32>
    %add3A_1171 = arith.addi %add3A_1138, %add3A_1170 : vector<16xi32>
    %gather3A_1172 = tpu.vector_load_idx %arg9[%add3A_1171] : memref<2080xf32, #tpu.memory_space<vmem>>[vector<16xi32>], vector<16xf32>,
    %add3A_1173 = arith.addf %add3A_1168, %gather3A_1172 : vector<16xf32>
    %add3A_1174 = arith.constant 7 : i32
    %add3A_1175 = vector.broadcast %add3A_1174 : i32 to vector<16xi32>
    %add3A_1176 = arith.addi %add3A_1138, %add3A_1175 : vector<16xi32>
    %gather3A_1177 = tpu.vector_load_idx %arg9[%add3A_1176] : memref<2080xf32, #tpu.memory_space<vmem>>[vector<16xi32>], vector<16xf32>,
    %add3A_1178 = arith.addf %add3A_1173, %gather3A_1177 : vector<16xf32>
    %add3A_1179 = arith.constant 8 : i32
    %add3A_1180 = vector.broadcast %add3A_1179 : i32 to vector<16xi32>
    %add3A_1181 = arith.addi %add3A_1138, %add3A_1180 : vector<16xi32>
    %gather3A_1182 = tpu.vector_load_idx %arg9[%add3A_1181] : memref<2080xf32, #tpu.memory_space<vmem>>[vector<16xi32>], vector<16xf32>,
    %add3A_1183 = arith.addf %add3A_1178, %gather3A_1182 : vector<16xf32>
    %add3A_1184 = arith.constant 9 : i32
    %add3A_1185 = vector.broadcast %add3A_1184 : i32 to vector<16xi32>
    %add3A_1186 = arith.addi %add3A_1138, %add3A_1185 : vector<16xi32>
    %gather3A_1187 = tpu.vector_load_idx %arg9[%add3A_1186] : memref<2080xf32, #tpu.memory_space<vmem>>[vector<16xi32>], vector<16xf32>,
    %add3A_1188 = arith.addf %add3A_1183, %gather3A_1187 : vector<16xf32>
    %add3A_1189 = arith.constant 10 : i32
    %add3A_1190 = vector.broadcast %add3A_1189 : i32 to vector<16xi32>
    %add3A_1191 = arith.addi %add3A_1138, %add3A_1190 : vector<16xi32>
    %gather3A_1192 = tpu.vector_load_idx %arg9[%add3A_1191] : memref<2080xf32, #tpu.memory_space<vmem>>[vector<16xi32>], vector<16xf32>,
    %add3A_1193 = arith.addf %add3A_1188, %gather3A_1192 : vector<16xf32>
    %add3A_1194 = arith.constant 11 : i32
    %add3A_1195 = vector.broadcast %add3A_1194 : i32 to vector<16xi32>
    %add3A_1196 = arith.addi %add3A_1138, %add3A_1195 : vector<16xi32>
    %gather3A_1197 = tpu.vector_load_idx %arg9[%add3A_1196] : memref<2080xf32, #tpu.memory_space<vmem>>[vector<16xi32>], vector<16xf32>,
    %add3A_1198 = arith.addf %add3A_1193, %gather3A_1197 : vector<16xf32>
    %add3A_1199 = arith.constant 12 : i32
    %add3A_1200 = vector.broadcast %add3A_1199 : i32 to vector<16xi32>
    %add3A_1201 = arith.addi %add3A_1138, %add3A_1200 : vector<16xi32>
    %gather3A_1202 = tpu.vector_load_idx %arg9[%add3A_1201] : memref<2080xf32, #tpu.memory_space<vmem>>[vector<16xi32>], vector<16xf32>,
    %add3A_1203 = arith.addf %add3A_1198, %gather3A_1202 : vector<16xf32>
    %add3A_1204 = arith.constant 13 : i32
    %add3A_1205 = vector.broadcast %add3A_1204 : i32 to vector<16xi32>
    %add3A_1206 = arith.addi %add3A_1138, %add3A_1205 : vector<16xi32>
    %gather3A_1207 = tpu.vector_load_idx %arg9[%add3A_1206] : memref<2080xf32, #tpu.memory_space<vmem>>[vector<16xi32>], vector<16xf32>,
    %add3A_1208 = arith.addf %add3A_1203, %gather3A_1207 : vector<16xf32>
    %add3A_1209 = arith.constant 14 : i32
    %add3A_1210 = vector.broadcast %add3A_1209 : i32 to vector<16xi32>
    %add3A_1211 = arith.addi %add3A_1138, %add3A_1210 : vector<16xi32>
    %gather3A_1212 = tpu.vector_load_idx %arg9[%add3A_1211] : memref<2080xf32, #tpu.memory_space<vmem>>[vector<16xi32>], vector<16xf32>,
    %add3A_1213 = arith.addf %add3A_1208, %gather3A_1212 : vector<16xf32>
    %add3A_1214 = arith.constant 15 : i32
    %add3A_1215 = vector.broadcast %add3A_1214 : i32 to vector<16xi32>
    %add3A_1216 = arith.addi %add3A_1138, %add3A_1215 : vector<16xi32>
    %gather3A_1217 = tpu.vector_load_idx %arg9[%add3A_1216] : memref<2080xf32, #tpu.memory_space<vmem>>[vector<16xi32>], vector<16xf32>,
    %add3A_1218 = arith.addf %add3A_1213, %gather3A_1217 : vector<16xf32>
    %swap3A_1219 = arith.constant 16 : index
    %swap3A_1220 = tpu.vector_load %arg10[%swap3A_1219] {strides = array<i32>} : memref<64xf32, #tpu.memory_space<vmem>>, vector<16xf32>,
    tpu.vector_store %arg10[%swap3A_1219], %add3A_1218 {strides = array<i32>} : memref<64xf32, #tpu.memory_space<vmem>>, vector<16xf32>,
    %add3A_1221 = arith.constant 32 : i32
    %add3A_1222 = vector.broadcast %add3A_1221 : i32 to vector<16xi32>
    %add3A_1223 = arith.addi %iota3A, %add3A_1222 : vector<16xi32>
    %shift_left3A_1224 = arith.constant 4 : i32
    %shift_left3A_1225 = vector.broadcast %shift_left3A_1224 : i32 to vector<16xi32>
    %shift_left3A_1226 = arith.shli %add3A_1223, %shift_left3A_1225 : vector<16xi32>
    %add3A_1227 = arith.constant 1040 : i32
    %add3A_1228 = vector.broadcast %add3A_1227 : i32 to vector<16xi32>
    %add3A_1229 = arith.addi %shift_left3A_1226, %add3A_1228 : vector<16xi32>
    %add3A_1230 = arith.constant 0 : i32
    %add3A_1231 = vector.broadcast %add3A_1230 : i32 to vector<16xi32>
    %add3A_1232 = arith.addi %add3A_1229, %add3A_1231 : vector<16xi32>
    %gather3A_1233 = tpu.vector_load_idx %arg9[%add3A_1232] : memref<2080xf32, #tpu.memory_space<vmem>>[vector<16xi32>], vector<16xf32>,
    %add3A_1234 = arith.addf %broadcast_in_dim3A_3, %gather3A_1233 : vector<16xf32>
    %add3A_1235 = arith.constant 1 : i32
    %add3A_1236 = vector.broadcast %add3A_1235 : i32 to vector<16xi32>
    %add3A_1237 = arith.addi %add3A_1229, %add3A_1236 : vector<16xi32>
    %gather3A_1238 = tpu.vector_load_idx %arg9[%add3A_1237] : memref<2080xf32, #tpu.memory_space<vmem>>[vector<16xi32>], vector<16xf32>,
    %add3A_1239 = arith.addf %add3A_1234, %gather3A_1238 : vector<16xf32>
    %add3A_1240 = arith.constant 2 : i32
    %add3A_1241 = vector.broadcast %add3A_1240 : i32 to vector<16xi32>
    %add3A_1242 = arith.addi %add3A_1229, %add3A_1241 : vector<16xi32>
    %gather3A_1243 = tpu.vector_load_idx %arg9[%add3A_1242] : memref<2080xf32, #tpu.memory_space<vmem>>[vector<16xi32>], vector<16xf32>,
    %add3A_1244 = arith.addf %add3A_1239, %gather3A_1243 : vector<16xf32>
    %add3A_1245 = arith.constant 3 : i32
    %add3A_1246 = vector.broadcast %add3A_1245 : i32 to vector<16xi32>
    %add3A_1247 = arith.addi %add3A_1229, %add3A_1246 : vector<16xi32>
    %gather3A_1248 = tpu.vector_load_idx %arg9[%add3A_1247] : memref<2080xf32, #tpu.memory_space<vmem>>[vector<16xi32>], vector<16xf32>,
    %add3A_1249 = arith.addf %add3A_1244, %gather3A_1248 : vector<16xf32>
    %add3A_1250 = arith.constant 4 : i32
    %add3A_1251 = vector.broadcast %add3A_1250 : i32 to vector<16xi32>
    %add3A_1252 = arith.addi %add3A_1229, %add3A_1251 : vector<16xi32>
    %gather3A_1253 = tpu.vector_load_idx %arg9[%add3A_1252] : memref<2080xf32, #tpu.memory_space<vmem>>[vector<16xi32>], vector<16xf32>,
    %add3A_1254 = arith.addf %add3A_1249, %gather3A_1253 : vector<16xf32>
    %add3A_1255 = arith.constant 5 : i32
    %add3A_1256 = vector.broadcast %add3A_1255 : i32 to vector<16xi32>
    %add3A_1257 = arith.addi %add3A_1229, %add3A_1256 : vector<16xi32>
    %gather3A_1258 = tpu.vector_load_idx %arg9[%add3A_1257] : memref<2080xf32, #tpu.memory_space<vmem>>[vector<16xi32>], vector<16xf32>,
    %add3A_1259 = arith.addf %add3A_1254, %gather3A_1258 : vector<16xf32>
    %add3A_1260 = arith.constant 6 : i32
    %add3A_1261 = vector.broadcast %add3A_1260 : i32 to vector<16xi32>
    %add3A_1262 = arith.addi %add3A_1229, %add3A_1261 : vector<16xi32>
    %gather3A_1263 = tpu.vector_load_idx %arg9[%add3A_1262] : memref<2080xf32, #tpu.memory_space<vmem>>[vector<16xi32>], vector<16xf32>,
    %add3A_1264 = arith.addf %add3A_1259, %gather3A_1263 : vector<16xf32>
    %add3A_1265 = arith.constant 7 : i32
    %add3A_1266 = vector.broadcast %add3A_1265 : i32 to vector<16xi32>
    %add3A_1267 = arith.addi %add3A_1229, %add3A_1266 : vector<16xi32>
    %gather3A_1268 = tpu.vector_load_idx %arg9[%add3A_1267] : memref<2080xf32, #tpu.memory_space<vmem>>[vector<16xi32>], vector<16xf32>,
    %add3A_1269 = arith.addf %add3A_1264, %gather3A_1268 : vector<16xf32>
    %add3A_1270 = arith.constant 8 : i32
    %add3A_1271 = vector.broadcast %add3A_1270 : i32 to vector<16xi32>
    %add3A_1272 = arith.addi %add3A_1229, %add3A_1271 : vector<16xi32>
    %gather3A_1273 = tpu.vector_load_idx %arg9[%add3A_1272] : memref<2080xf32, #tpu.memory_space<vmem>>[vector<16xi32>], vector<16xf32>,
    %add3A_1274 = arith.addf %add3A_1269, %gather3A_1273 : vector<16xf32>
    %add3A_1275 = arith.constant 9 : i32
    %add3A_1276 = vector.broadcast %add3A_1275 : i32 to vector<16xi32>
    %add3A_1277 = arith.addi %add3A_1229, %add3A_1276 : vector<16xi32>
    %gather3A_1278 = tpu.vector_load_idx %arg9[%add3A_1277] : memref<2080xf32, #tpu.memory_space<vmem>>[vector<16xi32>], vector<16xf32>,
    %add3A_1279 = arith.addf %add3A_1274, %gather3A_1278 : vector<16xf32>
    %add3A_1280 = arith.constant 10 : i32
    %add3A_1281 = vector.broadcast %add3A_1280 : i32 to vector<16xi32>
    %add3A_1282 = arith.addi %add3A_1229, %add3A_1281 : vector<16xi32>
    %gather3A_1283 = tpu.vector_load_idx %arg9[%add3A_1282] : memref<2080xf32, #tpu.memory_space<vmem>>[vector<16xi32>], vector<16xf32>,
    %add3A_1284 = arith.addf %add3A_1279, %gather3A_1283 : vector<16xf32>
    %add3A_1285 = arith.constant 11 : i32
    %add3A_1286 = vector.broadcast %add3A_1285 : i32 to vector<16xi32>
    %add3A_1287 = arith.addi %add3A_1229, %add3A_1286 : vector<16xi32>
    %gather3A_1288 = tpu.vector_load_idx %arg9[%add3A_1287] : memref<2080xf32, #tpu.memory_space<vmem>>[vector<16xi32>], vector<16xf32>,
    %add3A_1289 = arith.addf %add3A_1284, %gather3A_1288 : vector<16xf32>
    %add3A_1290 = arith.constant 12 : i32
    %add3A_1291 = vector.broadcast %add3A_1290 : i32 to vector<16xi32>
    %add3A_1292 = arith.addi %add3A_1229, %add3A_1291 : vector<16xi32>
    %gather3A_1293 = tpu.vector_load_idx %arg9[%add3A_1292] : memref<2080xf32, #tpu.memory_space<vmem>>[vector<16xi32>], vector<16xf32>,
    %add3A_1294 = arith.addf %add3A_1289, %gather3A_1293 : vector<16xf32>
    %add3A_1295 = arith.constant 13 : i32
    %add3A_1296 = vector.broadcast %add3A_1295 : i32 to vector<16xi32>
    %add3A_1297 = arith.addi %add3A_1229, %add3A_1296 : vector<16xi32>
    %gather3A_1298 = tpu.vector_load_idx %arg9[%add3A_1297] : memref<2080xf32, #tpu.memory_space<vmem>>[vector<16xi32>], vector<16xf32>,
    %add3A_1299 = arith.addf %add3A_1294, %gather3A_1298 : vector<16xf32>
    %add3A_1300 = arith.constant 14 : i32
    %add3A_1301 = vector.broadcast %add3A_1300 : i32 to vector<16xi32>
    %add3A_1302 = arith.addi %add3A_1229, %add3A_1301 : vector<16xi32>
    %gather3A_1303 = tpu.vector_load_idx %arg9[%add3A_1302] : memref<2080xf32, #tpu.memory_space<vmem>>[vector<16xi32>], vector<16xf32>,
    %add3A_1304 = arith.addf %add3A_1299, %gather3A_1303 : vector<16xf32>
    %add3A_1305 = arith.constant 15 : i32
    %add3A_1306 = vector.broadcast %add3A_1305 : i32 to vector<16xi32>
    %add3A_1307 = arith.addi %add3A_1229, %add3A_1306 : vector<16xi32>
    %gather3A_1308 = tpu.vector_load_idx %arg9[%add3A_1307] : memref<2080xf32, #tpu.memory_space<vmem>>[vector<16xi32>], vector<16xf32>,
    %add3A_1309 = arith.addf %add3A_1304, %gather3A_1308 : vector<16xf32>
    %swap3A_1310 = arith.constant 32 : index
    %swap3A_1311 = tpu.vector_load %arg10[%swap3A_1310] {strides = array<i32>} : memref<64xf32, #tpu.memory_space<vmem>>, vector<16xf32>,
    tpu.vector_store %arg10[%swap3A_1310], %add3A_1309 {strides = array<i32>} : memref<64xf32, #tpu.memory_space<vmem>>, vector<16xf32>,
    %add3A_1312 = arith.constant 48 : i32
    %add3A_1313 = vector.broadcast %add3A_1312 : i32 to vector<16xi32>
    %add3A_1314 = arith.addi %iota3A, %add3A_1313 : vector<16xi32>
    %shift_left3A_1315 = arith.constant 4 : i32
    %shift_left3A_1316 = vector.broadcast %shift_left3A_1315 : i32 to vector<16xi32>
    %shift_left3A_1317 = arith.shli %add3A_1314, %shift_left3A_1316 : vector<16xi32>
    %add3A_1318 = arith.constant 1040 : i32
    %add3A_1319 = vector.broadcast %add3A_1318 : i32 to vector<16xi32>
    %add3A_1320 = arith.addi %shift_left3A_1317, %add3A_1319 : vector<16xi32>
    %add3A_1321 = arith.constant 0 : i32
    %add3A_1322 = vector.broadcast %add3A_1321 : i32 to vector<16xi32>
    %add3A_1323 = arith.addi %add3A_1320, %add3A_1322 : vector<16xi32>
    %gather3A_1324 = tpu.vector_load_idx %arg9[%add3A_1323] : memref<2080xf32, #tpu.memory_space<vmem>>[vector<16xi32>], vector<16xf32>,
    %add3A_1325 = arith.addf %broadcast_in_dim3A_3, %gather3A_1324 : vector<16xf32>
    %add3A_1326 = arith.constant 1 : i32
    %add3A_1327 = vector.broadcast %add3A_1326 : i32 to vector<16xi32>
    %add3A_1328 = arith.addi %add3A_1320, %add3A_1327 : vector<16xi32>
    %gather3A_1329 = tpu.vector_load_idx %arg9[%add3A_1328] : memref<2080xf32, #tpu.memory_space<vmem>>[vector<16xi32>], vector<16xf32>,
    %add3A_1330 = arith.addf %add3A_1325, %gather3A_1329 : vector<16xf32>
    %add3A_1331 = arith.constant 2 : i32
    %add3A_1332 = vector.broadcast %add3A_1331 : i32 to vector<16xi32>
    %add3A_1333 = arith.addi %add3A_1320, %add3A_1332 : vector<16xi32>
    %gather3A_1334 = tpu.vector_load_idx %arg9[%add3A_1333] : memref<2080xf32, #tpu.memory_space<vmem>>[vector<16xi32>], vector<16xf32>,
    %add3A_1335 = arith.addf %add3A_1330, %gather3A_1334 : vector<16xf32>
    %add3A_1336 = arith.constant 3 : i32
    %add3A_1337 = vector.broadcast %add3A_1336 : i32 to vector<16xi32>
    %add3A_1338 = arith.addi %add3A_1320, %add3A_1337 : vector<16xi32>
    %gather3A_1339 = tpu.vector_load_idx %arg9[%add3A_1338] : memref<2080xf32, #tpu.memory_space<vmem>>[vector<16xi32>], vector<16xf32>,
    %add3A_1340 = arith.addf %add3A_1335, %gather3A_1339 : vector<16xf32>
    %add3A_1341 = arith.constant 4 : i32
    %add3A_1342 = vector.broadcast %add3A_1341 : i32 to vector<16xi32>
    %add3A_1343 = arith.addi %add3A_1320, %add3A_1342 : vector<16xi32>
    %gather3A_1344 = tpu.vector_load_idx %arg9[%add3A_1343] : memref<2080xf32, #tpu.memory_space<vmem>>[vector<16xi32>], vector<16xf32>,
    %add3A_1345 = arith.addf %add3A_1340, %gather3A_1344 : vector<16xf32>
    %add3A_1346 = arith.constant 5 : i32
    %add3A_1347 = vector.broadcast %add3A_1346 : i32 to vector<16xi32>
    %add3A_1348 = arith.addi %add3A_1320, %add3A_1347 : vector<16xi32>
    %gather3A_1349 = tpu.vector_load_idx %arg9[%add3A_1348] : memref<2080xf32, #tpu.memory_space<vmem>>[vector<16xi32>], vector<16xf32>,
    %add3A_1350 = arith.addf %add3A_1345, %gather3A_1349 : vector<16xf32>
    %add3A_1351 = arith.constant 6 : i32
    %add3A_1352 = vector.broadcast %add3A_1351 : i32 to vector<16xi32>
    %add3A_1353 = arith.addi %add3A_1320, %add3A_1352 : vector<16xi32>
    %gather3A_1354 = tpu.vector_load_idx %arg9[%add3A_1353] : memref<2080xf32, #tpu.memory_space<vmem>>[vector<16xi32>], vector<16xf32>,
    %add3A_1355 = arith.addf %add3A_1350, %gather3A_1354 : vector<16xf32>
    %add3A_1356 = arith.constant 7 : i32
    %add3A_1357 = vector.broadcast %add3A_1356 : i32 to vector<16xi32>
    %add3A_1358 = arith.addi %add3A_1320, %add3A_1357 : vector<16xi32>
    %gather3A_1359 = tpu.vector_load_idx %arg9[%add3A_1358] : memref<2080xf32, #tpu.memory_space<vmem>>[vector<16xi32>], vector<16xf32>,
    %add3A_1360 = arith.addf %add3A_1355, %gather3A_1359 : vector<16xf32>
    %add3A_1361 = arith.constant 8 : i32
    %add3A_1362 = vector.broadcast %add3A_1361 : i32 to vector<16xi32>
    %add3A_1363 = arith.addi %add3A_1320, %add3A_1362 : vector<16xi32>
    %gather3A_1364 = tpu.vector_load_idx %arg9[%add3A_1363] : memref<2080xf32, #tpu.memory_space<vmem>>[vector<16xi32>], vector<16xf32>,
    %add3A_1365 = arith.addf %add3A_1360, %gather3A_1364 : vector<16xf32>
    %add3A_1366 = arith.constant 9 : i32
    %add3A_1367 = vector.broadcast %add3A_1366 : i32 to vector<16xi32>
    %add3A_1368 = arith.addi %add3A_1320, %add3A_1367 : vector<16xi32>
    %gather3A_1369 = tpu.vector_load_idx %arg9[%add3A_1368] : memref<2080xf32, #tpu.memory_space<vmem>>[vector<16xi32>], vector<16xf32>,
    %add3A_1370 = arith.addf %add3A_1365, %gather3A_1369 : vector<16xf32>
    %add3A_1371 = arith.constant 10 : i32
    %add3A_1372 = vector.broadcast %add3A_1371 : i32 to vector<16xi32>
    %add3A_1373 = arith.addi %add3A_1320, %add3A_1372 : vector<16xi32>
    %gather3A_1374 = tpu.vector_load_idx %arg9[%add3A_1373] : memref<2080xf32, #tpu.memory_space<vmem>>[vector<16xi32>], vector<16xf32>,
    %add3A_1375 = arith.addf %add3A_1370, %gather3A_1374 : vector<16xf32>
    %add3A_1376 = arith.constant 11 : i32
    %add3A_1377 = vector.broadcast %add3A_1376 : i32 to vector<16xi32>
    %add3A_1378 = arith.addi %add3A_1320, %add3A_1377 : vector<16xi32>
    %gather3A_1379 = tpu.vector_load_idx %arg9[%add3A_1378] : memref<2080xf32, #tpu.memory_space<vmem>>[vector<16xi32>], vector<16xf32>,
    %add3A_1380 = arith.addf %add3A_1375, %gather3A_1379 : vector<16xf32>
    %add3A_1381 = arith.constant 12 : i32
    %add3A_1382 = vector.broadcast %add3A_1381 : i32 to vector<16xi32>
    %add3A_1383 = arith.addi %add3A_1320, %add3A_1382 : vector<16xi32>
    %gather3A_1384 = tpu.vector_load_idx %arg9[%add3A_1383] : memref<2080xf32, #tpu.memory_space<vmem>>[vector<16xi32>], vector<16xf32>,
    %add3A_1385 = arith.addf %add3A_1380, %gather3A_1384 : vector<16xf32>
    %add3A_1386 = arith.constant 13 : i32
    %add3A_1387 = vector.broadcast %add3A_1386 : i32 to vector<16xi32>
    %add3A_1388 = arith.addi %add3A_1320, %add3A_1387 : vector<16xi32>
    %gather3A_1389 = tpu.vector_load_idx %arg9[%add3A_1388] : memref<2080xf32, #tpu.memory_space<vmem>>[vector<16xi32>], vector<16xf32>,
    %add3A_1390 = arith.addf %add3A_1385, %gather3A_1389 : vector<16xf32>
    %add3A_1391 = arith.constant 14 : i32
    %add3A_1392 = vector.broadcast %add3A_1391 : i32 to vector<16xi32>
    %add3A_1393 = arith.addi %add3A_1320, %add3A_1392 : vector<16xi32>
    %gather3A_1394 = tpu.vector_load_idx %arg9[%add3A_1393] : memref<2080xf32, #tpu.memory_space<vmem>>[vector<16xi32>], vector<16xf32>,
    %add3A_1395 = arith.addf %add3A_1390, %gather3A_1394 : vector<16xf32>
    %add3A_1396 = arith.constant 15 : i32
    %add3A_1397 = vector.broadcast %add3A_1396 : i32 to vector<16xi32>
    %add3A_1398 = arith.addi %add3A_1320, %add3A_1397 : vector<16xi32>
    %gather3A_1399 = tpu.vector_load_idx %arg9[%add3A_1398] : memref<2080xf32, #tpu.memory_space<vmem>>[vector<16xi32>], vector<16xf32>,
    %add3A_1400 = arith.addf %add3A_1395, %gather3A_1399 : vector<16xf32>
    %swap3A_1401 = arith.constant 48 : index
    %swap3A_1402 = tpu.vector_load %arg10[%swap3A_1401] {strides = array<i32>} : memref<64xf32, #tpu.memory_space<vmem>>, vector<16xf32>,
    tpu.vector_store %arg10[%swap3A_1401], %add3A_1400 {strides = array<i32>} : memref<64xf32, #tpu.memory_space<vmem>>, vector<16xf32>,
    %mul3A_1403 = arith.constant 64 : i32
    %mul3A_1404 = arith.muli %add3A_1038, %mul3A_1403 : i32
    "tpu.region"() ({
      %run_scoped3A = tpu.sem_alloc : memref<!tpu.dma_semaphore, #tpu.memory_space<semaphore_mem>>
      %dma_start3A_1405 = tpu.memref_slice %arg4[%mul3A_1404] : memref<4096xf32, #tpu.memory_space<hbm>> -> memref<64xf32, #tpu.memory_space<hbm>>
      %dma_start3A_1406 = tpu.memref_slice %arg4[%mul3A_1404] : memref<4096xf32, #tpu.memory_space<hbm>> -> memref<64xf32, #tpu.memory_space<hbm>>
      tpu.enqueue_dma source(%arg10 : memref<64xf32, #tpu.memory_space<vmem>>) target(%dma_start3A_1406 : memref<64xf32, #tpu.memory_space<hbm>>) target_semaphore(%run_scoped3A : memref<!tpu.dma_semaphore, #tpu.memory_space<semaphore_mem>>)
      %dma_wait3A_1407 = tpu.memref_slice %arg4[%mul3A_1404] : memref<4096xf32, #tpu.memory_space<hbm>> -> memref<64xf32, #tpu.memory_space<hbm>>
      %dma_wait3A_1408 = tpu.memref_slice %arg4[%mul3A_1404] : memref<4096xf32, #tpu.memory_space<hbm>> -> memref<64xf32, #tpu.memory_space<hbm>>
      tpu.wait_dma2 semaphore(%run_scoped3A : memref<!tpu.dma_semaphore, #tpu.memory_space<semaphore_mem>>) src(%arg10 : memref<64xf32, #tpu.memory_space<vmem>>) dst(%dma_wait3A_1408 : memref<64xf32, #tpu.memory_space<hbm>>)
      tpu.yield
    }) : () -> ()
    return
  }
}

module attributes {stable_mosaic.version = 14 : i64} {
  func.func @_mi_body(%arg0: memref<64x64xf32, #tpu.memory_space<vmem>>, %arg1: memref<64x64xf32, #tpu.memory_space<vmem>>, %arg2: memref<1x1xf32, #tpu.memory_space<vmem>>) attributes {dimension_semantics = [], scalar_prefetch = 0 : i64, scratch_operands = 0 : i64, tpu.core_type = #tpu.core_type<tc>} {
    %get3A = arith.constant 0 : index
    %get3A_0 = arith.constant 0 : index
    %get3A_1 = vector.load %arg0[%get3A, %get3A_0] : memref<64x64xf32, #tpu.memory_space<vmem>>, vector<64x64xf32>
    %get3A_2 = arith.constant 0 : index
    %get3A_3 = arith.constant 0 : index
    %get3A_4 = vector.load %arg1[%get3A_2, %get3A_3] : memref<64x64xf32, #tpu.memory_space<vmem>>, vector<64x64xf32>
    %add3A = arith.addf %get3A_1, %get3A_4 : vector<64x64xf32>
    %reduce_sum3A = arith.constant dense<0.000000e+00> : vector<64xf32>
    %reduce_sum3A_5 = vector.multi_reduction <add>, %add3A, %reduce_sum3A [1] : vector<64x64xf32> to vector<64xf32>
    %broadcast_in_dim3A = vector.shape_cast %reduce_sum3A_5 : vector<64xf32> to vector<64x1xf32>
    %div3A = vector.broadcast %broadcast_in_dim3A : vector<64x1xf32> to vector<64x64xf32>
    %div3A_6 = arith.divf %add3A, %div3A : vector<64x64xf32>
    %add3A_7 = arith.constant 9.99999993E-9 : f32
    %add3A_8 = vector.broadcast %add3A_7 : f32 to vector<64x64xf32>
    %add3A_9 = arith.addf %div3A_6, %add3A_8 : vector<64x64xf32>
    %reduce_sum3A_10 = arith.constant dense<0.000000e+00> : vector<64xf32>
    %reduce_sum3A_11 = vector.multi_reduction <add>, %add3A_9, %reduce_sum3A_10 [1] : vector<64x64xf32> to vector<64xf32>
    %broadcast_in_dim3A_12 = vector.shape_cast %reduce_sum3A_11 : vector<64xf32> to vector<64x1xf32>
    %mul3A = arith.mulf %broadcast_in_dim3A_12, %broadcast_in_dim3A_12 : vector<64x1xf32>
    %div3A_13 = vector.broadcast %mul3A : vector<64x1xf32> to vector<64x64xf32>
    %div3A_14 = arith.divf %add3A_9, %div3A_13 : vector<64x64xf32>
    %log3A = math.log %div3A_14 : vector<64x64xf32>
    %mul3A_15 = arith.mulf %add3A_9, %log3A : vector<64x64xf32>
    %reduce_sum3A_16 = vector.shape_cast %mul3A_15 : vector<64x64xf32> to vector<1x64x64xf32>
    %reduce_sum3A_17 = arith.constant dense<0.000000e+00> : vector<1xf32>
    %reduce_sum3A_18 = vector.multi_reduction <add>, %reduce_sum3A_16, %reduce_sum3A_17 [1, 2] : vector<1x64x64xf32> to vector<1xf32>
    %reduce_sum3A_19 = vector.shape_cast %reduce_sum3A_18 : vector<1xf32> to vector<1x1x1xf32>
    %reduce_sum3A_20 = vector.extract %reduce_sum3A_19[0, 0, 0] : f32 from vector<1x1x1xf32>
    %neg3A = arith.constant 0.000000e+00 : f32
    %neg3A_21 = arith.subf %neg3A, %reduce_sum3A_20 : f32
    %div3A_22 = arith.constant 6.400000e+01 : f32
    %div3A_23 = arith.divf %neg3A_21, %div3A_22 : f32
    %reshape3A = vector.broadcast %div3A_23 : f32 to vector<1x1xf32>
    %swap3A = arith.constant 0 : index
    %swap3A_24 = arith.constant 0 : index
    %swap3A_25 = vector.load %arg2[%swap3A, %swap3A_24] : memref<1x1xf32, #tpu.memory_space<vmem>>, vector<1x1xf32>
    tpu.vector_store %arg2[%swap3A, %swap3A_24], %reshape3A {strides = array<i32>} : memref<1x1xf32, #tpu.memory_space<vmem>>, vector<1x1xf32>,
    return
  }
}

module attributes {stable_mosaic.version = 14 : i64} {
  func.func @_tc_hist_body(%arg0: i32, %arg1: i32, %arg2: memref<1x64x512xf32, #tpu.memory_space<vmem>>, %arg3: memref<1x64x512xf32, #tpu.memory_space<vmem>>, %arg4: memref<1x8x8xf32, #tpu.memory_space<vmem>>, %arg5: memref<9x8xf32, #tpu.memory_space<vmem>>) attributes {dimension_semantics = [#tpu.dimension_semantics<arbitrary>, #tpu.dimension_semantics<arbitrary>], iteration_bounds = array<i64: 64, 1>, scalar_prefetch = 0 : i64, scratch_operands = 1 : i64, tpu.core_type = #tpu.core_type<tc>, window_params = [{transform_indices = @transform_0, window_bounds = array<i64: 1, 64, 512>}, {transform_indices = @transform_1, window_bounds = array<i64: 1, 64, 512>}, {transform_indices = @transform_2, window_bounds = array<i64: 1, 8, 8>}]} {
    %get3A = arith.constant 0 : index
    %get3A_0 = arith.constant 0 : index
    %get3A_1 = arith.constant 0 : index
    %get3A_2 = vector.load %arg2[%get3A, %get3A_0, %get3A_1] : memref<1x64x512xf32, #tpu.memory_space<vmem>>, vector<1x64x512xf32>
    %get3A_3 = vector.shape_cast %get3A_2 : vector<1x64x512xf32> to vector<64x512xf32>
    %get3A_4 = arith.constant 0 : index
    %get3A_5 = arith.constant 0 : index
    %get3A_6 = arith.constant 0 : index
    %get3A_7 = vector.load %arg3[%get3A_4, %get3A_5, %get3A_6] : memref<1x64x512xf32, #tpu.memory_space<vmem>>, vector<1x64x512xf32>
    %get3A_8 = vector.shape_cast %get3A_7 : vector<1x64x512xf32> to vector<64x512xf32>
    %mul3A = arith.constant 6.400000e+01 : f32
    %mul3A_9 = vector.broadcast %mul3A : f32 to vector<64x512xf32>
    %mul3A_10 = arith.mulf %get3A_3, %mul3A_9 : vector<64x512xf32>
    %add3A = arith.addf %mul3A_10, %get3A_8 : vector<64x512xf32>
    %convert_element_type3A = arith.fptosi %add3A : vector<64x512xf32> to vector<64x512xi32>
    %shift_right_arithmetic3A = arith.constant 3 : i32
    %shift_right_arithmetic3A_11 = vector.broadcast %shift_right_arithmetic3A : i32 to vector<64x512xi32>
    %shift_right_arithmetic3A_12 = arith.shrsi %convert_element_type3A, %shift_right_arithmetic3A_11 : vector<64x512xi32>
    %and3A = arith.constant 7 : i32
    %and3A_13 = vector.broadcast %and3A : i32 to vector<64x512xi32>
    %and3A_14 = arith.andi %convert_element_type3A, %and3A_13 : vector<64x512xi32>
    %concatenate3A = tpu.concatenate %shift_right_arithmetic3A_12, %shift_right_arithmetic3A_12, %shift_right_arithmetic3A_12, %shift_right_arithmetic3A_12, %shift_right_arithmetic3A_12, %shift_right_arithmetic3A_12, %shift_right_arithmetic3A_12, %shift_right_arithmetic3A_12, %shift_right_arithmetic3A_12 in 0 : vector<64x512xi32>, vector<64x512xi32>, vector<64x512xi32>, vector<64x512xi32>, vector<64x512xi32>, vector<64x512xi32>, vector<64x512xi32>, vector<64x512xi32>, vector<64x512xi32> -> vector<576x512xi32>
    %concatenate3A_15 = tpu.concatenate %and3A_14, %and3A_14, %and3A_14, %and3A_14, %and3A_14, %and3A_14, %and3A_14, %and3A_14 in 0 : vector<64x512xi32>, vector<64x512xi32>, vector<64x512xi32>, vector<64x512xi32>, vector<64x512xi32>, vector<64x512xi32>, vector<64x512xi32>, vector<64x512xi32> -> vector<512x512xi32>
    %iota3A = tpu.iota {dimensions = array<i32: 0>} : vector<576x512xi32>
    %jit3A = arith.constant 64 : i32
    %div3A = vector.broadcast %jit3A : i32 to vector<576x512xi32>
    %div3A_16 = arith.divsi %iota3A, %div3A : vector<576x512xi32>
    %sign3A = arith.constant 0 : i32
    %sign3A_17 = vector.broadcast %sign3A : i32 to vector<576x512xi32>
    %sign3A_18 = arith.cmpi sgt, %iota3A, %sign3A_17 : vector<576x512xi32>
    %sign3A_19 = arith.extui %sign3A_18 : vector<576x512xi1> to vector<576x512xi32>
    %sign3A_20 = arith.constant 0 : i32
    %sign3A_21 = vector.broadcast %sign3A_20 : i32 to vector<576x512xi32>
    %sign3A_22 = arith.cmpi slt, %iota3A, %sign3A_21 : vector<576x512xi32>
    %sign3A_23 = arith.extui %sign3A_22 : vector<576x512xi1> to vector<576x512xi32>
    %sign3A_24 = arith.subi %sign3A_19, %sign3A_23 : vector<576x512xi32>
    %sign3A_25 = arith.constant 0 : i32
    %sign3A_26 = arith.cmpi sgt, %jit3A, %sign3A_25 : i32
    %sign3A_27 = arith.extui %sign3A_26 : i1 to i32
    %sign3A_28 = arith.constant 0 : i32
    %sign3A_29 = arith.cmpi slt, %jit3A, %sign3A_28 : i32
    %sign3A_30 = arith.extui %sign3A_29 : i1 to i32
    %sign3A_31 = arith.subi %sign3A_27, %sign3A_30 : i32
    %ne3A = vector.broadcast %sign3A_31 : i32 to vector<576x512xi32>
    %ne3A_32 = arith.cmpi ne, %sign3A_24, %ne3A : vector<576x512xi32>
    %rem3A = vector.broadcast %jit3A : i32 to vector<576x512xi32>
    %rem3A_33 = arith.remsi %iota3A, %rem3A : vector<576x512xi32>
    %ne3A_34 = arith.constant 0 : i32
    %ne3A_35 = vector.broadcast %ne3A_34 : i32 to vector<576x512xi32>
    %ne3A_36 = arith.cmpi ne, %rem3A_33, %ne3A_35 : vector<576x512xi32>
    %and3A_37 = arith.andi %ne3A_32, %ne3A_36 : vector<576x512xi1>
    %sub3A = arith.constant 1 : i32
    %sub3A_38 = vector.broadcast %sub3A : i32 to vector<576x512xi32>
    %sub3A_39 = arith.subi %div3A_16, %sub3A_38 : vector<576x512xi32>
    %select_n3A = arith.select %and3A_37, %sub3A_39, %div3A_16 : vector<576x512xi1>, vector<576x512xi32>
    %iota3A_40 = tpu.iota {dimensions = array<i32: 0>} : vector<512x512xi32>
    %jit3A_41 = arith.constant 64 : i32
    %div3A_42 = vector.broadcast %jit3A_41 : i32 to vector<512x512xi32>
    %div3A_43 = arith.divsi %iota3A_40, %div3A_42 : vector<512x512xi32>
    %sign3A_44 = arith.constant 0 : i32
    %sign3A_45 = vector.broadcast %sign3A_44 : i32 to vector<512x512xi32>
    %sign3A_46 = arith.cmpi sgt, %iota3A_40, %sign3A_45 : vector<512x512xi32>
    %sign3A_47 = arith.extui %sign3A_46 : vector<512x512xi1> to vector<512x512xi32>
    %sign3A_48 = arith.constant 0 : i32
    %sign3A_49 = vector.broadcast %sign3A_48 : i32 to vector<512x512xi32>
    %sign3A_50 = arith.cmpi slt, %iota3A_40, %sign3A_49 : vector<512x512xi32>
    %sign3A_51 = arith.extui %sign3A_50 : vector<512x512xi1> to vector<512x512xi32>
    %sign3A_52 = arith.subi %sign3A_47, %sign3A_51 : vector<512x512xi32>
    %sign3A_53 = arith.constant 0 : i32
    %sign3A_54 = arith.cmpi sgt, %jit3A_41, %sign3A_53 : i32
    %sign3A_55 = arith.extui %sign3A_54 : i1 to i32
    %sign3A_56 = arith.constant 0 : i32
    %sign3A_57 = arith.cmpi slt, %jit3A_41, %sign3A_56 : i32
    %sign3A_58 = arith.extui %sign3A_57 : i1 to i32
    %sign3A_59 = arith.subi %sign3A_55, %sign3A_58 : i32
    %ne3A_60 = vector.broadcast %sign3A_59 : i32 to vector<512x512xi32>
    %ne3A_61 = arith.cmpi ne, %sign3A_52, %ne3A_60 : vector<512x512xi32>
    %rem3A_62 = vector.broadcast %jit3A_41 : i32 to vector<512x512xi32>
    %rem3A_63 = arith.remsi %iota3A_40, %rem3A_62 : vector<512x512xi32>
    %ne3A_64 = arith.constant 0 : i32
    %ne3A_65 = vector.broadcast %ne3A_64 : i32 to vector<512x512xi32>
    %ne3A_66 = arith.cmpi ne, %rem3A_63, %ne3A_65 : vector<512x512xi32>
    %and3A_67 = arith.andi %ne3A_61, %ne3A_66 : vector<512x512xi1>
    %sub3A_68 = arith.constant 1 : i32
    %sub3A_69 = vector.broadcast %sub3A_68 : i32 to vector<512x512xi32>
    %sub3A_70 = arith.subi %div3A_43, %sub3A_69 : vector<512x512xi32>
    %select_n3A_71 = arith.select %and3A_67, %sub3A_70, %div3A_43 : vector<512x512xi1>, vector<512x512xi32>
    %eq3A = arith.cmpi eq, %concatenate3A, %select_n3A : vector<576x512xi32>
    %jit3A_72 = arith.constant 1.000000e+00 : f32
    %jit3A_73 = arith.constant 0.000000e+00 : f32
    %broadcast_in_dim3A = vector.broadcast %jit3A_72 : f32 to vector<576x512xf32>
    %broadcast_in_dim3A_74 = vector.broadcast %jit3A_73 : f32 to vector<576x512xf32>
    %select_n3A_75 = arith.select %eq3A, %broadcast_in_dim3A, %broadcast_in_dim3A_74 : vector<576x512xi1>, vector<576x512xf32>
    %eq3A_76 = arith.cmpi eq, %concatenate3A_15, %select_n3A_71 : vector<512x512xi32>
    %jit3A_77 = arith.constant 1.000000e+00 : f32
    %jit3A_78 = arith.constant 0.000000e+00 : f32
    %broadcast_in_dim3A_79 = vector.broadcast %jit3A_77 : f32 to vector<512x512xf32>
    %broadcast_in_dim3A_80 = vector.broadcast %jit3A_78 : f32 to vector<512x512xf32>
    %select_n3A_81 = arith.select %eq3A_76, %broadcast_in_dim3A_79, %broadcast_in_dim3A_80 : vector<512x512xi1>, vector<512x512xf32>
    %dot_general3A = arith.constant dense<0.000000e+00> : vector<576x512xf32>
    %dot_general3A_82 = tpu.matmul %select_n3A_75, %select_n3A_81, %dot_general3A {dimension_numbers = #tpu.dot_dimension_numbers<[1], [1], [0], [0], [0, 0, 1, 0], [], []>, transpose_lhs_hint = false} : vector<576x512xf32>, vector<512x512xf32>, vector<576x512xf32> -> vector<576x512xf32>
    %iota3A_83 = tpu.iota {dimensions = array<i32: 0>} : vector<576x512xi32>
    %iota3A_84 = tpu.iota {dimensions = array<i32: 1>} : vector<576x512xi32>
    %jit3A_85 = arith.constant 64 : i32
    %eq3A_86 = arith.constant 0 : i32
    %eq3A_87 = arith.cmpi eq, %jit3A_85, %eq3A_86 : i32
    %jit3A_88 = arith.constant 1 : i32
    %select_n3A_89 = arith.select %eq3A_87, %jit3A_88, %jit3A_85 : i32
    %rem3A_90 = vector.broadcast %select_n3A_89 : i32 to vector<576x512xi32>
    %rem3A_91 = arith.remsi %iota3A_83, %rem3A_90 : vector<576x512xi32>
    %ne3A_92 = arith.constant 0 : i32
    %ne3A_93 = vector.broadcast %ne3A_92 : i32 to vector<576x512xi32>
    %ne3A_94 = arith.cmpi ne, %rem3A_91, %ne3A_93 : vector<576x512xi32>
    %lt3A = arith.constant 0 : i32
    %lt3A_95 = vector.broadcast %lt3A : i32 to vector<576x512xi32>
    %lt3A_96 = arith.cmpi slt, %rem3A_91, %lt3A_95 : vector<576x512xi32>
    %lt3A_97 = arith.constant 0 : i32
    %lt3A_98 = arith.cmpi slt, %select_n3A_89, %lt3A_97 : i32
    %ne3A_99 = vector.broadcast %lt3A_98 : i1 to vector<576x512xi1>
    %ne3A_100 = vector.broadcast %ne3A_99 : vector<576x512xi1> to vector<576x512xi1>
    %ne3A_101 = arith.xori %lt3A_96, %ne3A_100 : vector<576x512xi1>
    %and3A_102 = arith.andi %ne3A_101, %ne3A_94 : vector<576x512xi1>
    %add3A_103 = vector.broadcast %select_n3A_89 : i32 to vector<576x512xi32>
    %add3A_104 = arith.addi %rem3A_91, %add3A_103 : vector<576x512xi32>
    %select_n3A_105 = arith.select %and3A_102, %add3A_104, %rem3A_91 : vector<576x512xi1>, vector<576x512xi32>
    %jit3A_106 = arith.constant 64 : i32
    %eq3A_107 = arith.constant 0 : i32
    %eq3A_108 = arith.cmpi eq, %jit3A_106, %eq3A_107 : i32
    %jit3A_109 = arith.constant 1 : i32
    %select_n3A_110 = arith.select %eq3A_108, %jit3A_109, %jit3A_106 : i32
    %rem3A_111 = vector.broadcast %select_n3A_110 : i32 to vector<576x512xi32>
    %rem3A_112 = arith.remsi %iota3A_84, %rem3A_111 : vector<576x512xi32>
    %ne3A_113 = arith.constant 0 : i32
    %ne3A_114 = vector.broadcast %ne3A_113 : i32 to vector<576x512xi32>
    %ne3A_115 = arith.cmpi ne, %rem3A_112, %ne3A_114 : vector<576x512xi32>
    %lt3A_116 = arith.constant 0 : i32
    %lt3A_117 = vector.broadcast %lt3A_116 : i32 to vector<576x512xi32>
    %lt3A_118 = arith.cmpi slt, %rem3A_112, %lt3A_117 : vector<576x512xi32>
    %lt3A_119 = arith.constant 0 : i32
    %lt3A_120 = arith.cmpi slt, %select_n3A_110, %lt3A_119 : i32
    %ne3A_121 = vector.broadcast %lt3A_120 : i1 to vector<576x512xi1>
    %ne3A_122 = vector.broadcast %ne3A_121 : vector<576x512xi1> to vector<576x512xi1>
    %ne3A_123 = arith.xori %lt3A_118, %ne3A_122 : vector<576x512xi1>
    %and3A_124 = arith.andi %ne3A_123, %ne3A_115 : vector<576x512xi1>
    %add3A_125 = vector.broadcast %select_n3A_110 : i32 to vector<576x512xi32>
    %add3A_126 = arith.addi %rem3A_112, %add3A_125 : vector<576x512xi32>
    %select_n3A_127 = arith.select %and3A_124, %add3A_126, %rem3A_112 : vector<576x512xi1>, vector<576x512xi32>
    %eq3A_128 = arith.cmpi eq, %select_n3A_105, %select_n3A_127 : vector<576x512xi32>
    %jit3A_129 = arith.constant 0.000000e+00 : f32
    %broadcast_in_dim3A_130 = vector.broadcast %jit3A_129 : f32 to vector<576x512xf32>
    %select_n3A_131 = arith.select %eq3A_128, %dot_general3A_82, %broadcast_in_dim3A_130 : vector<576x512xi1>, vector<576x512xf32>
    %iota3A_132 = tpu.iota {dimensions = array<i32: 0>} : vector<512x8xi32>
    %jit3A_133 = arith.constant 64 : i32
    %div3A_134 = vector.broadcast %jit3A_133 : i32 to vector<512x8xi32>
    %div3A_135 = arith.divsi %iota3A_132, %div3A_134 : vector<512x8xi32>
    %sign3A_136 = arith.constant 0 : i32
    %sign3A_137 = vector.broadcast %sign3A_136 : i32 to vector<512x8xi32>
    %sign3A_138 = arith.cmpi sgt, %iota3A_132, %sign3A_137 : vector<512x8xi32>
    %sign3A_139 = arith.extui %sign3A_138 : vector<512x8xi1> to vector<512x8xi32>
    %sign3A_140 = arith.constant 0 : i32
    %sign3A_141 = vector.broadcast %sign3A_140 : i32 to vector<512x8xi32>
    %sign3A_142 = arith.cmpi slt, %iota3A_132, %sign3A_141 : vector<512x8xi32>
    %sign3A_143 = arith.extui %sign3A_142 : vector<512x8xi1> to vector<512x8xi32>
    %sign3A_144 = arith.subi %sign3A_139, %sign3A_143 : vector<512x8xi32>
    %sign3A_145 = arith.constant 0 : i32
    %sign3A_146 = arith.cmpi sgt, %jit3A_133, %sign3A_145 : i32
    %sign3A_147 = arith.extui %sign3A_146 : i1 to i32
    %sign3A_148 = arith.constant 0 : i32
    %sign3A_149 = arith.cmpi slt, %jit3A_133, %sign3A_148 : i32
    %sign3A_150 = arith.extui %sign3A_149 : i1 to i32
    %sign3A_151 = arith.subi %sign3A_147, %sign3A_150 : i32
    %ne3A_152 = vector.broadcast %sign3A_151 : i32 to vector<512x8xi32>
    %ne3A_153 = arith.cmpi ne, %sign3A_144, %ne3A_152 : vector<512x8xi32>
    %rem3A_154 = vector.broadcast %jit3A_133 : i32 to vector<512x8xi32>
    %rem3A_155 = arith.remsi %iota3A_132, %rem3A_154 : vector<512x8xi32>
    %ne3A_156 = arith.constant 0 : i32
    %ne3A_157 = vector.broadcast %ne3A_156 : i32 to vector<512x8xi32>
    %ne3A_158 = arith.cmpi ne, %rem3A_155, %ne3A_157 : vector<512x8xi32>
    %and3A_159 = arith.andi %ne3A_153, %ne3A_158 : vector<512x8xi1>
    %sub3A_160 = arith.constant 1 : i32
    %sub3A_161 = vector.broadcast %sub3A_160 : i32 to vector<512x8xi32>
    %sub3A_162 = arith.subi %div3A_135, %sub3A_161 : vector<512x8xi32>
    %select_n3A_163 = arith.select %and3A_159, %sub3A_162, %div3A_135 : vector<512x8xi1>, vector<512x8xi32>
    %iota3A_164 = tpu.iota {dimensions = array<i32: 1>} : vector<512x8xi32>
    %eq3A_165 = arith.cmpi eq, %select_n3A_163, %iota3A_164 : vector<512x8xi32>
    %jit3A_166 = arith.constant 1.000000e+00 : f32
    %jit3A_167 = arith.constant 0.000000e+00 : f32
    %broadcast_in_dim3A_168 = vector.broadcast %jit3A_166 : f32 to vector<512x8xf32>
    %broadcast_in_dim3A_169 = vector.broadcast %jit3A_167 : f32 to vector<512x8xf32>
    %select_n3A_170 = arith.select %eq3A_165, %broadcast_in_dim3A_168, %broadcast_in_dim3A_169 : vector<512x8xi1>, vector<512x8xf32>
    %iota3A_171 = tpu.iota {dimensions = array<i32: 0>} : vector<9x576xi32>
    %iota3A_172 = tpu.iota {dimensions = array<i32: 1>} : vector<9x576xi32>
    %jit3A_173 = arith.constant 64 : i32
    %div3A_174 = vector.broadcast %jit3A_173 : i32 to vector<9x576xi32>
    %div3A_175 = arith.divsi %iota3A_172, %div3A_174 : vector<9x576xi32>
    %sign3A_176 = arith.constant 0 : i32
    %sign3A_177 = vector.broadcast %sign3A_176 : i32 to vector<9x576xi32>
    %sign3A_178 = arith.cmpi sgt, %iota3A_172, %sign3A_177 : vector<9x576xi32>
    %sign3A_179 = arith.extui %sign3A_178 : vector<9x576xi1> to vector<9x576xi32>
    %sign3A_180 = arith.constant 0 : i32
    %sign3A_181 = vector.broadcast %sign3A_180 : i32 to vector<9x576xi32>
    %sign3A_182 = arith.cmpi slt, %iota3A_172, %sign3A_181 : vector<9x576xi32>
    %sign3A_183 = arith.extui %sign3A_182 : vector<9x576xi1> to vector<9x576xi32>
    %sign3A_184 = arith.subi %sign3A_179, %sign3A_183 : vector<9x576xi32>
    %sign3A_185 = arith.constant 0 : i32
    %sign3A_186 = arith.cmpi sgt, %jit3A_173, %sign3A_185 : i32
    %sign3A_187 = arith.extui %sign3A_186 : i1 to i32
    %sign3A_188 = arith.constant 0 : i32
    %sign3A_189 = arith.cmpi slt, %jit3A_173, %sign3A_188 : i32
    %sign3A_190 = arith.extui %sign3A_189 : i1 to i32
    %sign3A_191 = arith.subi %sign3A_187, %sign3A_190 : i32
    %ne3A_192 = vector.broadcast %sign3A_191 : i32 to vector<9x576xi32>
    %ne3A_193 = arith.cmpi ne, %sign3A_184, %ne3A_192 : vector<9x576xi32>
    %rem3A_194 = vector.broadcast %jit3A_173 : i32 to vector<9x576xi32>
    %rem3A_195 = arith.remsi %iota3A_172, %rem3A_194 : vector<9x576xi32>
    %ne3A_196 = arith.constant 0 : i32
    %ne3A_197 = vector.broadcast %ne3A_196 : i32 to vector<9x576xi32>
    %ne3A_198 = arith.cmpi ne, %rem3A_195, %ne3A_197 : vector<9x576xi32>
    %and3A_199 = arith.andi %ne3A_193, %ne3A_198 : vector<9x576xi1>
    %sub3A_200 = arith.constant 1 : i32
    %sub3A_201 = vector.broadcast %sub3A_200 : i32 to vector<9x576xi32>
    %sub3A_202 = arith.subi %div3A_175, %sub3A_201 : vector<9x576xi32>
    %select_n3A_203 = arith.select %and3A_199, %sub3A_202, %div3A_175 : vector<9x576xi1>, vector<9x576xi32>
    %eq3A_204 = arith.cmpi eq, %iota3A_171, %select_n3A_203 : vector<9x576xi32>
    %jit3A_205 = arith.constant 1.000000e+00 : f32
    %jit3A_206 = arith.constant 0.000000e+00 : f32
    %broadcast_in_dim3A_207 = vector.broadcast %jit3A_205 : f32 to vector<9x576xf32>
    %broadcast_in_dim3A_208 = vector.broadcast %jit3A_206 : f32 to vector<9x576xf32>
    %select_n3A_209 = arith.select %eq3A_204, %broadcast_in_dim3A_207, %broadcast_in_dim3A_208 : vector<9x576xi1>, vector<9x576xf32>
    %dot_general3A_210 = arith.constant dense<0.000000e+00> : vector<576x8xf32>
    %dot_general3A_211 = tpu.matmul %select_n3A_131, %select_n3A_170, %dot_general3A_210 {dimension_numbers = #tpu.dot_dimension_numbers<[1], [0], [0], [1], [0, 0, 1, 1], [], []>, transpose_lhs_hint = false} : vector<576x512xf32>, vector<512x8xf32>, vector<576x8xf32> -> vector<576x8xf32>
    %dot_general3A_212 = arith.constant dense<0.000000e+00> : vector<9x8xf32>
    %dot_general3A_213 = tpu.matmul %select_n3A_209, %dot_general3A_211, %dot_general3A_212 {dimension_numbers = #tpu.dot_dimension_numbers<[1], [0], [0], [1], [0, 0, 1, 1], [], []>, transpose_lhs_hint = false} : vector<9x576xf32>, vector<576x8xf32>, vector<9x8xf32> -> vector<9x8xf32>
    %eq3A_214 = arith.constant 0 : i32
    %eq3A_215 = arith.cmpi eq, %arg1, %eq3A_214 : i32
    %convert_element_type3A_216 = arith.extui %eq3A_215 : i1 to i32
    %cond3A = arith.constant 0 : i32
    %cond3A_217 = arith.cmpi ne, %convert_element_type3A_216, %cond3A : i32
    scf.if %cond3A_217 {
      %swap3A = arith.constant 0 : index
      %swap3A_227 = arith.constant 0 : index
      %swap3A_228 = vector.load %arg5[%swap3A, %swap3A_227] : memref<9x8xf32, #tpu.memory_space<vmem>>, vector<9x8xf32>
      tpu.vector_store %arg5[%swap3A, %swap3A_227], %dot_general3A_213 {strides = array<i32>} : memref<9x8xf32, #tpu.memory_space<vmem>>, vector<9x8xf32>,
    } else {
    }
    %gt3A = arith.constant 0 : i32
    %gt3A_218 = arith.cmpi sgt, %arg1, %gt3A : i32
    %convert_element_type3A_219 = arith.extui %gt3A_218 : i1 to i32
    %cond3A_220 = arith.constant 0 : i32
    %cond3A_221 = arith.cmpi ne, %convert_element_type3A_219, %cond3A_220 : i32
    scf.if %cond3A_221 {
      %get3A_227 = arith.constant 0 : index
      %get3A_228 = arith.constant 0 : index
      %get3A_229 = vector.load %arg5[%get3A_227, %get3A_228] : memref<9x8xf32, #tpu.memory_space<vmem>>, vector<9x8xf32>
      %add3A_230 = arith.addf %get3A_229, %dot_general3A_213 : vector<9x8xf32>
      %swap3A = arith.constant 0 : index
      %swap3A_231 = arith.constant 0 : index
      %swap3A_232 = vector.load %arg5[%swap3A, %swap3A_231] : memref<9x8xf32, #tpu.memory_space<vmem>>, vector<9x8xf32>
      tpu.vector_store %arg5[%swap3A, %swap3A_231], %add3A_230 {strides = array<i32>} : memref<9x8xf32, #tpu.memory_space<vmem>>, vector<9x8xf32>,
    } else {
    }
    %eq3A_222 = arith.constant 0 : i32
    %eq3A_223 = arith.cmpi eq, %arg1, %eq3A_222 : i32
    %convert_element_type3A_224 = arith.extui %eq3A_223 : i1 to i32
    %cond3A_225 = arith.constant 0 : i32
    %cond3A_226 = arith.cmpi ne, %convert_element_type3A_224, %cond3A_225 : i32
    scf.if %cond3A_226 {
      %get3A_227 = arith.constant 0 : index
      %get3A_228 = arith.constant 0 : index
      %get3A_229 = vector.load %arg5[%get3A_227, %get3A_228] : memref<9x8xf32, #tpu.memory_space<vmem>>, vector<8x8xf32>
      %swap3A = arith.constant 0 : index
      %swap3A_230 = arith.constant 0 : index
      %swap3A_231 = arith.constant 0 : index
      %swap3A_232 = vector.load %arg4[%swap3A, %swap3A_230, %swap3A_231] : memref<1x8x8xf32, #tpu.memory_space<vmem>>, vector<1x8x8xf32>
      %swap3A_233 = vector.shape_cast %swap3A_232 : vector<1x8x8xf32> to vector<8x8xf32>
      %swap3A_234 = vector.shape_cast %get3A_229 : vector<8x8xf32> to vector<1x8x8xf32>
      tpu.vector_store %arg4[%swap3A, %swap3A_230, %swap3A_231], %swap3A_234 {strides = array<i32>} : memref<1x8x8xf32, #tpu.memory_space<vmem>>, vector<1x8x8xf32>,
    } else {
    }
    return
  }
  func.func @transform_0(%arg0: i32, %arg1: i32) -> (i32, i32, i32) {
    %add3A = arith.constant 7 : i32
    %add3A_0 = arith.addi %arg1, %add3A : i32
    %c0_i32 = arith.constant 0 : i32
    %c0_i32_1 = arith.constant 0 : i32
    return %arg0, %add3A_0, %c0_i32 : i32, i32, i32
  }
  func.func @transform_1(%arg0: i32, %arg1: i32) -> (i32, i32, i32) {
    %add3A = arith.constant 7 : i32
    %add3A_0 = arith.addi %arg1, %add3A : i32
    %c0_i32 = arith.constant 0 : i32
    %c0_i32_1 = arith.constant 0 : i32
    return %arg0, %add3A_0, %c0_i32 : i32, i32, i32
  }
  func.func @transform_2(%arg0: i32, %arg1: i32) -> (i32, i32, i32) {
    %c0_i32 = arith.constant 0 : i32
    %c0_i32_0 = arith.constant 0 : i32
    %c0_i32_1 = arith.constant 0 : i32
    return %arg0, %c0_i32, %c0_i32_0 : i32, i32, i32
  }
}

</mosaic_0001>

<sc_bundles>
// kernel: kernel.5.cloned.1.call-start
scs
__scs_entry_jumppad:
0x0: {  	(pc) =	sbr.rel $0x88, $3  }
0x1: {  	(tag) =	ssettag $0x0;
	lr =	simm.s32 $0x1  }
0x2: {  	[smem:$0x3F9F] =	sst lr;
	_ =	strace $0xD0000000  }
0x3: {  	_ = 	snop  }
0x4: {  	_ = 	snop  }
0x5: {  	_ = 	snop  }
0x6: {  	_ = 	snop  }
0x7: {  	_ = 	snop  }
__scs_overlays_trampoline_lowered:
0x8: {  	[smem:$0x3FAE] =	sst s0  }
0x9: {  	[smem:$0x3FAF] =	sst s1  }
0xa: {  	[smem:$0x3FB0] =	sst s2  }
0xb: {  	[smem:$0x3FB1] =	sst s3  }
0xc: {  	[smem:$0x3FB2] =	sst s4  }
0xd: {  	[smem:$0x3FB3] =	sst s5  }
0xe: {  	[smem:$0x3FB4] =	sst s6  }
0xf: {  	[smem:$0x3FB5] =	sst s7  }
0x10: {  	[smem:$0x3FB6] =	sst s8  }
0x11: {  	[smem:$0x3FB7] =	sst s9;
	s0 =	simm.s32 @!p0 $0x0  }
0x12: {  	s1 =	sld [smem:$0x3F9D];
	s0 =	simm.s32 @p0 $0x1  }
0x13: {  	[smem:$0x3FB8] =	sst s0;
	s0 =	simm.s32 @!p1 $0x0  }
0x14: {  	s2 =	sld [smem:$0x3F9C];
	s0 =	simm.s32 @p1 $0x1  }
0x15: {  	[smem:$0x3FB9] =	sst s0;
	s0 =	simm.s32 @!p2 $0x0  }
0x16: {  	s3 =	sld [smem:$0x3FDB];
	s0 =	simm.s32 @p2 $0x1  }
0x17: {  	s4 =	simm.s32 $0x1BF5;
	[smem:$0x3FBB] =	sst s0  }
0x18: {  	s0 =	sld [smem:$0x3F9E];
	_ =	swait.ge [sflag:s4], $0x0  }
0x19: {  	s7 =	sld [smem:$0x3F9F]  }
0x1a: {  	s8 =	sadd.s32 $0xFFFFE003, lr  }
0x1b: {  	s9 =	sadd.s32 $0xFFFFFEF7, lr;
	s5 =	simm.s32 $0xFFFFFFFF;
	p2 =	slt.u32 s8, $0xFFFFF086  }
0x1c: {  	p1 =	slt.u32 s9, $0xF7A;
	s5 =	simm.s32 @!p2 $0x0  }
0x1d: {  	s5 =	simm.s32 @p1 $0x1;
	p0 =	seq.s32 s7, s2  }
0x1e: {  	s7 =	smul.u32 @!p0 $0xF7A, s2;
	p2 =	seq.s32 @!p0 s5, $0x0  }
0x1f: {  	s9 =	smul.u32 $0xF7A, s1;
	s8 =	simm.s32 @!p0 $0x1BF5;
	p2 =	por !p2, p0  }
0x20: {  	[sflag:s8] =	ssyncset.s32 @!p0 $0xFFFFF086;
	s6 =	sadd.s32 @!p0 s3, s7;
	s7 =	simm.s32 @!p0 $0x108  }
0x21: {  	s3 =	sadd.s32 s3, s9;
	s6 =	sadd.s32 @!p0 $0x88, s6;
	s7 =	simm.s32 @p2 $0x1082  }
0x22: {  	[simem:s7], [sflag:s8] =	dma.local @!p0 [hbm:s6], $0xF7A  }
0x23: {  	s9 =	sor.u32 $0xD0000000, s2;
	s6 =	simm.s32 $0x108;
	_ =	swait.ge @!p0 [sflag:s8], $0x0  }
0x24: {  	s3 =	sadd.s32 $0x88, s3;
	s6 =	simm.s32 @!p1 $0x1082;
	[sflag:s4] =	ssyncset.s32 $0xFFFFF086  }
0x25: {  	[simem:s6], [sflag:s4] =	dma.local [hbm:s3], $0xF7A  }
0x26: {  	[smem:$0x3F9F] =	sst s1;
	(tag) =	ssettag s2;
	_ =	strace s9  }
0x27: {  	s1 =	sld [smem:$0x3FAF]  }
0x28: {  	s2 =	sld [smem:$0x3FB0]  }
0x29: {  	s4 =	sld [smem:$0x3FB2]  }
0x2a: {  	p0 =	seq.s32 s5, $0x0;
	s5 =	sld [smem:$0x3FB3]  }
0x2b: {  	s6 =	sld [smem:$0x3FB4]  }
0x2c: {  	s7 =	sld [smem:$0x3FB5]  }
0x2d: {  	s3 =	simm.s32 $0x108;
	s8 =	sld [smem:$0x3FB6]  }
0x2e: {  	s3 =	simm.s32 @!p0 $0x1082;
	s9 =	sld [smem:$0x3FB7]  }
0x2f: {  	lr =	sadd.s32 s0, s3;
	s0 =	sld [smem:$0x3FAE]  }
0x30: {  	s3 =	sld [smem:$0x3FB1]  }
0x31: {  	[smem:$0x3FBA] =	sst s10  }
0x32: {  	s10 =	sld [smem:$0x3FB8];
	_ =	sdelay $0x3  }
0x33: {  	p0 =	seq.s32 s10, $0x1;
	s10 =	sld [smem:$0x3FBA];
	_ =	sdelay $0x3  }
0x34: {  	[smem:$0x3FBA] =	sst s10  }
0x35: {  	s10 =	sld [smem:$0x3FB9];
	_ =	sdelay $0x3  }
0x36: {  	p1 =	seq.s32 s10, $0x1;
	s10 =	sld [smem:$0x3FBA];
	_ =	sdelay $0x3  }
0x37: {  	[smem:$0x3FBA] =	sst s10  }
0x38: {  	s10 =	sld [smem:$0x3FBB]  }
0x39: {  	_ = 	snop;
	(pc) =	sbr.ind lr, $3  }
0x3a: {  	_ = 	snop  }
0x3b: {  	_ = 	snop  }
0x3c: {  	p2 =	seq.s32 s10, $0x1;
	s10 =	sld [smem:$0x3FBA]  }
0x3d: {  	_ =	shalt  }
0x3e: {  	_ =	shalt  }
0x3f: {  	_ =	shalt  }
0x40: {  	_ =	shalt  }
0x41: {  	_ =	shalt  }
0x42: {  	_ =	shalt  }
0x43: {  	_ =	shalt  }
0x44: {  	_ =	shalt  }
0x45: {  	_ =	shalt  }
0x46: {  	_ =	shalt  }
0x47: {  	_ =	shalt  }
0x48: {  	_ =	shalt  }
0x49: {  	_ =	shalt  }
0x4a: {  	_ =	shalt  }
0x4b: {  	_ =	shalt  }
0x4c: {  	_ =	shalt  }
0x4d: {  	_ =	shalt  }
0x4e: {  	_ =	shalt  }
0x4f: {  	_ =	shalt  }
0x50: {  	_ =	shalt  }
0x51: {  	_ =	shalt  }
0x52: {  	_ =	shalt  }
0x53: {  	_ =	shalt  }
0x54: {  	_ =	shalt  }
0x55: {  	_ =	shalt  }
0x56: {  	_ =	shalt  }
0x57: {  	_ =	shalt  }
0x58: {  	_ =	shalt  }
0x59: {  	_ =	shalt  }
0x5a: {  	_ =	shalt  }
0x5b: {  	_ =	shalt  }
0x5c: {  	_ =	shalt  }
0x5d: {  	_ =	shalt  }
0x5e: {  	_ =	shalt  }
0x5f: {  	_ =	shalt  }
0x60: {  	_ =	shalt  }
0x61: {  	_ =	shalt  }
0x62: {  	_ =	shalt  }
0x63: {  	_ =	shalt  }
0x64: {  	_ =	shalt  }
0x65: {  	_ =	shalt  }
0x66: {  	_ =	shalt  }
0x67: {  	_ =	shalt  }
0x68: {  	_ =	shalt  }
0x69: {  	_ =	shalt  }
0x6a: {  	_ =	shalt  }
0x6b: {  	_ =	shalt  }
0x6c: {  	_ =	shalt  }
0x6d: {  	_ =	shalt  }
0x6e: {  	_ =	shalt  }
0x6f: {  	_ =	shalt  }
0x70: {  	_ =	shalt  }
0x71: {  	_ =	shalt  }
0x72: {  	_ =	shalt  }
0x73: {  	_ =	shalt  }
0x74: {  	_ =	shalt  }
0x75: {  	_ =	shalt  }
0x76: {  	_ =	shalt  }
0x77: {  	_ =	shalt  }
0x78: {  	_ =	shalt  }
0x79: {  	_ =	shalt  }
0x7a: {  	_ =	shalt  }
0x7b: {  	_ =	shalt  }
0x7c: {  	_ =	shalt  }
0x7d: {  	_ =	shalt  }
0x7e: {  	_ =	shalt  }
0x7f: {  	_ =	shalt  }
0x80: {  	_ =	shalt  }
0x81: {  	_ =	shalt  }
0x82: {  	_ =	shalt  }
0x83: {  	_ =	shalt  }
0x84: {  	_ =	shalt  }
0x85: {  	_ =	shalt  }
0x86: {  	_ =	shalt  }
0x87: {  	_ =	shalt  }
.Lfunc_end0:
.L_simem_size_0:
called_computation_lowered:
.L_overlay_start_0:
0x88: {  	s2 =	sld [smem:$0x3FD9]  }
0x89: {  	s3 =	sld [smem:$0x3FFE];
	_ =	sdelay $0x1  }
0x8a: {  	s1 =	srdreg.scid  }
0x8b: {  	s0 =	sand.u32 $0x1, s1  }
0x8c: {  	s17 =	sshll.u32 s0, $0xA;
	s2 =	sadd.s32 s3, s2  }
0x8d: {  	s2 =	sadd.s32 s2, s17  }
0x8e: {  	[smem:$0x3FC6] =	sst s2  }
0x8f: {  	_ = 	snop  }
0x90: {  	s2 =	sld [smem:$0x3FC9]  }
0x91: {  	s18 =	sld [smem:$0x3FC8];
	(tm) =	ssettm $0x1  }
0x92: {  	s4 =	sld [smem:$0x3FFB];
	_ =	sdelay $0x3  }
0x93: {  	_ =	strace s4  }
0x94: {  	s4 =	sld [smem:$0x3FFC];
	_ =	sdelay $0x3  }
0x95: {  	_ =	strace s4  }
0x96: {  	s4 =	sld [smem:$0x3FFD];
	_ =	sdelay $0x3  }
0x97: {  	_ =	strace s4  }
0x98: {  	_ =	strace $0x8FFFFFFF  }
0x99: {  	s19 =	sld [smem:$0x3FDB];
	_ =	sdelay $0x1  }
0x9a: {  	s5 =	simm.s32 $_scs_section_size  }
0x9b: {  	s6 =	simm.s32 $_size__tile_overlayer_lowered;
	s7 =	simm.s32 $_tile_overlayer_lowered  }
0x9c: {  	s22 =	simm.s32 $0x1BFF;
	s21 =	sshll.u32 s7, $0x1;
	s4 =	sadd.s32 s5, s19  }
0x9d: {  	s8 =	simm.s32 $0x0;
	s20 =	sshll.u32 s6, $0x1;
	s6 =	sadd.s32 s21, s4  }
0x9e: {  	[timem:s8], [sflag:s22] =	dma.local [hbm:s6], s20  }
0x9f: {  	_ =	swait.ge [sflag:s22], s20  }
0xa0: {  	s5 =	ssub.s32 $0x0, s20;
	[sflag:s22] =	ssyncset.done $0x0  }
0xa1: {  	[sflag:s22] =	ssyncadd.s32 s5;
	_ =	sdelay $0x1  }
0xa2: {  	s23 =	simm.s32 $0x1B8B  }
0xa3: {  	_ =	swait.ge [sflag:s23], $0x1  }
0xa4: {  	[sflag:s23] =	ssyncset.done $0x0  }
0xa5: {  	s25 =	simm.s32 $0x1B8E;
	s24 =	sld [smem:$0x3FFE];
	[sflag:s23] =	ssyncadd.s32 $0xFFFFFFFF  }
0xa6: {  	s26 =	simm.s32 $execute0_lowered;
	[smem:$0x3FD2] =	sst s25  }
0xa7: {  	s6 =	sshll.u32 s26, $0x1;
	_ =	strace $0x80000046;
	[dreg:$0x1] =	wrdreg $0xFFFFFFFF  }
0xa8: {  	s28 =	simm.s32 $_size_execute0_lowered;
	s4 =	sadd.s32 s4, s6;
	[dreg:$0x0] =	wrdreg $0x0  }
0xa9: {  	s6 =	sshll.u32 s28, $0x1;
	[dreg:$0x2] =	wrdreg s4  }
0xaa: {  	[dreg:$0x3] =	wrdreg s6  }
0xab: {  	[dreg:$0x4] =	wrdreg $0xC0  }
0xac: {  	_ =	task [dreg:s8], $0x5FFFF  }
0xad: {  	[dreg:$0x1] =	wrdreg $0xFFFFFFFF  }
0xae: {  	[dreg:$0x0] =	wrdreg $0x60  }
0xaf: {  	[dreg:$0x2] =	wrdreg s2  }
0xb0: {  	[dreg:$0x3] =	wrdreg s18  }
0xb1: {  	[dreg:$0x4] =	wrdreg s24  }
0xb2: {  	[dreg:$0x5] =	wrdreg $0x9  }
0xb3: {  	_ =	task.clear_ibuf [dreg:s8], $0x6FFFF;
	_ =	strace $0x90000046  }
0xb4: {  	s29 =	simm.s32 $0x9;
	_ =	strace $0x80000048  }
0xb5: {  	_ =	swait.ge [sflag:s29], $0x1  }
0xb6: {  	[sflag:s29] =	ssyncadd.s32 $0xFFFFFFFF  }
0xb7: {  	_ =	strace $0x90000048  }
0xb8: {  	_ =	sfence  }
0xb9: {  	s30 =	sld [smem:$0x0];
	_ =	sdelay $0x2  }
0xba: {  	s31 =	sshll.u32 s1, $0xD;
	s1 =	sshrl.u32 s1, $0x2  }
0xbb: {  	s3 =	sand.u32 $0x4000, s31;
	s1 =	sadd.s32 s1, s30  }
0xbc: {  	s0 =	sor.u32 s3, s0;
	s1 =	sshll.u32 s1, $0x11  }
0xbd: {  	s0 =	sor.u32 s1, s0  }
0xbe: {  	s0 =	sadd.s32 $0x8F2B, s0  }
0xbf: {  	[sflag:s0] =	ssyncadd.remote.s32 $0x1  }
0xc0: {  	_ =	sfence.sel $0xFFFF  }
0xc1: {  	[dreg:$0x0] =	wrdreg $0xFFFFFFFF;
	(pc) =	sbr.abs _section_cstart, $3  }
0xc2: {  	[dreg:$0x1] =	wrdreg $0xFFFFFFFF  }
0xc3: {  	_ =	task.clear_ibuf [dreg:s8], $0x2FFFF;
	_ =	strace $0x9FFFFFFF  }
0xc4: {  	(tm) =	ssettm $0x7FFFFFFF  }
0xc5: {  	_ =	shalt  }
tec
execute0_lowered:
.L_overlay_start_1:
0x0: {  	(tag) =	ssettag $0x1  }
0x1: {  	s0 =	srdreg.scid;
	s1 =	stileid.u32  }
0x2: {  	s0 =	sand.u32 $0x1, s0;
	s1 =	sshll.u32 s1, $0x1  }
0x3: {  	s4 =	ssub.s32 $0x2, s0;
	s3 =	sor.u32 s0, s1  }
0x4: {  	s0 =	rddreg [dreg:$0x0];
	s11 =	sshrl.u32 s4, $0x1;
	s6 =	sshll.u32 s3, $0x10  }
0x5: {  	s2 =	rddreg [dreg:$0x1];
	s5 =	ssub.s32 s4, s11;
	s13 =	sadd.s32 s0, s6  }
0x6: {  	v0 =	vlaneseq.u32;
	s12 =	sor.u32 $0xE00, s6;
	s14 =	sadd.s32 s2, s6;
	[dreg:$0x4] =	wrdreg s13  }
0x7: {  	v1 =	vmul.u32 $0x10, v0;
	s16 =	sor.u32 $0x1C00, s6;
	[dreg:$0x5] =	wrdreg s14;
	s15 =	sadd.s32 s0, s12  }
0x8: {  	s17 =	sor.u32 $0x2A00, s6;
	s1 =	sadd.s32 s2, s12;
	[dreg:$0x6] =	wrdreg s15  }
0x9: {  	v5 =	vor.u32 $0x1, v1;
	s20 =	sor.u32 $0x3800, s6;
	s7 =	sadd.s32 s0, s16;
	[dreg:$0x7] =	wrdreg s1  }
0xa: {  	s21 =	sor.u32 $0x4600, s6;
	[tilespmem:$0x1FE80] =	vst v5;
	v5 =	vor.u32 $0x2, v1;
	s18 =	sadd.s32 s0, s17;
	[dreg:$0x8] =	wrdreg s7  }
0xb: {  	s25 =	sor.u32 $0x5400, s6;
	s19 =	sadd.s32 s2, s17;
	[tilespmem:$0x1FE90] =	vst v5;
	v5 =	vor.u32 $0x3, v1;
	[dreg:$0xa] =	wrdreg s18  }
0xc: {  	s4 =	sshllo.u32 s3, $0x1;
	s22 =	sadd.s32 s0, s20;
	[dreg:$0xb] =	wrdreg s19;
	[tilespmem:$0x1FEA0] =	vst v5;
	v5 =	vor.u32 $0x4, v1  }
0xd: {  	s6 =	sor.u32 $0x6200, s6;
	s23 =	sadd.s32 s0, s21;
	[dreg:$0xc] =	wrdreg s22;
	[tilespmem:$0x1FEB0] =	vst v5;
	v5 =	vor.u32 $0x5, v1  }
0xe: {  	s3 =	sshll.u32 s3, $0x4;
	s24 =	sadd.s32 s2, s21;
	[dreg:$0xe] =	wrdreg s23;
	[tilespmem:$0x1FEC0] =	vst v5;
	v5 =	vor.u32 $0x6, v1  }
0xf: {  	s26 =	sadd.s32 s0, s25;
	s8 =	sshll.u32 s4, $0xF;
	[dreg:$0xf] =	wrdreg s24;
	[tilespmem:$0x1FED0] =	vst v5;
	v5 =	vor.u32 $0x7, v1  }
0x10: {  	s9 =	sadd.s32 s0, s6;
	s6 =	sadd.s32 s2, s6;
	[dreg:$0x10] =	wrdreg s26;
	[tilespmem:$0x1FEE0] =	vst v5;
	v5 =	vor.u32 $0x8, v1  }
0x11: {  	v2 =	vimm.f32 $0.0e+00;
	v4 =	vor.u32 $0x410, v0;
	s4 =	sshll.u32 s4, $0x3;
	s5 =	smax.u32 s5, $0x1;
	[dreg:$0x12] =	wrdreg s9;
	[tilespmem:$0x1FEF0] =	vst v5;
	v5 =	vor.u32 $0x9, v1  }
0x12: {  	v29 =	vor.u32 $0x109, v1;
	v30 =	vor.u32 $0x10A, v1;
	s1 =	sadd.s32 s2, s16;
	s10 =	sor.u32 $0xE00, s8;
	[dreg:$0x13] =	wrdreg s6;
	[tilespmem:$0x1FF00] =	vst v5;
	v5 =	vor.u32 $0xA, v1  }
0x13: {  	v3 =	vimm.f32 $1.000000000e+00;
	v31 =	vor.u32 $0x10B, v1;
	s12 =	sor.u32 $0x1C00, s8;
	s14 =	sor.u32 $0x2A00, s8;
	s15 =	sor.u32 $0x3800, s8;
	[tilespmem:$0x1FF10] =	vst v5;
	v5 =	vor.u32 $0xB, v1  }
0x14: {  	v32 =	vor.u32 $0x10C, v1;
	v33 =	vor.u32 $0x10D, v1;
	s16 =	sor.u32 $0x4600, s8;
	s17 =	sor.u32 $0x5400, s8;
	s30 =	sadd.s32 s0, s8;
	[tilespmem:$0x1FF20] =	vst v5;
	v5 =	vor.u32 $0xC, v1  }
0x15: {  	v34 =	vor.u32 $0x10E, v1;
	v35 =	vor.u32 $0x10F, v1;
	s31 =	sadd.s32 s2, s8;
	s18 =	sor.u32 $0x6200, s8;
	s19 =	rddreg [dreg:$0x2];
	[tilespmem:$0x1FF30] =	vst v5;
	v5 =	vor.u32 $0xD, v1  }
0x16: {  	v36 =	vor.u32 $0x200, v1;
	v37 =	vor.u32 $0x201, v1;
	s7 =	simm.s32 $0x7000;
	s8 =	simm.s32 $0x15000;
	s9 =	simm.s32 $0x1;
	[tilespmem:$0x1FF40] =	vst v5;
	v5 =	vor.u32 $0xE, v1  }
0x17: {  	v38 =	vor.u32 $0x202, v1;
	v39 =	vor.u32 $0x203, v1;
	[dreg:$0x9] =	wrdreg s1;
	s1 =	sadd.s32 s2, s20;
	s11 =	sadd.s32 s0, s10;
	[tilespmem:$0x1FF50] =	vst v5;
	v5 =	vor.u32 $0xF, v1  }
0x18: {  	v40 =	vor.u32 $0x204, v1;
	v41 =	vor.u32 $0x205, v1;
	s13 =	sadd.s32 s0, s12;
	s6 =	sadd.s32 s2, s12;
	s21 =	sadd.s32 s0, s14;
	[tilespmem:$0x1FF60] =	vst v5;
	v5 =	vor.u32 $0x100, v1  }
0x19: {  	v42 =	vor.u32 $0x206, v1;
	v43 =	vor.u32 $0x207, v1;
	s22 =	sadd.s32 s2, s14;
	s23 =	sadd.s32 s0, s15;
	s24 =	sadd.s32 s2, s15;
	[tilespmem:$0x1FF70] =	vst v5;
	v5 =	vor.u32 $0x101, v1  }
0x1a: {  	v44 =	vor.u32 $0x208, v1;
	v45 =	vor.u32 $0x209, v1;
	s26 =	sadd.s32 s2, s16;
	s28 =	sadd.s32 s0, s17;
	[dreg:$0xd] =	wrdreg s1;
	[tilespmem:$0x1FF80] =	vst v5;
	v5 =	vor.u32 $0x102, v1  }
0x1b: {  	v46 =	vor.u32 $0x20A, v1;
	v47 =	vor.u32 $0x20B, v1;
	s29 =	sadd.s32 s2, s17;
	s20 =	sadd.s32 $0x400, s19;
	[dreg:$0x14] =	wrdreg s11;
	[tilespmem:$0x1FF90] =	vst v5;
	v5 =	vor.u32 $0x103, v1  }
0x1c: {  	v48 =	vor.u32 $0x20C, v1;
	v49 =	vor.u32 $0x20D, v1;
	s12 =	simm.s32 $0x2;
	s15 =	simm.s32 $0x5;
	[dreg:$0x16] =	wrdreg s13;
	[tilespmem:$0x1FFA0] =	vst v5;
	v5 =	vor.u32 $0x104, v1  }
0x1d: {  	v50 =	vor.u32 $0x20E, v1;
	v51 =	vor.u32 $0x20F, v1;
	s1 =	sadd.s32 s2, s25;
	[dreg:$0x17] =	wrdreg s6;
	s25 =	sadd.s32 s0, s16;
	[tilespmem:$0x1FFB0] =	vst v5;
	v5 =	vor.u32 $0x105, v1  }
0x1e: {  	v52 =	vor.u32 $0x300, v1;
	v53 =	vor.u32 $0x301, v1;
	s0 =	sadd.s32 s0, s18;
	s3 =	sadd.s32 s20, s3;
	s4 =	sadd.s32 s20, s4;
	[tilespmem:$0x1FFC0] =	vst v5;
	v5 =	vor.u32 $0x106, v1  }
0x1f: {  	v54 =	vor.u32 $0x302, v1;
	v55 =	vor.u32 $0x303, v1;
	s6 =	simm.s32 $0xE000;
	[dreg:$0x11] =	wrdreg s1;
	s1 =	sadd.s32 s2, s10;
	[tilespmem:$0x1FFD0] =	vst v5;
	v5 =	vor.u32 $0x107, v1  }
0x20: {  	v56 =	vor.u32 $0x304, v1;
	v57 =	vor.u32 $0x305, v1;
	s11 =	simm.s32 $0x1C000;
	[dreg:$0x15] =	wrdreg s1;
	s1 =	simm.s32 $0x0;
	[tilespmem:$0x1FFE0] =	vst v5;
	v5 =	vor.u32 $0x108, v1  }
0x21: {  	v58 =	vor.u32 $0x306, v1;
	v59 =	vor.u32 $0x307, v1;
	v60 =	vor.u32 $0x308, v1;
	s13 =	simm.s32 $0x4;
	s16 =	simm.s32 $0x0;
	[smem:$0x7FF] =	sst s1;
	[tilespmem:$0x1FFF0] =	vst v5  }
0x22: {  	v61 =	vor.u32 $0x309, v1;
	v62 =	vor.u32 $0x30A, v1;
	v63 =	vor.u32 $0x30B, v1;
	s2 =	sadd.s32 s2, s18;
	s10 =	simm.s32 $0x3;
	_ =	strace $0x80000047  }
.LBB2_1:
0x23: {  	s17 =	simm.s32 $0x40;
	s18 =	simm.s32 $0x0  }
.LBB2_2:
0x24: {  	p0 =	sne.s32 s17, $0x2040;
	[tilespmem:s18+$0x1C000] =	vst v2;
	s18 =	smov.u32 s17;
	s17 =	sadd.s32 $0x40, s17  }
.Ltmp0:
0x25: {  	(pc) =	sbr.rel @p0 .LBB2_2-.Ltmp0, $2  }
0x26: {  	_ =	sdelay $0x2  }
0x27: {  	s18 =	sshra.s32 s18, $0x2  }
0x28: {  	[tilespmem:s18+$0x1C000] =	vst v2;
	s17 =	simm.s32 $0x0;
	s14 =	rddreg [dreg:$0x4]  }
0x29: {  	[tilespmem:s17], [sflag:$0x1] =	stream.linear.gather [hbm4b:s14+s17], $0x7000, $0x38;
	[tilespmem:$0x1C900] =	vst v63  }
0x2a: {  	s19 =	rddreg [dreg:$0x5]  }
0x2b: {  	[tilespmem:s6], [sflag:$0x3] =	stream.linear.gather [hbm4b:s19+s17], $0x7000, $0x38;
	[tilespmem:$0x1C900] =	vst v63  }
0x2c: {  	s20 =	rddreg [dreg:$0x6]  }
0x2d: {  	[tilespmem:s7], [sflag:$0x2] =	stream.linear.gather [hbm4b:s20+s17], $0x7000, $0x38;
	[tilespmem:$0x1C900] =	vst v63  }
0x2e: {  	s18 =	rddreg [dreg:$0x7]  }
0x2f: {  	[tilespmem:s8], [sflag:$0x4] =	stream.linear.gather [hbm4b:s18+s17], $0x7000, $0x38;
	[tilespmem:$0x1C900] =	vst v63  }
0x30: {  	_ =	swait.ge [sflag:s9], $0x7000  }
0x31: {  	s19 =	simm.s32 $0x0;
	[sflag:s9] =	ssyncset.done $0x0  }
0x32: {  	s18 =	sand.u32 $0x7000, s19;
	[sflag:s9] =	ssyncadd.s32 $0xFFFF9000  }
0x33: {  	s17 =	sand.u32 $0xC00, s17;
	s19 =	simm.s32 $0x0;
	_ =	swait.ge [sflag:s10], $0x7000  }
0x34: {  	s17 =	sor.u32 s17, s18;
	s20 =	sand.u32 $0x380, s19;
	[sflag:s10] =	ssyncset.done $0x0  }
0x35: {  	s18 =	sor.u32 s20, s17;
	[sflag:s10] =	ssyncadd.s32 $0xFFFF9000  }
0x36: {  	v5 =	vld [tilespmem:s18+$0x70];
	_ =	sdelay $0x1  }
0x37: {  	v6 =	vld [tilespmem:s18+$0xE070];
	_ =	sdelay $0x1  }
0x38: {  	v7 =	vld [tilespmem:s18+$0x0]  }
0x39: {  	v8 =	vld [tilespmem:s18+$0x10];
	v5 =	vmul.f32 $6.400000000e+01, v5  }
0x3a: {  	v9 =	vld [tilespmem:s18+$0x20]  }
0x3b: {  	v10 =	vld [tilespmem:s18+$0x30];
	v5 =	vadd.f32 v6, v5  }
0x3c: {  	v11 =	vld [tilespmem:s18+$0x50]  }
0x3d: {  	v13 =	vld [tilespmem:s18+$0xE000];
	v5 =	vtrunc.f32 v5  }
0x3e: {  	v14 =	vld [tilespmem:s18+$0xE010];
	v5 =	vcvt.f32.s32 v5  }
0x3f: {  	v15 =	vld [tilespmem:s18+$0xE020]  }
0x40: {  	v16 =	vld [tilespmem:s18+$0xE030];
	v5 =	vshll.u32 v5, $0x4  }
0x41: {  	v18 =	vld [tilespmem:s18+$0xE050];
	v5 =	vor.u32 v0, v5  }
0x42: {  	v12 =	vld [tilespmem:s18+$0x60];
	v7 =	vmul.f32 $6.400000000e+01, v7;
	v8 =	vmul.f32 $6.400000000e+01, v8  }
0x43: {  	s14 =	simm.s32 $0x80;
	s17 =	simm.s32 $0x400;
	v17 =	vld [tilespmem:s18+$0xE040];
	v9 =	vmul.f32 $6.400000000e+01, v9;
	v10 =	vmul.f32 $6.400000000e+01, v10  }
0x44: {  	s19 =	sand.u32 $0x7000, s14;
	s14 =	simm.s32 $0x20;
	s20 =	sand.u32 $0xC00, s17;
	v11 =	vmul.f32 $6.400000000e+01, v11;
	v6 =	vld [tilespmem:s18+$0x40];
	v7 =	vadd.f32 v13, v7;
	v8 =	vadd.f32 v14, v8  }
0x45: {  	s14 =	sand.u32 $0x380, s14;
	s20 =	sor.u32 s20, s19;
	v13 =	vld [tilespmem:s18+$0xE060];
	v9 =	vadd.f32 v15, v9;
	v10 =	vadd.f32 v16, v10  }
0x46: {  	s18 =	sor.u32 s14, s20;
	v11 =	vadd.f32 v18, v11;
	v7 =	vtrunc.f32 v7;
	v8 =	vtrunc.f32 v8;
	[tilespmem:v5+s11+$0x0] =	vst.idx.add.f32.msk $0xffff, v3  }
0x47: {  	v9 =	vtrunc.f32 v9;
	v5 =	vmul.f32 $6.400000000e+01, v12;
	v12 =	vld [tilespmem:s18+$0x70]  }
0x48: {  	v14 =	vld [tilespmem:s18+$0x0];
	v10 =	vtrunc.f32 v10;
	v11 =	vtrunc.f32 v11  }
0x49: {  	v15 =	vld [tilespmem:s18+$0xE070];
	v7 =	vcvt.f32.s32 v7;
	v8 =	vcvt.f32.s32 v8  }
0x4a: {  	v16 =	vld [tilespmem:s18+$0x10];
	v10 =	vcvt.f32.s32 v10;
	v6 =	vmul.f32 $6.400000000e+01, v6  }
0x4b: {  	v18 =	vld [tilespmem:s18+$0x40];
	v9 =	vcvt.f32.s32 v9;
	v11 =	vcvt.f32.s32 v11;
	v8 =	vshll.u32 v8, $0x4  }
0x4c: {  	v19 =	vld [tilespmem:s18+$0x50];
	v10 =	vshll.u32 v10, $0x4;
	v6 =	vadd.f32 v17, v6;
	v12 =	vmul.f32 $6.400000000e+01, v12  }
0x4d: {  	v21 =	vld [tilespmem:s18+$0xE000];
	v7 =	vshll.u32 v7, $0x4;
	v22 =	vor.u32 v0, v8;
	v8 =	vor.u32 v0, v10  }
0x4e: {  	v20 =	vld [tilespmem:s18+$0x60];
	v10 =	vmul.f32 $6.400000000e+01, v14;
	v6 =	vtrunc.f32 v6;
	v12 =	vadd.f32 v15, v12  }
0x4f: {  	v9 =	vshll.u32 v9, $0x4;
	v16 =	vmul.f32 $6.400000000e+01, v16;
	v17 =	vld [tilespmem:s18+$0x30];
	v6 =	vcvt.f32.s32 v6  }
0x50: {  	v5 =	vadd.f32 v13, v5;
	v13 =	vld [tilespmem:s18+$0x20];
	v15 =	vor.u32 v0, v7;
	v7 =	vtrunc.f32 v12  }
0x51: {  	v11 =	vshll.u32 v11, $0x4;
	v27 =	vmul.f32 $6.400000000e+01, v18;
	v12 =	vld [tilespmem:s18+$0xE010];
	v23 =	vcvt.f32.s32 v7  }
0x52: {  	v24 =	vld [tilespmem:s18+$0xE020];
	v21 =	vadd.f32 v21, v10;
	v6 =	vshll.u32 v6, $0x4;
	v5 =	vtrunc.f32 v5  }
0x53: {  	v25 =	vld [tilespmem:s18+$0xE030];
	v7 =	vor.u32 v0, v6;
	v6 =	vor.u32 v0, v11;
	v11 =	vshll.u32 v23, $0x4  }
0x54: {  	v10 =	vmul.f32 $6.400000000e+01, v20;
	v5 =	vcvt.f32.s32 v5;
	v23 =	vld [tilespmem:s18+$0xE040];
	v26 =	vor.u32 v0, v11  }
0x55: {  	v9 =	vor.u32 v0, v9;
	v14 =	vld [tilespmem:s18+$0xE050];
	v18 =	vtrunc.f32 v21;
	v13 =	vmul.f32 $6.400000000e+01, v13  }
0x56: {  	v17 =	vmul.f32 $6.400000000e+01, v17;
	v5 =	vshll.u32 v5, $0x4;
	v16 =	vadd.f32 v12, v16;
	v12 =	vld [tilespmem:s18+$0xE060]  }
0x57: {  	[tilespmem:v22+s11+$0x0] =	vst.idx.add.f32.msk $0xffff, v3;
	v5 =	vor.u32 v0, v5;
	v11 =	vmul.f32 $6.400000000e+01, v19;
	v19 =	vadd.f32 v24, v13  }
0x58: {  	[tilespmem:v15+s11+$0x0] =	vst.idx.add.f32.msk $0xffff, v3;
	v15 =	vcvt.f32.s32 v18;
	v13 =	vtrunc.f32 v16;
	v16 =	vadd.f32 v25, v17  }
0x59: {  	s18 =	simm.s32 $0x8;
	v18 =	vtrunc.f32 v19;
	v13 =	vcvt.f32.s32 v13;
	v17 =	vadd.f32 v23, v27;
	[tilespmem:v26+s11+$0x0] =	vst.idx.add.f32.msk $0xffff, v3  }
.LBB2_4:
0x5a: {  	s18 =	sadd.s32 $0x8, s18;
	v18 =	vcvt.f32.s32 v18;
	v16 =	vtrunc.f32 v16;
	v11 =	vadd.f32 v14, v11;
	[tilespmem:v9+s11+$0x0] =	vst.idx.add.f32.msk $0xffff, v3  }
0x5b: {  	s17 =	sadd.s32 $0x400, s17;
	s14 =	sshll.u32 s18, $0x4;
	p0 =	slt.u32 s18, $0x6F8;
	v9 =	vcvt.f32.s32 v16;
	v14 =	vtrunc.f32 v17;
	v10 =	vadd.f32 v12, v10;
	[tilespmem:v8+s11+$0x0] =	vst.idx.add.f32.msk $0xffff, v3  }
0x5c: {  	s19 =	sand.u32 $0xC00, s17;
	s20 =	sshll.u32 s18, $0x2;
	v8 =	vshll.u32 v15, $0x4;
	s14 =	sand.u32 $0x7000, s14;
	v12 =	vcvt.f32.s32 v14;
	v11 =	vtrunc.f32 v11;
	[tilespmem:v7+s11+$0x0] =	vst.idx.add.f32.msk $0xffff, v3  }
0x5d: {  	v7 =	vshll.u32 v13, $0x4;
	s14 =	sor.u32 s19, s14;
	s19 =	sand.u32 $0x380, s20;
	v11 =	vcvt.f32.s32 v11;
	v10 =	vtrunc.f32 v10;
	[tilespmem:v6+s11+$0x0] =	vst.idx.add.f32.msk $0xffff, v3  }
0x5e: {  	v6 =	vshll.u32 v18, $0x4;
	v13 =	vshll.u32 v9, $0x4;
	s14 =	sor.u32 s19, s14;
	v10 =	vcvt.f32.s32 v10;
	[tilespmem:v5+s11+$0x0] =	vst.idx.add.f32.msk $0xffff, v3  }
0x5f: {  	v15 =	vor.u32 v0, v8;
	v5 =	vshll.u32 v12, $0x4;
	v14 =	vld [tilespmem:s14+$0x70];
	v11 =	vshll.u32 v11, $0x4  }
0x60: {  	v17 =	vor.u32 v0, v7;
	v9 =	vor.u32 v0, v6;
	v12 =	vld [tilespmem:s14+$0x0];
	v10 =	vshll.u32 v10, $0x4  }
0x61: {  	v8 =	vor.u32 v0, v13;
	v7 =	vor.u32 v0, v5;
	v6 =	vor.u32 v0, v11;
	v16 =	vld [tilespmem:s14+$0xE070]  }
0x62: {  	v5 =	vor.u32 v0, v10;
	v11 =	vld [tilespmem:s14+$0x10]  }
0x63: {  	v10 =	vld [tilespmem:s14+$0x20]  }
0x64: {  	v13 =	vld [tilespmem:s14+$0x30];
	v14 =	vmul.f32 $6.400000000e+01, v14  }
0x65: {  	v12 =	vmul.f32 $6.400000000e+01, v12;
	v18 =	vld [tilespmem:s14+$0x40]  }
0x66: {  	v19 =	vld [tilespmem:s14+$0x50];
	v14 =	vadd.f32 v16, v14  }
0x67: {  	v16 =	vmul.f32 $6.400000000e+01, v11;
	v20 =	vld [tilespmem:s14+$0x60]  }
0x68: {  	v21 =	vld [tilespmem:s14+$0xE000];
	v22 =	vmul.f32 $6.400000000e+01, v10;
	v10 =	vtrunc.f32 v14  }
0x69: {  	v23 =	vld [tilespmem:s14+$0xE010];
	v13 =	vmul.f32 $6.400000000e+01, v13;
	v10 =	vcvt.f32.s32 v10  }
0x6a: {  	v24 =	vld [tilespmem:s14+$0xE020];
	v25 =	vmul.f32 $6.400000000e+01, v18  }
0x6b: {  	v18 =	vld [tilespmem:s14+$0xE030];
	v11 =	vmul.f32 $6.400000000e+01, v19;
	v14 =	vshll.u32 v10, $0x4  }
0x6c: {  	v19 =	vld [tilespmem:s14+$0xE040];
	v10 =	vmul.f32 $6.400000000e+01, v20;
	v20 =	vor.u32 v0, v14  }
.Ltmp1:
0x6d: {  	v21 =	vadd.f32 v21, v12;
	v14 =	vld [tilespmem:s14+$0xE050];
	(pc) =	sbr.rel @p0 .LBB2_4-.Ltmp1, $4  }
0x6e: {  	v16 =	vadd.f32 v23, v16;
	v12 =	vld [tilespmem:s14+$0xE060]  }
0x6f: {  	v21 =	vtrunc.f32 v21;
	v22 =	vadd.f32 v24, v22;
	[tilespmem:v15+s11+$0x0] =	vst.idx.add.f32.msk $0xffff, v3  }
0x70: {  	v15 =	vcvt.f32.s32 v21;
	v21 =	vtrunc.f32 v16;
	v16 =	vadd.f32 v18, v13;
	[tilespmem:v17+s11+$0x0] =	vst.idx.add.f32.msk $0xffff, v3  }
0x71: {  	v13 =	vcvt.f32.s32 v21;
	v18 =	vtrunc.f32 v22;
	v17 =	vadd.f32 v19, v25;
	[tilespmem:v20+s11+$0x0] =	vst.idx.add.f32.msk $0xffff, v3  }
0x72: {  	_ = 	snop  }
0x73: {  	v18 =	vcvt.f32.s32 v18;
	v16 =	vtrunc.f32 v16  }
0x74: {  	v11 =	vadd.f32 v14, v11;
	v14 =	vcvt.f32.s32 v16;
	v16 =	vtrunc.f32 v17  }
0x75: {  	v10 =	vadd.f32 v12, v10;
	v12 =	vshll.u32 v15, $0x4;
	v15 =	vcvt.f32.s32 v16  }
0x76: {  	[tilespmem:v9+s11+$0x0] =	vst.idx.add.f32.msk $0xffff, v3;
	v9 =	vtrunc.f32 v11;
	v11 =	vshll.u32 v13, $0x4;
	v12 =	vor.u32 v0, v12  }
0x77: {  	[tilespmem:v8+s11+$0x0] =	vst.idx.add.f32.msk $0xffff, v3;
	v8 =	vcvt.f32.s32 v9;
	v9 =	vshll.u32 v18, $0x4;
	v11 =	vor.u32 v0, v11  }
0x78: {  	[tilespmem:v7+s11+$0x0] =	vst.idx.add.f32.msk $0xffff, v3;
	v7 =	vtrunc.f32 v10;
	v10 =	vshll.u32 v14, $0x4;
	v9 =	vor.u32 v0, v9  }
0x79: {  	[tilespmem:v6+s11+$0x0] =	vst.idx.add.f32.msk $0xffff, v3;
	v6 =	vcvt.f32.s32 v7;
	v7 =	vshll.u32 v15, $0x4;
	v10 =	vor.u32 v0, v10  }
0x7a: {  	[tilespmem:v5+s11+$0x0] =	vst.idx.add.f32.msk $0xffff, v3;
	v5 =	vshll.u32 v8, $0x4;
	v7 =	vor.u32 v0, v7  }
0x7b: {  	v6 =	vshll.u32 v6, $0x4;
	v5 =	vor.u32 v0, v5;
	[tilespmem:v12+s11+$0x0] =	vst.idx.add.f32.msk $0xffff, v3  }
0x7c: {  	v6 =	vor.u32 v0, v6;
	[tilespmem:v11+s11+$0x0] =	vst.idx.add.f32.msk $0xffff, v3  }
0x7d: {  	[tilespmem:v9+s11+$0x0] =	vst.idx.add.f32.msk $0xffff, v3  }
0x7e: {  	[tilespmem:v10+s11+$0x0] =	vst.idx.add.f32.msk $0xffff, v3  }
0x7f: {  	[tilespmem:v7+s11+$0x0] =	vst.idx.add.f32.msk $0xffff, v3  }
0x80: {  	[tilespmem:v5+s11+$0x0] =	vst.idx.add.f32.msk $0xffff, v3  }
0x81: {  	[tilespmem:v6+s11+$0x0] =	vst.idx.add.f32.msk $0xffff, v3  }
0x82: {  	s14 =	simm.s32 $0x0;
	s17 =	rddreg [dreg:$0x8]  }
0x83: {  	[tilespmem:s14], [sflag:$0x1] =	stream.linear.gather [hbm4b:s17+s14], $0x7000, $0x38;
	[tilespmem:$0x1C900] =	vst v63  }
0x84: {  	s20 =	rddreg [dreg:$0x9]  }
0x85: {  	[tilespmem:s6], [sflag:$0x3] =	stream.linear.gather [hbm4b:s20+s14], $0x7000, $0x38;
	[tilespmem:$0x1C900] =	vst v63  }
0x86: {  	_ =	swait.ge [sflag:s12], $0x7000  }
0x87: {  	s18 =	simm.s32 $0x0;
	[sflag:s12] =	ssyncset.done $0x0  }
0x88: {  	s17 =	sand.u32 $0x7000, s18;
	[sflag:s12] =	ssyncadd.s32 $0xFFFF9000  }
0x89: {  	s18 =	simm.s32 $0x0;
	s14 =	sand.u32 $0xC00, s14;
	_ =	swait.ge [sflag:s13], $0x7000  }
0x8a: {  	s19 =	sand.u32 $0x380, s18;
	s14 =	sor.u32 s14, s17;
	[sflag:s13] =	ssyncset.done $0x0  }
0x8b: {  	s14 =	sor.u32 s19, s14;
	[sflag:s13] =	ssyncadd.s32 $0xFFFF9000  }
0x8c: {  	v5 =	vld [tilespmem:s14+$0x7070];
	_ =	sdelay $0x1  }
0x8d: {  	v6 =	vld [tilespmem:s14+$0x15070];
	_ =	sdelay $0x1  }
0x8e: {  	v7 =	vld [tilespmem:s14+$0x7000]  }
0x8f: {  	v8 =	vld [tilespmem:s14+$0x7010];
	v5 =	vmul.f32 $6.400000000e+01, v5  }
0x90: {  	v9 =	vld [tilespmem:s14+$0x7020]  }
0x91: {  	v10 =	vld [tilespmem:s14+$0x7030];
	v5 =	vadd.f32 v6, v5  }
0x92: {  	v11 =	vld [tilespmem:s14+$0x7050]  }
0x93: {  	v13 =	vld [tilespmem:s14+$0x15000];
	v5 =	vtrunc.f32 v5  }
0x94: {  	v14 =	vld [tilespmem:s14+$0x15010];
	v5 =	vcvt.f32.s32 v5  }
0x95: {  	v15 =	vld [tilespmem:s14+$0x15020]  }
0x96: {  	s20 =	simm.s32 $0x80;
	s17 =	simm.s32 $0x400;
	v16 =	vld [tilespmem:s14+$0x15030];
	v5 =	vshll.u32 v5, $0x4  }
0x97: {  	s18 =	sand.u32 $0x7000, s20;
	s20 =	simm.s32 $0x20;
	s19 =	sand.u32 $0xC00, s17;
	v18 =	vld [tilespmem:s14+$0x15050];
	v5 =	vor.u32 v0, v5  }
0x98: {  	s20 =	sand.u32 $0x380, s20;
	s19 =	sor.u32 s19, s18;
	v12 =	vld [tilespmem:s14+$0x7060];
	v7 =	vmul.f32 $6.400000000e+01, v7;
	v8 =	vmul.f32 $6.400000000e+01, v8  }
0x99: {  	s18 =	sor.u32 s20, s19;
	v17 =	vld [tilespmem:s14+$0x15040];
	v9 =	vmul.f32 $6.400000000e+01, v9;
	v10 =	vmul.f32 $6.400000000e+01, v10  }
0x9a: {  	v19 =	vld [tilespmem:s18+$0x7050];
	v11 =	vmul.f32 $6.400000000e+01, v11;
	v7 =	vadd.f32 v13, v7;
	v8 =	vadd.f32 v14, v8  }
0x9b: {  	v6 =	vld [tilespmem:s14+$0x7040];
	v9 =	vadd.f32 v15, v9;
	v10 =	vadd.f32 v16, v10  }
0x9c: {  	v11 =	vadd.f32 v18, v11;
	v7 =	vtrunc.f32 v7;
	v8 =	vtrunc.f32 v8;
	[tilespmem:v5+s11+$0x0] =	vst.idx.add.f32.msk $0xffff, v3  }
0x9d: {  	v9 =	vtrunc.f32 v9;
	v5 =	vmul.f32 $6.400000000e+01, v12;
	v12 =	vld [tilespmem:s18+$0x7070]  }
0x9e: {  	v16 =	vld [tilespmem:s18+$0x7010];
	v10 =	vtrunc.f32 v10;
	v11 =	vtrunc.f32 v11  }
0x9f: {  	v15 =	vld [tilespmem:s18+$0x15070];
	v7 =	vcvt.f32.s32 v7;
	v8 =	vcvt.f32.s32 v8  }
0xa0: {  	v14 =	vld [tilespmem:s18+$0x7000];
	v9 =	vcvt.f32.s32 v9;
	v6 =	vmul.f32 $6.400000000e+01, v6  }
0xa1: {  	v13 =	vld [tilespmem:s14+$0x15060];
	v10 =	vcvt.f32.s32 v10;
	v11 =	vcvt.f32.s32 v11;
	v7 =	vshll.u32 v7, $0x4  }
0xa2: {  	v18 =	vld [tilespmem:s18+$0x7040];
	v8 =	vshll.u32 v8, $0x4;
	v6 =	vadd.f32 v17, v6;
	v12 =	vmul.f32 $6.400000000e+01, v12  }
0xa3: {  	v21 =	vld [tilespmem:s18+$0x15000];
	v9 =	vshll.u32 v9, $0x4;
	v10 =	vshll.u32 v10, $0x4;
	v16 =	vmul.f32 $6.400000000e+01, v16  }
0xa4: {  	v20 =	vld [tilespmem:s18+$0x7060];
	v22 =	vor.u32 v0, v8;
	v6 =	vtrunc.f32 v6;
	v12 =	vadd.f32 v15, v12  }
0xa5: {  	v8 =	vor.u32 v0, v10;
	v10 =	vmul.f32 $6.400000000e+01, v14;
	v17 =	vld [tilespmem:s18+$0x7030];
	v6 =	vcvt.f32.s32 v6  }
0xa6: {  	v5 =	vadd.f32 v13, v5;
	v13 =	vld [tilespmem:s18+$0x7020];
	v15 =	vor.u32 v0, v7;
	v7 =	vtrunc.f32 v12  }
0xa7: {  	v11 =	vshll.u32 v11, $0x4;
	v27 =	vmul.f32 $6.400000000e+01, v18;
	v12 =	vld [tilespmem:s18+$0x15010];
	v23 =	vcvt.f32.s32 v7  }
0xa8: {  	v24 =	vld [tilespmem:s18+$0x15020];
	v21 =	vadd.f32 v21, v10;
	v6 =	vshll.u32 v6, $0x4;
	v5 =	vtrunc.f32 v5  }
0xa9: {  	v25 =	vld [tilespmem:s18+$0x15030];
	v7 =	vor.u32 v0, v6;
	v6 =	vor.u32 v0, v11;
	v11 =	vshll.u32 v23, $0x4  }
0xaa: {  	v10 =	vmul.f32 $6.400000000e+01, v20;
	v5 =	vcvt.f32.s32 v5;
	v23 =	vld [tilespmem:s18+$0x15040];
	v26 =	vor.u32 v0, v11  }
0xab: {  	v9 =	vor.u32 v0, v9;
	v14 =	vld [tilespmem:s18+$0x15050];
	v18 =	vtrunc.f32 v21;
	v13 =	vmul.f32 $6.400000000e+01, v13  }
0xac: {  	v17 =	vmul.f32 $6.400000000e+01, v17;
	v5 =	vshll.u32 v5, $0x4;
	v16 =	vadd.f32 v12, v16;
	v12 =	vld [tilespmem:s18+$0x15060]  }
0xad: {  	[tilespmem:v22+s11+$0x0] =	vst.idx.add.f32.msk $0xffff, v3;
	v5 =	vor.u32 v0, v5;
	v11 =	vmul.f32 $6.400000000e+01, v19;
	v19 =	vadd.f32 v24, v13  }
0xae: {  	[tilespmem:v15+s11+$0x0] =	vst.idx.add.f32.msk $0xffff, v3;
	v15 =	vcvt.f32.s32 v18;
	v13 =	vtrunc.f32 v16;
	v16 =	vadd.f32 v25, v17  }
0xaf: {  	s18 =	simm.s32 $0x8;
	v18 =	vtrunc.f32 v19;
	v13 =	vcvt.f32.s32 v13;
	v17 =	vadd.f32 v23, v27;
	[tilespmem:v26+s11+$0x0] =	vst.idx.add.f32.msk $0xffff, v3  }
.LBB2_6:
0xb0: {  	s18 =	sadd.s32 $0x8, s18;
	v18 =	vcvt.f32.s32 v18;
	v16 =	vtrunc.f32 v16;
	v11 =	vadd.f32 v14, v11;
	[tilespmem:v9+s11+$0x0] =	vst.idx.add.f32.msk $0xffff, v3  }
0xb1: {  	s17 =	sadd.s32 $0x400, s17;
	s14 =	sshll.u32 s18, $0x4;
	p0 =	slt.u32 s18, $0x6F8;
	v9 =	vcvt.f32.s32 v16;
	v14 =	vtrunc.f32 v17;
	v10 =	vadd.f32 v12, v10;
	[tilespmem:v8+s11+$0x0] =	vst.idx.add.f32.msk $0xffff, v3  }
0xb2: {  	s19 =	sand.u32 $0xC00, s17;
	s20 =	sshll.u32 s18, $0x2;
	v8 =	vshll.u32 v15, $0x4;
	s14 =	sand.u32 $0x7000, s14;
	v12 =	vcvt.f32.s32 v14;
	v11 =	vtrunc.f32 v11;
	[tilespmem:v7+s11+$0x0] =	vst.idx.add.f32.msk $0xffff, v3  }
0xb3: {  	v7 =	vshll.u32 v13, $0x4;
	s14 =	sor.u32 s19, s14;
	s19 =	sand.u32 $0x380, s20;
	v11 =	vcvt.f32.s32 v11;
	v10 =	vtrunc.f32 v10;
	[tilespmem:v6+s11+$0x0] =	vst.idx.add.f32.msk $0xffff, v3  }
0xb4: {  	v6 =	vshll.u32 v18, $0x4;
	v13 =	vshll.u32 v9, $0x4;
	s14 =	sor.u32 s19, s14;
	v10 =	vcvt.f32.s32 v10;
	[tilespmem:v5+s11+$0x0] =	vst.idx.add.f32.msk $0xffff, v3  }
0xb5: {  	v15 =	vor.u32 v0, v8;
	v5 =	vshll.u32 v12, $0x4;
	v14 =	vld [tilespmem:s14+$0x7070];
	v11 =	vshll.u32 v11, $0x4  }
0xb6: {  	v17 =	vor.u32 v0, v7;
	v9 =	vor.u32 v0, v6;
	v12 =	vld [tilespmem:s14+$0x7000];
	v10 =	vshll.u32 v10, $0x4  }
0xb7: {  	v8 =	vor.u32 v0, v13;
	v7 =	vor.u32 v0, v5;
	v6 =	vor.u32 v0, v11;
	v16 =	vld [tilespmem:s14+$0x15070]  }
0xb8: {  	v5 =	vor.u32 v0, v10;
	v11 =	vld [tilespmem:s14+$0x7010]  }
0xb9: {  	v10 =	vld [tilespmem:s14+$0x7020]  }
0xba: {  	v13 =	vld [tilespmem:s14+$0x7030];
	v14 =	vmul.f32 $6.400000000e+01, v14  }
0xbb: {  	v12 =	vmul.f32 $6.400000000e+01, v12;
	v18 =	vld [tilespmem:s14+$0x7040]  }
0xbc: {  	v19 =	vld [tilespmem:s14+$0x7050];
	v14 =	vadd.f32 v16, v14  }
0xbd: {  	v16 =	vmul.f32 $6.400000000e+01, v11;
	v20 =	vld [tilespmem:s14+$0x7060]  }
0xbe: {  	v21 =	vld [tilespmem:s14+$0x15000];
	v22 =	vmul.f32 $6.400000000e+01, v10;
	v10 =	vtrunc.f32 v14  }
0xbf: {  	v23 =	vld [tilespmem:s14+$0x15010];
	v13 =	vmul.f32 $6.400000000e+01, v13;
	v10 =	vcvt.f32.s32 v10  }
0xc0: {  	v24 =	vld [tilespmem:s14+$0x15020];
	v25 =	vmul.f32 $6.400000000e+01, v18  }
0xc1: {  	v18 =	vld [tilespmem:s14+$0x15030];
	v11 =	vmul.f32 $6.400000000e+01, v19;
	v14 =	vshll.u32 v10, $0x4  }
0xc2: {  	v19 =	vld [tilespmem:s14+$0x15040];
	v10 =	vmul.f32 $6.400000000e+01, v20;
	v20 =	vor.u32 v0, v14  }
.Ltmp2:
0xc3: {  	v21 =	vadd.f32 v21, v12;
	v14 =	vld [tilespmem:s14+$0x15050];
	(pc) =	sbr.rel @p0 .LBB2_6-.Ltmp2, $4  }
0xc4: {  	v16 =	vadd.f32 v23, v16;
	v12 =	vld [tilespmem:s14+$0x15060]  }
0xc5: {  	v21 =	vtrunc.f32 v21;
	v22 =	vadd.f32 v24, v22;
	[tilespmem:v15+s11+$0x0] =	vst.idx.add.f32.msk $0xffff, v3  }
0xc6: {  	v15 =	vcvt.f32.s32 v21;
	v21 =	vtrunc.f32 v16;
	v16 =	vadd.f32 v18, v13;
	[tilespmem:v17+s11+$0x0] =	vst.idx.add.f32.msk $0xffff, v3  }
0xc7: {  	v13 =	vcvt.f32.s32 v21;
	v18 =	vtrunc.f32 v22;
	v17 =	vadd.f32 v19, v25;
	[tilespmem:v20+s11+$0x0] =	vst.idx.add.f32.msk $0xffff, v3  }
0xc8: {  	_ = 	snop  }
0xc9: {  	v18 =	vcvt.f32.s32 v18;
	v16 =	vtrunc.f32 v16  }
0xca: {  	v11 =	vadd.f32 v14, v11;
	v14 =	vcvt.f32.s32 v16;
	v16 =	vtrunc.f32 v17  }
0xcb: {  	v10 =	vadd.f32 v12, v10;
	v12 =	vshll.u32 v15, $0x4;
	v15 =	vcvt.f32.s32 v16  }
0xcc: {  	[tilespmem:v9+s11+$0x0] =	vst.idx.add.f32.msk $0xffff, v3;
	v9 =	vtrunc.f32 v11;
	v11 =	vshll.u32 v13, $0x4;
	v12 =	vor.u32 v0, v12  }
0xcd: {  	[tilespmem:v8+s11+$0x0] =	vst.idx.add.f32.msk $0xffff, v3;
	v8 =	vcvt.f32.s32 v9;
	v9 =	vshll.u32 v18, $0x4;
	v11 =	vor.u32 v0, v11  }
0xce: {  	[tilespmem:v7+s11+$0x0] =	vst.idx.add.f32.msk $0xffff, v3;
	v7 =	vtrunc.f32 v10;
	v10 =	vshll.u32 v14, $0x4;
	v9 =	vor.u32 v0, v9  }
0xcf: {  	[tilespmem:v6+s11+$0x0] =	vst.idx.add.f32.msk $0xffff, v3;
	v6 =	vcvt.f32.s32 v7;
	v7 =	vshll.u32 v15, $0x4;
	v10 =	vor.u32 v0, v10  }
0xd0: {  	[tilespmem:v5+s11+$0x0] =	vst.idx.add.f32.msk $0xffff, v3;
	v5 =	vshll.u32 v8, $0x4;
	v7 =	vor.u32 v0, v7  }
0xd1: {  	v6 =	vshll.u32 v6, $0x4;
	v5 =	vor.u32 v0, v5;
	[tilespmem:v12+s11+$0x0] =	vst.idx.add.f32.msk $0xffff, v3  }
0xd2: {  	v6 =	vor.u32 v0, v6;
	[tilespmem:v11+s11+$0x0] =	vst.idx.add.f32.msk $0xffff, v3  }
0xd3: {  	[tilespmem:v9+s11+$0x0] =	vst.idx.add.f32.msk $0xffff, v3  }
0xd4: {  	[tilespmem:v10+s11+$0x0] =	vst.idx.add.f32.msk $0xffff, v3  }
0xd5: {  	[tilespmem:v7+s11+$0x0] =	vst.idx.add.f32.msk $0xffff, v3  }
0xd6: {  	[tilespmem:v5+s11+$0x0] =	vst.idx.add.f32.msk $0xffff, v3  }
0xd7: {  	[tilespmem:v6+s11+$0x0] =	vst.idx.add.f32.msk $0xffff, v3  }
0xd8: {  	s14 =	simm.s32 $0x0;
	s17 =	rddreg [dreg:$0xa]  }
0xd9: {  	[tilespmem:s7], [sflag:$0x2] =	stream.linear.gather [hbm4b:s17+s14], $0x7000, $0x38;
	[tilespmem:$0x1C900] =	vst v63  }
0xda: {  	s20 =	rddreg [dreg:$0xb]  }
0xdb: {  	[tilespmem:s8], [sflag:$0x4] =	stream.linear.gather [hbm4b:s20+s14], $0x7000, $0x38;
	[tilespmem:$0x1C900] =	vst v63  }
0xdc: {  	_ =	swait.ge [sflag:s9], $0x7000  }
0xdd: {  	s18 =	simm.s32 $0x0;
	[sflag:s9] =	ssyncset.done $0x0  }
0xde: {  	s17 =	sand.u32 $0x7000, s18;
	[sflag:s9] =	ssyncadd.s32 $0xFFFF9000  }
0xdf: {  	s18 =	simm.s32 $0x0;
	s14 =	sand.u32 $0xC00, s14;
	_ =	swait.ge [sflag:s10], $0x7000  }
0xe0: {  	s19 =	sand.u32 $0x380, s18;
	s14 =	sor.u32 s14, s17;
	[sflag:s10] =	ssyncset.done $0x0  }
0xe1: {  	s14 =	sor.u32 s19, s14;
	[sflag:s10] =	ssyncadd.s32 $0xFFFF9000  }
0xe2: {  	v5 =	vld [tilespmem:s14+$0x70];
	_ =	sdelay $0x1  }
0xe3: {  	v6 =	vld [tilespmem:s14+$0xE070];
	_ =	sdelay $0x1  }
0xe4: {  	v7 =	vld [tilespmem:s14+$0x0]  }
0xe5: {  	v8 =	vld [tilespmem:s14+$0x10];
	v5 =	vmul.f32 $6.400000000e+01, v5  }
0xe6: {  	v9 =	vld [tilespmem:s14+$0x20]  }
0xe7: {  	v10 =	vld [tilespmem:s14+$0x30];
	v5 =	vadd.f32 v6, v5  }
0xe8: {  	v11 =	vld [tilespmem:s14+$0x50]  }
0xe9: {  	v13 =	vld [tilespmem:s14+$0xE000];
	v5 =	vtrunc.f32 v5  }
0xea: {  	v14 =	vld [tilespmem:s14+$0xE010];
	v5 =	vcvt.f32.s32 v5  }
0xeb: {  	v15 =	vld [tilespmem:s14+$0xE020]  }
0xec: {  	s20 =	simm.s32 $0x80;
	s17 =	simm.s32 $0x400;
	v16 =	vld [tilespmem:s14+$0xE030];
	v5 =	vshll.u32 v5, $0x4  }
0xed: {  	s18 =	sand.u32 $0x7000, s20;
	s20 =	simm.s32 $0x20;
	s19 =	sand.u32 $0xC00, s17;
	v18 =	vld [tilespmem:s14+$0xE050];
	v5 =	vor.u32 v0, v5  }
0xee: {  	s20 =	sand.u32 $0x380, s20;
	s19 =	sor.u32 s19, s18;
	v12 =	vld [tilespmem:s14+$0x60];
	v7 =	vmul.f32 $6.400000000e+01, v7;
	v8 =	vmul.f32 $6.400000000e+01, v8  }
0xef: {  	s18 =	sor.u32 s20, s19;
	v17 =	vld [tilespmem:s14+$0xE040];
	v9 =	vmul.f32 $6.400000000e+01, v9;
	v10 =	vmul.f32 $6.400000000e+01, v10  }
0xf0: {  	v19 =	vld [tilespmem:s18+$0x50];
	v11 =	vmul.f32 $6.400000000e+01, v11;
	v7 =	vadd.f32 v13, v7;
	v8 =	vadd.f32 v14, v8  }
0xf1: {  	v6 =	vld [tilespmem:s14+$0x40];
	v9 =	vadd.f32 v15, v9;
	v10 =	vadd.f32 v16, v10  }
0xf2: {  	v11 =	vadd.f32 v18, v11;
	v7 =	vtrunc.f32 v7;
	v8 =	vtrunc.f32 v8;
	[tilespmem:v5+s11+$0x0] =	vst.idx.add.f32.msk $0xffff, v3  }
0xf3: {  	v9 =	vtrunc.f32 v9;
	v5 =	vmul.f32 $6.400000000e+01, v12;
	v12 =	vld [tilespmem:s18+$0x70]  }
0xf4: {  	v16 =	vld [tilespmem:s18+$0x10];
	v10 =	vtrunc.f32 v10;
	v11 =	vtrunc.f32 v11  }
0xf5: {  	v15 =	vld [tilespmem:s18+$0xE070];
	v7 =	vcvt.f32.s32 v7;
	v8 =	vcvt.f32.s32 v8  }
0xf6: {  	v14 =	vld [tilespmem:s18+$0x0];
	v9 =	vcvt.f32.s32 v9;
	v6 =	vmul.f32 $6.400000000e+01, v6  }
0xf7: {  	v13 =	vld [tilespmem:s14+$0xE060];
	v10 =	vcvt.f32.s32 v10;
	v11 =	vcvt.f32.s32 v11;
	v7 =	vshll.u32 v7, $0x4  }
0xf8: {  	v18 =	vld [tilespmem:s18+$0x40];
	v8 =	vshll.u32 v8, $0x4;
	v6 =	vadd.f32 v17, v6;
	v12 =	vmul.f32 $6.400000000e+01, v12  }
0xf9: {  	v21 =	vld [tilespmem:s18+$0xE000];
	v9 =	vshll.u32 v9, $0x4;
	v10 =	vshll.u32 v10, $0x4;
	v16 =	vmul.f32 $6.400000000e+01, v16  }
0xfa: {  	v20 =	vld [tilespmem:s18+$0x60];
	v22 =	vor.u32 v0, v8;
	v6 =	vtrunc.f32 v6;
	v12 =	vadd.f32 v15, v12  }
0xfb: {  	v8 =	vor.u32 v0, v10;
	v10 =	vmul.f32 $6.400000000e+01, v14;
	v17 =	vld [tilespmem:s18+$0x30];
	v6 =	vcvt.f32.s32 v6  }
0xfc: {  	v5 =	vadd.f32 v13, v5;
	v13 =	vld [tilespmem:s18+$0x20];
	v15 =	vor.u32 v0, v7;
	v7 =	vtrunc.f32 v12  }
0xfd: {  	v11 =	vshll.u32 v11, $0x4;
	v27 =	vmul.f32 $6.400000000e+01, v18;
	v12 =	vld [tilespmem:s18+$0xE010];
	v23 =	vcvt.f32.s32 v7  }
0xfe: {  	v24 =	vld [tilespmem:s18+$0xE020];
	v21 =	vadd.f32 v21, v10;
	v6 =	vshll.u32 v6, $0x4;
	v5 =	vtrunc.f32 v5  }
0xff: {  	v25 =	vld [tilespmem:s18+$0xE030];
	v7 =	vor.u32 v0, v6;
	v6 =	vor.u32 v0, v11;
	v11 =	vshll.u32 v23, $0x4  }
0x100: {  	v10 =	vmul.f32 $6.400000000e+01, v20;
	v5 =	vcvt.f32.s32 v5;
	v23 =	vld [tilespmem:s18+$0xE040];
	v26 =	vor.u32 v0, v11  }
0x101: {  	v9 =	vor.u32 v0, v9;
	v14 =	vld [tilespmem:s18+$0xE050];
	v18 =	vtrunc.f32 v21;
	v13 =	vmul.f32 $6.400000000e+01, v13  }
0x102: {  	v17 =	vmul.f32 $6.400000000e+01, v17;
	v5 =	vshll.u32 v5, $0x4;
	v16 =	vadd.f32 v12, v16;
	v12 =	vld [tilespmem:s18+$0xE060]  }
0x103: {  	[tilespmem:v22+s11+$0x0] =	vst.idx.add.f32.msk $0xffff, v3;
	v5 =	vor.u32 v0, v5;
	v11 =	vmul.f32 $6.400000000e+01, v19;
	v19 =	vadd.f32 v24, v13  }
0x104: {  	[tilespmem:v15+s11+$0x0] =	vst.idx.add.f32.msk $0xffff, v3;
	v15 =	vcvt.f32.s32 v18;
	v13 =	vtrunc.f32 v16;
	v16 =	vadd.f32 v25, v17  }
0x105: {  	s18 =	simm.s32 $0x8;
	v18 =	vtrunc.f32 v19;
	v13 =	vcvt.f32.s32 v13;
	v17 =	vadd.f32 v23, v27;
	[tilespmem:v26+s11+$0x0] =	vst.idx.add.f32.msk $0xffff, v3  }
.LBB2_8:
0x106: {  	s18 =	sadd.s32 $0x8, s18;
	v18 =	vcvt.f32.s32 v18;
	v16 =	vtrunc.f32 v16;
	v11 =	vadd.f32 v14, v11;
	[tilespmem:v9+s11+$0x0] =	vst.idx.add.f32.msk $0xffff, v3  }
0x107: {  	s17 =	sadd.s32 $0x400, s17;
	s14 =	sshll.u32 s18, $0x4;
	p0 =	slt.u32 s18, $0x6F8;
	v9 =	vcvt.f32.s32 v16;
	v14 =	vtrunc.f32 v17;
	v10 =	vadd.f32 v12, v10;
	[tilespmem:v8+s11+$0x0] =	vst.idx.add.f32.msk $0xffff, v3  }
0x108: {  	s19 =	sand.u32 $0xC00, s17;
	s20 =	sshll.u32 s18, $0x2;
	v8 =	vshll.u32 v15, $0x4;
	s14 =	sand.u32 $0x7000, s14;
	v12 =	vcvt.f32.s32 v14;
	v11 =	vtrunc.f32 v11;
	[tilespmem:v7+s11+$0x0] =	vst.idx.add.f32.msk $0xffff, v3  }
0x109: {  	v7 =	vshll.u32 v13, $0x4;
	s14 =	sor.u32 s19, s14;
	s19 =	sand.u32 $0x380, s20;
	v11 =	vcvt.f32.s32 v11;
	v10 =	vtrunc.f32 v10;
	[tilespmem:v6+s11+$0x0] =	vst.idx.add.f32.msk $0xffff, v3  }
0x10a: {  	v6 =	vshll.u32 v18, $0x4;
	v13 =	vshll.u32 v9, $0x4;
	s14 =	sor.u32 s19, s14;
	v10 =	vcvt.f32.s32 v10;
	[tilespmem:v5+s11+$0x0] =	vst.idx.add.f32.msk $0xffff, v3  }
0x10b: {  	v15 =	vor.u32 v0, v8;
	v5 =	vshll.u32 v12, $0x4;
	v14 =	vld [tilespmem:s14+$0x70];
	v11 =	vshll.u32 v11, $0x4  }
0x10c: {  	v17 =	vor.u32 v0, v7;
	v9 =	vor.u32 v0, v6;
	v12 =	vld [tilespmem:s14+$0x0];
	v10 =	vshll.u32 v10, $0x4  }
0x10d: {  	v8 =	vor.u32 v0, v13;
	v7 =	vor.u32 v0, v5;
	v6 =	vor.u32 v0, v11;
	v16 =	vld [tilespmem:s14+$0xE070]  }
0x10e: {  	v5 =	vor.u32 v0, v10;
	v11 =	vld [tilespmem:s14+$0x10]  }
0x10f: {  	v10 =	vld [tilespmem:s14+$0x20]  }
0x110: {  	v13 =	vld [tilespmem:s14+$0x30];
	v14 =	vmul.f32 $6.400000000e+01, v14  }
0x111: {  	v12 =	vmul.f32 $6.400000000e+01, v12;
	v18 =	vld [tilespmem:s14+$0x40]  }
0x112: {  	v19 =	vld [tilespmem:s14+$0x50];
	v14 =	vadd.f32 v16, v14  }
0x113: {  	v16 =	vmul.f32 $6.400000000e+01, v11;
	v20 =	vld [tilespmem:s14+$0x60]  }
0x114: {  	v21 =	vld [tilespmem:s14+$0xE000];
	v22 =	vmul.f32 $6.400000000e+01, v10;
	v10 =	vtrunc.f32 v14  }
0x115: {  	v23 =	vld [tilespmem:s14+$0xE010];
	v13 =	vmul.f32 $6.400000000e+01, v13;
	v10 =	vcvt.f32.s32 v10  }
0x116: {  	v24 =	vld [tilespmem:s14+$0xE020];
	v25 =	vmul.f32 $6.400000000e+01, v18  }
0x117: {  	v18 =	vld [tilespmem:s14+$0xE030];
	v11 =	vmul.f32 $6.400000000e+01, v19;
	v14 =	vshll.u32 v10, $0x4  }
0x118: {  	v19 =	vld [tilespmem:s14+$0xE040];
	v10 =	vmul.f32 $6.400000000e+01, v20;
	v20 =	vor.u32 v0, v14  }
.Ltmp3:
0x119: {  	v21 =	vadd.f32 v21, v12;
	v14 =	vld [tilespmem:s14+$0xE050];
	(pc) =	sbr.rel @p0 .LBB2_8-.Ltmp3, $4  }
0x11a: {  	v16 =	vadd.f32 v23, v16;
	v12 =	vld [tilespmem:s14+$0xE060]  }
0x11b: {  	v21 =	vtrunc.f32 v21;
	v22 =	vadd.f32 v24, v22;
	[tilespmem:v15+s11+$0x0] =	vst.idx.add.f32.msk $0xffff, v3  }
0x11c: {  	v15 =	vcvt.f32.s32 v21;
	v21 =	vtrunc.f32 v16;
	v16 =	vadd.f32 v18, v13;
	[tilespmem:v17+s11+$0x0] =	vst.idx.add.f32.msk $0xffff, v3  }
0x11d: {  	v13 =	vcvt.f32.s32 v21;
	v18 =	vtrunc.f32 v22;
	v17 =	vadd.f32 v19, v25;
	[tilespmem:v20+s11+$0x0] =	vst.idx.add.f32.msk $0xffff, v3  }
0x11e: {  	_ = 	snop  }
0x11f: {  	v18 =	vcvt.f32.s32 v18;
	v16 =	vtrunc.f32 v16  }
0x120: {  	v11 =	vadd.f32 v14, v11;
	v14 =	vcvt.f32.s32 v16;
	v16 =	vtrunc.f32 v17  }
0x121: {  	v10 =	vadd.f32 v12, v10;
	v12 =	vshll.u32 v15, $0x4;
	v15 =	vcvt.f32.s32 v16  }
0x122: {  	[tilespmem:v9+s11+$0x0] =	vst.idx.add.f32.msk $0xffff, v3;
	v9 =	vtrunc.f32 v11;
	v11 =	vshll.u32 v13, $0x4;
	v12 =	vor.u32 v0, v12  }
0x123: {  	[tilespmem:v8+s11+$0x0] =	vst.idx.add.f32.msk $0xffff, v3;
	v8 =	vcvt.f32.s32 v9;
	v9 =	vshll.u32 v18, $0x4;
	v11 =	vor.u32 v0, v11  }
0x124: {  	[tilespmem:v7+s11+$0x0] =	vst.idx.add.f32.msk $0xffff, v3;
	v7 =	vtrunc.f32 v10;
	v10 =	vshll.u32 v14, $0x4;
	v9 =	vor.u32 v0, v9  }
0x125: {  	[tilespmem:v6+s11+$0x0] =	vst.idx.add.f32.msk $0xffff, v3;
	v6 =	vcvt.f32.s32 v7;
	v7 =	vshll.u32 v15, $0x4;
	v10 =	vor.u32 v0, v10  }
0x126: {  	[tilespmem:v5+s11+$0x0] =	vst.idx.add.f32.msk $0xffff, v3;
	v5 =	vshll.u32 v8, $0x4;
	v7 =	vor.u32 v0, v7  }
0x127: {  	v6 =	vshll.u32 v6, $0x4;
	v5 =	vor.u32 v0, v5;
	[tilespmem:v12+s11+$0x0] =	vst.idx.add.f32.msk $0xffff, v3  }
0x128: {  	v6 =	vor.u32 v0, v6;
	[tilespmem:v11+s11+$0x0] =	vst.idx.add.f32.msk $0xffff, v3  }
0x129: {  	[tilespmem:v9+s11+$0x0] =	vst.idx.add.f32.msk $0xffff, v3  }
0x12a: {  	[tilespmem:v10+s11+$0x0] =	vst.idx.add.f32.msk $0xffff, v3  }
0x12b: {  	[tilespmem:v7+s11+$0x0] =	vst.idx.add.f32.msk $0xffff, v3  }
0x12c: {  	[tilespmem:v5+s11+$0x0] =	vst.idx.add.f32.msk $0xffff, v3  }
0x12d: {  	[tilespmem:v6+s11+$0x0] =	vst.idx.add.f32.msk $0xffff, v3  }
0x12e: {  	s14 =	simm.s32 $0x0;
	s17 =	rddreg [dreg:$0xc]  }
0x12f: {  	[tilespmem:s14], [sflag:$0x1] =	stream.linear.gather [hbm4b:s17+s14], $0x7000, $0x38;
	[tilespmem:$0x1C900] =	vst v63  }
0x130: {  	s20 =	rddreg [dreg:$0xd]  }
0x131: {  	[tilespmem:s6], [sflag:$0x3] =	stream.linear.gather [hbm4b:s20+s14], $0x7000, $0x38;
	[tilespmem:$0x1C900] =	vst v63  }
0x132: {  	_ =	swait.ge [sflag:s12], $0x7000  }
0x133: {  	s18 =	simm.s32 $0x0;
	[sflag:s12] =	ssyncset.done $0x0  }
0x134: {  	s17 =	sand.u32 $0x7000, s18;
	[sflag:s12] =	ssyncadd.s32 $0xFFFF9000  }
0x135: {  	s18 =	simm.s32 $0x0;
	s14 =	sand.u32 $0xC00, s14;
	_ =	swait.ge [sflag:s13], $0x7000  }
0x136: {  	s19 =	sand.u32 $0x380, s18;
	s14 =	sor.u32 s14, s17;
	[sflag:s13] =	ssyncset.done $0x0  }
0x137: {  	s14 =	sor.u32 s19, s14;
	[sflag:s13] =	ssyncadd.s32 $0xFFFF9000  }
0x138: {  	v5 =	vld [tilespmem:s14+$0x7070];
	_ =	sdelay $0x1  }
0x139: {  	v6 =	vld [tilespmem:s14+$0x15070];
	_ =	sdelay $0x1  }
0x13a: {  	v7 =	vld [tilespmem:s14+$0x7000]  }
0x13b: {  	v8 =	vld [tilespmem:s14+$0x7010];
	v5 =	vmul.f32 $6.400000000e+01, v5  }
0x13c: {  	v9 =	vld [tilespmem:s14+$0x7020]  }
0x13d: {  	v10 =	vld [tilespmem:s14+$0x7030];
	v5 =	vadd.f32 v6, v5  }
0x13e: {  	v11 =	vld [tilespmem:s14+$0x7050]  }
0x13f: {  	v13 =	vld [tilespmem:s14+$0x15000];
	v5 =	vtrunc.f32 v5  }
0x140: {  	v14 =	vld [tilespmem:s14+$0x15010];
	v5 =	vcvt.f32.s32 v5  }
0x141: {  	v15 =	vld [tilespmem:s14+$0x15020]  }
0x142: {  	s20 =	simm.s32 $0x80;
	s17 =	simm.s32 $0x400;
	v16 =	vld [tilespmem:s14+$0x15030];
	v5 =	vshll.u32 v5, $0x4  }
0x143: {  	s18 =	sand.u32 $0x7000, s20;
	s20 =	simm.s32 $0x20;
	s19 =	sand.u32 $0xC00, s17;
	v18 =	vld [tilespmem:s14+$0x15050];
	v5 =	vor.u32 v0, v5  }
0x144: {  	s20 =	sand.u32 $0x380, s20;
	s19 =	sor.u32 s19, s18;
	v12 =	vld [tilespmem:s14+$0x7060];
	v7 =	vmul.f32 $6.400000000e+01, v7;
	v8 =	vmul.f32 $6.400000000e+01, v8  }
0x145: {  	s18 =	sor.u32 s20, s19;
	v17 =	vld [tilespmem:s14+$0x15040];
	v9 =	vmul.f32 $6.400000000e+01, v9;
	v10 =	vmul.f32 $6.400000000e+01, v10  }
0x146: {  	v19 =	vld [tilespmem:s18+$0x7050];
	v11 =	vmul.f32 $6.400000000e+01, v11;
	v7 =	vadd.f32 v13, v7;
	v8 =	vadd.f32 v14, v8  }
0x147: {  	v6 =	vld [tilespmem:s14+$0x7040];
	v9 =	vadd.f32 v15, v9;
	v10 =	vadd.f32 v16, v10  }
0x148: {  	v11 =	vadd.f32 v18, v11;
	v7 =	vtrunc.f32 v7;
	v8 =	vtrunc.f32 v8;
	[tilespmem:v5+s11+$0x0] =	vst.idx.add.f32.msk $0xffff, v3  }
0x149: {  	v9 =	vtrunc.f32 v9;
	v5 =	vmul.f32 $6.400000000e+01, v12;
	v12 =	vld [tilespmem:s18+$0x7070]  }
0x14a: {  	v16 =	vld [tilespmem:s18+$0x7010];
	v10 =	vtrunc.f32 v10;
	v11 =	vtrunc.f32 v11  }
0x14b: {  	v15 =	vld [tilespmem:s18+$0x15070];
	v7 =	vcvt.f32.s32 v7;
	v8 =	vcvt.f32.s32 v8  }
0x14c: {  	v14 =	vld [tilespmem:s18+$0x7000];
	v9 =	vcvt.f32.s32 v9;
	v6 =	vmul.f32 $6.400000000e+01, v6  }
0x14d: {  	v13 =	vld [tilespmem:s14+$0x15060];
	v10 =	vcvt.f32.s32 v10;
	v11 =	vcvt.f32.s32 v11;
	v7 =	vshll.u32 v7, $0x4  }
0x14e: {  	v18 =	vld [tilespmem:s18+$0x7040];
	v8 =	vshll.u32 v8, $0x4;
	v6 =	vadd.f32 v17, v6;
	v12 =	vmul.f32 $6.400000000e+01, v12  }
0x14f: {  	v21 =	vld [tilespmem:s18+$0x15000];
	v9 =	vshll.u32 v9, $0x4;
	v10 =	vshll.u32 v10, $0x4;
	v16 =	vmul.f32 $6.400000000e+01, v16  }
0x150: {  	v20 =	vld [tilespmem:s18+$0x7060];
	v22 =	vor.u32 v0, v8;
	v6 =	vtrunc.f32 v6;
	v12 =	vadd.f32 v15, v12  }
0x151: {  	v8 =	vor.u32 v0, v10;
	v10 =	vmul.f32 $6.400000000e+01, v14;
	v17 =	vld [tilespmem:s18+$0x7030];
	v6 =	vcvt.f32.s32 v6  }
0x152: {  	v5 =	vadd.f32 v13, v5;
	v13 =	vld [tilespmem:s18+$0x7020];
	v15 =	vor.u32 v0, v7;
	v7 =	vtrunc.f32 v12  }
0x153: {  	v11 =	vshll.u32 v11, $0x4;
	v27 =	vmul.f32 $6.400000000e+01, v18;
	v12 =	vld [tilespmem:s18+$0x15010];
	v23 =	vcvt.f32.s32 v7  }
0x154: {  	v24 =	vld [tilespmem:s18+$0x15020];
	v21 =	vadd.f32 v21, v10;
	v6 =	vshll.u32 v6, $0x4;
	v5 =	vtrunc.f32 v5  }
0x155: {  	v25 =	vld [tilespmem:s18+$0x15030];
	v7 =	vor.u32 v0, v6;
	v6 =	vor.u32 v0, v11;
	v11 =	vshll.u32 v23, $0x4  }
0x156: {  	v10 =	vmul.f32 $6.400000000e+01, v20;
	v5 =	vcvt.f32.s32 v5;
	v23 =	vld [tilespmem:s18+$0x15040];
	v26 =	vor.u32 v0, v11  }
0x157: {  	v9 =	vor.u32 v0, v9;
	v14 =	vld [tilespmem:s18+$0x15050];
	v18 =	vtrunc.f32 v21;
	v13 =	vmul.f32 $6.400000000e+01, v13  }
0x158: {  	v17 =	vmul.f32 $6.400000000e+01, v17;
	v5 =	vshll.u32 v5, $0x4;
	v16 =	vadd.f32 v12, v16;
	v12 =	vld [tilespmem:s18+$0x15060]  }
0x159: {  	[tilespmem:v22+s11+$0x0] =	vst.idx.add.f32.msk $0xffff, v3;
	v5 =	vor.u32 v0, v5;
	v11 =	vmul.f32 $6.400000000e+01, v19;
	v19 =	vadd.f32 v24, v13  }
0x15a: {  	[tilespmem:v15+s11+$0x0] =	vst.idx.add.f32.msk $0xffff, v3;
	v15 =	vcvt.f32.s32 v18;
	v13 =	vtrunc.f32 v16;
	v16 =	vadd.f32 v25, v17  }
0x15b: {  	s18 =	simm.s32 $0x8;
	v18 =	vtrunc.f32 v19;
	v13 =	vcvt.f32.s32 v13;
	v17 =	vadd.f32 v23, v27;
	[tilespmem:v26+s11+$0x0] =	vst.idx.add.f32.msk $0xffff, v3  }
.LBB2_10:
0x15c: {  	s18 =	sadd.s32 $0x8, s18;
	v18 =	vcvt.f32.s32 v18;
	v16 =	vtrunc.f32 v16;
	v11 =	vadd.f32 v14, v11;
	[tilespmem:v9+s11+$0x0] =	vst.idx.add.f32.msk $0xffff, v3  }
0x15d: {  	s17 =	sadd.s32 $0x400, s17;
	s14 =	sshll.u32 s18, $0x4;
	p0 =	slt.u32 s18, $0x6F8;
	v9 =	vcvt.f32.s32 v16;
	v14 =	vtrunc.f32 v17;
	v10 =	vadd.f32 v12, v10;
	[tilespmem:v8+s11+$0x0] =	vst.idx.add.f32.msk $0xffff, v3  }
0x15e: {  	s19 =	sand.u32 $0xC00, s17;
	s20 =	sshll.u32 s18, $0x2;
	v8 =	vshll.u32 v15, $0x4;
	s14 =	sand.u32 $0x7000, s14;
	v12 =	vcvt.f32.s32 v14;
	v11 =	vtrunc.f32 v11;
	[tilespmem:v7+s11+$0x0] =	vst.idx.add.f32.msk $0xffff, v3  }
0x15f: {  	v7 =	vshll.u32 v13, $0x4;
	s14 =	sor.u32 s19, s14;
	s19 =	sand.u32 $0x380, s20;
	v11 =	vcvt.f32.s32 v11;
	v10 =	vtrunc.f32 v10;
	[tilespmem:v6+s11+$0x0] =	vst.idx.add.f32.msk $0xffff, v3  }
0x160: {  	v6 =	vshll.u32 v18, $0x4;
	v13 =	vshll.u32 v9, $0x4;
	s14 =	sor.u32 s19, s14;
	v10 =	vcvt.f32.s32 v10;
	[tilespmem:v5+s11+$0x0] =	vst.idx.add.f32.msk $0xffff, v3  }
0x161: {  	v15 =	vor.u32 v0, v8;
	v5 =	vshll.u32 v12, $0x4;
	v14 =	vld [tilespmem:s14+$0x7070];
	v11 =	vshll.u32 v11, $0x4  }
0x162: {  	v17 =	vor.u32 v0, v7;
	v9 =	vor.u32 v0, v6;
	v12 =	vld [tilespmem:s14+$0x7000];
	v10 =	vshll.u32 v10, $0x4  }
0x163: {  	v8 =	vor.u32 v0, v13;
	v7 =	vor.u32 v0, v5;
	v6 =	vor.u32 v0, v11;
	v16 =	vld [tilespmem:s14+$0x15070]  }
0x164: {  	v5 =	vor.u32 v0, v10;
	v11 =	vld [tilespmem:s14+$0x7010]  }
0x165: {  	v10 =	vld [tilespmem:s14+$0x7020]  }
0x166: {  	v13 =	vld [tilespmem:s14+$0x7030];
	v14 =	vmul.f32 $6.400000000e+01, v14  }
0x167: {  	v12 =	vmul.f32 $6.400000000e+01, v12;
	v18 =	vld [tilespmem:s14+$0x7040]  }
0x168: {  	v19 =	vld [tilespmem:s14+$0x7050];
	v14 =	vadd.f32 v16, v14  }
0x169: {  	v16 =	vmul.f32 $6.400000000e+01, v11;
	v20 =	vld [tilespmem:s14+$0x7060]  }
0x16a: {  	v21 =	vld [tilespmem:s14+$0x15000];
	v22 =	vmul.f32 $6.400000000e+01, v10;
	v10 =	vtrunc.f32 v14  }
0x16b: {  	v23 =	vld [tilespmem:s14+$0x15010];
	v13 =	vmul.f32 $6.400000000e+01, v13;
	v10 =	vcvt.f32.s32 v10  }
0x16c: {  	v24 =	vld [tilespmem:s14+$0x15020];
	v25 =	vmul.f32 $6.400000000e+01, v18  }
0x16d: {  	v18 =	vld [tilespmem:s14+$0x15030];
	v11 =	vmul.f32 $6.400000000e+01, v19;
	v14 =	vshll.u32 v10, $0x4  }
0x16e: {  	v19 =	vld [tilespmem:s14+$0x15040];
	v10 =	vmul.f32 $6.400000000e+01, v20;
	v20 =	vor.u32 v0, v14  }
.Ltmp4:
0x16f: {  	v21 =	vadd.f32 v21, v12;
	v14 =	vld [tilespmem:s14+$0x15050];
	(pc) =	sbr.rel @p0 .LBB2_10-.Ltmp4, $4  }
0x170: {  	v16 =	vadd.f32 v23, v16;
	v12 =	vld [tilespmem:s14+$0x15060]  }
0x171: {  	v21 =	vtrunc.f32 v21;
	v22 =	vadd.f32 v24, v22;
	[tilespmem:v15+s11+$0x0] =	vst.idx.add.f32.msk $0xffff, v3  }
0x172: {  	v15 =	vcvt.f32.s32 v21;
	v21 =	vtrunc.f32 v16;
	v16 =	vadd.f32 v18, v13;
	[tilespmem:v17+s11+$0x0] =	vst.idx.add.f32.msk $0xffff, v3  }
0x173: {  	v13 =	vcvt.f32.s32 v21;
	v18 =	vtrunc.f32 v22;
	v17 =	vadd.f32 v19, v25;
	[tilespmem:v20+s11+$0x0] =	vst.idx.add.f32.msk $0xffff, v3  }
0x174: {  	_ = 	snop  }
0x175: {  	v18 =	vcvt.f32.s32 v18;
	v16 =	vtrunc.f32 v16  }
0x176: {  	v11 =	vadd.f32 v14, v11;
	v14 =	vcvt.f32.s32 v16;
	v16 =	vtrunc.f32 v17  }
0x177: {  	v10 =	vadd.f32 v12, v10;
	v12 =	vshll.u32 v15, $0x4;
	v15 =	vcvt.f32.s32 v16  }
0x178: {  	[tilespmem:v9+s11+$0x0] =	vst.idx.add.f32.msk $0xffff, v3;
	v9 =	vtrunc.f32 v11;
	v11 =	vshll.u32 v13, $0x4;
	v12 =	vor.u32 v0, v12  }
0x179: {  	[tilespmem:v8+s11+$0x0] =	vst.idx.add.f32.msk $0xffff, v3;
	v8 =	vcvt.f32.s32 v9;
	v9 =	vshll.u32 v18, $0x4;
	v11 =	vor.u32 v0, v11  }
0x17a: {  	[tilespmem:v7+s11+$0x0] =	vst.idx.add.f32.msk $0xffff, v3;
	v7 =	vtrunc.f32 v10;
	v10 =	vshll.u32 v14, $0x4;
	v9 =	vor.u32 v0, v9  }
0x17b: {  	[tilespmem:v6+s11+$0x0] =	vst.idx.add.f32.msk $0xffff, v3;
	v6 =	vcvt.f32.s32 v7;
	v7 =	vshll.u32 v15, $0x4;
	v10 =	vor.u32 v0, v10  }
0x17c: {  	[tilespmem:v5+s11+$0x0] =	vst.idx.add.f32.msk $0xffff, v3;
	v5 =	vshll.u32 v8, $0x4;
	v7 =	vor.u32 v0, v7  }
0x17d: {  	v6 =	vshll.u32 v6, $0x4;
	v5 =	vor.u32 v0, v5;
	[tilespmem:v12+s11+$0x0] =	vst.idx.add.f32.msk $0xffff, v3  }
0x17e: {  	v6 =	vor.u32 v0, v6;
	[tilespmem:v11+s11+$0x0] =	vst.idx.add.f32.msk $0xffff, v3  }
0x17f: {  	[tilespmem:v9+s11+$0x0] =	vst.idx.add.f32.msk $0xffff, v3  }
0x180: {  	[tilespmem:v10+s11+$0x0] =	vst.idx.add.f32.msk $0xffff, v3  }
0x181: {  	[tilespmem:v7+s11+$0x0] =	vst.idx.add.f32.msk $0xffff, v3  }
0x182: {  	[tilespmem:v5+s11+$0x0] =	vst.idx.add.f32.msk $0xffff, v3  }
0x183: {  	[tilespmem:v6+s11+$0x0] =	vst.idx.add.f32.msk $0xffff, v3  }
0x184: {  	s14 =	simm.s32 $0x0;
	s17 =	rddreg [dreg:$0xe]  }
0x185: {  	[tilespmem:s7], [sflag:$0x2] =	stream.linear.gather [hbm4b:s17+s14], $0x7000, $0x38;
	[tilespmem:$0x1C900] =	vst v63  }
0x186: {  	s20 =	rddreg [dreg:$0xf]  }
0x187: {  	[tilespmem:s8], [sflag:$0x4] =	stream.linear.gather [hbm4b:s20+s14], $0x7000, $0x38;
	[tilespmem:$0x1C900] =	vst v63  }
0x188: {  	_ =	swait.ge [sflag:s9], $0x7000  }
0x189: {  	s18 =	simm.s32 $0x0;
	[sflag:s9] =	ssyncset.done $0x0  }
0x18a: {  	s17 =	sand.u32 $0x7000, s18;
	[sflag:s9] =	ssyncadd.s32 $0xFFFF9000  }
0x18b: {  	s18 =	simm.s32 $0x0;
	s14 =	sand.u32 $0xC00, s14;
	_ =	swait.ge [sflag:s10], $0x7000  }
0x18c: {  	s19 =	sand.u32 $0x380, s18;
	s14 =	sor.u32 s14, s17;
	[sflag:s10] =	ssyncset.done $0x0  }
0x18d: {  	s14 =	sor.u32 s19, s14;
	[sflag:s10] =	ssyncadd.s32 $0xFFFF9000  }
0x18e: {  	v5 =	vld [tilespmem:s14+$0x70];
	_ =	sdelay $0x1  }
0x18f: {  	v6 =	vld [tilespmem:s14+$0xE070];
	_ =	sdelay $0x1  }
0x190: {  	v7 =	vld [tilespmem:s14+$0x0]  }
0x191: {  	v8 =	vld [tilespmem:s14+$0x10];
	v5 =	vmul.f32 $6.400000000e+01, v5  }
0x192: {  	v9 =	vld [tilespmem:s14+$0x20]  }
0x193: {  	v10 =	vld [tilespmem:s14+$0x30];
	v5 =	vadd.f32 v6, v5  }
0x194: {  	v11 =	vld [tilespmem:s14+$0x50]  }
0x195: {  	v13 =	vld [tilespmem:s14+$0xE000];
	v5 =	vtrunc.f32 v5  }
0x196: {  	v14 =	vld [tilespmem:s14+$0xE010];
	v5 =	vcvt.f32.s32 v5  }
0x197: {  	v15 =	vld [tilespmem:s14+$0xE020]  }
0x198: {  	s20 =	simm.s32 $0x80;
	s17 =	simm.s32 $0x400;
	v16 =	vld [tilespmem:s14+$0xE030];
	v5 =	vshll.u32 v5, $0x4  }
0x199: {  	s18 =	sand.u32 $0x7000, s20;
	s20 =	simm.s32 $0x20;
	s19 =	sand.u32 $0xC00, s17;
	v18 =	vld [tilespmem:s14+$0xE050];
	v5 =	vor.u32 v0, v5  }
0x19a: {  	s20 =	sand.u32 $0x380, s20;
	s19 =	sor.u32 s19, s18;
	v12 =	vld [tilespmem:s14+$0x60];
	v7 =	vmul.f32 $6.400000000e+01, v7;
	v8 =	vmul.f32 $6.400000000e+01, v8  }
0x19b: {  	s18 =	sor.u32 s20, s19;
	v17 =	vld [tilespmem:s14+$0xE040];
	v9 =	vmul.f32 $6.400000000e+01, v9;
	v10 =	vmul.f32 $6.400000000e+01, v10  }
0x19c: {  	v19 =	vld [tilespmem:s18+$0x50];
	v11 =	vmul.f32 $6.400000000e+01, v11;
	v7 =	vadd.f32 v13, v7;
	v8 =	vadd.f32 v14, v8  }
0x19d: {  	v6 =	vld [tilespmem:s14+$0x40];
	v9 =	vadd.f32 v15, v9;
	v10 =	vadd.f32 v16, v10  }
0x19e: {  	v11 =	vadd.f32 v18, v11;
	v7 =	vtrunc.f32 v7;
	v8 =	vtrunc.f32 v8;
	[tilespmem:v5+s11+$0x0] =	vst.idx.add.f32.msk $0xffff, v3  }
0x19f: {  	v9 =	vtrunc.f32 v9;
	v5 =	vmul.f32 $6.400000000e+01, v12;
	v12 =	vld [tilespmem:s18+$0x70]  }
0x1a0: {  	v16 =	vld [tilespmem:s18+$0x10];
	v10 =	vtrunc.f32 v10;
	v11 =	vtrunc.f32 v11  }
0x1a1: {  	v15 =	vld [tilespmem:s18+$0xE070];
	v7 =	vcvt.f32.s32 v7;
	v8 =	vcvt.f32.s32 v8  }
0x1a2: {  	v14 =	vld [tilespmem:s18+$0x0];
	v9 =	vcvt.f32.s32 v9;
	v6 =	vmul.f32 $6.400000000e+01, v6  }
0x1a3: {  	v13 =	vld [tilespmem:s14+$0xE060];
	v10 =	vcvt.f32.s32 v10;
	v11 =	vcvt.f32.s32 v11;
	v7 =	vshll.u32 v7, $0x4  }
0x1a4: {  	v18 =	vld [tilespmem:s18+$0x40];
	v8 =	vshll.u32 v8, $0x4;
	v6 =	vadd.f32 v17, v6;
	v12 =	vmul.f32 $6.400000000e+01, v12  }
0x1a5: {  	v21 =	vld [tilespmem:s18+$0xE000];
	v9 =	vshll.u32 v9, $0x4;
	v10 =	vshll.u32 v10, $0x4;
	v16 =	vmul.f32 $6.400000000e+01, v16  }
0x1a6: {  	v20 =	vld [tilespmem:s18+$0x60];
	v22 =	vor.u32 v0, v8;
	v6 =	vtrunc.f32 v6;
	v12 =	vadd.f32 v15, v12  }
0x1a7: {  	v8 =	vor.u32 v0, v10;
	v10 =	vmul.f32 $6.400000000e+01, v14;
	v17 =	vld [tilespmem:s18+$0x30];
	v6 =	vcvt.f32.s32 v6  }
0x1a8: {  	v5 =	vadd.f32 v13, v5;
	v13 =	vld [tilespmem:s18+$0x20];
	v15 =	vor.u32 v0, v7;
	v7 =	vtrunc.f32 v12  }
0x1a9: {  	v11 =	vshll.u32 v11, $0x4;
	v27 =	vmul.f32 $6.400000000e+01, v18;
	v12 =	vld [tilespmem:s18+$0xE010];
	v23 =	vcvt.f32.s32 v7  }
0x1aa: {  	v24 =	vld [tilespmem:s18+$0xE020];
	v21 =	vadd.f32 v21, v10;
	v6 =	vshll.u32 v6, $0x4;
	v5 =	vtrunc.f32 v5  }
0x1ab: {  	v25 =	vld [tilespmem:s18+$0xE030];
	v7 =	vor.u32 v0, v6;
	v6 =	vor.u32 v0, v11;
	v11 =	vshll.u32 v23, $0x4  }
0x1ac: {  	v10 =	vmul.f32 $6.400000000e+01, v20;
	v5 =	vcvt.f32.s32 v5;
	v23 =	vld [tilespmem:s18+$0xE040];
	v26 =	vor.u32 v0, v11  }
0x1ad: {  	v9 =	vor.u32 v0, v9;
	v14 =	vld [tilespmem:s18+$0xE050];
	v18 =	vtrunc.f32 v21;
	v13 =	vmul.f32 $6.400000000e+01, v13  }
0x1ae: {  	v17 =	vmul.f32 $6.400000000e+01, v17;
	v5 =	vshll.u32 v5, $0x4;
	v16 =	vadd.f32 v12, v16;
	v12 =	vld [tilespmem:s18+$0xE060]  }
0x1af: {  	[tilespmem:v22+s11+$0x0] =	vst.idx.add.f32.msk $0xffff, v3;
	v5 =	vor.u32 v0, v5;
	v11 =	vmul.f32 $6.400000000e+01, v19;
	v19 =	vadd.f32 v24, v13  }
0x1b0: {  	[tilespmem:v15+s11+$0x0] =	vst.idx.add.f32.msk $0xffff, v3;
	v15 =	vcvt.f32.s32 v18;
	v13 =	vtrunc.f32 v16;
	v16 =	vadd.f32 v25, v17  }
0x1b1: {  	s18 =	simm.s32 $0x8;
	v18 =	vtrunc.f32 v19;
	v13 =	vcvt.f32.s32 v13;
	v17 =	vadd.f32 v23, v27;
	[tilespmem:v26+s11+$0x0] =	vst.idx.add.f32.msk $0xffff, v3  }
.LBB2_12:
0x1b2: {  	s18 =	sadd.s32 $0x8, s18;
	v18 =	vcvt.f32.s32 v18;
	v16 =	vtrunc.f32 v16;
	v11 =	vadd.f32 v14, v11;
	[tilespmem:v9+s11+$0x0] =	vst.idx.add.f32.msk $0xffff, v3  }
0x1b3: {  	s17 =	sadd.s32 $0x400, s17;
	s14 =	sshll.u32 s18, $0x4;
	p0 =	slt.u32 s18, $0x6F8;
	v9 =	vcvt.f32.s32 v16;
	v14 =	vtrunc.f32 v17;
	v10 =	vadd.f32 v12, v10;
	[tilespmem:v8+s11+$0x0] =	vst.idx.add.f32.msk $0xffff, v3  }
0x1b4: {  	s19 =	sand.u32 $0xC00, s17;
	s20 =	sshll.u32 s18, $0x2;
	v8 =	vshll.u32 v15, $0x4;
	s14 =	sand.u32 $0x7000, s14;
	v12 =	vcvt.f32.s32 v14;
	v11 =	vtrunc.f32 v11;
	[tilespmem:v7+s11+$0x0] =	vst.idx.add.f32.msk $0xffff, v3  }
0x1b5: {  	v7 =	vshll.u32 v13, $0x4;
	s14 =	sor.u32 s19, s14;
	s19 =	sand.u32 $0x380, s20;
	v11 =	vcvt.f32.s32 v11;
	v10 =	vtrunc.f32 v10;
	[tilespmem:v6+s11+$0x0] =	vst.idx.add.f32.msk $0xffff, v3  }
0x1b6: {  	v6 =	vshll.u32 v18, $0x4;
	v13 =	vshll.u32 v9, $0x4;
	s14 =	sor.u32 s19, s14;
	v10 =	vcvt.f32.s32 v10;
	[tilespmem:v5+s11+$0x0] =	vst.idx.add.f32.msk $0xffff, v3  }
0x1b7: {  	v15 =	vor.u32 v0, v8;
	v5 =	vshll.u32 v12, $0x4;
	v14 =	vld [tilespmem:s14+$0x70];
	v11 =	vshll.u32 v11, $0x4  }
0x1b8: {  	v17 =	vor.u32 v0, v7;
	v9 =	vor.u32 v0, v6;
	v12 =	vld [tilespmem:s14+$0x0];
	v10 =	vshll.u32 v10, $0x4  }
0x1b9: {  	v8 =	vor.u32 v0, v13;
	v7 =	vor.u32 v0, v5;
	v6 =	vor.u32 v0, v11;
	v16 =	vld [tilespmem:s14+$0xE070]  }
0x1ba: {  	v5 =	vor.u32 v0, v10;
	v11 =	vld [tilespmem:s14+$0x10]  }
0x1bb: {  	v10 =	vld [tilespmem:s14+$0x20]  }
0x1bc: {  	v13 =	vld [tilespmem:s14+$0x30];
	v14 =	vmul.f32 $6.400000000e+01, v14  }
0x1bd: {  	v12 =	vmul.f32 $6.400000000e+01, v12;
	v18 =	vld [tilespmem:s14+$0x40]  }
0x1be: {  	v19 =	vld [tilespmem:s14+$0x50];
	v14 =	vadd.f32 v16, v14  }
0x1bf: {  	v16 =	vmul.f32 $6.400000000e+01, v11;
	v20 =	vld [tilespmem:s14+$0x60]  }
0x1c0: {  	v21 =	vld [tilespmem:s14+$0xE000];
	v22 =	vmul.f32 $6.400000000e+01, v10;
	v10 =	vtrunc.f32 v14  }
0x1c1: {  	v23 =	vld [tilespmem:s14+$0xE010];
	v13 =	vmul.f32 $6.400000000e+01, v13;
	v10 =	vcvt.f32.s32 v10  }
0x1c2: {  	v24 =	vld [tilespmem:s14+$0xE020];
	v25 =	vmul.f32 $6.400000000e+01, v18  }
0x1c3: {  	v18 =	vld [tilespmem:s14+$0xE030];
	v11 =	vmul.f32 $6.400000000e+01, v19;
	v14 =	vshll.u32 v10, $0x4  }
0x1c4: {  	v19 =	vld [tilespmem:s14+$0xE040];
	v10 =	vmul.f32 $6.400000000e+01, v20;
	v20 =	vor.u32 v0, v14  }
.Ltmp5:
0x1c5: {  	v21 =	vadd.f32 v21, v12;
	v14 =	vld [tilespmem:s14+$0xE050];
	(pc) =	sbr.rel @p0 .LBB2_12-.Ltmp5, $4  }
0x1c6: {  	v16 =	vadd.f32 v23, v16;
	v12 =	vld [tilespmem:s14+$0xE060]  }
0x1c7: {  	v21 =	vtrunc.f32 v21;
	v22 =	vadd.f32 v24, v22;
	[tilespmem:v15+s11+$0x0] =	vst.idx.add.f32.msk $0xffff, v3  }
0x1c8: {  	v15 =	vcvt.f32.s32 v21;
	v21 =	vtrunc.f32 v16;
	v16 =	vadd.f32 v18, v13;
	[tilespmem:v17+s11+$0x0] =	vst.idx.add.f32.msk $0xffff, v3  }
0x1c9: {  	v13 =	vcvt.f32.s32 v21;
	v18 =	vtrunc.f32 v22;
	v17 =	vadd.f32 v19, v25;
	[tilespmem:v20+s11+$0x0] =	vst.idx.add.f32.msk $0xffff, v3  }
0x1ca: {  	_ = 	snop  }
0x1cb: {  	v18 =	vcvt.f32.s32 v18;
	v16 =	vtrunc.f32 v16  }
0x1cc: {  	v11 =	vadd.f32 v14, v11;
	v14 =	vcvt.f32.s32 v16;
	v16 =	vtrunc.f32 v17  }
0x1cd: {  	v10 =	vadd.f32 v12, v10;
	v12 =	vshll.u32 v15, $0x4;
	v15 =	vcvt.f32.s32 v16  }
0x1ce: {  	[tilespmem:v9+s11+$0x0] =	vst.idx.add.f32.msk $0xffff, v3;
	v9 =	vtrunc.f32 v11;
	v11 =	vshll.u32 v13, $0x4;
	v12 =	vor.u32 v0, v12  }
0x1cf: {  	[tilespmem:v8+s11+$0x0] =	vst.idx.add.f32.msk $0xffff, v3;
	v8 =	vcvt.f32.s32 v9;
	v9 =	vshll.u32 v18, $0x4;
	v11 =	vor.u32 v0, v11  }
0x1d0: {  	[tilespmem:v7+s11+$0x0] =	vst.idx.add.f32.msk $0xffff, v3;
	v7 =	vtrunc.f32 v10;
	v10 =	vshll.u32 v14, $0x4;
	v9 =	vor.u32 v0, v9  }
0x1d1: {  	[tilespmem:v6+s11+$0x0] =	vst.idx.add.f32.msk $0xffff, v3;
	v6 =	vcvt.f32.s32 v7;
	v7 =	vshll.u32 v15, $0x4;
	v10 =	vor.u32 v0, v10  }
0x1d2: {  	[tilespmem:v5+s11+$0x0] =	vst.idx.add.f32.msk $0xffff, v3;
	v5 =	vshll.u32 v8, $0x4;
	v7 =	vor.u32 v0, v7  }
0x1d3: {  	v6 =	vshll.u32 v6, $0x4;
	v5 =	vor.u32 v0, v5;
	[tilespmem:v12+s11+$0x0] =	vst.idx.add.f32.msk $0xffff, v3  }
0x1d4: {  	v6 =	vor.u32 v0, v6;
	[tilespmem:v11+s11+$0x0] =	vst.idx.add.f32.msk $0xffff, v3  }
0x1d5: {  	[tilespmem:v9+s11+$0x0] =	vst.idx.add.f32.msk $0xffff, v3  }
0x1d6: {  	[tilespmem:v10+s11+$0x0] =	vst.idx.add.f32.msk $0xffff, v3  }
0x1d7: {  	[tilespmem:v7+s11+$0x0] =	vst.idx.add.f32.msk $0xffff, v3  }
0x1d8: {  	[tilespmem:v5+s11+$0x0] =	vst.idx.add.f32.msk $0xffff, v3  }
0x1d9: {  	[tilespmem:v6+s11+$0x0] =	vst.idx.add.f32.msk $0xffff, v3  }
0x1da: {  	s14 =	simm.s32 $0x0;
	s17 =	rddreg [dreg:$0x10]  }
0x1db: {  	[tilespmem:s14], [sflag:$0x1] =	stream.linear.gather [hbm4b:s17+s14], $0x7000, $0x38;
	[tilespmem:$0x1C900] =	vst v63  }
0x1dc: {  	s20 =	rddreg [dreg:$0x11]  }
0x1dd: {  	[tilespmem:s6], [sflag:$0x3] =	stream.linear.gather [hbm4b:s20+s14], $0x7000, $0x38;
	[tilespmem:$0x1C900] =	vst v63  }
0x1de: {  	_ =	swait.ge [sflag:s12], $0x7000  }
0x1df: {  	s18 =	simm.s32 $0x0;
	[sflag:s12] =	ssyncset.done $0x0  }
0x1e0: {  	s17 =	sand.u32 $0x7000, s18;
	[sflag:s12] =	ssyncadd.s32 $0xFFFF9000  }
0x1e1: {  	s18 =	simm.s32 $0x0;
	s14 =	sand.u32 $0xC00, s14;
	_ =	swait.ge [sflag:s13], $0x7000  }
0x1e2: {  	s19 =	sand.u32 $0x380, s18;
	s14 =	sor.u32 s14, s17;
	[sflag:s13] =	ssyncset.done $0x0  }
0x1e3: {  	s14 =	sor.u32 s19, s14;
	[sflag:s13] =	ssyncadd.s32 $0xFFFF9000  }
0x1e4: {  	v5 =	vld [tilespmem:s14+$0x7070];
	_ =	sdelay $0x1  }
0x1e5: {  	v6 =	vld [tilespmem:s14+$0x15070];
	_ =	sdelay $0x1  }
0x1e6: {  	v7 =	vld [tilespmem:s14+$0x7000]  }
0x1e7: {  	v8 =	vld [tilespmem:s14+$0x7010];
	v5 =	vmul.f32 $6.400000000e+01, v5  }
0x1e8: {  	v9 =	vld [tilespmem:s14+$0x7020]  }
0x1e9: {  	v10 =	vld [tilespmem:s14+$0x7030];
	v5 =	vadd.f32 v6, v5  }
0x1ea: {  	v11 =	vld [tilespmem:s14+$0x7050]  }
0x1eb: {  	v13 =	vld [tilespmem:s14+$0x15000];
	v5 =	vtrunc.f32 v5  }
0x1ec: {  	v14 =	vld [tilespmem:s14+$0x15010];
	v5 =	vcvt.f32.s32 v5  }
0x1ed: {  	v15 =	vld [tilespmem:s14+$0x15020]  }
0x1ee: {  	s20 =	simm.s32 $0x80;
	s17 =	simm.s32 $0x400;
	v16 =	vld [tilespmem:s14+$0x15030];
	v5 =	vshll.u32 v5, $0x4  }
0x1ef: {  	s18 =	sand.u32 $0x7000, s20;
	s20 =	simm.s32 $0x20;
	s19 =	sand.u32 $0xC00, s17;
	v18 =	vld [tilespmem:s14+$0x15050];
	v5 =	vor.u32 v0, v5  }
0x1f0: {  	s20 =	sand.u32 $0x380, s20;
	s19 =	sor.u32 s19, s18;
	v12 =	vld [tilespmem:s14+$0x7060];
	v7 =	vmul.f32 $6.400000000e+01, v7;
	v8 =	vmul.f32 $6.400000000e+01, v8  }
0x1f1: {  	s18 =	sor.u32 s20, s19;
	v17 =	vld [tilespmem:s14+$0x15040];
	v9 =	vmul.f32 $6.400000000e+01, v9;
	v10 =	vmul.f32 $6.400000000e+01, v10  }
0x1f2: {  	v19 =	vld [tilespmem:s18+$0x7050];
	v11 =	vmul.f32 $6.400000000e+01, v11;
	v7 =	vadd.f32 v13, v7;
	v8 =	vadd.f32 v14, v8  }
0x1f3: {  	v6 =	vld [tilespmem:s14+$0x7040];
	v9 =	vadd.f32 v15, v9;
	v10 =	vadd.f32 v16, v10  }
0x1f4: {  	v11 =	vadd.f32 v18, v11;
	v7 =	vtrunc.f32 v7;
	v8 =	vtrunc.f32 v8;
	[tilespmem:v5+s11+$0x0] =	vst.idx.add.f32.msk $0xffff, v3  }
0x1f5: {  	v9 =	vtrunc.f32 v9;
	v5 =	vmul.f32 $6.400000000e+01, v12;
	v12 =	vld [tilespmem:s18+$0x7070]  }
0x1f6: {  	v16 =	vld [tilespmem:s18+$0x7010];
	v10 =	vtrunc.f32 v10;
	v11 =	vtrunc.f32 v11  }
0x1f7: {  	v15 =	vld [tilespmem:s18+$0x15070];
	v7 =	vcvt.f32.s32 v7;
	v8 =	vcvt.f32.s32 v8  }
0x1f8: {  	v14 =	vld [tilespmem:s18+$0x7000];
	v9 =	vcvt.f32.s32 v9;
	v6 =	vmul.f32 $6.400000000e+01, v6  }
0x1f9: {  	v13 =	vld [tilespmem:s14+$0x15060];
	v10 =	vcvt.f32.s32 v10;
	v11 =	vcvt.f32.s32 v11;
	v7 =	vshll.u32 v7, $0x4  }
0x1fa: {  	v18 =	vld [tilespmem:s18+$0x7040];
	v8 =	vshll.u32 v8, $0x4;
	v6 =	vadd.f32 v17, v6;
	v12 =	vmul.f32 $6.400000000e+01, v12  }
0x1fb: {  	v21 =	vld [tilespmem:s18+$0x15000];
	v9 =	vshll.u32 v9, $0x4;
	v10 =	vshll.u32 v10, $0x4;
	v16 =	vmul.f32 $6.400000000e+01, v16  }
0x1fc: {  	v20 =	vld [tilespmem:s18+$0x7060];
	v22 =	vor.u32 v0, v8;
	v6 =	vtrunc.f32 v6;
	v12 =	vadd.f32 v15, v12  }
0x1fd: {  	v8 =	vor.u32 v0, v10;
	v10 =	vmul.f32 $6.400000000e+01, v14;
	v17 =	vld [tilespmem:s18+$0x7030];
	v6 =	vcvt.f32.s32 v6  }
0x1fe: {  	v5 =	vadd.f32 v13, v5;
	v13 =	vld [tilespmem:s18+$0x7020];
	v15 =	vor.u32 v0, v7;
	v7 =	vtrunc.f32 v12  }
0x1ff: {  	v11 =	vshll.u32 v11, $0x4;
	v27 =	vmul.f32 $6.400000000e+01, v18;
	v12 =	vld [tilespmem:s18+$0x15010];
	v23 =	vcvt.f32.s32 v7  }
0x200: {  	v24 =	vld [tilespmem:s18+$0x15020];
	v21 =	vadd.f32 v21, v10;
	v6 =	vshll.u32 v6, $0x4;
	v5 =	vtrunc.f32 v5  }
0x201: {  	v25 =	vld [tilespmem:s18+$0x15030];
	v7 =	vor.u32 v0, v6;
	v6 =	vor.u32 v0, v11;
	v11 =	vshll.u32 v23, $0x4  }
0x202: {  	v10 =	vmul.f32 $6.400000000e+01, v20;
	v5 =	vcvt.f32.s32 v5;
	v23 =	vld [tilespmem:s18+$0x15040];
	v26 =	vor.u32 v0, v11  }
0x203: {  	v9 =	vor.u32 v0, v9;
	v14 =	vld [tilespmem:s18+$0x15050];
	v18 =	vtrunc.f32 v21;
	v13 =	vmul.f32 $6.400000000e+01, v13  }
0x204: {  	v17 =	vmul.f32 $6.400000000e+01, v17;
	v5 =	vshll.u32 v5, $0x4;
	v16 =	vadd.f32 v12, v16;
	v12 =	vld [tilespmem:s18+$0x15060]  }
0x205: {  	[tilespmem:v22+s11+$0x0] =	vst.idx.add.f32.msk $0xffff, v3;
	v5 =	vor.u32 v0, v5;
	v11 =	vmul.f32 $6.400000000e+01, v19;
	v19 =	vadd.f32 v24, v13  }
0x206: {  	[tilespmem:v15+s11+$0x0] =	vst.idx.add.f32.msk $0xffff, v3;
	v15 =	vcvt.f32.s32 v18;
	v13 =	vtrunc.f32 v16;
	v16 =	vadd.f32 v25, v17  }
0x207: {  	s18 =	simm.s32 $0x8;
	v18 =	vtrunc.f32 v19;
	v13 =	vcvt.f32.s32 v13;
	v17 =	vadd.f32 v23, v27;
	[tilespmem:v26+s11+$0x0] =	vst.idx.add.f32.msk $0xffff, v3  }
.LBB2_14:
0x208: {  	s18 =	sadd.s32 $0x8, s18;
	v18 =	vcvt.f32.s32 v18;
	v16 =	vtrunc.f32 v16;
	v11 =	vadd.f32 v14, v11;
	[tilespmem:v9+s11+$0x0] =	vst.idx.add.f32.msk $0xffff, v3  }
0x209: {  	s17 =	sadd.s32 $0x400, s17;
	s14 =	sshll.u32 s18, $0x4;
	p0 =	slt.u32 s18, $0x6F8;
	v9 =	vcvt.f32.s32 v16;
	v14 =	vtrunc.f32 v17;
	v10 =	vadd.f32 v12, v10;
	[tilespmem:v8+s11+$0x0] =	vst.idx.add.f32.msk $0xffff, v3  }
0x20a: {  	s19 =	sand.u32 $0xC00, s17;
	s20 =	sshll.u32 s18, $0x2;
	v8 =	vshll.u32 v15, $0x4;
	s14 =	sand.u32 $0x7000, s14;
	v12 =	vcvt.f32.s32 v14;
	v11 =	vtrunc.f32 v11;
	[tilespmem:v7+s11+$0x0] =	vst.idx.add.f32.msk $0xffff, v3  }
0x20b: {  	v7 =	vshll.u32 v13, $0x4;
	s14 =	sor.u32 s19, s14;
	s19 =	sand.u32 $0x380, s20;
	v11 =	vcvt.f32.s32 v11;
	v10 =	vtrunc.f32 v10;
	[tilespmem:v6+s11+$0x0] =	vst.idx.add.f32.msk $0xffff, v3  }
0x20c: {  	v6 =	vshll.u32 v18, $0x4;
	v13 =	vshll.u32 v9, $0x4;
	s14 =	sor.u32 s19, s14;
	v10 =	vcvt.f32.s32 v10;
	[tilespmem:v5+s11+$0x0] =	vst.idx.add.f32.msk $0xffff, v3  }
0x20d: {  	v15 =	vor.u32 v0, v8;
	v5 =	vshll.u32 v12, $0x4;
	v14 =	vld [tilespmem:s14+$0x7070];
	v11 =	vshll.u32 v11, $0x4  }
0x20e: {  	v17 =	vor.u32 v0, v7;
	v9 =	vor.u32 v0, v6;
	v12 =	vld [tilespmem:s14+$0x7000];
	v10 =	vshll.u32 v10, $0x4  }
0x20f: {  	v8 =	vor.u32 v0, v13;
	v7 =	vor.u32 v0, v5;
	v6 =	vor.u32 v0, v11;
	v16 =	vld [tilespmem:s14+$0x15070]  }
0x210: {  	v5 =	vor.u32 v0, v10;
	v11 =	vld [tilespmem:s14+$0x7010]  }
0x211: {  	v10 =	vld [tilespmem:s14+$0x7020]  }
0x212: {  	v13 =	vld [tilespmem:s14+$0x7030];
	v14 =	vmul.f32 $6.400000000e+01, v14  }
0x213: {  	v12 =	vmul.f32 $6.400000000e+01, v12;
	v18 =	vld [tilespmem:s14+$0x7040]  }
0x214: {  	v19 =	vld [tilespmem:s14+$0x7050];
	v14 =	vadd.f32 v16, v14  }
0x215: {  	v16 =	vmul.f32 $6.400000000e+01, v11;
	v20 =	vld [tilespmem:s14+$0x7060]  }
0x216: {  	v21 =	vld [tilespmem:s14+$0x15000];
	v22 =	vmul.f32 $6.400000000e+01, v10;
	v10 =	vtrunc.f32 v14  }
0x217: {  	v23 =	vld [tilespmem:s14+$0x15010];
	v13 =	vmul.f32 $6.400000000e+01, v13;
	v10 =	vcvt.f32.s32 v10  }
0x218: {  	v24 =	vld [tilespmem:s14+$0x15020];
	v25 =	vmul.f32 $6.400000000e+01, v18  }
0x219: {  	v18 =	vld [tilespmem:s14+$0x15030];
	v11 =	vmul.f32 $6.400000000e+01, v19;
	v14 =	vshll.u32 v10, $0x4  }
0x21a: {  	v19 =	vld [tilespmem:s14+$0x15040];
	v10 =	vmul.f32 $6.400000000e+01, v20;
	v20 =	vor.u32 v0, v14  }
.Ltmp6:
0x21b: {  	v21 =	vadd.f32 v21, v12;
	v14 =	vld [tilespmem:s14+$0x15050];
	(pc) =	sbr.rel @p0 .LBB2_14-.Ltmp6, $4  }
0x21c: {  	v16 =	vadd.f32 v23, v16;
	v12 =	vld [tilespmem:s14+$0x15060]  }
0x21d: {  	v21 =	vtrunc.f32 v21;
	v22 =	vadd.f32 v24, v22;
	[tilespmem:v15+s11+$0x0] =	vst.idx.add.f32.msk $0xffff, v3  }
0x21e: {  	v15 =	vcvt.f32.s32 v21;
	v21 =	vtrunc.f32 v16;
	v16 =	vadd.f32 v18, v13;
	[tilespmem:v17+s11+$0x0] =	vst.idx.add.f32.msk $0xffff, v3  }
0x21f: {  	v13 =	vcvt.f32.s32 v21;
	v18 =	vtrunc.f32 v22;
	v17 =	vadd.f32 v19, v25;
	[tilespmem:v20+s11+$0x0] =	vst.idx.add.f32.msk $0xffff, v3  }
0x220: {  	_ = 	snop  }
0x221: {  	v18 =	vcvt.f32.s32 v18;
	v16 =	vtrunc.f32 v16  }
0x222: {  	v11 =	vadd.f32 v14, v11;
	v14 =	vcvt.f32.s32 v16;
	v16 =	vtrunc.f32 v17  }
0x223: {  	v10 =	vadd.f32 v12, v10;
	v12 =	vshll.u32 v15, $0x4;
	v15 =	vcvt.f32.s32 v16  }
0x224: {  	[tilespmem:v9+s11+$0x0] =	vst.idx.add.f32.msk $0xffff, v3;
	v9 =	vtrunc.f32 v11;
	v11 =	vshll.u32 v13, $0x4;
	v12 =	vor.u32 v0, v12  }
0x225: {  	[tilespmem:v8+s11+$0x0] =	vst.idx.add.f32.msk $0xffff, v3;
	v8 =	vcvt.f32.s32 v9;
	v9 =	vshll.u32 v18, $0x4;
	v11 =	vor.u32 v0, v11  }
0x226: {  	[tilespmem:v7+s11+$0x0] =	vst.idx.add.f32.msk $0xffff, v3;
	v7 =	vtrunc.f32 v10;
	v10 =	vshll.u32 v14, $0x4;
	v9 =	vor.u32 v0, v9  }
0x227: {  	[tilespmem:v6+s11+$0x0] =	vst.idx.add.f32.msk $0xffff, v3;
	v6 =	vcvt.f32.s32 v7;
	v7 =	vshll.u32 v15, $0x4;
	v10 =	vor.u32 v0, v10  }
0x228: {  	[tilespmem:v5+s11+$0x0] =	vst.idx.add.f32.msk $0xffff, v3;
	v5 =	vshll.u32 v8, $0x4;
	v7 =	vor.u32 v0, v7  }
0x229: {  	v6 =	vshll.u32 v6, $0x4;
	v5 =	vor.u32 v0, v5;
	[tilespmem:v12+s11+$0x0] =	vst.idx.add.f32.msk $0xffff, v3  }
0x22a: {  	v6 =	vor.u32 v0, v6;
	[tilespmem:v11+s11+$0x0] =	vst.idx.add.f32.msk $0xffff, v3  }
0x22b: {  	[tilespmem:v9+s11+$0x0] =	vst.idx.add.f32.msk $0xffff, v3  }
0x22c: {  	[tilespmem:v10+s11+$0x0] =	vst.idx.add.f32.msk $0xffff, v3  }
0x22d: {  	[tilespmem:v7+s11+$0x0] =	vst.idx.add.f32.msk $0xffff, v3  }
0x22e: {  	[tilespmem:v5+s11+$0x0] =	vst.idx.add.f32.msk $0xffff, v3  }
0x22f: {  	[tilespmem:v6+s11+$0x0] =	vst.idx.add.f32.msk $0xffff, v3  }
0x230: {  	s14 =	simm.s32 $0x0;
	s17 =	rddreg [dreg:$0x12]  }
0x231: {  	[tilespmem:s7], [sflag:$0x2] =	stream.linear.gather [hbm4b:s17+s14], $0x7000, $0x38;
	[tilespmem:$0x1C900] =	vst v63  }
0x232: {  	s20 =	rddreg [dreg:$0x13]  }
0x233: {  	[tilespmem:s8], [sflag:$0x4] =	stream.linear.gather [hbm4b:s20+s14], $0x7000, $0x38;
	[tilespmem:$0x1C900] =	vst v63  }
0x234: {  	_ =	swait.ge [sflag:s9], $0x7000  }
0x235: {  	s18 =	simm.s32 $0x0;
	[sflag:s9] =	ssyncset.done $0x0  }
0x236: {  	s17 =	sand.u32 $0x7000, s18;
	[sflag:s9] =	ssyncadd.s32 $0xFFFF9000  }
0x237: {  	s18 =	simm.s32 $0x0;
	s14 =	sand.u32 $0xC00, s14;
	_ =	swait.ge [sflag:s10], $0x7000  }
0x238: {  	s19 =	sand.u32 $0x380, s18;
	s14 =	sor.u32 s14, s17;
	[sflag:s10] =	ssyncset.done $0x0  }
0x239: {  	s14 =	sor.u32 s19, s14;
	[sflag:s10] =	ssyncadd.s32 $0xFFFF9000  }
0x23a: {  	v5 =	vld [tilespmem:s14+$0x70];
	_ =	sdelay $0x1  }
0x23b: {  	v6 =	vld [tilespmem:s14+$0xE070];
	_ =	sdelay $0x1  }
0x23c: {  	v7 =	vld [tilespmem:s14+$0x0]  }
0x23d: {  	v8 =	vld [tilespmem:s14+$0x10];
	v5 =	vmul.f32 $6.400000000e+01, v5  }
0x23e: {  	v9 =	vld [tilespmem:s14+$0x20]  }
0x23f: {  	v10 =	vld [tilespmem:s14+$0x30];
	v5 =	vadd.f32 v6, v5  }
0x240: {  	v11 =	vld [tilespmem:s14+$0x50]  }
0x241: {  	v13 =	vld [tilespmem:s14+$0xE000];
	v5 =	vtrunc.f32 v5  }
0x242: {  	v14 =	vld [tilespmem:s14+$0xE010];
	v5 =	vcvt.f32.s32 v5  }
0x243: {  	v15 =	vld [tilespmem:s14+$0xE020]  }
0x244: {  	s20 =	simm.s32 $0x80;
	s17 =	simm.s32 $0x400;
	v16 =	vld [tilespmem:s14+$0xE030];
	v5 =	vshll.u32 v5, $0x4  }
0x245: {  	s18 =	sand.u32 $0x7000, s20;
	s20 =	simm.s32 $0x20;
	s19 =	sand.u32 $0xC00, s17;
	v18 =	vld [tilespmem:s14+$0xE050];
	v5 =	vor.u32 v0, v5  }
0x246: {  	s20 =	sand.u32 $0x380, s20;
	s19 =	sor.u32 s19, s18;
	v12 =	vld [tilespmem:s14+$0x60];
	v7 =	vmul.f32 $6.400000000e+01, v7;
	v8 =	vmul.f32 $6.400000000e+01, v8  }
0x247: {  	s18 =	sor.u32 s20, s19;
	v17 =	vld [tilespmem:s14+$0xE040];
	v9 =	vmul.f32 $6.400000000e+01, v9;
	v10 =	vmul.f32 $6.400000000e+01, v10  }
0x248: {  	v19 =	vld [tilespmem:s18+$0x50];
	v11 =	vmul.f32 $6.400000000e+01, v11;
	v7 =	vadd.f32 v13, v7;
	v8 =	vadd.f32 v14, v8  }
0x249: {  	v6 =	vld [tilespmem:s14+$0x40];
	v9 =	vadd.f32 v15, v9;
	v10 =	vadd.f32 v16, v10  }
0x24a: {  	v11 =	vadd.f32 v18, v11;
	v7 =	vtrunc.f32 v7;
	v8 =	vtrunc.f32 v8;
	[tilespmem:v5+s11+$0x0] =	vst.idx.add.f32.msk $0xffff, v3  }
0x24b: {  	v9 =	vtrunc.f32 v9;
	v5 =	vmul.f32 $6.400000000e+01, v12;
	v12 =	vld [tilespmem:s18+$0x70]  }
0x24c: {  	v16 =	vld [tilespmem:s18+$0x10];
	v10 =	vtrunc.f32 v10;
	v11 =	vtrunc.f32 v11  }
0x24d: {  	v15 =	vld [tilespmem:s18+$0xE070];
	v7 =	vcvt.f32.s32 v7;
	v8 =	vcvt.f32.s32 v8  }
0x24e: {  	v14 =	vld [tilespmem:s18+$0x0];
	v9 =	vcvt.f32.s32 v9;
	v6 =	vmul.f32 $6.400000000e+01, v6  }
0x24f: {  	v13 =	vld [tilespmem:s14+$0xE060];
	v10 =	vcvt.f32.s32 v10;
	v11 =	vcvt.f32.s32 v11;
	v7 =	vshll.u32 v7, $0x4  }
0x250: {  	v18 =	vld [tilespmem:s18+$0x40];
	v8 =	vshll.u32 v8, $0x4;
	v6 =	vadd.f32 v17, v6;
	v12 =	vmul.f32 $6.400000000e+01, v12  }
0x251: {  	v21 =	vld [tilespmem:s18+$0xE000];
	v9 =	vshll.u32 v9, $0x4;
	v10 =	vshll.u32 v10, $0x4;
	v16 =	vmul.f32 $6.400000000e+01, v16  }
0x252: {  	v20 =	vld [tilespmem:s18+$0x60];
	v22 =	vor.u32 v0, v8;
	v6 =	vtrunc.f32 v6;
	v12 =	vadd.f32 v15, v12  }
0x253: {  	v8 =	vor.u32 v0, v10;
	v10 =	vmul.f32 $6.400000000e+01, v14;
	v17 =	vld [tilespmem:s18+$0x30];
	v6 =	vcvt.f32.s32 v6  }
0x254: {  	v5 =	vadd.f32 v13, v5;
	v13 =	vld [tilespmem:s18+$0x20];
	v15 =	vor.u32 v0, v7;
	v7 =	vtrunc.f32 v12  }
0x255: {  	v11 =	vshll.u32 v11, $0x4;
	v27 =	vmul.f32 $6.400000000e+01, v18;
	v12 =	vld [tilespmem:s18+$0xE010];
	v23 =	vcvt.f32.s32 v7  }
0x256: {  	v24 =	vld [tilespmem:s18+$0xE020];
	v21 =	vadd.f32 v21, v10;
	v6 =	vshll.u32 v6, $0x4;
	v5 =	vtrunc.f32 v5  }
0x257: {  	v25 =	vld [tilespmem:s18+$0xE030];
	v7 =	vor.u32 v0, v6;
	v6 =	vor.u32 v0, v11;
	v11 =	vshll.u32 v23, $0x4  }
0x258: {  	v10 =	vmul.f32 $6.400000000e+01, v20;
	v5 =	vcvt.f32.s32 v5;
	v23 =	vld [tilespmem:s18+$0xE040];
	v26 =	vor.u32 v0, v11  }
0x259: {  	v9 =	vor.u32 v0, v9;
	v14 =	vld [tilespmem:s18+$0xE050];
	v18 =	vtrunc.f32 v21;
	v13 =	vmul.f32 $6.400000000e+01, v13  }
0x25a: {  	v17 =	vmul.f32 $6.400000000e+01, v17;
	v5 =	vshll.u32 v5, $0x4;
	v16 =	vadd.f32 v12, v16;
	v12 =	vld [tilespmem:s18+$0xE060]  }
0x25b: {  	[tilespmem:v22+s11+$0x0] =	vst.idx.add.f32.msk $0xffff, v3;
	v5 =	vor.u32 v0, v5;
	v11 =	vmul.f32 $6.400000000e+01, v19;
	v19 =	vadd.f32 v24, v13  }
0x25c: {  	[tilespmem:v15+s11+$0x0] =	vst.idx.add.f32.msk $0xffff, v3;
	v15 =	vcvt.f32.s32 v18;
	v13 =	vtrunc.f32 v16;
	v16 =	vadd.f32 v25, v17  }
0x25d: {  	s18 =	simm.s32 $0x8;
	v18 =	vtrunc.f32 v19;
	v13 =	vcvt.f32.s32 v13;
	v17 =	vadd.f32 v23, v27;
	[tilespmem:v26+s11+$0x0] =	vst.idx.add.f32.msk $0xffff, v3  }
.LBB2_16:
0x25e: {  	s18 =	sadd.s32 $0x8, s18;
	v18 =	vcvt.f32.s32 v18;
	v16 =	vtrunc.f32 v16;
	v11 =	vadd.f32 v14, v11;
	[tilespmem:v9+s11+$0x0] =	vst.idx.add.f32.msk $0xffff, v3  }
0x25f: {  	s17 =	sadd.s32 $0x400, s17;
	s14 =	sshll.u32 s18, $0x4;
	p0 =	slt.u32 s18, $0x6F8;
	v9 =	vcvt.f32.s32 v16;
	v14 =	vtrunc.f32 v17;
	v10 =	vadd.f32 v12, v10;
	[tilespmem:v8+s11+$0x0] =	vst.idx.add.f32.msk $0xffff, v3  }
0x260: {  	s19 =	sand.u32 $0xC00, s17;
	s20 =	sshll.u32 s18, $0x2;
	v8 =	vshll.u32 v15, $0x4;
	s14 =	sand.u32 $0x7000, s14;
	v12 =	vcvt.f32.s32 v14;
	v11 =	vtrunc.f32 v11;
	[tilespmem:v7+s11+$0x0] =	vst.idx.add.f32.msk $0xffff, v3  }
0x261: {  	v7 =	vshll.u32 v13, $0x4;
	s14 =	sor.u32 s19, s14;
	s19 =	sand.u32 $0x380, s20;
	v11 =	vcvt.f32.s32 v11;
	v10 =	vtrunc.f32 v10;
	[tilespmem:v6+s11+$0x0] =	vst.idx.add.f32.msk $0xffff, v3  }
0x262: {  	v6 =	vshll.u32 v18, $0x4;
	v13 =	vshll.u32 v9, $0x4;
	s14 =	sor.u32 s19, s14;
	v10 =	vcvt.f32.s32 v10;
	[tilespmem:v5+s11+$0x0] =	vst.idx.add.f32.msk $0xffff, v3  }
0x263: {  	v15 =	vor.u32 v0, v8;
	v5 =	vshll.u32 v12, $0x4;
	v14 =	vld [tilespmem:s14+$0x70];
	v11 =	vshll.u32 v11, $0x4  }
0x264: {  	v17 =	vor.u32 v0, v7;
	v9 =	vor.u32 v0, v6;
	v12 =	vld [tilespmem:s14+$0x0];
	v10 =	vshll.u32 v10, $0x4  }
0x265: {  	v8 =	vor.u32 v0, v13;
	v7 =	vor.u32 v0, v5;
	v6 =	vor.u32 v0, v11;
	v16 =	vld [tilespmem:s14+$0xE070]  }
0x266: {  	v5 =	vor.u32 v0, v10;
	v11 =	vld [tilespmem:s14+$0x10]  }
0x267: {  	v10 =	vld [tilespmem:s14+$0x20]  }
0x268: {  	v13 =	vld [tilespmem:s14+$0x30];
	v14 =	vmul.f32 $6.400000000e+01, v14  }
0x269: {  	v12 =	vmul.f32 $6.400000000e+01, v12;
	v18 =	vld [tilespmem:s14+$0x40]  }
0x26a: {  	v19 =	vld [tilespmem:s14+$0x50];
	v14 =	vadd.f32 v16, v14  }
0x26b: {  	v16 =	vmul.f32 $6.400000000e+01, v11;
	v20 =	vld [tilespmem:s14+$0x60]  }
0x26c: {  	v21 =	vld [tilespmem:s14+$0xE000];
	v22 =	vmul.f32 $6.400000000e+01, v10;
	v10 =	vtrunc.f32 v14  }
0x26d: {  	v23 =	vld [tilespmem:s14+$0xE010];
	v13 =	vmul.f32 $6.400000000e+01, v13;
	v10 =	vcvt.f32.s32 v10  }
0x26e: {  	v24 =	vld [tilespmem:s14+$0xE020];
	v25 =	vmul.f32 $6.400000000e+01, v18  }
0x26f: {  	v18 =	vld [tilespmem:s14+$0xE030];
	v11 =	vmul.f32 $6.400000000e+01, v19;
	v14 =	vshll.u32 v10, $0x4  }
0x270: {  	v19 =	vld [tilespmem:s14+$0xE040];
	v10 =	vmul.f32 $6.400000000e+01, v20;
	v20 =	vor.u32 v0, v14  }
.Ltmp7:
0x271: {  	v21 =	vadd.f32 v21, v12;
	v14 =	vld [tilespmem:s14+$0xE050];
	(pc) =	sbr.rel @p0 .LBB2_16-.Ltmp7, $4  }
0x272: {  	v16 =	vadd.f32 v23, v16;
	v12 =	vld [tilespmem:s14+$0xE060]  }
0x273: {  	v21 =	vtrunc.f32 v21;
	v22 =	vadd.f32 v24, v22;
	[tilespmem:v15+s11+$0x0] =	vst.idx.add.f32.msk $0xffff, v3  }
0x274: {  	v15 =	vcvt.f32.s32 v21;
	v21 =	vtrunc.f32 v16;
	v16 =	vadd.f32 v18, v13;
	[tilespmem:v17+s11+$0x0] =	vst.idx.add.f32.msk $0xffff, v3  }
0x275: {  	v13 =	vcvt.f32.s32 v21;
	v18 =	vtrunc.f32 v22;
	v17 =	vadd.f32 v19, v25;
	[tilespmem:v20+s11+$0x0] =	vst.idx.add.f32.msk $0xffff, v3  }
0x276: {  	_ = 	snop  }
0x277: {  	v18 =	vcvt.f32.s32 v18;
	v16 =	vtrunc.f32 v16  }
0x278: {  	v11 =	vadd.f32 v14, v11;
	v14 =	vcvt.f32.s32 v16;
	v16 =	vtrunc.f32 v17  }
0x279: {  	v10 =	vadd.f32 v12, v10;
	v12 =	vshll.u32 v15, $0x4;
	v15 =	vcvt.f32.s32 v16  }
0x27a: {  	[tilespmem:v9+s11+$0x0] =	vst.idx.add.f32.msk $0xffff, v3;
	v9 =	vtrunc.f32 v11;
	v11 =	vshll.u32 v13, $0x4;
	v12 =	vor.u32 v0, v12  }
0x27b: {  	[tilespmem:v8+s11+$0x0] =	vst.idx.add.f32.msk $0xffff, v3;
	v8 =	vcvt.f32.s32 v9;
	v9 =	vshll.u32 v18, $0x4;
	v11 =	vor.u32 v0, v11  }
0x27c: {  	[tilespmem:v7+s11+$0x0] =	vst.idx.add.f32.msk $0xffff, v3;
	v7 =	vtrunc.f32 v10;
	v10 =	vshll.u32 v14, $0x4;
	v9 =	vor.u32 v0, v9  }
0x27d: {  	[tilespmem:v6+s11+$0x0] =	vst.idx.add.f32.msk $0xffff, v3;
	v6 =	vcvt.f32.s32 v7;
	v7 =	vshll.u32 v15, $0x4;
	v10 =	vor.u32 v0, v10  }
0x27e: {  	[tilespmem:v5+s11+$0x0] =	vst.idx.add.f32.msk $0xffff, v3;
	v5 =	vshll.u32 v8, $0x4;
	v7 =	vor.u32 v0, v7  }
0x27f: {  	v6 =	vshll.u32 v6, $0x4;
	v5 =	vor.u32 v0, v5;
	[tilespmem:v12+s11+$0x0] =	vst.idx.add.f32.msk $0xffff, v3  }
0x280: {  	v6 =	vor.u32 v0, v6;
	[tilespmem:v11+s11+$0x0] =	vst.idx.add.f32.msk $0xffff, v3  }
0x281: {  	[tilespmem:v9+s11+$0x0] =	vst.idx.add.f32.msk $0xffff, v3  }
0x282: {  	[tilespmem:v10+s11+$0x0] =	vst.idx.add.f32.msk $0xffff, v3  }
0x283: {  	[tilespmem:v7+s11+$0x0] =	vst.idx.add.f32.msk $0xffff, v3  }
0x284: {  	[tilespmem:v5+s11+$0x0] =	vst.idx.add.f32.msk $0xffff, v3  }
0x285: {  	s14 =	simm.s32 $0x0;
	[tilespmem:v6+s11+$0x0] =	vst.idx.add.f32.msk $0xffff, v3  }
0x286: {  	[tilespmem:s14], [sflag:$0x1] =	stream.linear.gather [hbm4b:s30+s14], $0x7000, $0x38;
	[tilespmem:$0x1C900] =	vst v63  }
0x287: {  	_ = 	snop  }
0x288: {  	[tilespmem:s6], [sflag:$0x3] =	stream.linear.gather [hbm4b:s31+s14], $0x7000, $0x38;
	[tilespmem:$0x1C900] =	vst v63  }
0x289: {  	_ =	swait.ge [sflag:s12], $0x7000  }
0x28a: {  	[sflag:s12] =	ssyncset.done $0x0  }
0x28b: {  	s17 =	simm.s32 $0x0;
	s18 =	simm.s32 $0x0;
	[sflag:s12] =	ssyncadd.s32 $0xFFFF9000  }
0x28c: {  	s17 =	sand.u32 $0x7000, s17;
	s14 =	sand.u32 $0xC00, s14;
	_ =	swait.ge [sflag:s13], $0x7000  }
0x28d: {  	s19 =	sand.u32 $0x380, s18;
	s14 =	sor.u32 s14, s17;
	[sflag:s13] =	ssyncset.done $0x0  }
0x28e: {  	s14 =	sor.u32 s19, s14;
	[sflag:s13] =	ssyncadd.s32 $0xFFFF9000  }
0x28f: {  	v5 =	vld [tilespmem:s14+$0x7070];
	_ =	sdelay $0x1  }
0x290: {  	v6 =	vld [tilespmem:s14+$0x15070];
	_ =	sdelay $0x1  }
0x291: {  	v7 =	vld [tilespmem:s14+$0x7000]  }
0x292: {  	v8 =	vld [tilespmem:s14+$0x7010];
	v5 =	vmul.f32 $6.400000000e+01, v5  }
0x293: {  	v9 =	vld [tilespmem:s14+$0x7020]  }
0x294: {  	v10 =	vld [tilespmem:s14+$0x7030];
	v5 =	vadd.f32 v6, v5  }
0x295: {  	v11 =	vld [tilespmem:s14+$0x7050]  }
0x296: {  	v13 =	vld [tilespmem:s14+$0x15000];
	v5 =	vtrunc.f32 v5  }
0x297: {  	v14 =	vld [tilespmem:s14+$0x15010];
	v5 =	vcvt.f32.s32 v5  }
0x298: {  	v15 =	vld [tilespmem:s14+$0x15020]  }
0x299: {  	s20 =	simm.s32 $0x80;
	s17 =	simm.s32 $0x400;
	v16 =	vld [tilespmem:s14+$0x15030];
	v5 =	vshll.u32 v5, $0x4  }
0x29a: {  	s18 =	sand.u32 $0x7000, s20;
	s20 =	simm.s32 $0x20;
	s19 =	sand.u32 $0xC00, s17;
	v18 =	vld [tilespmem:s14+$0x15050];
	v5 =	vor.u32 v0, v5  }
0x29b: {  	s20 =	sand.u32 $0x380, s20;
	s19 =	sor.u32 s19, s18;
	v12 =	vld [tilespmem:s14+$0x7060];
	v7 =	vmul.f32 $6.400000000e+01, v7;
	v8 =	vmul.f32 $6.400000000e+01, v8  }
0x29c: {  	s18 =	sor.u32 s20, s19;
	v17 =	vld [tilespmem:s14+$0x15040];
	v9 =	vmul.f32 $6.400000000e+01, v9;
	v10 =	vmul.f32 $6.400000000e+01, v10  }
0x29d: {  	v19 =	vld [tilespmem:s18+$0x7050];
	v11 =	vmul.f32 $6.400000000e+01, v11;
	v7 =	vadd.f32 v13, v7;
	v8 =	vadd.f32 v14, v8  }
0x29e: {  	v6 =	vld [tilespmem:s14+$0x7040];
	v9 =	vadd.f32 v15, v9;
	v10 =	vadd.f32 v16, v10  }
0x29f: {  	v11 =	vadd.f32 v18, v11;
	v7 =	vtrunc.f32 v7;
	v8 =	vtrunc.f32 v8;
	[tilespmem:v5+s11+$0x0] =	vst.idx.add.f32.msk $0xffff, v3  }
0x2a0: {  	v9 =	vtrunc.f32 v9;
	v5 =	vmul.f32 $6.400000000e+01, v12;
	v12 =	vld [tilespmem:s18+$0x7070]  }
0x2a1: {  	v16 =	vld [tilespmem:s18+$0x7010];
	v10 =	vtrunc.f32 v10;
	v11 =	vtrunc.f32 v11  }
0x2a2: {  	v15 =	vld [tilespmem:s18+$0x15070];
	v7 =	vcvt.f32.s32 v7;
	v8 =	vcvt.f32.s32 v8  }
0x2a3: {  	v14 =	vld [tilespmem:s18+$0x7000];
	v9 =	vcvt.f32.s32 v9;
	v6 =	vmul.f32 $6.400000000e+01, v6  }
0x2a4: {  	v13 =	vld [tilespmem:s14+$0x15060];
	v10 =	vcvt.f32.s32 v10;
	v11 =	vcvt.f32.s32 v11;
	v7 =	vshll.u32 v7, $0x4  }
0x2a5: {  	v18 =	vld [tilespmem:s18+$0x7040];
	v8 =	vshll.u32 v8, $0x4;
	v6 =	vadd.f32 v17, v6;
	v12 =	vmul.f32 $6.400000000e+01, v12  }
0x2a6: {  	v21 =	vld [tilespmem:s18+$0x15000];
	v9 =	vshll.u32 v9, $0x4;
	v10 =	vshll.u32 v10, $0x4;
	v16 =	vmul.f32 $6.400000000e+01, v16  }
0x2a7: {  	v20 =	vld [tilespmem:s18+$0x7060];
	v22 =	vor.u32 v0, v8;
	v6 =	vtrunc.f32 v6;
	v12 =	vadd.f32 v15, v12  }
0x2a8: {  	v8 =	vor.u32 v0, v10;
	v10 =	vmul.f32 $6.400000000e+01, v14;
	v17 =	vld [tilespmem:s18+$0x7030];
	v6 =	vcvt.f32.s32 v6  }
0x2a9: {  	v5 =	vadd.f32 v13, v5;
	v13 =	vld [tilespmem:s18+$0x7020];
	v15 =	vor.u32 v0, v7;
	v7 =	vtrunc.f32 v12  }
0x2aa: {  	v11 =	vshll.u32 v11, $0x4;
	v27 =	vmul.f32 $6.400000000e+01, v18;
	v12 =	vld [tilespmem:s18+$0x15010];
	v23 =	vcvt.f32.s32 v7  }
0x2ab: {  	v24 =	vld [tilespmem:s18+$0x15020];
	v21 =	vadd.f32 v21, v10;
	v6 =	vshll.u32 v6, $0x4;
	v5 =	vtrunc.f32 v5  }
0x2ac: {  	v25 =	vld [tilespmem:s18+$0x15030];
	v7 =	vor.u32 v0, v6;
	v6 =	vor.u32 v0, v11;
	v11 =	vshll.u32 v23, $0x4  }
0x2ad: {  	v10 =	vmul.f32 $6.400000000e+01, v20;
	v5 =	vcvt.f32.s32 v5;
	v23 =	vld [tilespmem:s18+$0x15040];
	v26 =	vor.u32 v0, v11  }
0x2ae: {  	v9 =	vor.u32 v0, v9;
	v14 =	vld [tilespmem:s18+$0x15050];
	v18 =	vtrunc.f32 v21;
	v13 =	vmul.f32 $6.400000000e+01, v13  }
0x2af: {  	v17 =	vmul.f32 $6.400000000e+01, v17;
	v5 =	vshll.u32 v5, $0x4;
	v16 =	vadd.f32 v12, v16;
	v12 =	vld [tilespmem:s18+$0x15060]  }
0x2b0: {  	[tilespmem:v22+s11+$0x0] =	vst.idx.add.f32.msk $0xffff, v3;
	v5 =	vor.u32 v0, v5;
	v11 =	vmul.f32 $6.400000000e+01, v19;
	v19 =	vadd.f32 v24, v13  }
0x2b1: {  	[tilespmem:v15+s11+$0x0] =	vst.idx.add.f32.msk $0xffff, v3;
	v15 =	vcvt.f32.s32 v18;
	v13 =	vtrunc.f32 v16;
	v16 =	vadd.f32 v25, v17  }
0x2b2: {  	s18 =	simm.s32 $0x8;
	v18 =	vtrunc.f32 v19;
	v13 =	vcvt.f32.s32 v13;
	v17 =	vadd.f32 v23, v27;
	[tilespmem:v26+s11+$0x0] =	vst.idx.add.f32.msk $0xffff, v3  }
.LBB2_18:
0x2b3: {  	s18 =	sadd.s32 $0x8, s18;
	v18 =	vcvt.f32.s32 v18;
	v16 =	vtrunc.f32 v16;
	v11 =	vadd.f32 v14, v11;
	[tilespmem:v9+s11+$0x0] =	vst.idx.add.f32.msk $0xffff, v3  }
0x2b4: {  	s17 =	sadd.s32 $0x400, s17;
	s14 =	sshll.u32 s18, $0x4;
	p0 =	slt.u32 s18, $0x6F8;
	v9 =	vcvt.f32.s32 v16;
	v14 =	vtrunc.f32 v17;
	v10 =	vadd.f32 v12, v10;
	[tilespmem:v8+s11+$0x0] =	vst.idx.add.f32.msk $0xffff, v3  }
0x2b5: {  	s19 =	sand.u32 $0xC00, s17;
	s20 =	sshll.u32 s18, $0x2;
	v8 =	vshll.u32 v15, $0x4;
	s14 =	sand.u32 $0x7000, s14;
	v12 =	vcvt.f32.s32 v14;
	v11 =	vtrunc.f32 v11;
	[tilespmem:v7+s11+$0x0] =	vst.idx.add.f32.msk $0xffff, v3  }
0x2b6: {  	v7 =	vshll.u32 v13, $0x4;
	s14 =	sor.u32 s19, s14;
	s19 =	sand.u32 $0x380, s20;
	v11 =	vcvt.f32.s32 v11;
	v10 =	vtrunc.f32 v10;
	[tilespmem:v6+s11+$0x0] =	vst.idx.add.f32.msk $0xffff, v3  }
0x2b7: {  	v6 =	vshll.u32 v18, $0x4;
	v13 =	vshll.u32 v9, $0x4;
	s14 =	sor.u32 s19, s14;
	v10 =	vcvt.f32.s32 v10;
	[tilespmem:v5+s11+$0x0] =	vst.idx.add.f32.msk $0xffff, v3  }
0x2b8: {  	v15 =	vor.u32 v0, v8;
	v5 =	vshll.u32 v12, $0x4;
	v14 =	vld [tilespmem:s14+$0x7070];
	v11 =	vshll.u32 v11, $0x4  }
0x2b9: {  	v17 =	vor.u32 v0, v7;
	v9 =	vor.u32 v0, v6;
	v12 =	vld [tilespmem:s14+$0x7000];
	v10 =	vshll.u32 v10, $0x4  }
0x2ba: {  	v8 =	vor.u32 v0, v13;
	v7 =	vor.u32 v0, v5;
	v6 =	vor.u32 v0, v11;
	v16 =	vld [tilespmem:s14+$0x15070]  }
0x2bb: {  	v5 =	vor.u32 v0, v10;
	v11 =	vld [tilespmem:s14+$0x7010]  }
0x2bc: {  	v10 =	vld [tilespmem:s14+$0x7020]  }
0x2bd: {  	v13 =	vld [tilespmem:s14+$0x7030];
	v14 =	vmul.f32 $6.400000000e+01, v14  }
0x2be: {  	v12 =	vmul.f32 $6.400000000e+01, v12;
	v18 =	vld [tilespmem:s14+$0x7040]  }
0x2bf: {  	v19 =	vld [tilespmem:s14+$0x7050];
	v14 =	vadd.f32 v16, v14  }
0x2c0: {  	v16 =	vmul.f32 $6.400000000e+01, v11;
	v20 =	vld [tilespmem:s14+$0x7060]  }
0x2c1: {  	v21 =	vld [tilespmem:s14+$0x15000];
	v22 =	vmul.f32 $6.400000000e+01, v10;
	v10 =	vtrunc.f32 v14  }
0x2c2: {  	v23 =	vld [tilespmem:s14+$0x15010];
	v13 =	vmul.f32 $6.400000000e+01, v13;
	v10 =	vcvt.f32.s32 v10  }
0x2c3: {  	v24 =	vld [tilespmem:s14+$0x15020];
	v25 =	vmul.f32 $6.400000000e+01, v18  }
0x2c4: {  	v18 =	vld [tilespmem:s14+$0x15030];
	v11 =	vmul.f32 $6.400000000e+01, v19;
	v14 =	vshll.u32 v10, $0x4  }
0x2c5: {  	v19 =	vld [tilespmem:s14+$0x15040];
	v10 =	vmul.f32 $6.400000000e+01, v20;
	v20 =	vor.u32 v0, v14  }
.Ltmp8:
0x2c6: {  	v21 =	vadd.f32 v21, v12;
	v14 =	vld [tilespmem:s14+$0x15050];
	(pc) =	sbr.rel @p0 .LBB2_18-.Ltmp8, $4  }
0x2c7: {  	v16 =	vadd.f32 v23, v16;
	v12 =	vld [tilespmem:s14+$0x15060]  }
0x2c8: {  	v21 =	vtrunc.f32 v21;
	v22 =	vadd.f32 v24, v22;
	[tilespmem:v15+s11+$0x0] =	vst.idx.add.f32.msk $0xffff, v3  }
0x2c9: {  	v15 =	vcvt.f32.s32 v21;
	v21 =	vtrunc.f32 v16;
	v16 =	vadd.f32 v18, v13;
	[tilespmem:v17+s11+$0x0] =	vst.idx.add.f32.msk $0xffff, v3  }
0x2ca: {  	v13 =	vcvt.f32.s32 v21;
	v18 =	vtrunc.f32 v22;
	v17 =	vadd.f32 v19, v25;
	[tilespmem:v20+s11+$0x0] =	vst.idx.add.f32.msk $0xffff, v3  }
0x2cb: {  	_ = 	snop  }
0x2cc: {  	v18 =	vcvt.f32.s32 v18;
	v16 =	vtrunc.f32 v16  }
0x2cd: {  	v11 =	vadd.f32 v14, v11;
	v14 =	vcvt.f32.s32 v16;
	v16 =	vtrunc.f32 v17  }
0x2ce: {  	v10 =	vadd.f32 v12, v10;
	v12 =	vshll.u32 v15, $0x4;
	v15 =	vcvt.f32.s32 v16  }
0x2cf: {  	[tilespmem:v9+s11+$0x0] =	vst.idx.add.f32.msk $0xffff, v3;
	v9 =	vtrunc.f32 v11;
	v11 =	vshll.u32 v13, $0x4;
	v12 =	vor.u32 v0, v12  }
0x2d0: {  	[tilespmem:v8+s11+$0x0] =	vst.idx.add.f32.msk $0xffff, v3;
	v8 =	vcvt.f32.s32 v9;
	v9 =	vshll.u32 v18, $0x4;
	v11 =	vor.u32 v0, v11  }
0x2d1: {  	[tilespmem:v7+s11+$0x0] =	vst.idx.add.f32.msk $0xffff, v3;
	v7 =	vtrunc.f32 v10;
	v10 =	vshll.u32 v14, $0x4;
	v9 =	vor.u32 v0, v9  }
0x2d2: {  	[tilespmem:v6+s11+$0x0] =	vst.idx.add.f32.msk $0xffff, v3;
	v6 =	vcvt.f32.s32 v7;
	v7 =	vshll.u32 v15, $0x4;
	v10 =	vor.u32 v0, v10  }
0x2d3: {  	[tilespmem:v5+s11+$0x0] =	vst.idx.add.f32.msk $0xffff, v3;
	v5 =	vshll.u32 v8, $0x4;
	v7 =	vor.u32 v0, v7  }
0x2d4: {  	v6 =	vshll.u32 v6, $0x4;
	v5 =	vor.u32 v0, v5;
	[tilespmem:v12+s11+$0x0] =	vst.idx.add.f32.msk $0xffff, v3  }
0x2d5: {  	v6 =	vor.u32 v0, v6;
	[tilespmem:v11+s11+$0x0] =	vst.idx.add.f32.msk $0xffff, v3  }
0x2d6: {  	[tilespmem:v9+s11+$0x0] =	vst.idx.add.f32.msk $0xffff, v3  }
0x2d7: {  	[tilespmem:v10+s11+$0x0] =	vst.idx.add.f32.msk $0xffff, v3  }
0x2d8: {  	[tilespmem:v7+s11+$0x0] =	vst.idx.add.f32.msk $0xffff, v3  }
0x2d9: {  	[tilespmem:v5+s11+$0x0] =	vst.idx.add.f32.msk $0xffff, v3  }
0x2da: {  	[tilespmem:v6+s11+$0x0] =	vst.idx.add.f32.msk $0xffff, v3  }
0x2db: {  	s14 =	simm.s32 $0x0;
	s17 =	rddreg [dreg:$0x14]  }
0x2dc: {  	[tilespmem:s7], [sflag:$0x2] =	stream.linear.gather [hbm4b:s17+s14], $0x7000, $0x38;
	[tilespmem:$0x1C900] =	vst v63  }
0x2dd: {  	s20 =	rddreg [dreg:$0x15]  }
0x2de: {  	[tilespmem:s8], [sflag:$0x4] =	stream.linear.gather [hbm4b:s20+s14], $0x7000, $0x38;
	[tilespmem:$0x1C900] =	vst v63  }
0x2df: {  	_ =	swait.ge [sflag:s9], $0x7000  }
0x2e0: {  	s18 =	simm.s32 $0x0;
	[sflag:s9] =	ssyncset.done $0x0  }
0x2e1: {  	s17 =	sand.u32 $0x7000, s18;
	[sflag:s9] =	ssyncadd.s32 $0xFFFF9000  }
0x2e2: {  	s18 =	simm.s32 $0x0;
	s14 =	sand.u32 $0xC00, s14;
	_ =	swait.ge [sflag:s10], $0x7000  }
0x2e3: {  	s19 =	sand.u32 $0x380, s18;
	s14 =	sor.u32 s14, s17;
	[sflag:s10] =	ssyncset.done $0x0  }
0x2e4: {  	s14 =	sor.u32 s19, s14;
	[sflag:s10] =	ssyncadd.s32 $0xFFFF9000  }
0x2e5: {  	v5 =	vld [tilespmem:s14+$0x70];
	_ =	sdelay $0x1  }
0x2e6: {  	v6 =	vld [tilespmem:s14+$0xE070];
	_ =	sdelay $0x1  }
0x2e7: {  	v7 =	vld [tilespmem:s14+$0x0]  }
0x2e8: {  	v8 =	vld [tilespmem:s14+$0x10];
	v5 =	vmul.f32 $6.400000000e+01, v5  }
0x2e9: {  	v9 =	vld [tilespmem:s14+$0x20]  }
0x2ea: {  	v10 =	vld [tilespmem:s14+$0x30];
	v5 =	vadd.f32 v6, v5  }
0x2eb: {  	v11 =	vld [tilespmem:s14+$0x50]  }
0x2ec: {  	v13 =	vld [tilespmem:s14+$0xE000];
	v5 =	vtrunc.f32 v5  }
0x2ed: {  	v14 =	vld [tilespmem:s14+$0xE010];
	v5 =	vcvt.f32.s32 v5  }
0x2ee: {  	v15 =	vld [tilespmem:s14+$0xE020]  }
0x2ef: {  	s20 =	simm.s32 $0x80;
	s17 =	simm.s32 $0x400;
	v16 =	vld [tilespmem:s14+$0xE030];
	v5 =	vshll.u32 v5, $0x4  }
0x2f0: {  	s18 =	sand.u32 $0x7000, s20;
	s20 =	simm.s32 $0x20;
	s19 =	sand.u32 $0xC00, s17;
	v18 =	vld [tilespmem:s14+$0xE050];
	v5 =	vadd.s32 v4, v5  }
0x2f1: {  	s20 =	sand.u32 $0x380, s20;
	s19 =	sor.u32 s19, s18;
	v12 =	vld [tilespmem:s14+$0x60];
	v7 =	vmul.f32 $6.400000000e+01, v7;
	v8 =	vmul.f32 $6.400000000e+01, v8  }
0x2f2: {  	s18 =	sor.u32 s20, s19;
	v17 =	vld [tilespmem:s14+$0xE040];
	v9 =	vmul.f32 $6.400000000e+01, v9;
	v10 =	vmul.f32 $6.400000000e+01, v10  }
0x2f3: {  	v19 =	vld [tilespmem:s18+$0x50];
	v11 =	vmul.f32 $6.400000000e+01, v11;
	v7 =	vadd.f32 v13, v7;
	v8 =	vadd.f32 v14, v8  }
0x2f4: {  	v6 =	vld [tilespmem:s14+$0x40];
	v9 =	vadd.f32 v15, v9;
	v10 =	vadd.f32 v16, v10  }
0x2f5: {  	v11 =	vadd.f32 v18, v11;
	v7 =	vtrunc.f32 v7;
	v8 =	vtrunc.f32 v8;
	[tilespmem:v5+s11+$0x0] =	vst.idx.add.f32.msk $0xffff, v3  }
0x2f6: {  	v9 =	vtrunc.f32 v9;
	v5 =	vmul.f32 $6.400000000e+01, v12;
	v12 =	vld [tilespmem:s18+$0x70]  }
0x2f7: {  	v16 =	vld [tilespmem:s18+$0x10];
	v10 =	vtrunc.f32 v10;
	v11 =	vtrunc.f32 v11  }
0x2f8: {  	v15 =	vld [tilespmem:s18+$0xE070];
	v7 =	vcvt.f32.s32 v7;
	v8 =	vcvt.f32.s32 v8  }
0x2f9: {  	v14 =	vld [tilespmem:s18+$0x0];
	v9 =	vcvt.f32.s32 v9;
	v6 =	vmul.f32 $6.400000000e+01, v6  }
0x2fa: {  	v13 =	vld [tilespmem:s14+$0xE060];
	v10 =	vcvt.f32.s32 v10;
	v11 =	vcvt.f32.s32 v11;
	v7 =	vshll.u32 v7, $0x4  }
0x2fb: {  	v18 =	vld [tilespmem:s18+$0x40];
	v8 =	vshll.u32 v8, $0x4;
	v6 =	vadd.f32 v17, v6;
	v12 =	vmul.f32 $6.400000000e+01, v12  }
0x2fc: {  	v21 =	vld [tilespmem:s18+$0xE000];
	v9 =	vshll.u32 v9, $0x4;
	v10 =	vshll.u32 v10, $0x4;
	v16 =	vmul.f32 $6.400000000e+01, v16  }
0x2fd: {  	v20 =	vld [tilespmem:s18+$0x60];
	v22 =	vadd.s32 v4, v8;
	v6 =	vtrunc.f32 v6;
	v12 =	vadd.f32 v15, v12  }
0x2fe: {  	v8 =	vadd.s32 v4, v10;
	v10 =	vmul.f32 $6.400000000e+01, v14;
	v17 =	vld [tilespmem:s18+$0x30];
	v6 =	vcvt.f32.s32 v6  }
0x2ff: {  	v5 =	vadd.f32 v13, v5;
	v13 =	vld [tilespmem:s18+$0x20];
	v15 =	vadd.s32 v4, v7;
	v7 =	vtrunc.f32 v12  }
0x300: {  	v11 =	vshll.u32 v11, $0x4;
	v27 =	vmul.f32 $6.400000000e+01, v18;
	v12 =	vld [tilespmem:s18+$0xE010];
	v23 =	vcvt.f32.s32 v7  }
0x301: {  	v24 =	vld [tilespmem:s18+$0xE020];
	v21 =	vadd.f32 v21, v10;
	v6 =	vshll.u32 v6, $0x4;
	v5 =	vtrunc.f32 v5  }
0x302: {  	v25 =	vld [tilespmem:s18+$0xE030];
	v7 =	vadd.s32 v4, v6;
	v6 =	vadd.s32 v4, v11;
	v11 =	vshll.u32 v23, $0x4  }
0x303: {  	v10 =	vmul.f32 $6.400000000e+01, v20;
	v5 =	vcvt.f32.s32 v5;
	v23 =	vld [tilespmem:s18+$0xE040];
	v26 =	vadd.s32 v4, v11  }
0x304: {  	v9 =	vadd.s32 v4, v9;
	v14 =	vld [tilespmem:s18+$0xE050];
	v18 =	vtrunc.f32 v21;
	v13 =	vmul.f32 $6.400000000e+01, v13  }
0x305: {  	v17 =	vmul.f32 $6.400000000e+01, v17;
	v5 =	vshll.u32 v5, $0x4;
	v16 =	vadd.f32 v12, v16;
	v12 =	vld [tilespmem:s18+$0xE060]  }
0x306: {  	[tilespmem:v22+s11+$0x0] =	vst.idx.add.f32.msk $0xffff, v3;
	v5 =	vadd.s32 v4, v5;
	v11 =	vmul.f32 $6.400000000e+01, v19;
	v19 =	vadd.f32 v24, v13  }
0x307: {  	[tilespmem:v15+s11+$0x0] =	vst.idx.add.f32.msk $0xffff, v3;
	v15 =	vcvt.f32.s32 v18;
	v13 =	vtrunc.f32 v16;
	v16 =	vadd.f32 v25, v17  }
0x308: {  	s18 =	simm.s32 $0x8;
	v18 =	vtrunc.f32 v19;
	v13 =	vcvt.f32.s32 v13;
	v17 =	vadd.f32 v23, v27;
	[tilespmem:v26+s11+$0x0] =	vst.idx.add.f32.msk $0xffff, v3  }
.LBB2_20:
0x309: {  	s18 =	sadd.s32 $0x8, s18;
	v18 =	vcvt.f32.s32 v18;
	v16 =	vtrunc.f32 v16;
	v11 =	vadd.f32 v14, v11;
	[tilespmem:v9+s11+$0x0] =	vst.idx.add.f32.msk $0xffff, v3  }
0x30a: {  	s17 =	sadd.s32 $0x400, s17;
	s14 =	sshll.u32 s18, $0x4;
	p0 =	slt.u32 s18, $0x6F8;
	v9 =	vcvt.f32.s32 v16;
	v14 =	vtrunc.f32 v17;
	v10 =	vadd.f32 v12, v10;
	[tilespmem:v8+s11+$0x0] =	vst.idx.add.f32.msk $0xffff, v3  }
0x30b: {  	s19 =	sand.u32 $0xC00, s17;
	s20 =	sshll.u32 s18, $0x2;
	v8 =	vshll.u32 v15, $0x4;
	s14 =	sand.u32 $0x7000, s14;
	v12 =	vcvt.f32.s32 v14;
	v11 =	vtrunc.f32 v11;
	[tilespmem:v7+s11+$0x0] =	vst.idx.add.f32.msk $0xffff, v3  }
0x30c: {  	v7 =	vshll.u32 v13, $0x4;
	s14 =	sor.u32 s19, s14;
	s19 =	sand.u32 $0x380, s20;
	v11 =	vcvt.f32.s32 v11;
	v10 =	vtrunc.f32 v10;
	[tilespmem:v6+s11+$0x0] =	vst.idx.add.f32.msk $0xffff, v3  }
0x30d: {  	v6 =	vshll.u32 v18, $0x4;
	v13 =	vshll.u32 v9, $0x4;
	s14 =	sor.u32 s19, s14;
	v10 =	vcvt.f32.s32 v10;
	[tilespmem:v5+s11+$0x0] =	vst.idx.add.f32.msk $0xffff, v3  }
0x30e: {  	v15 =	vadd.s32 v4, v8;
	v5 =	vshll.u32 v12, $0x4;
	v14 =	vld [tilespmem:s14+$0x70];
	v11 =	vshll.u32 v11, $0x4  }
0x30f: {  	v17 =	vadd.s32 v4, v7;
	v9 =	vadd.s32 v4, v6;
	v12 =	vld [tilespmem:s14+$0x0];
	v10 =	vshll.u32 v10, $0x4  }
0x310: {  	v8 =	vadd.s32 v4, v13;
	v7 =	vadd.s32 v4, v5;
	v6 =	vadd.s32 v4, v11;
	v16 =	vld [tilespmem:s14+$0xE070]  }
0x311: {  	v5 =	vadd.s32 v4, v10;
	v11 =	vld [tilespmem:s14+$0x10]  }
0x312: {  	v10 =	vld [tilespmem:s14+$0x20]  }
0x313: {  	v13 =	vld [tilespmem:s14+$0x30];
	v14 =	vmul.f32 $6.400000000e+01, v14  }
0x314: {  	v12 =	vmul.f32 $6.400000000e+01, v12;
	v18 =	vld [tilespmem:s14+$0x40]  }
0x315: {  	v19 =	vld [tilespmem:s14+$0x50];
	v14 =	vadd.f32 v16, v14  }
0x316: {  	v16 =	vmul.f32 $6.400000000e+01, v11;
	v20 =	vld [tilespmem:s14+$0x60]  }
0x317: {  	v21 =	vld [tilespmem:s14+$0xE000];
	v22 =	vmul.f32 $6.400000000e+01, v10;
	v10 =	vtrunc.f32 v14  }
0x318: {  	v23 =	vld [tilespmem:s14+$0xE010];
	v13 =	vmul.f32 $6.400000000e+01, v13;
	v10 =	vcvt.f32.s32 v10  }
0x319: {  	v24 =	vld [tilespmem:s14+$0xE020];
	v25 =	vmul.f32 $6.400000000e+01, v18  }
0x31a: {  	v18 =	vld [tilespmem:s14+$0xE030];
	v11 =	vmul.f32 $6.400000000e+01, v19;
	v14 =	vshll.u32 v10, $0x4  }
0x31b: {  	v19 =	vld [tilespmem:s14+$0xE040];
	v10 =	vmul.f32 $6.400000000e+01, v20;
	v20 =	vadd.s32 v4, v14  }
.Ltmp9:
0x31c: {  	v21 =	vadd.f32 v21, v12;
	v14 =	vld [tilespmem:s14+$0xE050];
	(pc) =	sbr.rel @p0 .LBB2_20-.Ltmp9, $4  }
0x31d: {  	v16 =	vadd.f32 v23, v16;
	v12 =	vld [tilespmem:s14+$0xE060]  }
0x31e: {  	v21 =	vtrunc.f32 v21;
	v22 =	vadd.f32 v24, v22;
	[tilespmem:v15+s11+$0x0] =	vst.idx.add.f32.msk $0xffff, v3  }
0x31f: {  	v15 =	vcvt.f32.s32 v21;
	v21 =	vtrunc.f32 v16;
	v16 =	vadd.f32 v18, v13;
	[tilespmem:v17+s11+$0x0] =	vst.idx.add.f32.msk $0xffff, v3  }
0x320: {  	v13 =	vcvt.f32.s32 v21;
	v18 =	vtrunc.f32 v22;
	v17 =	vadd.f32 v19, v25;
	[tilespmem:v20+s11+$0x0] =	vst.idx.add.f32.msk $0xffff, v3  }
0x321: {  	_ = 	snop  }
0x322: {  	v18 =	vcvt.f32.s32 v18;
	v16 =	vtrunc.f32 v16  }
0x323: {  	v11 =	vadd.f32 v14, v11;
	v14 =	vcvt.f32.s32 v16;
	v16 =	vtrunc.f32 v17  }
0x324: {  	v10 =	vadd.f32 v12, v10;
	v12 =	vshll.u32 v15, $0x4;
	v15 =	vcvt.f32.s32 v16  }
0x325: {  	[tilespmem:v9+s11+$0x0] =	vst.idx.add.f32.msk $0xffff, v3;
	v9 =	vtrunc.f32 v11;
	v11 =	vshll.u32 v13, $0x4;
	v12 =	vadd.s32 v4, v12  }
0x326: {  	[tilespmem:v8+s11+$0x0] =	vst.idx.add.f32.msk $0xffff, v3;
	v8 =	vcvt.f32.s32 v9;
	v9 =	vshll.u32 v18, $0x4;
	v11 =	vadd.s32 v4, v11  }
0x327: {  	[tilespmem:v7+s11+$0x0] =	vst.idx.add.f32.msk $0xffff, v3;
	v7 =	vtrunc.f32 v10;
	v10 =	vshll.u32 v14, $0x4;
	v9 =	vadd.s32 v4, v9  }
0x328: {  	[tilespmem:v6+s11+$0x0] =	vst.idx.add.f32.msk $0xffff, v3;
	v6 =	vcvt.f32.s32 v7;
	v7 =	vshll.u32 v15, $0x4;
	v10 =	vadd.s32 v4, v10  }
0x329: {  	[tilespmem:v5+s11+$0x0] =	vst.idx.add.f32.msk $0xffff, v3;
	v5 =	vshll.u32 v8, $0x4;
	v7 =	vadd.s32 v4, v7  }
0x32a: {  	v6 =	vshll.u32 v6, $0x4;
	v5 =	vadd.s32 v4, v5;
	[tilespmem:v12+s11+$0x0] =	vst.idx.add.f32.msk $0xffff, v3  }
0x32b: {  	v6 =	vadd.s32 v4, v6;
	[tilespmem:v11+s11+$0x0] =	vst.idx.add.f32.msk $0xffff, v3  }
0x32c: {  	[tilespmem:v9+s11+$0x0] =	vst.idx.add.f32.msk $0xffff, v3  }
0x32d: {  	[tilespmem:v10+s11+$0x0] =	vst.idx.add.f32.msk $0xffff, v3  }
0x32e: {  	[tilespmem:v7+s11+$0x0] =	vst.idx.add.f32.msk $0xffff, v3  }
0x32f: {  	[tilespmem:v5+s11+$0x0] =	vst.idx.add.f32.msk $0xffff, v3  }
0x330: {  	[tilespmem:v6+s11+$0x0] =	vst.idx.add.f32.msk $0xffff, v3  }
0x331: {  	s14 =	simm.s32 $0x0;
	s17 =	rddreg [dreg:$0x16]  }
0x332: {  	[tilespmem:s14], [sflag:$0x1] =	stream.linear.gather [hbm4b:s17+s14], $0x7000, $0x38;
	[tilespmem:$0x1C900] =	vst v63  }
0x333: {  	s20 =	rddreg [dreg:$0x17]  }
0x334: {  	[tilespmem:s6], [sflag:$0x3] =	stream.linear.gather [hbm4b:s20+s14], $0x7000, $0x38;
	[tilespmem:$0x1C900] =	vst v63  }
0x335: {  	_ =	swait.ge [sflag:s12], $0x7000  }
0x336: {  	s18 =	simm.s32 $0x0;
	[sflag:s12] =	ssyncset.done $0x0  }
0x337: {  	s17 =	sand.u32 $0x7000, s18;
	[sflag:s12] =	ssyncadd.s32 $0xFFFF9000  }
0x338: {  	s18 =	simm.s32 $0x0;
	s14 =	sand.u32 $0xC00, s14;
	_ =	swait.ge [sflag:s13], $0x7000  }
0x339: {  	s19 =	sand.u32 $0x380, s18;
	s14 =	sor.u32 s14, s17;
	[sflag:s13] =	ssyncset.done $0x0  }
0x33a: {  	s14 =	sor.u32 s19, s14;
	[sflag:s13] =	ssyncadd.s32 $0xFFFF9000  }
0x33b: {  	v5 =	vld [tilespmem:s14+$0x7070];
	_ =	sdelay $0x1  }
0x33c: {  	v6 =	vld [tilespmem:s14+$0x15070];
	_ =	sdelay $0x1  }
0x33d: {  	v7 =	vld [tilespmem:s14+$0x7000]  }
0x33e: {  	v8 =	vld [tilespmem:s14+$0x7010];
	v5 =	vmul.f32 $6.400000000e+01, v5  }
0x33f: {  	v9 =	vld [tilespmem:s14+$0x7020]  }
0x340: {  	v10 =	vld [tilespmem:s14+$0x7030];
	v5 =	vadd.f32 v6, v5  }
0x341: {  	v11 =	vld [tilespmem:s14+$0x7050]  }
0x342: {  	v13 =	vld [tilespmem:s14+$0x15000];
	v5 =	vtrunc.f32 v5  }
0x343: {  	v14 =	vld [tilespmem:s14+$0x15010];
	v5 =	vcvt.f32.s32 v5  }
0x344: {  	v15 =	vld [tilespmem:s14+$0x15020]  }
0x345: {  	s20 =	simm.s32 $0x80;
	s17 =	simm.s32 $0x400;
	v16 =	vld [tilespmem:s14+$0x15030];
	v5 =	vshll.u32 v5, $0x4  }
0x346: {  	s18 =	sand.u32 $0x7000, s20;
	s20 =	simm.s32 $0x20;
	s19 =	sand.u32 $0xC00, s17;
	v18 =	vld [tilespmem:s14+$0x15050];
	v5 =	vadd.s32 v4, v5  }
0x347: {  	s20 =	sand.u32 $0x380, s20;
	s19 =	sor.u32 s19, s18;
	v12 =	vld [tilespmem:s14+$0x7060];
	v7 =	vmul.f32 $6.400000000e+01, v7;
	v8 =	vmul.f32 $6.400000000e+01, v8  }
0x348: {  	s18 =	sor.u32 s20, s19;
	v17 =	vld [tilespmem:s14+$0x15040];
	v9 =	vmul.f32 $6.400000000e+01, v9;
	v10 =	vmul.f32 $6.400000000e+01, v10  }
0x349: {  	v19 =	vld [tilespmem:s18+$0x7050];
	v11 =	vmul.f32 $6.400000000e+01, v11;
	v7 =	vadd.f32 v13, v7;
	v8 =	vadd.f32 v14, v8  }
0x34a: {  	v6 =	vld [tilespmem:s14+$0x7040];
	v9 =	vadd.f32 v15, v9;
	v10 =	vadd.f32 v16, v10  }
0x34b: {  	v11 =	vadd.f32 v18, v11;
	v7 =	vtrunc.f32 v7;
	v8 =	vtrunc.f32 v8;
	[tilespmem:v5+s11+$0x0] =	vst.idx.add.f32.msk $0xffff, v3  }
0x34c: {  	v9 =	vtrunc.f32 v9;
	v5 =	vmul.f32 $6.400000000e+01, v12;
	v12 =	vld [tilespmem:s18+$0x7070]  }
0x34d: {  	v16 =	vld [tilespmem:s18+$0x7010];
	v10 =	vtrunc.f32 v10;
	v11 =	vtrunc.f32 v11  }
0x34e: {  	v15 =	vld [tilespmem:s18+$0x15070];
	v7 =	vcvt.f32.s32 v7;
	v8 =	vcvt.f32.s32 v8  }
0x34f: {  	v14 =	vld [tilespmem:s18+$0x7000];
	v9 =	vcvt.f32.s32 v9;
	v6 =	vmul.f32 $6.400000000e+01, v6  }
0x350: {  	v13 =	vld [tilespmem:s14+$0x15060];
	v10 =	vcvt.f32.s32 v10;
	v11 =	vcvt.f32.s32 v11;
	v7 =	vshll.u32 v7, $0x4  }
0x351: {  	v18 =	vld [tilespmem:s18+$0x7040];
	v8 =	vshll.u32 v8, $0x4;
	v6 =	vadd.f32 v17, v6;
	v12 =	vmul.f32 $6.400000000e+01, v12  }
0x352: {  	v21 =	vld [tilespmem:s18+$0x15000];
	v9 =	vshll.u32 v9, $0x4;
	v10 =	vshll.u32 v10, $0x4;
	v16 =	vmul.f32 $6.400000000e+01, v16  }
0x353: {  	v20 =	vld [tilespmem:s18+$0x7060];
	v22 =	vadd.s32 v4, v8;
	v6 =	vtrunc.f32 v6;
	v12 =	vadd.f32 v15, v12  }
0x354: {  	v8 =	vadd.s32 v4, v10;
	v10 =	vmul.f32 $6.400000000e+01, v14;
	v17 =	vld [tilespmem:s18+$0x7030];
	v6 =	vcvt.f32.s32 v6  }
0x355: {  	v5 =	vadd.f32 v13, v5;
	v13 =	vld [tilespmem:s18+$0x7020];
	v15 =	vadd.s32 v4, v7;
	v7 =	vtrunc.f32 v12  }
0x356: {  	v11 =	vshll.u32 v11, $0x4;
	v27 =	vmul.f32 $6.400000000e+01, v18;
	v12 =	vld [tilespmem:s18+$0x15010];
	v23 =	vcvt.f32.s32 v7  }
0x357: {  	v24 =	vld [tilespmem:s18+$0x15020];
	v21 =	vadd.f32 v21, v10;
	v6 =	vshll.u32 v6, $0x4;
	v5 =	vtrunc.f32 v5  }
0x358: {  	v25 =	vld [tilespmem:s18+$0x15030];
	v7 =	vadd.s32 v4, v6;
	v6 =	vadd.s32 v4, v11;
	v11 =	vshll.u32 v23, $0x4  }
0x359: {  	v10 =	vmul.f32 $6.400000000e+01, v20;
	v5 =	vcvt.f32.s32 v5;
	v23 =	vld [tilespmem:s18+$0x15040];
	v26 =	vadd.s32 v4, v11  }
0x35a: {  	v9 =	vadd.s32 v4, v9;
	v14 =	vld [tilespmem:s18+$0x15050];
	v18 =	vtrunc.f32 v21;
	v13 =	vmul.f32 $6.400000000e+01, v13  }
0x35b: {  	v17 =	vmul.f32 $6.400000000e+01, v17;
	v5 =	vshll.u32 v5, $0x4;
	v16 =	vadd.f32 v12, v16;
	v12 =	vld [tilespmem:s18+$0x15060]  }
0x35c: {  	[tilespmem:v22+s11+$0x0] =	vst.idx.add.f32.msk $0xffff, v3;
	v5 =	vadd.s32 v4, v5;
	v11 =	vmul.f32 $6.400000000e+01, v19;
	v19 =	vadd.f32 v24, v13  }
0x35d: {  	[tilespmem:v15+s11+$0x0] =	vst.idx.add.f32.msk $0xffff, v3;
	v15 =	vcvt.f32.s32 v18;
	v13 =	vtrunc.f32 v16;
	v16 =	vadd.f32 v25, v17  }
0x35e: {  	s18 =	simm.s32 $0x8;
	v18 =	vtrunc.f32 v19;
	v13 =	vcvt.f32.s32 v13;
	v17 =	vadd.f32 v23, v27;
	[tilespmem:v26+s11+$0x0] =	vst.idx.add.f32.msk $0xffff, v3  }
.LBB2_22:
0x35f: {  	s18 =	sadd.s32 $0x8, s18;
	v18 =	vcvt.f32.s32 v18;
	v16 =	vtrunc.f32 v16;
	v11 =	vadd.f32 v14, v11;
	[tilespmem:v9+s11+$0x0] =	vst.idx.add.f32.msk $0xffff, v3  }
0x360: {  	s17 =	sadd.s32 $0x400, s17;
	s14 =	sshll.u32 s18, $0x4;
	p0 =	slt.u32 s18, $0x6F8;
	v9 =	vcvt.f32.s32 v16;
	v14 =	vtrunc.f32 v17;
	v10 =	vadd.f32 v12, v10;
	[tilespmem:v8+s11+$0x0] =	vst.idx.add.f32.msk $0xffff, v3  }
0x361: {  	s19 =	sand.u32 $0xC00, s17;
	s20 =	sshll.u32 s18, $0x2;
	v8 =	vshll.u32 v15, $0x4;
	s14 =	sand.u32 $0x7000, s14;
	v12 =	vcvt.f32.s32 v14;
	v11 =	vtrunc.f32 v11;
	[tilespmem:v7+s11+$0x0] =	vst.idx.add.f32.msk $0xffff, v3  }
0x362: {  	v7 =	vshll.u32 v13, $0x4;
	s14 =	sor.u32 s19, s14;
	s19 =	sand.u32 $0x380, s20;
	v11 =	vcvt.f32.s32 v11;
	v10 =	vtrunc.f32 v10;
	[tilespmem:v6+s11+$0x0] =	vst.idx.add.f32.msk $0xffff, v3  }
0x363: {  	v6 =	vshll.u32 v18, $0x4;
	v13 =	vshll.u32 v9, $0x4;
	s14 =	sor.u32 s19, s14;
	v10 =	vcvt.f32.s32 v10;
	[tilespmem:v5+s11+$0x0] =	vst.idx.add.f32.msk $0xffff, v3  }
0x364: {  	v15 =	vadd.s32 v4, v8;
	v5 =	vshll.u32 v12, $0x4;
	v14 =	vld [tilespmem:s14+$0x7070];
	v11 =	vshll.u32 v11, $0x4  }
0x365: {  	v17 =	vadd.s32 v4, v7;
	v9 =	vadd.s32 v4, v6;
	v12 =	vld [tilespmem:s14+$0x7000];
	v10 =	vshll.u32 v10, $0x4  }
0x366: {  	v8 =	vadd.s32 v4, v13;
	v7 =	vadd.s32 v4, v5;
	v6 =	vadd.s32 v4, v11;
	v16 =	vld [tilespmem:s14+$0x15070]  }
0x367: {  	v5 =	vadd.s32 v4, v10;
	v11 =	vld [tilespmem:s14+$0x7010]  }
0x368: {  	v10 =	vld [tilespmem:s14+$0x7020]  }
0x369: {  	v13 =	vld [tilespmem:s14+$0x7030];
	v14 =	vmul.f32 $6.400000000e+01, v14  }
0x36a: {  	v12 =	vmul.f32 $6.400000000e+01, v12;
	v18 =	vld [tilespmem:s14+$0x7040]  }
0x36b: {  	v19 =	vld [tilespmem:s14+$0x7050];
	v14 =	vadd.f32 v16, v14  }
0x36c: {  	v16 =	vmul.f32 $6.400000000e+01, v11;
	v20 =	vld [tilespmem:s14+$0x7060]  }
0x36d: {  	v21 =	vld [tilespmem:s14+$0x15000];
	v22 =	vmul.f32 $6.400000000e+01, v10;
	v10 =	vtrunc.f32 v14  }
0x36e: {  	v23 =	vld [tilespmem:s14+$0x15010];
	v13 =	vmul.f32 $6.400000000e+01, v13;
	v10 =	vcvt.f32.s32 v10  }
0x36f: {  	v24 =	vld [tilespmem:s14+$0x15020];
	v25 =	vmul.f32 $6.400000000e+01, v18  }
0x370: {  	v18 =	vld [tilespmem:s14+$0x15030];
	v11 =	vmul.f32 $6.400000000e+01, v19;
	v14 =	vshll.u32 v10, $0x4  }
0x371: {  	v19 =	vld [tilespmem:s14+$0x15040];
	v10 =	vmul.f32 $6.400000000e+01, v20;
	v20 =	vadd.s32 v4, v14  }
.Ltmp10:
0x372: {  	v21 =	vadd.f32 v21, v12;
	v14 =	vld [tilespmem:s14+$0x15050];
	(pc) =	sbr.rel @p0 .LBB2_22-.Ltmp10, $4  }
0x373: {  	v16 =	vadd.f32 v23, v16;
	v12 =	vld [tilespmem:s14+$0x15060]  }
0x374: {  	v21 =	vtrunc.f32 v21;
	v22 =	vadd.f32 v24, v22;
	[tilespmem:v15+s11+$0x0] =	vst.idx.add.f32.msk $0xffff, v3  }
0x375: {  	v15 =	vcvt.f32.s32 v21;
	v21 =	vtrunc.f32 v16;
	v16 =	vadd.f32 v18, v13;
	[tilespmem:v17+s11+$0x0] =	vst.idx.add.f32.msk $0xffff, v3  }
0x376: {  	v13 =	vcvt.f32.s32 v21;
	v18 =	vtrunc.f32 v22;
	v17 =	vadd.f32 v19, v25;
	[tilespmem:v20+s11+$0x0] =	vst.idx.add.f32.msk $0xffff, v3  }
0x377: {  	_ = 	snop  }
0x378: {  	v18 =	vcvt.f32.s32 v18;
	v16 =	vtrunc.f32 v16  }
0x379: {  	v11 =	vadd.f32 v14, v11;
	v14 =	vcvt.f32.s32 v16;
	v16 =	vtrunc.f32 v17  }
0x37a: {  	v10 =	vadd.f32 v12, v10;
	v12 =	vshll.u32 v15, $0x4;
	v15 =	vcvt.f32.s32 v16  }
0x37b: {  	[tilespmem:v9+s11+$0x0] =	vst.idx.add.f32.msk $0xffff, v3;
	v9 =	vtrunc.f32 v11;
	v11 =	vshll.u32 v13, $0x4;
	v12 =	vadd.s32 v4, v12  }
0x37c: {  	[tilespmem:v8+s11+$0x0] =	vst.idx.add.f32.msk $0xffff, v3;
	v8 =	vcvt.f32.s32 v9;
	v9 =	vshll.u32 v18, $0x4;
	v11 =	vadd.s32 v4, v11  }
0x37d: {  	[tilespmem:v7+s11+$0x0] =	vst.idx.add.f32.msk $0xffff, v3;
	v7 =	vtrunc.f32 v10;
	v10 =	vshll.u32 v14, $0x4;
	v9 =	vadd.s32 v4, v9  }
0x37e: {  	[tilespmem:v6+s11+$0x0] =	vst.idx.add.f32.msk $0xffff, v3;
	v6 =	vcvt.f32.s32 v7;
	v7 =	vshll.u32 v15, $0x4;
	v10 =	vadd.s32 v4, v10  }
0x37f: {  	[tilespmem:v5+s11+$0x0] =	vst.idx.add.f32.msk $0xffff, v3;
	v5 =	vshll.u32 v8, $0x4;
	v7 =	vadd.s32 v4, v7  }
0x380: {  	v6 =	vshll.u32 v6, $0x4;
	v5 =	vadd.s32 v4, v5;
	[tilespmem:v12+s11+$0x0] =	vst.idx.add.f32.msk $0xffff, v3  }
0x381: {  	v6 =	vadd.s32 v4, v6;
	[tilespmem:v11+s11+$0x0] =	vst.idx.add.f32.msk $0xffff, v3  }
0x382: {  	[tilespmem:v9+s11+$0x0] =	vst.idx.add.f32.msk $0xffff, v3  }
0x383: {  	[tilespmem:v10+s11+$0x0] =	vst.idx.add.f32.msk $0xffff, v3  }
0x384: {  	[tilespmem:v7+s11+$0x0] =	vst.idx.add.f32.msk $0xffff, v3  }
0x385: {  	[tilespmem:v5+s11+$0x0] =	vst.idx.add.f32.msk $0xffff, v3  }
0x386: {  	s14 =	simm.s32 $0x0;
	[tilespmem:v6+s11+$0x0] =	vst.idx.add.f32.msk $0xffff, v3  }
0x387: {  	[tilespmem:s7], [sflag:$0x2] =	stream.linear.gather [hbm4b:s21+s14], $0x7000, $0x38;
	[tilespmem:$0x1C900] =	vst v63  }
0x388: {  	_ = 	snop  }
0x389: {  	[tilespmem:s8], [sflag:$0x4] =	stream.linear.gather [hbm4b:s22+s14], $0x7000, $0x38;
	[tilespmem:$0x1C900] =	vst v63  }
0x38a: {  	_ =	swait.ge [sflag:s9], $0x7000  }
0x38b: {  	[sflag:s9] =	ssyncset.done $0x0  }
0x38c: {  	s17 =	simm.s32 $0x0;
	s18 =	simm.s32 $0x0;
	[sflag:s9] =	ssyncadd.s32 $0xFFFF9000  }
0x38d: {  	s17 =	sand.u32 $0x7000, s17;
	s14 =	sand.u32 $0xC00, s14;
	_ =	swait.ge [sflag:s10], $0x7000  }
0x38e: {  	s19 =	sand.u32 $0x380, s18;
	s14 =	sor.u32 s14, s17;
	[sflag:s10] =	ssyncset.done $0x0  }
0x38f: {  	s14 =	sor.u32 s19, s14;
	[sflag:s10] =	ssyncadd.s32 $0xFFFF9000  }
0x390: {  	v5 =	vld [tilespmem:s14+$0x70];
	_ =	sdelay $0x1  }
0x391: {  	v6 =	vld [tilespmem:s14+$0xE070];
	_ =	sdelay $0x1  }
0x392: {  	v7 =	vld [tilespmem:s14+$0x0]  }
0x393: {  	v8 =	vld [tilespmem:s14+$0x10];
	v5 =	vmul.f32 $6.400000000e+01, v5  }
0x394: {  	v9 =	vld [tilespmem:s14+$0x20]  }
0x395: {  	v10 =	vld [tilespmem:s14+$0x30];
	v5 =	vadd.f32 v6, v5  }
0x396: {  	v11 =	vld [tilespmem:s14+$0x50]  }
0x397: {  	v13 =	vld [tilespmem:s14+$0xE000];
	v5 =	vtrunc.f32 v5  }
0x398: {  	v14 =	vld [tilespmem:s14+$0xE010];
	v5 =	vcvt.f32.s32 v5  }
0x399: {  	v15 =	vld [tilespmem:s14+$0xE020]  }
0x39a: {  	s20 =	simm.s32 $0x80;
	s17 =	simm.s32 $0x400;
	v16 =	vld [tilespmem:s14+$0xE030];
	v5 =	vshll.u32 v5, $0x4  }
0x39b: {  	s18 =	sand.u32 $0x7000, s20;
	s20 =	simm.s32 $0x20;
	s19 =	sand.u32 $0xC00, s17;
	v18 =	vld [tilespmem:s14+$0xE050];
	v5 =	vadd.s32 v4, v5  }
0x39c: {  	s20 =	sand.u32 $0x380, s20;
	s19 =	sor.u32 s19, s18;
	v12 =	vld [tilespmem:s14+$0x60];
	v7 =	vmul.f32 $6.400000000e+01, v7;
	v8 =	vmul.f32 $6.400000000e+01, v8  }
0x39d: {  	s18 =	sor.u32 s20, s19;
	v17 =	vld [tilespmem:s14+$0xE040];
	v9 =	vmul.f32 $6.400000000e+01, v9;
	v10 =	vmul.f32 $6.400000000e+01, v10  }
0x39e: {  	v19 =	vld [tilespmem:s18+$0x50];
	v11 =	vmul.f32 $6.400000000e+01, v11;
	v7 =	vadd.f32 v13, v7;
	v8 =	vadd.f32 v14, v8  }
0x39f: {  	v6 =	vld [tilespmem:s14+$0x40];
	v9 =	vadd.f32 v15, v9;
	v10 =	vadd.f32 v16, v10  }
0x3a0: {  	v11 =	vadd.f32 v18, v11;
	v7 =	vtrunc.f32 v7;
	v8 =	vtrunc.f32 v8;
	[tilespmem:v5+s11+$0x0] =	vst.idx.add.f32.msk $0xffff, v3  }
0x3a1: {  	v9 =	vtrunc.f32 v9;
	v5 =	vmul.f32 $6.400000000e+01, v12;
	v12 =	vld [tilespmem:s18+$0x70]  }
0x3a2: {  	v16 =	vld [tilespmem:s18+$0x10];
	v10 =	vtrunc.f32 v10;
	v11 =	vtrunc.f32 v11  }
0x3a3: {  	v15 =	vld [tilespmem:s18+$0xE070];
	v7 =	vcvt.f32.s32 v7;
	v8 =	vcvt.f32.s32 v8  }
0x3a4: {  	v14 =	vld [tilespmem:s18+$0x0];
	v9 =	vcvt.f32.s32 v9;
	v6 =	vmul.f32 $6.400000000e+01, v6  }
0x3a5: {  	v13 =	vld [tilespmem:s14+$0xE060];
	v10 =	vcvt.f32.s32 v10;
	v11 =	vcvt.f32.s32 v11;
	v7 =	vshll.u32 v7, $0x4  }
0x3a6: {  	v18 =	vld [tilespmem:s18+$0x40];
	v8 =	vshll.u32 v8, $0x4;
	v6 =	vadd.f32 v17, v6;
	v12 =	vmul.f32 $6.400000000e+01, v12  }
0x3a7: {  	v21 =	vld [tilespmem:s18+$0xE000];
	v9 =	vshll.u32 v9, $0x4;
	v10 =	vshll.u32 v10, $0x4;
	v16 =	vmul.f32 $6.400000000e+01, v16  }
0x3a8: {  	v20 =	vld [tilespmem:s18+$0x60];
	v22 =	vadd.s32 v4, v8;
	v6 =	vtrunc.f32 v6;
	v12 =	vadd.f32 v15, v12  }
0x3a9: {  	v8 =	vadd.s32 v4, v10;
	v10 =	vmul.f32 $6.400000000e+01, v14;
	v17 =	vld [tilespmem:s18+$0x30];
	v6 =	vcvt.f32.s32 v6  }
0x3aa: {  	v5 =	vadd.f32 v13, v5;
	v13 =	vld [tilespmem:s18+$0x20];
	v15 =	vadd.s32 v4, v7;
	v7 =	vtrunc.f32 v12  }
0x3ab: {  	v11 =	vshll.u32 v11, $0x4;
	v27 =	vmul.f32 $6.400000000e+01, v18;
	v12 =	vld [tilespmem:s18+$0xE010];
	v23 =	vcvt.f32.s32 v7  }
0x3ac: {  	v24 =	vld [tilespmem:s18+$0xE020];
	v21 =	vadd.f32 v21, v10;
	v6 =	vshll.u32 v6, $0x4;
	v5 =	vtrunc.f32 v5  }
0x3ad: {  	v25 =	vld [tilespmem:s18+$0xE030];
	v7 =	vadd.s32 v4, v6;
	v6 =	vadd.s32 v4, v11;
	v11 =	vshll.u32 v23, $0x4  }
0x3ae: {  	v10 =	vmul.f32 $6.400000000e+01, v20;
	v5 =	vcvt.f32.s32 v5;
	v23 =	vld [tilespmem:s18+$0xE040];
	v26 =	vadd.s32 v4, v11  }
0x3af: {  	v9 =	vadd.s32 v4, v9;
	v14 =	vld [tilespmem:s18+$0xE050];
	v18 =	vtrunc.f32 v21;
	v13 =	vmul.f32 $6.400000000e+01, v13  }
0x3b0: {  	v17 =	vmul.f32 $6.400000000e+01, v17;
	v5 =	vshll.u32 v5, $0x4;
	v16 =	vadd.f32 v12, v16;
	v12 =	vld [tilespmem:s18+$0xE060]  }
0x3b1: {  	[tilespmem:v22+s11+$0x0] =	vst.idx.add.f32.msk $0xffff, v3;
	v5 =	vadd.s32 v4, v5;
	v11 =	vmul.f32 $6.400000000e+01, v19;
	v19 =	vadd.f32 v24, v13  }
0x3b2: {  	[tilespmem:v15+s11+$0x0] =	vst.idx.add.f32.msk $0xffff, v3;
	v15 =	vcvt.f32.s32 v18;
	v13 =	vtrunc.f32 v16;
	v16 =	vadd.f32 v25, v17  }
0x3b3: {  	s18 =	simm.s32 $0x8;
	v18 =	vtrunc.f32 v19;
	v13 =	vcvt.f32.s32 v13;
	v17 =	vadd.f32 v23, v27;
	[tilespmem:v26+s11+$0x0] =	vst.idx.add.f32.msk $0xffff, v3  }
.LBB2_24:
0x3b4: {  	s18 =	sadd.s32 $0x8, s18;
	v18 =	vcvt.f32.s32 v18;
	v16 =	vtrunc.f32 v16;
	v11 =	vadd.f32 v14, v11;
	[tilespmem:v9+s11+$0x0] =	vst.idx.add.f32.msk $0xffff, v3  }
0x3b5: {  	s17 =	sadd.s32 $0x400, s17;
	s14 =	sshll.u32 s18, $0x4;
	p0 =	slt.u32 s18, $0x6F8;
	v9 =	vcvt.f32.s32 v16;
	v14 =	vtrunc.f32 v17;
	v10 =	vadd.f32 v12, v10;
	[tilespmem:v8+s11+$0x0] =	vst.idx.add.f32.msk $0xffff, v3  }
0x3b6: {  	s19 =	sand.u32 $0xC00, s17;
	s20 =	sshll.u32 s18, $0x2;
	v8 =	vshll.u32 v15, $0x4;
	s14 =	sand.u32 $0x7000, s14;
	v12 =	vcvt.f32.s32 v14;
	v11 =	vtrunc.f32 v11;
	[tilespmem:v7+s11+$0x0] =	vst.idx.add.f32.msk $0xffff, v3  }
0x3b7: {  	v7 =	vshll.u32 v13, $0x4;
	s14 =	sor.u32 s19, s14;
	s19 =	sand.u32 $0x380, s20;
	v11 =	vcvt.f32.s32 v11;
	v10 =	vtrunc.f32 v10;
	[tilespmem:v6+s11+$0x0] =	vst.idx.add.f32.msk $0xffff, v3  }
0x3b8: {  	v6 =	vshll.u32 v18, $0x4;
	v13 =	vshll.u32 v9, $0x4;
	s14 =	sor.u32 s19, s14;
	v10 =	vcvt.f32.s32 v10;
	[tilespmem:v5+s11+$0x0] =	vst.idx.add.f32.msk $0xffff, v3  }
0x3b9: {  	v15 =	vadd.s32 v4, v8;
	v5 =	vshll.u32 v12, $0x4;
	v14 =	vld [tilespmem:s14+$0x70];
	v11 =	vshll.u32 v11, $0x4  }
0x3ba: {  	v17 =	vadd.s32 v4, v7;
	v9 =	vadd.s32 v4, v6;
	v12 =	vld [tilespmem:s14+$0x0];
	v10 =	vshll.u32 v10, $0x4  }
0x3bb: {  	v8 =	vadd.s32 v4, v13;
	v7 =	vadd.s32 v4, v5;
	v6 =	vadd.s32 v4, v11;
	v16 =	vld [tilespmem:s14+$0xE070]  }
0x3bc: {  	v5 =	vadd.s32 v4, v10;
	v11 =	vld [tilespmem:s14+$0x10]  }
0x3bd: {  	v10 =	vld [tilespmem:s14+$0x20]  }
0x3be: {  	v13 =	vld [tilespmem:s14+$0x30];
	v14 =	vmul.f32 $6.400000000e+01, v14  }
0x3bf: {  	v12 =	vmul.f32 $6.400000000e+01, v12;
	v18 =	vld [tilespmem:s14+$0x40]  }
0x3c0: {  	v19 =	vld [tilespmem:s14+$0x50];
	v14 =	vadd.f32 v16, v14  }
0x3c1: {  	v16 =	vmul.f32 $6.400000000e+01, v11;
	v20 =	vld [tilespmem:s14+$0x60]  }
0x3c2: {  	v21 =	vld [tilespmem:s14+$0xE000];
	v22 =	vmul.f32 $6.400000000e+01, v10;
	v10 =	vtrunc.f32 v14  }
0x3c3: {  	v23 =	vld [tilespmem:s14+$0xE010];
	v13 =	vmul.f32 $6.400000000e+01, v13;
	v10 =	vcvt.f32.s32 v10  }
0x3c4: {  	v24 =	vld [tilespmem:s14+$0xE020];
	v25 =	vmul.f32 $6.400000000e+01, v18  }
0x3c5: {  	v18 =	vld [tilespmem:s14+$0xE030];
	v11 =	vmul.f32 $6.400000000e+01, v19;
	v14 =	vshll.u32 v10, $0x4  }
0x3c6: {  	v19 =	vld [tilespmem:s14+$0xE040];
	v10 =	vmul.f32 $6.400000000e+01, v20;
	v20 =	vadd.s32 v4, v14  }
.Ltmp11:
0x3c7: {  	v21 =	vadd.f32 v21, v12;
	v14 =	vld [tilespmem:s14+$0xE050];
	(pc) =	sbr.rel @p0 .LBB2_24-.Ltmp11, $4  }
0x3c8: {  	v16 =	vadd.f32 v23, v16;
	v12 =	vld [tilespmem:s14+$0xE060]  }
0x3c9: {  	v21 =	vtrunc.f32 v21;
	v22 =	vadd.f32 v24, v22;
	[tilespmem:v15+s11+$0x0] =	vst.idx.add.f32.msk $0xffff, v3  }
0x3ca: {  	v15 =	vcvt.f32.s32 v21;
	v21 =	vtrunc.f32 v16;
	v16 =	vadd.f32 v18, v13;
	[tilespmem:v17+s11+$0x0] =	vst.idx.add.f32.msk $0xffff, v3  }
0x3cb: {  	v13 =	vcvt.f32.s32 v21;
	v18 =	vtrunc.f32 v22;
	v17 =	vadd.f32 v19, v25;
	[tilespmem:v20+s11+$0x0] =	vst.idx.add.f32.msk $0xffff, v3  }
0x3cc: {  	_ = 	snop  }
0x3cd: {  	v18 =	vcvt.f32.s32 v18;
	v16 =	vtrunc.f32 v16  }
0x3ce: {  	v11 =	vadd.f32 v14, v11;
	v14 =	vcvt.f32.s32 v16;
	v16 =	vtrunc.f32 v17  }
0x3cf: {  	v10 =	vadd.f32 v12, v10;
	v12 =	vshll.u32 v15, $0x4;
	v15 =	vcvt.f32.s32 v16  }
0x3d0: {  	[tilespmem:v9+s11+$0x0] =	vst.idx.add.f32.msk $0xffff, v3;
	v9 =	vtrunc.f32 v11;
	v11 =	vshll.u32 v13, $0x4;
	v12 =	vadd.s32 v4, v12  }
0x3d1: {  	[tilespmem:v8+s11+$0x0] =	vst.idx.add.f32.msk $0xffff, v3;
	v8 =	vcvt.f32.s32 v9;
	v9 =	vshll.u32 v18, $0x4;
	v11 =	vadd.s32 v4, v11  }
0x3d2: {  	[tilespmem:v7+s11+$0x0] =	vst.idx.add.f32.msk $0xffff, v3;
	v7 =	vtrunc.f32 v10;
	v10 =	vshll.u32 v14, $0x4;
	v9 =	vadd.s32 v4, v9  }
0x3d3: {  	[tilespmem:v6+s11+$0x0] =	vst.idx.add.f32.msk $0xffff, v3;
	v6 =	vcvt.f32.s32 v7;
	v7 =	vshll.u32 v15, $0x4;
	v10 =	vadd.s32 v4, v10  }
0x3d4: {  	[tilespmem:v5+s11+$0x0] =	vst.idx.add.f32.msk $0xffff, v3;
	v5 =	vshll.u32 v8, $0x4;
	v7 =	vadd.s32 v4, v7  }
0x3d5: {  	v6 =	vshll.u32 v6, $0x4;
	v5 =	vadd.s32 v4, v5;
	[tilespmem:v12+s11+$0x0] =	vst.idx.add.f32.msk $0xffff, v3  }
0x3d6: {  	v6 =	vadd.s32 v4, v6;
	[tilespmem:v11+s11+$0x0] =	vst.idx.add.f32.msk $0xffff, v3  }
0x3d7: {  	[tilespmem:v9+s11+$0x0] =	vst.idx.add.f32.msk $0xffff, v3  }
0x3d8: {  	[tilespmem:v10+s11+$0x0] =	vst.idx.add.f32.msk $0xffff, v3  }
0x3d9: {  	[tilespmem:v7+s11+$0x0] =	vst.idx.add.f32.msk $0xffff, v3  }
0x3da: {  	[tilespmem:v5+s11+$0x0] =	vst.idx.add.f32.msk $0xffff, v3  }
0x3db: {  	s14 =	simm.s32 $0x0;
	[tilespmem:v6+s11+$0x0] =	vst.idx.add.f32.msk $0xffff, v3  }
0x3dc: {  	[tilespmem:s14], [sflag:$0x1] =	stream.linear.gather [hbm4b:s23+s14], $0x7000, $0x38;
	[tilespmem:$0x1C900] =	vst v63  }
0x3dd: {  	_ = 	snop  }
0x3de: {  	[tilespmem:s6], [sflag:$0x3] =	stream.linear.gather [hbm4b:s24+s14], $0x7000, $0x38;
	[tilespmem:$0x1C900] =	vst v63  }
0x3df: {  	_ =	swait.ge [sflag:s12], $0x7000  }
0x3e0: {  	[sflag:s12] =	ssyncset.done $0x0  }
0x3e1: {  	s17 =	simm.s32 $0x0;
	s18 =	simm.s32 $0x0;
	[sflag:s12] =	ssyncadd.s32 $0xFFFF9000  }
0x3e2: {  	s17 =	sand.u32 $0x7000, s17;
	s14 =	sand.u32 $0xC00, s14;
	_ =	swait.ge [sflag:s13], $0x7000  }
0x3e3: {  	s19 =	sand.u32 $0x380, s18;
	s14 =	sor.u32 s14, s17;
	[sflag:s13] =	ssyncset.done $0x0  }
0x3e4: {  	s14 =	sor.u32 s19, s14;
	[sflag:s13] =	ssyncadd.s32 $0xFFFF9000  }
0x3e5: {  	v5 =	vld [tilespmem:s14+$0x7070];
	_ =	sdelay $0x1  }
0x3e6: {  	v6 =	vld [tilespmem:s14+$0x15070];
	_ =	sdelay $0x1  }
0x3e7: {  	v7 =	vld [tilespmem:s14+$0x7000]  }
0x3e8: {  	v8 =	vld [tilespmem:s14+$0x7010];
	v5 =	vmul.f32 $6.400000000e+01, v5  }
0x3e9: {  	v9 =	vld [tilespmem:s14+$0x7020]  }
0x3ea: {  	v10 =	vld [tilespmem:s14+$0x7030];
	v5 =	vadd.f32 v6, v5  }
0x3eb: {  	v11 =	vld [tilespmem:s14+$0x7050]  }
0x3ec: {  	v13 =	vld [tilespmem:s14+$0x15000];
	v5 =	vtrunc.f32 v5  }
0x3ed: {  	v14 =	vld [tilespmem:s14+$0x15010];
	v5 =	vcvt.f32.s32 v5  }
0x3ee: {  	v15 =	vld [tilespmem:s14+$0x15020]  }
0x3ef: {  	s20 =	simm.s32 $0x80;
	s17 =	simm.s32 $0x400;
	v16 =	vld [tilespmem:s14+$0x15030];
	v5 =	vshll.u32 v5, $0x4  }
0x3f0: {  	s18 =	sand.u32 $0x7000, s20;
	s20 =	simm.s32 $0x20;
	s19 =	sand.u32 $0xC00, s17;
	v18 =	vld [tilespmem:s14+$0x15050];
	v5 =	vadd.s32 v4, v5  }
0x3f1: {  	s20 =	sand.u32 $0x380, s20;
	s19 =	sor.u32 s19, s18;
	v12 =	vld [tilespmem:s14+$0x7060];
	v7 =	vmul.f32 $6.400000000e+01, v7;
	v8 =	vmul.f32 $6.400000000e+01, v8  }
0x3f2: {  	s18 =	sor.u32 s20, s19;
	v17 =	vld [tilespmem:s14+$0x15040];
	v9 =	vmul.f32 $6.400000000e+01, v9;
	v10 =	vmul.f32 $6.400000000e+01, v10  }
0x3f3: {  	v19 =	vld [tilespmem:s18+$0x7050];
	v11 =	vmul.f32 $6.400000000e+01, v11;
	v7 =	vadd.f32 v13, v7;
	v8 =	vadd.f32 v14, v8  }
0x3f4: {  	v6 =	vld [tilespmem:s14+$0x7040];
	v9 =	vadd.f32 v15, v9;
	v10 =	vadd.f32 v16, v10  }
0x3f5: {  	v11 =	vadd.f32 v18, v11;
	v7 =	vtrunc.f32 v7;
	v8 =	vtrunc.f32 v8;
	[tilespmem:v5+s11+$0x0] =	vst.idx.add.f32.msk $0xffff, v3  }
0x3f6: {  	v9 =	vtrunc.f32 v9;
	v5 =	vmul.f32 $6.400000000e+01, v12;
	v12 =	vld [tilespmem:s18+$0x7070]  }
0x3f7: {  	v16 =	vld [tilespmem:s18+$0x7010];
	v10 =	vtrunc.f32 v10;
	v11 =	vtrunc.f32 v11  }
0x3f8: {  	v15 =	vld [tilespmem:s18+$0x15070];
	v7 =	vcvt.f32.s32 v7;
	v8 =	vcvt.f32.s32 v8  }
0x3f9: {  	v14 =	vld [tilespmem:s18+$0x7000];
	v9 =	vcvt.f32.s32 v9;
	v6 =	vmul.f32 $6.400000000e+01, v6  }
0x3fa: {  	v13 =	vld [tilespmem:s14+$0x15060];
	v10 =	vcvt.f32.s32 v10;
	v11 =	vcvt.f32.s32 v11;
	v7 =	vshll.u32 v7, $0x4  }
0x3fb: {  	v18 =	vld [tilespmem:s18+$0x7040];
	v8 =	vshll.u32 v8, $0x4;
	v6 =	vadd.f32 v17, v6;
	v12 =	vmul.f32 $6.400000000e+01, v12  }
0x3fc: {  	v21 =	vld [tilespmem:s18+$0x15000];
	v9 =	vshll.u32 v9, $0x4;
	v10 =	vshll.u32 v10, $0x4;
	v16 =	vmul.f32 $6.400000000e+01, v16  }
0x3fd: {  	v20 =	vld [tilespmem:s18+$0x7060];
	v22 =	vadd.s32 v4, v8;
	v6 =	vtrunc.f32 v6;
	v12 =	vadd.f32 v15, v12  }
0x3fe: {  	v8 =	vadd.s32 v4, v10;
	v10 =	vmul.f32 $6.400000000e+01, v14;
	v17 =	vld [tilespmem:s18+$0x7030];
	v6 =	vcvt.f32.s32 v6  }
0x3ff: {  	v5 =	vadd.f32 v13, v5;
	v13 =	vld [tilespmem:s18+$0x7020];
	v15 =	vadd.s32 v4, v7;
	v7 =	vtrunc.f32 v12  }
0x400: {  	v11 =	vshll.u32 v11, $0x4;
	v27 =	vmul.f32 $6.400000000e+01, v18;
	v12 =	vld [tilespmem:s18+$0x15010];
	v23 =	vcvt.f32.s32 v7  }
0x401: {  	v24 =	vld [tilespmem:s18+$0x15020];
	v21 =	vadd.f32 v21, v10;
	v6 =	vshll.u32 v6, $0x4;
	v5 =	vtrunc.f32 v5  }
0x402: {  	v25 =	vld [tilespmem:s18+$0x15030];
	v7 =	vadd.s32 v4, v6;
	v6 =	vadd.s32 v4, v11;
	v11 =	vshll.u32 v23, $0x4  }
0x403: {  	v10 =	vmul.f32 $6.400000000e+01, v20;
	v5 =	vcvt.f32.s32 v5;
	v23 =	vld [tilespmem:s18+$0x15040];
	v26 =	vadd.s32 v4, v11  }
0x404: {  	v9 =	vadd.s32 v4, v9;
	v14 =	vld [tilespmem:s18+$0x15050];
	v18 =	vtrunc.f32 v21;
	v13 =	vmul.f32 $6.400000000e+01, v13  }
0x405: {  	v17 =	vmul.f32 $6.400000000e+01, v17;
	v5 =	vshll.u32 v5, $0x4;
	v16 =	vadd.f32 v12, v16;
	v12 =	vld [tilespmem:s18+$0x15060]  }
0x406: {  	[tilespmem:v22+s11+$0x0] =	vst.idx.add.f32.msk $0xffff, v3;
	v5 =	vadd.s32 v4, v5;
	v11 =	vmul.f32 $6.400000000e+01, v19;
	v19 =	vadd.f32 v24, v13  }
0x407: {  	[tilespmem:v15+s11+$0x0] =	vst.idx.add.f32.msk $0xffff, v3;
	v15 =	vcvt.f32.s32 v18;
	v13 =	vtrunc.f32 v16;
	v16 =	vadd.f32 v25, v17  }
0x408: {  	s18 =	simm.s32 $0x8;
	v18 =	vtrunc.f32 v19;
	v13 =	vcvt.f32.s32 v13;
	v17 =	vadd.f32 v23, v27;
	[tilespmem:v26+s11+$0x0] =	vst.idx.add.f32.msk $0xffff, v3  }
.LBB2_26:
0x409: {  	s18 =	sadd.s32 $0x8, s18;
	v18 =	vcvt.f32.s32 v18;
	v16 =	vtrunc.f32 v16;
	v11 =	vadd.f32 v14, v11;
	[tilespmem:v9+s11+$0x0] =	vst.idx.add.f32.msk $0xffff, v3  }
0x40a: {  	s17 =	sadd.s32 $0x400, s17;
	s14 =	sshll.u32 s18, $0x4;
	p0 =	slt.u32 s18, $0x6F8;
	v9 =	vcvt.f32.s32 v16;
	v14 =	vtrunc.f32 v17;
	v10 =	vadd.f32 v12, v10;
	[tilespmem:v8+s11+$0x0] =	vst.idx.add.f32.msk $0xffff, v3  }
0x40b: {  	s19 =	sand.u32 $0xC00, s17;
	s20 =	sshll.u32 s18, $0x2;
	v8 =	vshll.u32 v15, $0x4;
	s14 =	sand.u32 $0x7000, s14;
	v12 =	vcvt.f32.s32 v14;
	v11 =	vtrunc.f32 v11;
	[tilespmem:v7+s11+$0x0] =	vst.idx.add.f32.msk $0xffff, v3  }
0x40c: {  	v7 =	vshll.u32 v13, $0x4;
	s14 =	sor.u32 s19, s14;
	s19 =	sand.u32 $0x380, s20;
	v11 =	vcvt.f32.s32 v11;
	v10 =	vtrunc.f32 v10;
	[tilespmem:v6+s11+$0x0] =	vst.idx.add.f32.msk $0xffff, v3  }
0x40d: {  	v6 =	vshll.u32 v18, $0x4;
	v13 =	vshll.u32 v9, $0x4;
	s14 =	sor.u32 s19, s14;
	v10 =	vcvt.f32.s32 v10;
	[tilespmem:v5+s11+$0x0] =	vst.idx.add.f32.msk $0xffff, v3  }
0x40e: {  	v15 =	vadd.s32 v4, v8;
	v5 =	vshll.u32 v12, $0x4;
	v14 =	vld [tilespmem:s14+$0x7070];
	v11 =	vshll.u32 v11, $0x4  }
0x40f: {  	v17 =	vadd.s32 v4, v7;
	v9 =	vadd.s32 v4, v6;
	v12 =	vld [tilespmem:s14+$0x7000];
	v10 =	vshll.u32 v10, $0x4  }
0x410: {  	v8 =	vadd.s32 v4, v13;
	v7 =	vadd.s32 v4, v5;
	v6 =	vadd.s32 v4, v11;
	v16 =	vld [tilespmem:s14+$0x15070]  }
0x411: {  	v5 =	vadd.s32 v4, v10;
	v11 =	vld [tilespmem:s14+$0x7010]  }
0x412: {  	v10 =	vld [tilespmem:s14+$0x7020]  }
0x413: {  	v13 =	vld [tilespmem:s14+$0x7030];
	v14 =	vmul.f32 $6.400000000e+01, v14  }
0x414: {  	v12 =	vmul.f32 $6.400000000e+01, v12;
	v18 =	vld [tilespmem:s14+$0x7040]  }
0x415: {  	v19 =	vld [tilespmem:s14+$0x7050];
	v14 =	vadd.f32 v16, v14  }
0x416: {  	v16 =	vmul.f32 $6.400000000e+01, v11;
	v20 =	vld [tilespmem:s14+$0x7060]  }
0x417: {  	v21 =	vld [tilespmem:s14+$0x15000];
	v22 =	vmul.f32 $6.400000000e+01, v10;
	v10 =	vtrunc.f32 v14  }
0x418: {  	v23 =	vld [tilespmem:s14+$0x15010];
	v13 =	vmul.f32 $6.400000000e+01, v13;
	v10 =	vcvt.f32.s32 v10  }
0x419: {  	v24 =	vld [tilespmem:s14+$0x15020];
	v25 =	vmul.f32 $6.400000000e+01, v18  }
0x41a: {  	v18 =	vld [tilespmem:s14+$0x15030];
	v11 =	vmul.f32 $6.400000000e+01, v19;
	v14 =	vshll.u32 v10, $0x4  }
0x41b: {  	v19 =	vld [tilespmem:s14+$0x15040];
	v10 =	vmul.f32 $6.400000000e+01, v20;
	v20 =	vadd.s32 v4, v14  }
.Ltmp12:
0x41c: {  	v21 =	vadd.f32 v21, v12;
	v14 =	vld [tilespmem:s14+$0x15050];
	(pc) =	sbr.rel @p0 .LBB2_26-.Ltmp12, $4  }
0x41d: {  	v16 =	vadd.f32 v23, v16;
	v12 =	vld [tilespmem:s14+$0x15060]  }
0x41e: {  	v21 =	vtrunc.f32 v21;
	v22 =	vadd.f32 v24, v22;
	[tilespmem:v15+s11+$0x0] =	vst.idx.add.f32.msk $0xffff, v3  }
0x41f: {  	v15 =	vcvt.f32.s32 v21;
	v21 =	vtrunc.f32 v16;
	v16 =	vadd.f32 v18, v13;
	[tilespmem:v17+s11+$0x0] =	vst.idx.add.f32.msk $0xffff, v3  }
0x420: {  	v13 =	vcvt.f32.s32 v21;
	v18 =	vtrunc.f32 v22;
	v17 =	vadd.f32 v19, v25;
	[tilespmem:v20+s11+$0x0] =	vst.idx.add.f32.msk $0xffff, v3  }
0x421: {  	_ = 	snop  }
0x422: {  	v18 =	vcvt.f32.s32 v18;
	v16 =	vtrunc.f32 v16  }
0x423: {  	v11 =	vadd.f32 v14, v11;
	v14 =	vcvt.f32.s32 v16;
	v16 =	vtrunc.f32 v17  }
0x424: {  	v10 =	vadd.f32 v12, v10;
	v12 =	vshll.u32 v15, $0x4;
	v15 =	vcvt.f32.s32 v16  }
0x425: {  	[tilespmem:v9+s11+$0x0] =	vst.idx.add.f32.msk $0xffff, v3;
	v9 =	vtrunc.f32 v11;
	v11 =	vshll.u32 v13, $0x4;
	v12 =	vadd.s32 v4, v12  }
0x426: {  	[tilespmem:v8+s11+$0x0] =	vst.idx.add.f32.msk $0xffff, v3;
	v8 =	vcvt.f32.s32 v9;
	v9 =	vshll.u32 v18, $0x4;
	v11 =	vadd.s32 v4, v11  }
0x427: {  	[tilespmem:v7+s11+$0x0] =	vst.idx.add.f32.msk $0xffff, v3;
	v7 =	vtrunc.f32 v10;
	v10 =	vshll.u32 v14, $0x4;
	v9 =	vadd.s32 v4, v9  }
0x428: {  	[tilespmem:v6+s11+$0x0] =	vst.idx.add.f32.msk $0xffff, v3;
	v6 =	vcvt.f32.s32 v7;
	v7 =	vshll.u32 v15, $0x4;
	v10 =	vadd.s32 v4, v10  }
0x429: {  	[tilespmem:v5+s11+$0x0] =	vst.idx.add.f32.msk $0xffff, v3;
	v5 =	vshll.u32 v8, $0x4;
	v7 =	vadd.s32 v4, v7  }
0x42a: {  	v6 =	vshll.u32 v6, $0x4;
	v5 =	vadd.s32 v4, v5;
	[tilespmem:v12+s11+$0x0] =	vst.idx.add.f32.msk $0xffff, v3  }
0x42b: {  	v6 =	vadd.s32 v4, v6;
	[tilespmem:v11+s11+$0x0] =	vst.idx.add.f32.msk $0xffff, v3  }
0x42c: {  	[tilespmem:v9+s11+$0x0] =	vst.idx.add.f32.msk $0xffff, v3  }
0x42d: {  	[tilespmem:v10+s11+$0x0] =	vst.idx.add.f32.msk $0xffff, v3  }
0x42e: {  	[tilespmem:v7+s11+$0x0] =	vst.idx.add.f32.msk $0xffff, v3  }
0x42f: {  	[tilespmem:v5+s11+$0x0] =	vst.idx.add.f32.msk $0xffff, v3  }
0x430: {  	s14 =	simm.s32 $0x0;
	[tilespmem:v6+s11+$0x0] =	vst.idx.add.f32.msk $0xffff, v3  }
0x431: {  	[tilespmem:s7], [sflag:$0x2] =	stream.linear.gather [hbm4b:s25+s14], $0x7000, $0x38;
	[tilespmem:$0x1C900] =	vst v63  }
0x432: {  	_ = 	snop  }
0x433: {  	[tilespmem:s8], [sflag:$0x4] =	stream.linear.gather [hbm4b:s26+s14], $0x7000, $0x38;
	[tilespmem:$0x1C900] =	vst v63  }
0x434: {  	_ =	swait.ge [sflag:s9], $0x7000  }
0x435: {  	[sflag:s9] =	ssyncset.done $0x0  }
0x436: {  	s17 =	simm.s32 $0x0;
	s18 =	simm.s32 $0x0;
	[sflag:s9] =	ssyncadd.s32 $0xFFFF9000  }
0x437: {  	s17 =	sand.u32 $0x7000, s17;
	s14 =	sand.u32 $0xC00, s14;
	_ =	swait.ge [sflag:s10], $0x7000  }
0x438: {  	s19 =	sand.u32 $0x380, s18;
	s14 =	sor.u32 s14, s17;
	[sflag:s10] =	ssyncset.done $0x0  }
0x439: {  	s14 =	sor.u32 s19, s14;
	[sflag:s10] =	ssyncadd.s32 $0xFFFF9000  }
0x43a: {  	v5 =	vld [tilespmem:s14+$0x70];
	_ =	sdelay $0x1  }
0x43b: {  	v6 =	vld [tilespmem:s14+$0xE070];
	_ =	sdelay $0x1  }
0x43c: {  	v7 =	vld [tilespmem:s14+$0x0]  }
0x43d: {  	v8 =	vld [tilespmem:s14+$0x10];
	v5 =	vmul.f32 $6.400000000e+01, v5  }
0x43e: {  	v9 =	vld [tilespmem:s14+$0x20]  }
0x43f: {  	v10 =	vld [tilespmem:s14+$0x30];
	v5 =	vadd.f32 v6, v5  }
0x440: {  	v11 =	vld [tilespmem:s14+$0x50]  }
0x441: {  	v13 =	vld [tilespmem:s14+$0xE000];
	v5 =	vtrunc.f32 v5  }
0x442: {  	v14 =	vld [tilespmem:s14+$0xE010];
	v5 =	vcvt.f32.s32 v5  }
0x443: {  	v15 =	vld [tilespmem:s14+$0xE020]  }
0x444: {  	s20 =	simm.s32 $0x80;
	s17 =	simm.s32 $0x400;
	v16 =	vld [tilespmem:s14+$0xE030];
	v5 =	vshll.u32 v5, $0x4  }
0x445: {  	s18 =	sand.u32 $0x7000, s20;
	s20 =	simm.s32 $0x20;
	s19 =	sand.u32 $0xC00, s17;
	v18 =	vld [tilespmem:s14+$0xE050];
	v5 =	vadd.s32 v4, v5  }
0x446: {  	s20 =	sand.u32 $0x380, s20;
	s19 =	sor.u32 s19, s18;
	v12 =	vld [tilespmem:s14+$0x60];
	v7 =	vmul.f32 $6.400000000e+01, v7;
	v8 =	vmul.f32 $6.400000000e+01, v8  }
0x447: {  	s18 =	sor.u32 s20, s19;
	v17 =	vld [tilespmem:s14+$0xE040];
	v9 =	vmul.f32 $6.400000000e+01, v9;
	v10 =	vmul.f32 $6.400000000e+01, v10  }
0x448: {  	v19 =	vld [tilespmem:s18+$0x50];
	v11 =	vmul.f32 $6.400000000e+01, v11;
	v7 =	vadd.f32 v13, v7;
	v8 =	vadd.f32 v14, v8  }
0x449: {  	v6 =	vld [tilespmem:s14+$0x40];
	v9 =	vadd.f32 v15, v9;
	v10 =	vadd.f32 v16, v10  }
0x44a: {  	v11 =	vadd.f32 v18, v11;
	v7 =	vtrunc.f32 v7;
	v8 =	vtrunc.f32 v8;
	[tilespmem:v5+s11+$0x0] =	vst.idx.add.f32.msk $0xffff, v3  }
0x44b: {  	v9 =	vtrunc.f32 v9;
	v5 =	vmul.f32 $6.400000000e+01, v12;
	v12 =	vld [tilespmem:s18+$0x70]  }
0x44c: {  	v16 =	vld [tilespmem:s18+$0x10];
	v10 =	vtrunc.f32 v10;
	v11 =	vtrunc.f32 v11  }
0x44d: {  	v15 =	vld [tilespmem:s18+$0xE070];
	v7 =	vcvt.f32.s32 v7;
	v8 =	vcvt.f32.s32 v8  }
0x44e: {  	v14 =	vld [tilespmem:s18+$0x0];
	v9 =	vcvt.f32.s32 v9;
	v6 =	vmul.f32 $6.400000000e+01, v6  }
0x44f: {  	v13 =	vld [tilespmem:s14+$0xE060];
	v10 =	vcvt.f32.s32 v10;
	v11 =	vcvt.f32.s32 v11;
	v7 =	vshll.u32 v7, $0x4  }
0x450: {  	v18 =	vld [tilespmem:s18+$0x40];
	v8 =	vshll.u32 v8, $0x4;
	v6 =	vadd.f32 v17, v6;
	v12 =	vmul.f32 $6.400000000e+01, v12  }
0x451: {  	v21 =	vld [tilespmem:s18+$0xE000];
	v9 =	vshll.u32 v9, $0x4;
	v10 =	vshll.u32 v10, $0x4;
	v16 =	vmul.f32 $6.400000000e+01, v16  }
0x452: {  	v20 =	vld [tilespmem:s18+$0x60];
	v22 =	vadd.s32 v4, v8;
	v6 =	vtrunc.f32 v6;
	v12 =	vadd.f32 v15, v12  }
0x453: {  	v8 =	vadd.s32 v4, v10;
	v10 =	vmul.f32 $6.400000000e+01, v14;
	v17 =	vld [tilespmem:s18+$0x30];
	v6 =	vcvt.f32.s32 v6  }
0x454: {  	v5 =	vadd.f32 v13, v5;
	v13 =	vld [tilespmem:s18+$0x20];
	v15 =	vadd.s32 v4, v7;
	v7 =	vtrunc.f32 v12  }
0x455: {  	v11 =	vshll.u32 v11, $0x4;
	v27 =	vmul.f32 $6.400000000e+01, v18;
	v12 =	vld [tilespmem:s18+$0xE010];
	v23 =	vcvt.f32.s32 v7  }
0x456: {  	v24 =	vld [tilespmem:s18+$0xE020];
	v21 =	vadd.f32 v21, v10;
	v6 =	vshll.u32 v6, $0x4;
	v5 =	vtrunc.f32 v5  }
0x457: {  	v25 =	vld [tilespmem:s18+$0xE030];
	v7 =	vadd.s32 v4, v6;
	v6 =	vadd.s32 v4, v11;
	v11 =	vshll.u32 v23, $0x4  }
0x458: {  	v10 =	vmul.f32 $6.400000000e+01, v20;
	v5 =	vcvt.f32.s32 v5;
	v23 =	vld [tilespmem:s18+$0xE040];
	v26 =	vadd.s32 v4, v11  }
0x459: {  	v9 =	vadd.s32 v4, v9;
	v14 =	vld [tilespmem:s18+$0xE050];
	v18 =	vtrunc.f32 v21;
	v13 =	vmul.f32 $6.400000000e+01, v13  }
0x45a: {  	v17 =	vmul.f32 $6.400000000e+01, v17;
	v5 =	vshll.u32 v5, $0x4;
	v16 =	vadd.f32 v12, v16;
	v12 =	vld [tilespmem:s18+$0xE060]  }
0x45b: {  	[tilespmem:v22+s11+$0x0] =	vst.idx.add.f32.msk $0xffff, v3;
	v5 =	vadd.s32 v4, v5;
	v11 =	vmul.f32 $6.400000000e+01, v19;
	v19 =	vadd.f32 v24, v13  }
0x45c: {  	[tilespmem:v15+s11+$0x0] =	vst.idx.add.f32.msk $0xffff, v3;
	v15 =	vcvt.f32.s32 v18;
	v13 =	vtrunc.f32 v16;
	v16 =	vadd.f32 v25, v17  }
0x45d: {  	s18 =	simm.s32 $0x8;
	v18 =	vtrunc.f32 v19;
	v13 =	vcvt.f32.s32 v13;
	v17 =	vadd.f32 v23, v27;
	[tilespmem:v26+s11+$0x0] =	vst.idx.add.f32.msk $0xffff, v3  }
.LBB2_28:
0x45e: {  	s18 =	sadd.s32 $0x8, s18;
	v18 =	vcvt.f32.s32 v18;
	v16 =	vtrunc.f32 v16;
	v11 =	vadd.f32 v14, v11;
	[tilespmem:v9+s11+$0x0] =	vst.idx.add.f32.msk $0xffff, v3  }
0x45f: {  	s17 =	sadd.s32 $0x400, s17;
	s14 =	sshll.u32 s18, $0x4;
	p0 =	slt.u32 s18, $0x6F8;
	v9 =	vcvt.f32.s32 v16;
	v14 =	vtrunc.f32 v17;
	v10 =	vadd.f32 v12, v10;
	[tilespmem:v8+s11+$0x0] =	vst.idx.add.f32.msk $0xffff, v3  }
0x460: {  	s19 =	sand.u32 $0xC00, s17;
	s20 =	sshll.u32 s18, $0x2;
	v8 =	vshll.u32 v15, $0x4;
	s14 =	sand.u32 $0x7000, s14;
	v12 =	vcvt.f32.s32 v14;
	v11 =	vtrunc.f32 v11;
	[tilespmem:v7+s11+$0x0] =	vst.idx.add.f32.msk $0xffff, v3  }
0x461: {  	v7 =	vshll.u32 v13, $0x4;
	s14 =	sor.u32 s19, s14;
	s19 =	sand.u32 $0x380, s20;
	v11 =	vcvt.f32.s32 v11;
	v10 =	vtrunc.f32 v10;
	[tilespmem:v6+s11+$0x0] =	vst.idx.add.f32.msk $0xffff, v3  }
0x462: {  	v6 =	vshll.u32 v18, $0x4;
	v13 =	vshll.u32 v9, $0x4;
	s14 =	sor.u32 s19, s14;
	v10 =	vcvt.f32.s32 v10;
	[tilespmem:v5+s11+$0x0] =	vst.idx.add.f32.msk $0xffff, v3  }
0x463: {  	v15 =	vadd.s32 v4, v8;
	v5 =	vshll.u32 v12, $0x4;
	v14 =	vld [tilespmem:s14+$0x70];
	v11 =	vshll.u32 v11, $0x4  }
0x464: {  	v17 =	vadd.s32 v4, v7;
	v9 =	vadd.s32 v4, v6;
	v12 =	vld [tilespmem:s14+$0x0];
	v10 =	vshll.u32 v10, $0x4  }
0x465: {  	v8 =	vadd.s32 v4, v13;
	v7 =	vadd.s32 v4, v5;
	v6 =	vadd.s32 v4, v11;
	v16 =	vld [tilespmem:s14+$0xE070]  }
0x466: {  	v5 =	vadd.s32 v4, v10;
	v11 =	vld [tilespmem:s14+$0x10]  }
0x467: {  	v10 =	vld [tilespmem:s14+$0x20]  }
0x468: {  	v13 =	vld [tilespmem:s14+$0x30];
	v14 =	vmul.f32 $6.400000000e+01, v14  }
0x469: {  	v12 =	vmul.f32 $6.400000000e+01, v12;
	v18 =	vld [tilespmem:s14+$0x40]  }
0x46a: {  	v19 =	vld [tilespmem:s14+$0x50];
	v14 =	vadd.f32 v16, v14  }
0x46b: {  	v16 =	vmul.f32 $6.400000000e+01, v11;
	v20 =	vld [tilespmem:s14+$0x60]  }
0x46c: {  	v21 =	vld [tilespmem:s14+$0xE000];
	v22 =	vmul.f32 $6.400000000e+01, v10;
	v10 =	vtrunc.f32 v14  }
0x46d: {  	v23 =	vld [tilespmem:s14+$0xE010];
	v13 =	vmul.f32 $6.400000000e+01, v13;
	v10 =	vcvt.f32.s32 v10  }
0x46e: {  	v24 =	vld [tilespmem:s14+$0xE020];
	v25 =	vmul.f32 $6.400000000e+01, v18  }
0x46f: {  	v18 =	vld [tilespmem:s14+$0xE030];
	v11 =	vmul.f32 $6.400000000e+01, v19;
	v14 =	vshll.u32 v10, $0x4  }
0x470: {  	v19 =	vld [tilespmem:s14+$0xE040];
	v10 =	vmul.f32 $6.400000000e+01, v20;
	v20 =	vadd.s32 v4, v14  }
.Ltmp13:
0x471: {  	v21 =	vadd.f32 v21, v12;
	v14 =	vld [tilespmem:s14+$0xE050];
	(pc) =	sbr.rel @p0 .LBB2_28-.Ltmp13, $4  }
0x472: {  	v16 =	vadd.f32 v23, v16;
	v12 =	vld [tilespmem:s14+$0xE060]  }
0x473: {  	v21 =	vtrunc.f32 v21;
	v22 =	vadd.f32 v24, v22;
	[tilespmem:v15+s11+$0x0] =	vst.idx.add.f32.msk $0xffff, v3  }
0x474: {  	v15 =	vcvt.f32.s32 v21;
	v21 =	vtrunc.f32 v16;
	v16 =	vadd.f32 v18, v13;
	[tilespmem:v17+s11+$0x0] =	vst.idx.add.f32.msk $0xffff, v3  }
0x475: {  	v13 =	vcvt.f32.s32 v21;
	v18 =	vtrunc.f32 v22;
	v17 =	vadd.f32 v19, v25;
	[tilespmem:v20+s11+$0x0] =	vst.idx.add.f32.msk $0xffff, v3  }
0x476: {  	_ = 	snop  }
0x477: {  	v18 =	vcvt.f32.s32 v18;
	v16 =	vtrunc.f32 v16  }
0x478: {  	v11 =	vadd.f32 v14, v11;
	v14 =	vcvt.f32.s32 v16;
	v16 =	vtrunc.f32 v17  }
0x479: {  	v10 =	vadd.f32 v12, v10;
	v12 =	vshll.u32 v15, $0x4;
	v15 =	vcvt.f32.s32 v16  }
0x47a: {  	[tilespmem:v9+s11+$0x0] =	vst.idx.add.f32.msk $0xffff, v3;
	v9 =	vtrunc.f32 v11;
	v11 =	vshll.u32 v13, $0x4;
	v12 =	vadd.s32 v4, v12  }
0x47b: {  	[tilespmem:v8+s11+$0x0] =	vst.idx.add.f32.msk $0xffff, v3;
	v8 =	vcvt.f32.s32 v9;
	v9 =	vshll.u32 v18, $0x4;
	v11 =	vadd.s32 v4, v11  }
0x47c: {  	[tilespmem:v7+s11+$0x0] =	vst.idx.add.f32.msk $0xffff, v3;
	v7 =	vtrunc.f32 v10;
	v10 =	vshll.u32 v14, $0x4;
	v9 =	vadd.s32 v4, v9  }
0x47d: {  	[tilespmem:v6+s11+$0x0] =	vst.idx.add.f32.msk $0xffff, v3;
	v6 =	vcvt.f32.s32 v7;
	v7 =	vshll.u32 v15, $0x4;
	v10 =	vadd.s32 v4, v10  }
0x47e: {  	[tilespmem:v5+s11+$0x0] =	vst.idx.add.f32.msk $0xffff, v3;
	v5 =	vshll.u32 v8, $0x4;
	v7 =	vadd.s32 v4, v7  }
0x47f: {  	v6 =	vshll.u32 v6, $0x4;
	v5 =	vadd.s32 v4, v5;
	[tilespmem:v12+s11+$0x0] =	vst.idx.add.f32.msk $0xffff, v3  }
0x480: {  	v6 =	vadd.s32 v4, v6;
	[tilespmem:v11+s11+$0x0] =	vst.idx.add.f32.msk $0xffff, v3  }
0x481: {  	[tilespmem:v9+s11+$0x0] =	vst.idx.add.f32.msk $0xffff, v3  }
0x482: {  	[tilespmem:v10+s11+$0x0] =	vst.idx.add.f32.msk $0xffff, v3  }
0x483: {  	[tilespmem:v7+s11+$0x0] =	vst.idx.add.f32.msk $0xffff, v3  }
0x484: {  	[tilespmem:v5+s11+$0x0] =	vst.idx.add.f32.msk $0xffff, v3  }
0x485: {  	s14 =	simm.s32 $0x0;
	[tilespmem:v6+s11+$0x0] =	vst.idx.add.f32.msk $0xffff, v3  }
0x486: {  	[tilespmem:s14], [sflag:$0x1] =	stream.linear.gather [hbm4b:s28+s14], $0x7000, $0x38;
	[tilespmem:$0x1C900] =	vst v63  }
0x487: {  	_ = 	snop  }
0x488: {  	[tilespmem:s6], [sflag:$0x3] =	stream.linear.gather [hbm4b:s29+s14], $0x7000, $0x38;
	[tilespmem:$0x1C900] =	vst v63  }
0x489: {  	_ =	swait.ge [sflag:s12], $0x7000  }
0x48a: {  	[sflag:s12] =	ssyncset.done $0x0  }
0x48b: {  	s17 =	simm.s32 $0x0;
	s18 =	simm.s32 $0x0;
	[sflag:s12] =	ssyncadd.s32 $0xFFFF9000  }
0x48c: {  	s17 =	sand.u32 $0x7000, s17;
	s14 =	sand.u32 $0xC00, s14;
	_ =	swait.ge [sflag:s13], $0x7000  }
0x48d: {  	s19 =	sand.u32 $0x380, s18;
	s14 =	sor.u32 s14, s17;
	[sflag:s13] =	ssyncset.done $0x0  }
0x48e: {  	s14 =	sor.u32 s19, s14;
	[sflag:s13] =	ssyncadd.s32 $0xFFFF9000  }
0x48f: {  	v5 =	vld [tilespmem:s14+$0x7070];
	_ =	sdelay $0x1  }
0x490: {  	v6 =	vld [tilespmem:s14+$0x15070];
	_ =	sdelay $0x1  }
0x491: {  	v7 =	vld [tilespmem:s14+$0x7000]  }
0x492: {  	v8 =	vld [tilespmem:s14+$0x7010];
	v5 =	vmul.f32 $6.400000000e+01, v5  }
0x493: {  	v9 =	vld [tilespmem:s14+$0x7020]  }
0x494: {  	v10 =	vld [tilespmem:s14+$0x7030];
	v5 =	vadd.f32 v6, v5  }
0x495: {  	v11 =	vld [tilespmem:s14+$0x7050]  }
0x496: {  	v13 =	vld [tilespmem:s14+$0x15000];
	v5 =	vtrunc.f32 v5  }
0x497: {  	v14 =	vld [tilespmem:s14+$0x15010];
	v5 =	vcvt.f32.s32 v5  }
0x498: {  	v15 =	vld [tilespmem:s14+$0x15020]  }
0x499: {  	s20 =	simm.s32 $0x80;
	s17 =	simm.s32 $0x400;
	v16 =	vld [tilespmem:s14+$0x15030];
	v5 =	vshll.u32 v5, $0x4  }
0x49a: {  	s18 =	sand.u32 $0x7000, s20;
	s20 =	simm.s32 $0x20;
	s19 =	sand.u32 $0xC00, s17;
	v18 =	vld [tilespmem:s14+$0x15050];
	v5 =	vadd.s32 v4, v5  }
0x49b: {  	s20 =	sand.u32 $0x380, s20;
	s19 =	sor.u32 s19, s18;
	v12 =	vld [tilespmem:s14+$0x7060];
	v7 =	vmul.f32 $6.400000000e+01, v7;
	v8 =	vmul.f32 $6.400000000e+01, v8  }
0x49c: {  	s18 =	sor.u32 s20, s19;
	v17 =	vld [tilespmem:s14+$0x15040];
	v9 =	vmul.f32 $6.400000000e+01, v9;
	v10 =	vmul.f32 $6.400000000e+01, v10  }
0x49d: {  	v19 =	vld [tilespmem:s18+$0x7050];
	v11 =	vmul.f32 $6.400000000e+01, v11;
	v7 =	vadd.f32 v13, v7;
	v8 =	vadd.f32 v14, v8  }
0x49e: {  	v6 =	vld [tilespmem:s14+$0x7040];
	v9 =	vadd.f32 v15, v9;
	v10 =	vadd.f32 v16, v10  }
0x49f: {  	v11 =	vadd.f32 v18, v11;
	v7 =	vtrunc.f32 v7;
	v8 =	vtrunc.f32 v8;
	[tilespmem:v5+s11+$0x0] =	vst.idx.add.f32.msk $0xffff, v3  }
0x4a0: {  	v9 =	vtrunc.f32 v9;
	v5 =	vmul.f32 $6.400000000e+01, v12;
	v12 =	vld [tilespmem:s18+$0x7070]  }
0x4a1: {  	v16 =	vld [tilespmem:s18+$0x7010];
	v10 =	vtrunc.f32 v10;
	v11 =	vtrunc.f32 v11  }
0x4a2: {  	v15 =	vld [tilespmem:s18+$0x15070];
	v7 =	vcvt.f32.s32 v7;
	v8 =	vcvt.f32.s32 v8  }
0x4a3: {  	v14 =	vld [tilespmem:s18+$0x7000];
	v9 =	vcvt.f32.s32 v9;
	v6 =	vmul.f32 $6.400000000e+01, v6  }
0x4a4: {  	v13 =	vld [tilespmem:s14+$0x15060];
	v10 =	vcvt.f32.s32 v10;
	v11 =	vcvt.f32.s32 v11;
	v7 =	vshll.u32 v7, $0x4  }
0x4a5: {  	v18 =	vld [tilespmem:s18+$0x7040];
	v8 =	vshll.u32 v8, $0x4;
	v6 =	vadd.f32 v17, v6;
	v12 =	vmul.f32 $6.400000000e+01, v12  }
0x4a6: {  	v21 =	vld [tilespmem:s18+$0x15000];
	v9 =	vshll.u32 v9, $0x4;
	v10 =	vshll.u32 v10, $0x4;
	v16 =	vmul.f32 $6.400000000e+01, v16  }
0x4a7: {  	v20 =	vld [tilespmem:s18+$0x7060];
	v22 =	vadd.s32 v4, v8;
	v6 =	vtrunc.f32 v6;
	v12 =	vadd.f32 v15, v12  }
0x4a8: {  	v8 =	vadd.s32 v4, v10;
	v10 =	vmul.f32 $6.400000000e+01, v14;
	v17 =	vld [tilespmem:s18+$0x7030];
	v6 =	vcvt.f32.s32 v6  }
0x4a9: {  	v5 =	vadd.f32 v13, v5;
	v13 =	vld [tilespmem:s18+$0x7020];
	v15 =	vadd.s32 v4, v7;
	v7 =	vtrunc.f32 v12  }
0x4aa: {  	v11 =	vshll.u32 v11, $0x4;
	v27 =	vmul.f32 $6.400000000e+01, v18;
	v12 =	vld [tilespmem:s18+$0x15010];
	v23 =	vcvt.f32.s32 v7  }
0x4ab: {  	v24 =	vld [tilespmem:s18+$0x15020];
	v21 =	vadd.f32 v21, v10;
	v6 =	vshll.u32 v6, $0x4;
	v5 =	vtrunc.f32 v5  }
0x4ac: {  	v25 =	vld [tilespmem:s18+$0x15030];
	v7 =	vadd.s32 v4, v6;
	v6 =	vadd.s32 v4, v11;
	v11 =	vshll.u32 v23, $0x4  }
0x4ad: {  	v10 =	vmul.f32 $6.400000000e+01, v20;
	v5 =	vcvt.f32.s32 v5;
	v23 =	vld [tilespmem:s18+$0x15040];
	v26 =	vadd.s32 v4, v11  }
0x4ae: {  	v9 =	vadd.s32 v4, v9;
	v14 =	vld [tilespmem:s18+$0x15050];
	v18 =	vtrunc.f32 v21;
	v13 =	vmul.f32 $6.400000000e+01, v13  }
0x4af: {  	v17 =	vmul.f32 $6.400000000e+01, v17;
	v5 =	vshll.u32 v5, $0x4;
	v16 =	vadd.f32 v12, v16;
	v12 =	vld [tilespmem:s18+$0x15060]  }
0x4b0: {  	[tilespmem:v22+s11+$0x0] =	vst.idx.add.f32.msk $0xffff, v3;
	v5 =	vadd.s32 v4, v5;
	v11 =	vmul.f32 $6.400000000e+01, v19;
	v19 =	vadd.f32 v24, v13  }
0x4b1: {  	[tilespmem:v15+s11+$0x0] =	vst.idx.add.f32.msk $0xffff, v3;
	v15 =	vcvt.f32.s32 v18;
	v13 =	vtrunc.f32 v16;
	v16 =	vadd.f32 v25, v17  }
0x4b2: {  	s18 =	simm.s32 $0x8;
	v18 =	vtrunc.f32 v19;
	v13 =	vcvt.f32.s32 v13;
	v17 =	vadd.f32 v23, v27;
	[tilespmem:v26+s11+$0x0] =	vst.idx.add.f32.msk $0xffff, v3  }
.LBB2_30:
0x4b3: {  	s18 =	sadd.s32 $0x8, s18;
	v18 =	vcvt.f32.s32 v18;
	v16 =	vtrunc.f32 v16;
	v11 =	vadd.f32 v14, v11;
	[tilespmem:v9+s11+$0x0] =	vst.idx.add.f32.msk $0xffff, v3  }
0x4b4: {  	s17 =	sadd.s32 $0x400, s17;
	s14 =	sshll.u32 s18, $0x4;
	p0 =	slt.u32 s18, $0x6F8;
	v9 =	vcvt.f32.s32 v16;
	v14 =	vtrunc.f32 v17;
	v10 =	vadd.f32 v12, v10;
	[tilespmem:v8+s11+$0x0] =	vst.idx.add.f32.msk $0xffff, v3  }
0x4b5: {  	s19 =	sand.u32 $0xC00, s17;
	s20 =	sshll.u32 s18, $0x2;
	v8 =	vshll.u32 v15, $0x4;
	s14 =	sand.u32 $0x7000, s14;
	v12 =	vcvt.f32.s32 v14;
	v11 =	vtrunc.f32 v11;
	[tilespmem:v7+s11+$0x0] =	vst.idx.add.f32.msk $0xffff, v3  }
0x4b6: {  	v7 =	vshll.u32 v13, $0x4;
	s14 =	sor.u32 s19, s14;
	s19 =	sand.u32 $0x380, s20;
	v11 =	vcvt.f32.s32 v11;
	v10 =	vtrunc.f32 v10;
	[tilespmem:v6+s11+$0x0] =	vst.idx.add.f32.msk $0xffff, v3  }
0x4b7: {  	v6 =	vshll.u32 v18, $0x4;
	v13 =	vshll.u32 v9, $0x4;
	s14 =	sor.u32 s19, s14;
	v10 =	vcvt.f32.s32 v10;
	[tilespmem:v5+s11+$0x0] =	vst.idx.add.f32.msk $0xffff, v3  }
0x4b8: {  	v15 =	vadd.s32 v4, v8;
	v5 =	vshll.u32 v12, $0x4;
	v14 =	vld [tilespmem:s14+$0x7070];
	v11 =	vshll.u32 v11, $0x4  }
0x4b9: {  	v17 =	vadd.s32 v4, v7;
	v9 =	vadd.s32 v4, v6;
	v12 =	vld [tilespmem:s14+$0x7000];
	v10 =	vshll.u32 v10, $0x4  }
0x4ba: {  	v8 =	vadd.s32 v4, v13;
	v7 =	vadd.s32 v4, v5;
	v6 =	vadd.s32 v4, v11;
	v16 =	vld [tilespmem:s14+$0x15070]  }
0x4bb: {  	v5 =	vadd.s32 v4, v10;
	v11 =	vld [tilespmem:s14+$0x7010]  }
0x4bc: {  	v10 =	vld [tilespmem:s14+$0x7020]  }
0x4bd: {  	v13 =	vld [tilespmem:s14+$0x7030];
	v14 =	vmul.f32 $6.400000000e+01, v14  }
0x4be: {  	v12 =	vmul.f32 $6.400000000e+01, v12;
	v18 =	vld [tilespmem:s14+$0x7040]  }
0x4bf: {  	v19 =	vld [tilespmem:s14+$0x7050];
	v14 =	vadd.f32 v16, v14  }
0x4c0: {  	v16 =	vmul.f32 $6.400000000e+01, v11;
	v20 =	vld [tilespmem:s14+$0x7060]  }
0x4c1: {  	v21 =	vld [tilespmem:s14+$0x15000];
	v22 =	vmul.f32 $6.400000000e+01, v10;
	v10 =	vtrunc.f32 v14  }
0x4c2: {  	v23 =	vld [tilespmem:s14+$0x15010];
	v13 =	vmul.f32 $6.400000000e+01, v13;
	v10 =	vcvt.f32.s32 v10  }
0x4c3: {  	v24 =	vld [tilespmem:s14+$0x15020];
	v25 =	vmul.f32 $6.400000000e+01, v18  }
0x4c4: {  	v18 =	vld [tilespmem:s14+$0x15030];
	v11 =	vmul.f32 $6.400000000e+01, v19;
	v14 =	vshll.u32 v10, $0x4  }
0x4c5: {  	v19 =	vld [tilespmem:s14+$0x15040];
	v10 =	vmul.f32 $6.400000000e+01, v20;
	v20 =	vadd.s32 v4, v14  }
.Ltmp14:
0x4c6: {  	v21 =	vadd.f32 v21, v12;
	v14 =	vld [tilespmem:s14+$0x15050];
	(pc) =	sbr.rel @p0 .LBB2_30-.Ltmp14, $4  }
0x4c7: {  	v16 =	vadd.f32 v23, v16;
	v12 =	vld [tilespmem:s14+$0x15060]  }
0x4c8: {  	v21 =	vtrunc.f32 v21;
	v22 =	vadd.f32 v24, v22;
	[tilespmem:v15+s11+$0x0] =	vst.idx.add.f32.msk $0xffff, v3  }
0x4c9: {  	v15 =	vcvt.f32.s32 v21;
	v21 =	vtrunc.f32 v16;
	v16 =	vadd.f32 v18, v13;
	[tilespmem:v17+s11+$0x0] =	vst.idx.add.f32.msk $0xffff, v3  }
0x4ca: {  	v13 =	vcvt.f32.s32 v21;
	v18 =	vtrunc.f32 v22;
	v17 =	vadd.f32 v19, v25;
	[tilespmem:v20+s11+$0x0] =	vst.idx.add.f32.msk $0xffff, v3  }
0x4cb: {  	_ = 	snop  }
0x4cc: {  	v18 =	vcvt.f32.s32 v18;
	v16 =	vtrunc.f32 v16  }
0x4cd: {  	v11 =	vadd.f32 v14, v11;
	v14 =	vcvt.f32.s32 v16;
	v16 =	vtrunc.f32 v17  }
0x4ce: {  	v10 =	vadd.f32 v12, v10;
	v12 =	vshll.u32 v15, $0x4;
	v15 =	vcvt.f32.s32 v16  }
0x4cf: {  	[tilespmem:v9+s11+$0x0] =	vst.idx.add.f32.msk $0xffff, v3;
	v9 =	vtrunc.f32 v11;
	v11 =	vshll.u32 v13, $0x4;
	v12 =	vadd.s32 v4, v12  }
0x4d0: {  	[tilespmem:v8+s11+$0x0] =	vst.idx.add.f32.msk $0xffff, v3;
	v8 =	vcvt.f32.s32 v9;
	v9 =	vshll.u32 v18, $0x4;
	v11 =	vadd.s32 v4, v11  }
0x4d1: {  	[tilespmem:v7+s11+$0x0] =	vst.idx.add.f32.msk $0xffff, v3;
	v7 =	vtrunc.f32 v10;
	v10 =	vshll.u32 v14, $0x4;
	v9 =	vadd.s32 v4, v9  }
0x4d2: {  	[tilespmem:v6+s11+$0x0] =	vst.idx.add.f32.msk $0xffff, v3;
	v6 =	vcvt.f32.s32 v7;
	v7 =	vshll.u32 v15, $0x4;
	v10 =	vadd.s32 v4, v10  }
0x4d3: {  	[tilespmem:v5+s11+$0x0] =	vst.idx.add.f32.msk $0xffff, v3;
	v5 =	vshll.u32 v8, $0x4;
	v7 =	vadd.s32 v4, v7  }
0x4d4: {  	v6 =	vshll.u32 v6, $0x4;
	v5 =	vadd.s32 v4, v5;
	[tilespmem:v12+s11+$0x0] =	vst.idx.add.f32.msk $0xffff, v3  }
0x4d5: {  	v6 =	vadd.s32 v4, v6;
	[tilespmem:v11+s11+$0x0] =	vst.idx.add.f32.msk $0xffff, v3  }
0x4d6: {  	[tilespmem:v9+s11+$0x0] =	vst.idx.add.f32.msk $0xffff, v3  }
0x4d7: {  	[tilespmem:v10+s11+$0x0] =	vst.idx.add.f32.msk $0xffff, v3  }
0x4d8: {  	[tilespmem:v7+s11+$0x0] =	vst.idx.add.f32.msk $0xffff, v3  }
0x4d9: {  	[tilespmem:v5+s11+$0x0] =	vst.idx.add.f32.msk $0xffff, v3  }
0x4da: {  	s14 =	simm.s32 $0x0;
	[tilespmem:v6+s11+$0x0] =	vst.idx.add.f32.msk $0xffff, v3  }
0x4db: {  	[tilespmem:s7], [sflag:$0x2] =	stream.linear.gather [hbm4b:s0+s14], $0x7000, $0x38;
	[tilespmem:$0x1C900] =	vst v63  }
0x4dc: {  	_ = 	snop  }
0x4dd: {  	[tilespmem:s8], [sflag:$0x4] =	stream.linear.gather [hbm4b:s2+s14], $0x7000, $0x38;
	[tilespmem:$0x1C900] =	vst v63  }
0x4de: {  	_ =	swait.ge [sflag:s9], $0x7000  }
0x4df: {  	[sflag:s9] =	ssyncset.done $0x0  }
0x4e0: {  	s17 =	simm.s32 $0x0;
	s18 =	simm.s32 $0x0;
	[sflag:s9] =	ssyncadd.s32 $0xFFFF9000  }
0x4e1: {  	s17 =	sand.u32 $0x7000, s17;
	s14 =	sand.u32 $0xC00, s14;
	_ =	swait.ge [sflag:s10], $0x7000  }
0x4e2: {  	s19 =	sand.u32 $0x380, s18;
	s14 =	sor.u32 s14, s17;
	[sflag:s10] =	ssyncset.done $0x0  }
0x4e3: {  	s14 =	sor.u32 s19, s14;
	[sflag:s10] =	ssyncadd.s32 $0xFFFF9000  }
0x4e4: {  	v5 =	vld [tilespmem:s14+$0x70];
	_ =	sdelay $0x1  }
0x4e5: {  	v6 =	vld [tilespmem:s14+$0xE070];
	_ =	sdelay $0x1  }
0x4e6: {  	v7 =	vld [tilespmem:s14+$0x0]  }
0x4e7: {  	v8 =	vld [tilespmem:s14+$0x10];
	v5 =	vmul.f32 $6.400000000e+01, v5  }
0x4e8: {  	v9 =	vld [tilespmem:s14+$0x20]  }
0x4e9: {  	v10 =	vld [tilespmem:s14+$0x30];
	v5 =	vadd.f32 v6, v5  }
0x4ea: {  	v11 =	vld [tilespmem:s14+$0x50]  }
0x4eb: {  	v13 =	vld [tilespmem:s14+$0xE000];
	v5 =	vtrunc.f32 v5  }
0x4ec: {  	v14 =	vld [tilespmem:s14+$0xE010];
	v5 =	vcvt.f32.s32 v5  }
0x4ed: {  	v15 =	vld [tilespmem:s14+$0xE020]  }
0x4ee: {  	s20 =	simm.s32 $0x80;
	s17 =	simm.s32 $0x400;
	v16 =	vld [tilespmem:s14+$0xE030];
	v5 =	vshll.u32 v5, $0x4  }
0x4ef: {  	s18 =	sand.u32 $0x7000, s20;
	s20 =	simm.s32 $0x20;
	s19 =	sand.u32 $0xC00, s17;
	v18 =	vld [tilespmem:s14+$0xE050];
	v5 =	vadd.s32 v4, v5  }
0x4f0: {  	s20 =	sand.u32 $0x380, s20;
	s19 =	sor.u32 s19, s18;
	v12 =	vld [tilespmem:s14+$0x60];
	v7 =	vmul.f32 $6.400000000e+01, v7;
	v8 =	vmul.f32 $6.400000000e+01, v8  }
0x4f1: {  	s18 =	sor.u32 s20, s19;
	v17 =	vld [tilespmem:s14+$0xE040];
	v9 =	vmul.f32 $6.400000000e+01, v9;
	v10 =	vmul.f32 $6.400000000e+01, v10  }
0x4f2: {  	v19 =	vld [tilespmem:s18+$0x50];
	v11 =	vmul.f32 $6.400000000e+01, v11;
	v7 =	vadd.f32 v13, v7;
	v8 =	vadd.f32 v14, v8  }
0x4f3: {  	v6 =	vld [tilespmem:s14+$0x40];
	v9 =	vadd.f32 v15, v9;
	v10 =	vadd.f32 v16, v10  }
0x4f4: {  	v11 =	vadd.f32 v18, v11;
	v7 =	vtrunc.f32 v7;
	v8 =	vtrunc.f32 v8;
	[tilespmem:v5+s11+$0x0] =	vst.idx.add.f32.msk $0xffff, v3  }
0x4f5: {  	v9 =	vtrunc.f32 v9;
	v5 =	vmul.f32 $6.400000000e+01, v12;
	v12 =	vld [tilespmem:s18+$0x70]  }
0x4f6: {  	v16 =	vld [tilespmem:s18+$0x10];
	v10 =	vtrunc.f32 v10;
	v11 =	vtrunc.f32 v11  }
0x4f7: {  	v15 =	vld [tilespmem:s18+$0xE070];
	v7 =	vcvt.f32.s32 v7;
	v8 =	vcvt.f32.s32 v8  }
0x4f8: {  	v14 =	vld [tilespmem:s18+$0x0];
	v9 =	vcvt.f32.s32 v9;
	v6 =	vmul.f32 $6.400000000e+01, v6  }
0x4f9: {  	v13 =	vld [tilespmem:s14+$0xE060];
	v10 =	vcvt.f32.s32 v10;
	v11 =	vcvt.f32.s32 v11;
	v7 =	vshll.u32 v7, $0x4  }
0x4fa: {  	v18 =	vld [tilespmem:s18+$0x40];
	v8 =	vshll.u32 v8, $0x4;
	v6 =	vadd.f32 v17, v6;
	v12 =	vmul.f32 $6.400000000e+01, v12  }
0x4fb: {  	v21 =	vld [tilespmem:s18+$0xE000];
	v9 =	vshll.u32 v9, $0x4;
	v10 =	vshll.u32 v10, $0x4;
	v16 =	vmul.f32 $6.400000000e+01, v16  }
0x4fc: {  	v20 =	vld [tilespmem:s18+$0x60];
	v22 =	vadd.s32 v4, v8;
	v6 =	vtrunc.f32 v6;
	v12 =	vadd.f32 v15, v12  }
0x4fd: {  	v8 =	vadd.s32 v4, v10;
	v10 =	vmul.f32 $6.400000000e+01, v14;
	v17 =	vld [tilespmem:s18+$0x30];
	v6 =	vcvt.f32.s32 v6  }
0x4fe: {  	v5 =	vadd.f32 v13, v5;
	v13 =	vld [tilespmem:s18+$0x20];
	v15 =	vadd.s32 v4, v7;
	v7 =	vtrunc.f32 v12  }
0x4ff: {  	v11 =	vshll.u32 v11, $0x4;
	v27 =	vmul.f32 $6.400000000e+01, v18;
	v12 =	vld [tilespmem:s18+$0xE010];
	v23 =	vcvt.f32.s32 v7  }
0x500: {  	v24 =	vld [tilespmem:s18+$0xE020];
	v21 =	vadd.f32 v21, v10;
	v6 =	vshll.u32 v6, $0x4;
	v5 =	vtrunc.f32 v5  }
0x501: {  	v25 =	vld [tilespmem:s18+$0xE030];
	v7 =	vadd.s32 v4, v6;
	v6 =	vadd.s32 v4, v11;
	v11 =	vshll.u32 v23, $0x4  }
0x502: {  	v10 =	vmul.f32 $6.400000000e+01, v20;
	v5 =	vcvt.f32.s32 v5;
	v23 =	vld [tilespmem:s18+$0xE040];
	v26 =	vadd.s32 v4, v11  }
0x503: {  	v9 =	vadd.s32 v4, v9;
	v14 =	vld [tilespmem:s18+$0xE050];
	v18 =	vtrunc.f32 v21;
	v13 =	vmul.f32 $6.400000000e+01, v13  }
0x504: {  	v17 =	vmul.f32 $6.400000000e+01, v17;
	v5 =	vshll.u32 v5, $0x4;
	v16 =	vadd.f32 v12, v16;
	v12 =	vld [tilespmem:s18+$0xE060]  }
0x505: {  	[tilespmem:v22+s11+$0x0] =	vst.idx.add.f32.msk $0xffff, v3;
	v5 =	vadd.s32 v4, v5;
	v11 =	vmul.f32 $6.400000000e+01, v19;
	v19 =	vadd.f32 v24, v13  }
0x506: {  	[tilespmem:v15+s11+$0x0] =	vst.idx.add.f32.msk $0xffff, v3;
	v15 =	vcvt.f32.s32 v18;
	v13 =	vtrunc.f32 v16;
	v16 =	vadd.f32 v25, v17  }
0x507: {  	s18 =	simm.s32 $0x8;
	v18 =	vtrunc.f32 v19;
	v13 =	vcvt.f32.s32 v13;
	v17 =	vadd.f32 v23, v27;
	[tilespmem:v26+s11+$0x0] =	vst.idx.add.f32.msk $0xffff, v3  }
.LBB2_32:
0x508: {  	s18 =	sadd.s32 $0x8, s18;
	v18 =	vcvt.f32.s32 v18;
	v16 =	vtrunc.f32 v16;
	v11 =	vadd.f32 v14, v11;
	[tilespmem:v9+s11+$0x0] =	vst.idx.add.f32.msk $0xffff, v3  }
0x509: {  	s17 =	sadd.s32 $0x400, s17;
	s14 =	sshll.u32 s18, $0x4;
	p0 =	slt.u32 s18, $0x6F8;
	v9 =	vcvt.f32.s32 v16;
	v14 =	vtrunc.f32 v17;
	v10 =	vadd.f32 v12, v10;
	[tilespmem:v8+s11+$0x0] =	vst.idx.add.f32.msk $0xffff, v3  }
0x50a: {  	s19 =	sand.u32 $0xC00, s17;
	s20 =	sshll.u32 s18, $0x2;
	v8 =	vshll.u32 v15, $0x4;
	s14 =	sand.u32 $0x7000, s14;
	v12 =	vcvt.f32.s32 v14;
	v11 =	vtrunc.f32 v11;
	[tilespmem:v7+s11+$0x0] =	vst.idx.add.f32.msk $0xffff, v3  }
0x50b: {  	v7 =	vshll.u32 v13, $0x4;
	s14 =	sor.u32 s19, s14;
	s19 =	sand.u32 $0x380, s20;
	v11 =	vcvt.f32.s32 v11;
	v10 =	vtrunc.f32 v10;
	[tilespmem:v6+s11+$0x0] =	vst.idx.add.f32.msk $0xffff, v3  }
0x50c: {  	v6 =	vshll.u32 v18, $0x4;
	v13 =	vshll.u32 v9, $0x4;
	s14 =	sor.u32 s19, s14;
	v10 =	vcvt.f32.s32 v10;
	[tilespmem:v5+s11+$0x0] =	vst.idx.add.f32.msk $0xffff, v3  }
0x50d: {  	v15 =	vadd.s32 v4, v8;
	v5 =	vshll.u32 v12, $0x4;
	v14 =	vld [tilespmem:s14+$0x70];
	v11 =	vshll.u32 v11, $0x4  }
0x50e: {  	v17 =	vadd.s32 v4, v7;
	v9 =	vadd.s32 v4, v6;
	v12 =	vld [tilespmem:s14+$0x0];
	v10 =	vshll.u32 v10, $0x4  }
0x50f: {  	v8 =	vadd.s32 v4, v13;
	v7 =	vadd.s32 v4, v5;
	v6 =	vadd.s32 v4, v11;
	v16 =	vld [tilespmem:s14+$0xE070]  }
0x510: {  	v5 =	vadd.s32 v4, v10;
	v11 =	vld [tilespmem:s14+$0x10]  }
0x511: {  	v10 =	vld [tilespmem:s14+$0x20]  }
0x512: {  	v13 =	vld [tilespmem:s14+$0x30];
	v14 =	vmul.f32 $6.400000000e+01, v14  }
0x513: {  	v12 =	vmul.f32 $6.400000000e+01, v12;
	v18 =	vld [tilespmem:s14+$0x40]  }
0x514: {  	v19 =	vld [tilespmem:s14+$0x50];
	v14 =	vadd.f32 v16, v14  }
0x515: {  	v16 =	vmul.f32 $6.400000000e+01, v11;
	v20 =	vld [tilespmem:s14+$0x60]  }
0x516: {  	v21 =	vld [tilespmem:s14+$0xE000];
	v22 =	vmul.f32 $6.400000000e+01, v10;
	v10 =	vtrunc.f32 v14  }
0x517: {  	v23 =	vld [tilespmem:s14+$0xE010];
	v13 =	vmul.f32 $6.400000000e+01, v13;
	v10 =	vcvt.f32.s32 v10  }
0x518: {  	v24 =	vld [tilespmem:s14+$0xE020];
	v25 =	vmul.f32 $6.400000000e+01, v18  }
0x519: {  	v18 =	vld [tilespmem:s14+$0xE030];
	v11 =	vmul.f32 $6.400000000e+01, v19;
	v14 =	vshll.u32 v10, $0x4  }
0x51a: {  	v19 =	vld [tilespmem:s14+$0xE040];
	v10 =	vmul.f32 $6.400000000e+01, v20;
	v20 =	vadd.s32 v4, v14  }
.Ltmp15:
0x51b: {  	v21 =	vadd.f32 v21, v12;
	v14 =	vld [tilespmem:s14+$0xE050];
	(pc) =	sbr.rel @p0 .LBB2_32-.Ltmp15, $4  }
0x51c: {  	v16 =	vadd.f32 v23, v16;
	v12 =	vld [tilespmem:s14+$0xE060]  }
0x51d: {  	v21 =	vtrunc.f32 v21;
	v22 =	vadd.f32 v24, v22;
	[tilespmem:v15+s11+$0x0] =	vst.idx.add.f32.msk $0xffff, v3  }
0x51e: {  	v15 =	vcvt.f32.s32 v21;
	v21 =	vtrunc.f32 v16;
	v16 =	vadd.f32 v18, v13;
	[tilespmem:v17+s11+$0x0] =	vst.idx.add.f32.msk $0xffff, v3  }
0x51f: {  	v13 =	vcvt.f32.s32 v21;
	v18 =	vtrunc.f32 v22;
	v17 =	vadd.f32 v19, v25;
	[tilespmem:v20+s11+$0x0] =	vst.idx.add.f32.msk $0xffff, v3  }
0x520: {  	_ = 	snop  }
0x521: {  	v18 =	vcvt.f32.s32 v18;
	v16 =	vtrunc.f32 v16  }
0x522: {  	v11 =	vadd.f32 v14, v11;
	v14 =	vcvt.f32.s32 v16;
	v16 =	vtrunc.f32 v17  }
0x523: {  	v10 =	vadd.f32 v12, v10;
	v12 =	vshll.u32 v15, $0x4;
	v15 =	vcvt.f32.s32 v16  }
0x524: {  	[tilespmem:v9+s11+$0x0] =	vst.idx.add.f32.msk $0xffff, v3;
	v9 =	vtrunc.f32 v11;
	v11 =	vshll.u32 v13, $0x4;
	v12 =	vadd.s32 v4, v12  }
0x525: {  	[tilespmem:v8+s11+$0x0] =	vst.idx.add.f32.msk $0xffff, v3;
	v8 =	vcvt.f32.s32 v9;
	v9 =	vshll.u32 v18, $0x4;
	v11 =	vadd.s32 v4, v11  }
0x526: {  	[tilespmem:v7+s11+$0x0] =	vst.idx.add.f32.msk $0xffff, v3;
	v7 =	vtrunc.f32 v10;
	v10 =	vshll.u32 v14, $0x4;
	v9 =	vadd.s32 v4, v9  }
0x527: {  	[tilespmem:v6+s11+$0x0] =	vst.idx.add.f32.msk $0xffff, v3;
	v6 =	vcvt.f32.s32 v7;
	v7 =	vshll.u32 v15, $0x4;
	v10 =	vadd.s32 v4, v10  }
0x528: {  	[tilespmem:v5+s11+$0x0] =	vst.idx.add.f32.msk $0xffff, v3;
	v5 =	vshll.u32 v8, $0x4;
	v7 =	vadd.s32 v4, v7  }
0x529: {  	v6 =	vshll.u32 v6, $0x4;
	v5 =	vadd.s32 v4, v5;
	[tilespmem:v12+s11+$0x0] =	vst.idx.add.f32.msk $0xffff, v3  }
0x52a: {  	v6 =	vadd.s32 v4, v6;
	[tilespmem:v11+s11+$0x0] =	vst.idx.add.f32.msk $0xffff, v3  }
0x52b: {  	[tilespmem:v9+s11+$0x0] =	vst.idx.add.f32.msk $0xffff, v3  }
0x52c: {  	[tilespmem:v10+s11+$0x0] =	vst.idx.add.f32.msk $0xffff, v3  }
0x52d: {  	[tilespmem:v7+s11+$0x0] =	vst.idx.add.f32.msk $0xffff, v3  }
0x52e: {  	[tilespmem:v5+s11+$0x0] =	vst.idx.add.f32.msk $0xffff, v3  }
0x52f: {  	[tilespmem:v6+s11+$0x0] =	vst.idx.add.f32.msk $0xffff, v3  }
0x530: {  	_ =	swait.ge [sflag:s12], $0x7000  }
0x531: {  	s14 =	simm.s32 $0x0;
	[sflag:s12] =	ssyncset.done $0x0  }
0x532: {  	s17 =	simm.s32 $0x0;
	s18 =	simm.s32 $0x0;
	[sflag:s12] =	ssyncadd.s32 $0xFFFF9000  }
0x533: {  	s17 =	sand.u32 $0x7000, s17;
	s14 =	sand.u32 $0xC00, s14;
	_ =	swait.ge [sflag:s13], $0x7000  }
0x534: {  	s19 =	sand.u32 $0x380, s18;
	s14 =	sor.u32 s14, s17;
	[sflag:s13] =	ssyncset.done $0x0  }
0x535: {  	s14 =	sor.u32 s19, s14;
	[sflag:s13] =	ssyncadd.s32 $0xFFFF9000  }
0x536: {  	v5 =	vld [tilespmem:s14+$0x7070];
	_ =	sdelay $0x1  }
0x537: {  	v6 =	vld [tilespmem:s14+$0x15070];
	_ =	sdelay $0x1  }
0x538: {  	v7 =	vld [tilespmem:s14+$0x7000]  }
0x539: {  	v8 =	vld [tilespmem:s14+$0x7010];
	v5 =	vmul.f32 $6.400000000e+01, v5  }
0x53a: {  	v9 =	vld [tilespmem:s14+$0x7020]  }
0x53b: {  	v10 =	vld [tilespmem:s14+$0x7030];
	v5 =	vadd.f32 v6, v5  }
0x53c: {  	v11 =	vld [tilespmem:s14+$0x7050]  }
0x53d: {  	v13 =	vld [tilespmem:s14+$0x15000];
	v5 =	vtrunc.f32 v5  }
0x53e: {  	v14 =	vld [tilespmem:s14+$0x15010];
	v5 =	vcvt.f32.s32 v5  }
0x53f: {  	v15 =	vld [tilespmem:s14+$0x15020]  }
0x540: {  	v16 =	vld [tilespmem:s14+$0x15030];
	v5 =	vshll.u32 v5, $0x4  }
0x541: {  	s20 =	simm.s32 $0x80;
	s17 =	simm.s32 $0x400;
	v18 =	vld [tilespmem:s14+$0x15050];
	v5 =	vadd.s32 v4, v5  }
0x542: {  	s18 =	sand.u32 $0x7000, s20;
	s20 =	simm.s32 $0x20;
	s19 =	sand.u32 $0xC00, s17;
	v12 =	vld [tilespmem:s14+$0x7060];
	v7 =	vmul.f32 $6.400000000e+01, v7;
	v8 =	vmul.f32 $6.400000000e+01, v8  }
0x543: {  	s20 =	sand.u32 $0x380, s20;
	s19 =	sor.u32 s19, s18;
	v17 =	vld [tilespmem:s14+$0x15040];
	v9 =	vmul.f32 $6.400000000e+01, v9;
	v10 =	vmul.f32 $6.400000000e+01, v10  }
0x544: {  	s18 =	sor.u32 s20, s19;
	v11 =	vmul.f32 $6.400000000e+01, v11;
	v6 =	vld [tilespmem:s14+$0x7040];
	v7 =	vadd.f32 v13, v7;
	v8 =	vadd.f32 v14, v8  }
0x545: {  	v19 =	vld [tilespmem:s18+$0x7050];
	v9 =	vadd.f32 v15, v9;
	v10 =	vadd.f32 v16, v10  }
0x546: {  	v11 =	vadd.f32 v18, v11;
	v7 =	vtrunc.f32 v7;
	v8 =	vtrunc.f32 v8;
	[tilespmem:v5+s11+$0x0] =	vst.idx.add.f32.msk $0xffff, v3  }
0x547: {  	v9 =	vtrunc.f32 v9;
	v5 =	vmul.f32 $6.400000000e+01, v12;
	v12 =	vld [tilespmem:s18+$0x7070]  }
0x548: {  	v13 =	vld [tilespmem:s14+$0x15060];
	v10 =	vtrunc.f32 v10;
	v11 =	vtrunc.f32 v11  }
0x549: {  	v15 =	vld [tilespmem:s18+$0x15070];
	v7 =	vcvt.f32.s32 v7;
	v6 =	vmul.f32 $6.400000000e+01, v6  }
0x54a: {  	v18 =	vld [tilespmem:s18+$0x7040];
	v8 =	vcvt.f32.s32 v8;
	v9 =	vcvt.f32.s32 v9  }
0x54b: {  	v21 =	vld [tilespmem:s18+$0x7060];
	v10 =	vcvt.f32.s32 v10;
	v11 =	vcvt.f32.s32 v11;
	v6 =	vadd.f32 v17, v6  }
0x54c: {  	v14 =	vld [tilespmem:s18+$0x7000];
	v7 =	vshll.u32 v7, $0x4;
	v8 =	vshll.u32 v8, $0x4;
	v12 =	vmul.f32 $6.400000000e+01, v12  }
0x54d: {  	v16 =	vld [tilespmem:s18+$0x7010];
	v9 =	vshll.u32 v9, $0x4;
	v10 =	vshll.u32 v10, $0x4;
	v6 =	vtrunc.f32 v6  }
0x54e: {  	v22 =	vld [tilespmem:s18+$0x15010];
	v6 =	vcvt.f32.s32 v6;
	v5 =	vadd.f32 v13, v5;
	v12 =	vadd.f32 v15, v12  }
0x54f: {  	v11 =	vshll.u32 v11, $0x4;
	v28 =	vmul.f32 $6.400000000e+01, v18;
	v20 =	vadd.s32 v4, v7;
	v13 =	vld [tilespmem:s18+$0x7020]  }
0x550: {  	v6 =	vshll.u32 v6, $0x4;
	v5 =	vtrunc.f32 v5;
	v15 =	vld [tilespmem:s18+$0x15000];
	v7 =	vtrunc.f32 v12  }
0x551: {  	v17 =	vld [tilespmem:s18+$0x7030];
	v5 =	vcvt.f32.s32 v5;
	v12 =	vadd.s32 v4, v8;
	v23 =	vcvt.f32.s32 v7  }
0x552: {  	v24 =	vld [tilespmem:s18+$0x15020];
	v8 =	vadd.s32 v4, v10;
	v10 =	vmul.f32 $6.400000000e+01, v14;
	v14 =	vmul.f32 $6.400000000e+01, v16  }
0x553: {  	v25 =	vld [tilespmem:s18+$0x15030];
	v7 =	vadd.s32 v4, v6;
	v6 =	vadd.s32 v4, v11;
	v11 =	vshll.u32 v23, $0x4  }
0x554: {  	v9 =	vadd.s32 v4, v9;
	v5 =	vshll.u32 v5, $0x4;
	v23 =	vld [tilespmem:s18+$0x15040];
	v26 =	vadd.s32 v4, v11  }
0x555: {  	v16 =	vmul.f32 $6.400000000e+01, v13;
	v18 =	vadd.f32 v22, v14;
	v27 =	vadd.f32 v15, v10;
	v15 =	vld [tilespmem:s18+$0x15050]  }
0x556: {  	v17 =	vmul.f32 $6.400000000e+01, v17;
	v5 =	vadd.s32 v4, v5;
	v13 =	vld [tilespmem:s18+$0x15060];
	v10 =	vmul.f32 $6.400000000e+01, v21  }
0x557: {  	[tilespmem:v20+s11+$0x0] =	vst.idx.add.f32.msk $0xffff, v3;
	v11 =	vmul.f32 $6.400000000e+01, v19;
	v19 =	vadd.f32 v24, v16;
	v18 =	vtrunc.f32 v18  }
0x558: {  	v16 =	vadd.f32 v25, v17;
	v14 =	vtrunc.f32 v27;
	[tilespmem:v12+s11+$0x0] =	vst.idx.add.f32.msk $0xffff, v3;
	v12 =	vcvt.f32.s32 v18  }
0x559: {  	s18 =	simm.s32 $0x8;
	v14 =	vcvt.f32.s32 v14;
	v18 =	vtrunc.f32 v19;
	v17 =	vadd.f32 v23, v28;
	[tilespmem:v26+s11+$0x0] =	vst.idx.add.f32.msk $0xffff, v3  }
.LBB2_34:
0x55a: {  	s18 =	sadd.s32 $0x8, s18;
	v18 =	vcvt.f32.s32 v18;
	v16 =	vtrunc.f32 v16;
	v11 =	vadd.f32 v15, v11;
	[tilespmem:v9+s11+$0x0] =	vst.idx.add.f32.msk $0xffff, v3  }
0x55b: {  	s17 =	sadd.s32 $0x400, s17;
	s14 =	sshll.u32 s18, $0x4;
	p0 =	slt.u32 s18, $0x6F8;
	v9 =	vcvt.f32.s32 v16;
	v15 =	vtrunc.f32 v17;
	v10 =	vadd.f32 v13, v10;
	[tilespmem:v8+s11+$0x0] =	vst.idx.add.f32.msk $0xffff, v3  }
0x55c: {  	s19 =	sand.u32 $0xC00, s17;
	s20 =	sshll.u32 s18, $0x2;
	v8 =	vshll.u32 v14, $0x4;
	s14 =	sand.u32 $0x7000, s14;
	v13 =	vcvt.f32.s32 v15;
	v11 =	vtrunc.f32 v11;
	[tilespmem:v7+s11+$0x0] =	vst.idx.add.f32.msk $0xffff, v3  }
0x55d: {  	v7 =	vshll.u32 v12, $0x4;
	s14 =	sor.u32 s19, s14;
	s19 =	sand.u32 $0x380, s20;
	v11 =	vcvt.f32.s32 v11;
	v10 =	vtrunc.f32 v10;
	[tilespmem:v6+s11+$0x0] =	vst.idx.add.f32.msk $0xffff, v3  }
0x55e: {  	v6 =	vshll.u32 v18, $0x4;
	v12 =	vshll.u32 v9, $0x4;
	s14 =	sor.u32 s19, s14;
	v10 =	vcvt.f32.s32 v10;
	[tilespmem:v5+s11+$0x0] =	vst.idx.add.f32.msk $0xffff, v3  }
0x55f: {  	v16 =	vadd.s32 v4, v8;
	v5 =	vshll.u32 v13, $0x4;
	v14 =	vld [tilespmem:s14+$0x7070];
	v11 =	vshll.u32 v11, $0x4  }
0x560: {  	v17 =	vadd.s32 v4, v7;
	v9 =	vadd.s32 v4, v6;
	v13 =	vld [tilespmem:s14+$0x7000];
	v10 =	vshll.u32 v10, $0x4  }
0x561: {  	v8 =	vadd.s32 v4, v12;
	v7 =	vadd.s32 v4, v5;
	v6 =	vadd.s32 v4, v11;
	v15 =	vld [tilespmem:s14+$0x15070]  }
0x562: {  	v5 =	vadd.s32 v4, v10;
	v11 =	vld [tilespmem:s14+$0x7010]  }
0x563: {  	v10 =	vld [tilespmem:s14+$0x7020]  }
0x564: {  	v12 =	vld [tilespmem:s14+$0x7030];
	v14 =	vmul.f32 $6.400000000e+01, v14  }
0x565: {  	v13 =	vmul.f32 $6.400000000e+01, v13;
	v18 =	vld [tilespmem:s14+$0x7040]  }
0x566: {  	v19 =	vld [tilespmem:s14+$0x7050];
	v14 =	vadd.f32 v15, v14  }
0x567: {  	v20 =	vmul.f32 $6.400000000e+01, v11;
	v15 =	vld [tilespmem:s14+$0x7060]  }
0x568: {  	v21 =	vld [tilespmem:s14+$0x15000];
	v22 =	vmul.f32 $6.400000000e+01, v10;
	v10 =	vtrunc.f32 v14  }
0x569: {  	v14 =	vld [tilespmem:s14+$0x15010];
	v12 =	vmul.f32 $6.400000000e+01, v12;
	v10 =	vcvt.f32.s32 v10  }
0x56a: {  	v23 =	vld [tilespmem:s14+$0x15020];
	v24 =	vmul.f32 $6.400000000e+01, v18  }
0x56b: {  	v18 =	vld [tilespmem:s14+$0x15030];
	v11 =	vmul.f32 $6.400000000e+01, v19;
	v19 =	vshll.u32 v10, $0x4  }
0x56c: {  	v25 =	vld [tilespmem:s14+$0x15040];
	v10 =	vmul.f32 $6.400000000e+01, v15;
	v19 =	vadd.s32 v4, v19  }
.Ltmp16:
0x56d: {  	v21 =	vadd.f32 v21, v13;
	v15 =	vld [tilespmem:s14+$0x15050];
	(pc) =	sbr.rel @p0 .LBB2_34-.Ltmp16, $4  }
0x56e: {  	v20 =	vadd.f32 v14, v20;
	v13 =	vld [tilespmem:s14+$0x15060]  }
0x56f: {  	v14 =	vtrunc.f32 v21;
	v21 =	vadd.f32 v23, v22;
	[tilespmem:v16+s11+$0x0] =	vst.idx.add.f32.msk $0xffff, v3  }
0x570: {  	v14 =	vcvt.f32.s32 v14;
	v20 =	vtrunc.f32 v20;
	v16 =	vadd.f32 v18, v12;
	[tilespmem:v17+s11+$0x0] =	vst.idx.add.f32.msk $0xffff, v3  }
0x571: {  	v12 =	vcvt.f32.s32 v20;
	v18 =	vtrunc.f32 v21;
	v17 =	vadd.f32 v25, v24;
	[tilespmem:v19+s11+$0x0] =	vst.idx.add.f32.msk $0xffff, v3  }
0x572: {  	_ = 	snop  }
0x573: {  	v11 =	vadd.f32 v15, v11;
	v20 =	vcvt.f32.s32 v18  }
0x574: {  	v21 =	vtrunc.f32 v16;
	v14 =	vshll.u32 v14, $0x4;
	v10 =	vadd.f32 v13, v10  }
0x575: {  	v22 =	vtrunc.f32 v17;
	v13 =	vcvt.f32.s32 v21;
	v24 =	vshll.u32 v12, $0x4  }
0x576: {  	[tilespmem:v9+s11+$0x0] =	vst.idx.add.f32.msk $0xffff, v3;
	v25 =	vadd.s32 v4, v14;
	v16 =	vcvt.f32.s32 v22;
	v23 =	vtrunc.f32 v11  }
0x577: {  	[tilespmem:v8+s11+$0x0] =	vst.idx.add.f32.msk $0xffff, v3;
	v14 =	vshll.u32 v20, $0x4;
	v11 =	vadd.s32 v4, v24;
	v26 =	vcvt.f32.s32 v23  }
0x578: {  	[tilespmem:v7+s11+$0x0] =	vst.idx.add.f32.msk $0xffff, v3;
	v7 =	vtrunc.f32 v10;
	v15 =	vshll.u32 v13, $0x4;
	v9 =	vadd.s32 v4, v14  }
0x579: {  	[tilespmem:v6+s11+$0x0] =	vst.idx.add.f32.msk $0xffff, v3;
	v6 =	vcvt.f32.s32 v7;
	v7 =	vshll.u32 v16, $0x4;
	v10 =	vadd.s32 v4, v15  }
0x57a: {  	[tilespmem:v5+s11+$0x0] =	vst.idx.add.f32.msk $0xffff, v3;
	v5 =	vshll.u32 v26, $0x4;
	v7 =	vadd.s32 v4, v7  }
0x57b: {  	[tilespmem:v25+s11+$0x0] =	vst.idx.add.f32.msk $0xffff, v3;
	v6 =	vshll.u32 v6, $0x4;
	v5 =	vadd.s32 v4, v5  }
0x57c: {  	v6 =	vadd.s32 v4, v6;
	[tilespmem:v11+s11+$0x0] =	vst.idx.add.f32.msk $0xffff, v3  }
0x57d: {  	[tilespmem:v9+s11+$0x0] =	vst.idx.add.f32.msk $0xffff, v3  }
0x57e: {  	[tilespmem:v10+s11+$0x0] =	vst.idx.add.f32.msk $0xffff, v3  }
0x57f: {  	[tilespmem:v7+s11+$0x0] =	vst.idx.add.f32.msk $0xffff, v3  }
0x580: {  	[tilespmem:v5+s11+$0x0] =	vst.idx.add.f32.msk $0xffff, v3  }
0x581: {  	[tilespmem:v6+s11+$0x0] =	vst.idx.add.f32.msk $0xffff, v3  }
0x582: {  	v6 =	vld [tilespmem:$0x1FE80];
	_ =	sdelay $0x1  }
0x583: {  	v7 =	vld [tilespmem:$0x1FE90];
	_ =	sdelay $0x3  }
0x584: {  	v5 =	vld.idx.msk [tilespmem:v1+s11+$0x0], $0xffff;
	_ =	sdelay $0x1  }
0x585: {  	v6 =	vld.idx.msk [tilespmem:v6+s11+$0x0], $0xffff;
	_ =	sdelay $0x1  }
0x586: {  	v7 =	vld.idx.msk [tilespmem:v7+s11+$0x0], $0xffff  }
0x587: {  	v16 =	vld [tilespmem:$0x1FEA0];
	v5 =	vadd.f32 $0.0e+00, v5;
	_ =	sdelay $0x1  }
0x588: {  	v5 =	vadd.f32 v6, v5;
	v6 =	vld [tilespmem:$0x1FEB0];
	_ =	sdelay $0x1  }
0x589: {  	v5 =	vadd.f32 v7, v5;
	v7 =	vld [tilespmem:$0x1FEC0];
	_ =	sdelay $0x3  }
0x58a: {  	v8 =	vld.idx.msk [tilespmem:v16+s11+$0x0], $0xffff;
	_ =	sdelay $0x1  }
0x58b: {  	v6 =	vld.idx.msk [tilespmem:v6+s11+$0x0], $0xffff;
	_ =	sdelay $0x1  }
0x58c: {  	v7 =	vld.idx.msk [tilespmem:v7+s11+$0x0], $0xffff  }
0x58d: {  	v17 =	vld [tilespmem:$0x1FED0];
	v5 =	vadd.f32 v8, v5;
	_ =	sdelay $0x1  }
0x58e: {  	v5 =	vadd.f32 v6, v5;
	v6 =	vld [tilespmem:$0x1FEE0];
	_ =	sdelay $0x1  }
0x58f: {  	v5 =	vadd.f32 v7, v5;
	v7 =	vld [tilespmem:$0x1FEF0];
	_ =	sdelay $0x3  }
0x590: {  	v8 =	vld.idx.msk [tilespmem:v17+s11+$0x0], $0xffff;
	_ =	sdelay $0x1  }
0x591: {  	v6 =	vld.idx.msk [tilespmem:v6+s11+$0x0], $0xffff;
	_ =	sdelay $0x1  }
0x592: {  	v7 =	vld.idx.msk [tilespmem:v7+s11+$0x0], $0xffff  }
0x593: {  	v18 =	vld [tilespmem:$0x1FF00];
	v5 =	vadd.f32 v8, v5;
	_ =	sdelay $0x1  }
0x594: {  	v5 =	vadd.f32 v6, v5;
	v6 =	vld [tilespmem:$0x1FF10];
	_ =	sdelay $0x1  }
0x595: {  	v5 =	vadd.f32 v7, v5;
	v7 =	vld [tilespmem:$0x1FF20];
	_ =	sdelay $0x3  }
0x596: {  	v8 =	vld.idx.msk [tilespmem:v18+s11+$0x0], $0xffff;
	_ =	sdelay $0x1  }
0x597: {  	v6 =	vld.idx.msk [tilespmem:v6+s11+$0x0], $0xffff;
	_ =	sdelay $0x1  }
0x598: {  	v7 =	vld.idx.msk [tilespmem:v7+s11+$0x0], $0xffff  }
0x599: {  	v19 =	vld [tilespmem:$0x1FF30];
	v5 =	vadd.f32 v8, v5;
	_ =	sdelay $0x1  }
0x59a: {  	v5 =	vadd.f32 v6, v5;
	v6 =	vld [tilespmem:$0x1FF40];
	_ =	sdelay $0x1  }
0x59b: {  	v5 =	vadd.f32 v7, v5;
	v7 =	vld [tilespmem:$0x1FF50];
	_ =	sdelay $0x1  }
0x59c: {  	v20 =	vld [tilespmem:$0x1FF60];
	_ =	sdelay $0x1  }
0x59d: {  	v8 =	vld.idx.msk [tilespmem:v19+s11+$0x0], $0xffff;
	_ =	sdelay $0x1  }
0x59e: {  	v6 =	vld.idx.msk [tilespmem:v6+s11+$0x0], $0xffff;
	_ =	sdelay $0x1  }
0x59f: {  	v7 =	vld.idx.msk [tilespmem:v7+s11+$0x0], $0xffff  }
0x5a0: {  	v5 =	vadd.f32 v8, v5  }
0x5a1: {  	v8 =	vld.idx.msk [tilespmem:v20+s11+$0x0], $0xffff  }
0x5a2: {  	v5 =	vadd.f32 v6, v5;
	_ =	sdelay $0x1  }
0x5a3: {  	v5 =	vadd.f32 v7, v5;
	_ =	sdelay $0x1  }
0x5a4: {  	v5 =	vadd.f32 v8, v5;
	_ =	sdelay $0x1  }
0x5a5: {  	[tilespmem:$0x1C880] =	vst v5;
	v5 =	vld [tilespmem:$0x1FF70];
	_ =	sdelay $0x1  }
0x5a6: {  	v6 =	vld [tilespmem:$0x1FF80];
	_ =	sdelay $0x1  }
0x5a7: {  	v7 =	vld [tilespmem:$0x1FF90];
	_ =	sdelay $0x3  }
0x5a8: {  	v5 =	vld.idx.msk [tilespmem:v5+s11+$0x0], $0xffff;
	_ =	sdelay $0x1  }
0x5a9: {  	v6 =	vld.idx.msk [tilespmem:v6+s11+$0x0], $0xffff;
	_ =	sdelay $0x1  }
0x5aa: {  	v7 =	vld.idx.msk [tilespmem:v7+s11+$0x0], $0xffff  }
0x5ab: {  	v21 =	vld [tilespmem:$0x1FFA0];
	v5 =	vadd.f32 $0.0e+00, v5;
	_ =	sdelay $0x1  }
0x5ac: {  	v5 =	vadd.f32 v6, v5;
	v6 =	vld [tilespmem:$0x1FFB0];
	_ =	sdelay $0x1  }
0x5ad: {  	v5 =	vadd.f32 v7, v5;
	v7 =	vld [tilespmem:$0x1FFC0];
	_ =	sdelay $0x3  }
0x5ae: {  	v8 =	vld.idx.msk [tilespmem:v21+s11+$0x0], $0xffff;
	_ =	sdelay $0x1  }
0x5af: {  	v6 =	vld.idx.msk [tilespmem:v6+s11+$0x0], $0xffff;
	_ =	sdelay $0x1  }
0x5b0: {  	v7 =	vld.idx.msk [tilespmem:v7+s11+$0x0], $0xffff  }
0x5b1: {  	v22 =	vld [tilespmem:$0x1FFD0];
	v5 =	vadd.f32 v8, v5;
	_ =	sdelay $0x1  }
0x5b2: {  	v5 =	vadd.f32 v6, v5;
	v6 =	vld [tilespmem:$0x1FFE0];
	_ =	sdelay $0x1  }
0x5b3: {  	v5 =	vadd.f32 v7, v5;
	v7 =	vld [tilespmem:$0x1FFF0];
	_ =	sdelay $0x3  }
0x5b4: {  	v8 =	vld.idx.msk [tilespmem:v22+s11+$0x0], $0xffff;
	_ =	sdelay $0x1  }
0x5b5: {  	v6 =	vld.idx.msk [tilespmem:v6+s11+$0x0], $0xffff;
	_ =	sdelay $0x1  }
0x5b6: {  	v7 =	vld.idx.msk [tilespmem:v7+s11+$0x0], $0xffff  }
0x5b7: {  	v5 =	vadd.f32 v8, v5  }
0x5b8: {  	v23 =	vld.idx.msk [tilespmem:v29+s11+$0x0], $0xffff  }
0x5b9: {  	v5 =	vadd.f32 v6, v5  }
0x5ba: {  	v6 =	vld.idx.msk [tilespmem:v30+s11+$0x0], $0xffff  }
0x5bb: {  	v5 =	vadd.f32 v7, v5  }
0x5bc: {  	v7 =	vld.idx.msk [tilespmem:v31+s11+$0x0], $0xffff  }
0x5bd: {  	v5 =	vadd.f32 v23, v5  }
0x5be: {  	v24 =	vld.idx.msk [tilespmem:v32+s11+$0x0], $0xffff  }
0x5bf: {  	v5 =	vadd.f32 v6, v5  }
0x5c0: {  	v6 =	vld.idx.msk [tilespmem:v33+s11+$0x0], $0xffff  }
0x5c1: {  	v5 =	vadd.f32 v7, v5  }
0x5c2: {  	v7 =	vld.idx.msk [tilespmem:v34+s11+$0x0], $0xffff  }
0x5c3: {  	v5 =	vadd.f32 v24, v5  }
0x5c4: {  	v25 =	vld.idx.msk [tilespmem:v35+s11+$0x0], $0xffff  }
0x5c5: {  	v5 =	vadd.f32 v6, v5;
	_ =	sdelay $0x1  }
0x5c6: {  	v5 =	vadd.f32 v7, v5;
	_ =	sdelay $0x1  }
0x5c7: {  	v5 =	vadd.f32 v25, v5;
	_ =	sdelay $0x1  }
0x5c8: {  	[tilespmem:$0x1C890] =	vst v5  }
0x5c9: {  	v5 =	vld.idx.msk [tilespmem:v36+s11+$0x0], $0xffff;
	_ =	sdelay $0x1  }
0x5ca: {  	v6 =	vld.idx.msk [tilespmem:v37+s11+$0x0], $0xffff;
	_ =	sdelay $0x1  }
0x5cb: {  	v7 =	vld.idx.msk [tilespmem:v38+s11+$0x0], $0xffff  }
0x5cc: {  	v5 =	vadd.f32 $0.0e+00, v5  }
0x5cd: {  	v26 =	vld.idx.msk [tilespmem:v39+s11+$0x0], $0xffff  }
0x5ce: {  	v5 =	vadd.f32 v6, v5  }
0x5cf: {  	v6 =	vld.idx.msk [tilespmem:v40+s11+$0x0], $0xffff  }
0x5d0: {  	v5 =	vadd.f32 v7, v5  }
0x5d1: {  	v7 =	vld.idx.msk [tilespmem:v41+s11+$0x0], $0xffff  }
0x5d2: {  	v5 =	vadd.f32 v26, v5  }
0x5d3: {  	v12 =	vld.idx.msk [tilespmem:v42+s11+$0x0], $0xffff  }
0x5d4: {  	v5 =	vadd.f32 v6, v5  }
0x5d5: {  	v6 =	vld.idx.msk [tilespmem:v43+s11+$0x0], $0xffff  }
0x5d6: {  	v5 =	vadd.f32 v7, v5  }
0x5d7: {  	v7 =	vld.idx.msk [tilespmem:v44+s11+$0x0], $0xffff  }
0x5d8: {  	v5 =	vadd.f32 v12, v5  }
0x5d9: {  	v13 =	vld.idx.msk [tilespmem:v45+s11+$0x0], $0xffff  }
0x5da: {  	v5 =	vadd.f32 v6, v5  }
0x5db: {  	v6 =	vld.idx.msk [tilespmem:v46+s11+$0x0], $0xffff  }
0x5dc: {  	v5 =	vadd.f32 v7, v5  }
0x5dd: {  	v7 =	vld.idx.msk [tilespmem:v47+s11+$0x0], $0xffff  }
0x5de: {  	v5 =	vadd.f32 v13, v5  }
0x5df: {  	v14 =	vld.idx.msk [tilespmem:v48+s11+$0x0], $0xffff  }
0x5e0: {  	v5 =	vadd.f32 v6, v5  }
0x5e1: {  	v6 =	vld.idx.msk [tilespmem:v49+s11+$0x0], $0xffff  }
0x5e2: {  	v5 =	vadd.f32 v7, v5  }
0x5e3: {  	v7 =	vld.idx.msk [tilespmem:v50+s11+$0x0], $0xffff  }
0x5e4: {  	v5 =	vadd.f32 v14, v5  }
0x5e5: {  	v15 =	vld.idx.msk [tilespmem:v51+s11+$0x0], $0xffff  }
0x5e6: {  	v5 =	vadd.f32 v6, v5;
	_ =	sdelay $0x1  }
0x5e7: {  	v5 =	vadd.f32 v7, v5;
	_ =	sdelay $0x1  }
0x5e8: {  	v5 =	vadd.f32 v15, v5;
	_ =	sdelay $0x1  }
0x5e9: {  	[tilespmem:$0x1C8A0] =	vst v5  }
0x5ea: {  	v5 =	vld.idx.msk [tilespmem:v52+s11+$0x0], $0xffff;
	_ =	sdelay $0x1  }
0x5eb: {  	v6 =	vld.idx.msk [tilespmem:v53+s11+$0x0], $0xffff;
	_ =	sdelay $0x1  }
0x5ec: {  	v7 =	vld.idx.msk [tilespmem:v54+s11+$0x0], $0xffff  }
0x5ed: {  	v5 =	vadd.f32 $0.0e+00, v5  }
0x5ee: {  	v16 =	vld.idx.msk [tilespmem:v55+s11+$0x0], $0xffff  }
0x5ef: {  	v5 =	vadd.f32 v6, v5  }
0x5f0: {  	v6 =	vld.idx.msk [tilespmem:v56+s11+$0x0], $0xffff  }
0x5f1: {  	v5 =	vadd.f32 v7, v5  }
0x5f2: {  	v7 =	vld.idx.msk [tilespmem:v57+s11+$0x0], $0xffff  }
0x5f3: {  	v5 =	vadd.f32 v16, v5  }
0x5f4: {  	v17 =	vld.idx.msk [tilespmem:v58+s11+$0x0], $0xffff  }
0x5f5: {  	v5 =	vadd.f32 v6, v5  }
0x5f6: {  	v6 =	vld.idx.msk [tilespmem:v59+s11+$0x0], $0xffff  }
0x5f7: {  	v5 =	vadd.f32 v7, v5  }
0x5f8: {  	v7 =	vld.idx.msk [tilespmem:v60+s11+$0x0], $0xffff  }
0x5f9: {  	v5 =	vadd.f32 v17, v5  }
0x5fa: {  	v18 =	vld.idx.msk [tilespmem:v61+s11+$0x0], $0xffff  }
0x5fb: {  	v5 =	vadd.f32 v6, v5;
	v6 =	vor.u32 $0x30C, v1  }
0x5fc: {  	v9 =	vld.idx.msk [tilespmem:v62+s11+$0x0], $0xffff  }
0x5fd: {  	v5 =	vadd.f32 v7, v5;
	v7 =	vor.u32 $0x30D, v1  }
0x5fe: {  	v10 =	vld.idx.msk [tilespmem:v63+s11+$0x0], $0xffff  }
0x5ff: {  	v19 =	vor.u32 $0x30E, v1;
	v5 =	vadd.f32 v18, v5  }
0x600: {  	v6 =	vld.idx.msk [tilespmem:v6+s11+$0x0], $0xffff  }
0x601: {  	v20 =	vor.u32 $0x30F, v1;
	v5 =	vadd.f32 v9, v5  }
0x602: {  	v7 =	vld.idx.msk [tilespmem:v7+s11+$0x0], $0xffff  }
0x603: {  	v5 =	vadd.f32 v10, v5  }
0x604: {  	v8 =	vld.idx.msk [tilespmem:v19+s11+$0x0], $0xffff  }
0x605: {  	v5 =	vadd.f32 v6, v5  }
0x606: {  	v6 =	vld.idx.msk [tilespmem:v20+s11+$0x0], $0xffff  }
0x607: {  	v5 =	vadd.f32 v7, v5;
	_ =	sdelay $0x1  }
0x608: {  	v5 =	vadd.f32 v8, v5;
	_ =	sdelay $0x1  }
0x609: {  	v5 =	vadd.f32 v6, v5;
	_ =	sdelay $0x1  }
0x60a: {  	s14 =	simm.s32 $0x1C880;
	[tilespmem:$0x1C8B0] =	vst v5;
	v5 =	vadd.s32 $0x410, v1  }
0x60b: {  	[hbm4b:s3+s1] =	stream.linear.scatter [tilespmem:s14], [sflag:$0x5], $0x40, $0x38;
	[tilespmem:$0x1C900] =	vst v63  }
0x60c: {  	v6 =	vadd.s32 $0x411, v1;
	_ =	swait.ge [sflag:s15], $0x40  }
0x60d: {  	[sflag:s15] =	ssyncset.done $0x0  }
0x60e: {  	v7 =	vadd.s32 $0x412, v1;
	[sflag:s15] =	ssyncadd.s32 $0xFFFFFFC0  }
0x60f: {  	v5 =	vld.idx.msk [tilespmem:v5+s11+$0x0], $0xffff  }
0x610: {  	v21 =	vadd.s32 $0x413, v1  }
0x611: {  	v6 =	vld.idx.msk [tilespmem:v6+s11+$0x0], $0xffff  }
0x612: {  	v22 =	vadd.s32 $0x414, v1  }
0x613: {  	v7 =	vld.idx.msk [tilespmem:v7+s11+$0x0], $0xffff  }
0x614: {  	v23 =	vadd.s32 $0x415, v1;
	v5 =	vadd.f32 $0.0e+00, v5  }
0x615: {  	v8 =	vld.idx.msk [tilespmem:v21+s11+$0x0], $0xffff  }
0x616: {  	v5 =	vadd.f32 v6, v5;
	v6 =	vadd.s32 $0x416, v1  }
0x617: {  	v9 =	vld.idx.msk [tilespmem:v22+s11+$0x0], $0xffff  }
0x618: {  	v5 =	vadd.f32 v7, v5;
	v7 =	vadd.s32 $0x417, v1  }
0x619: {  	v10 =	vld.idx.msk [tilespmem:v23+s11+$0x0], $0xffff  }
0x61a: {  	v24 =	vadd.s32 $0x418, v1;
	v5 =	vadd.f32 v8, v5  }
0x61b: {  	v6 =	vld.idx.msk [tilespmem:v6+s11+$0x0], $0xffff  }
0x61c: {  	v25 =	vadd.s32 $0x419, v1;
	v5 =	vadd.f32 v9, v5  }
0x61d: {  	v7 =	vld.idx.msk [tilespmem:v7+s11+$0x0], $0xffff  }
0x61e: {  	v26 =	vadd.s32 $0x41A, v1;
	v5 =	vadd.f32 v10, v5  }
0x61f: {  	v8 =	vld.idx.msk [tilespmem:v24+s11+$0x0], $0xffff  }
0x620: {  	v5 =	vadd.f32 v6, v5;
	v6 =	vadd.s32 $0x41B, v1  }
0x621: {  	v9 =	vld.idx.msk [tilespmem:v25+s11+$0x0], $0xffff  }
0x622: {  	v5 =	vadd.f32 v7, v5;
	v7 =	vadd.s32 $0x41C, v1  }
0x623: {  	v10 =	vld.idx.msk [tilespmem:v26+s11+$0x0], $0xffff  }
0x624: {  	v12 =	vadd.s32 $0x41D, v1;
	v5 =	vadd.f32 v8, v5  }
0x625: {  	v6 =	vld.idx.msk [tilespmem:v6+s11+$0x0], $0xffff  }
0x626: {  	v13 =	vadd.s32 $0x41E, v1;
	v5 =	vadd.f32 v9, v5  }
0x627: {  	v7 =	vld.idx.msk [tilespmem:v7+s11+$0x0], $0xffff  }
0x628: {  	v14 =	vadd.s32 $0x41F, v1;
	v5 =	vadd.f32 v10, v5  }
0x629: {  	v8 =	vld.idx.msk [tilespmem:v12+s11+$0x0], $0xffff  }
0x62a: {  	v5 =	vadd.f32 v6, v5  }
0x62b: {  	v6 =	vld.idx.msk [tilespmem:v13+s11+$0x0], $0xffff  }
0x62c: {  	v5 =	vadd.f32 v7, v5  }
0x62d: {  	v7 =	vld.idx.msk [tilespmem:v14+s11+$0x0], $0xffff  }
0x62e: {  	v5 =	vadd.f32 v8, v5;
	_ =	sdelay $0x1  }
0x62f: {  	v5 =	vadd.f32 v6, v5;
	v6 =	vadd.s32 $0x510, v1;
	_ =	sdelay $0x1  }
0x630: {  	v5 =	vadd.f32 v7, v5;
	v7 =	vadd.s32 $0x511, v1;
	_ =	sdelay $0x1  }
0x631: {  	[tilespmem:$0x1C880] =	vst v5;
	v5 =	vadd.s32 $0x512, v1  }
0x632: {  	v6 =	vld.idx.msk [tilespmem:v6+s11+$0x0], $0xffff  }
0x633: {  	v15 =	vadd.s32 $0x513, v1  }
0x634: {  	v7 =	vld.idx.msk [tilespmem:v7+s11+$0x0], $0xffff  }
0x635: {  	v16 =	vadd.s32 $0x514, v1  }
0x636: {  	v5 =	vld.idx.msk [tilespmem:v5+s11+$0x0], $0xffff  }
0x637: {  	v17 =	vadd.s32 $0x515, v1;
	v6 =	vadd.f32 $0.0e+00, v6  }
0x638: {  	v8 =	vld.idx.msk [tilespmem:v15+s11+$0x0], $0xffff  }
0x639: {  	v6 =	vadd.f32 v7, v6;
	v7 =	vadd.s32 $0x516, v1  }
0x63a: {  	v9 =	vld.idx.msk [tilespmem:v16+s11+$0x0], $0xffff  }
0x63b: {  	v5 =	vadd.f32 v5, v6;
	v6 =	vadd.s32 $0x517, v1  }
0x63c: {  	v10 =	vld.idx.msk [tilespmem:v17+s11+$0x0], $0xffff  }
0x63d: {  	v18 =	vadd.s32 $0x518, v1;
	v5 =	vadd.f32 v8, v5  }
0x63e: {  	v7 =	vld.idx.msk [tilespmem:v7+s11+$0x0], $0xffff  }
0x63f: {  	v19 =	vadd.s32 $0x519, v1;
	v5 =	vadd.f32 v9, v5  }
0x640: {  	v6 =	vld.idx.msk [tilespmem:v6+s11+$0x0], $0xffff  }
0x641: {  	v20 =	vadd.s32 $0x51A, v1;
	v5 =	vadd.f32 v10, v5  }
0x642: {  	v8 =	vld.idx.msk [tilespmem:v18+s11+$0x0], $0xffff  }
0x643: {  	v5 =	vadd.f32 v7, v5;
	v7 =	vadd.s32 $0x51B, v1  }
0x644: {  	v9 =	vld.idx.msk [tilespmem:v19+s11+$0x0], $0xffff  }
0x645: {  	v5 =	vadd.f32 v6, v5;
	v6 =	vadd.s32 $0x51C, v1  }
0x646: {  	v10 =	vld.idx.msk [tilespmem:v20+s11+$0x0], $0xffff  }
0x647: {  	v21 =	vadd.s32 $0x51D, v1;
	v5 =	vadd.f32 v8, v5  }
0x648: {  	v7 =	vld.idx.msk [tilespmem:v7+s11+$0x0], $0xffff  }
0x649: {  	v22 =	vadd.s32 $0x51E, v1;
	v5 =	vadd.f32 v9, v5  }
0x64a: {  	v6 =	vld.idx.msk [tilespmem:v6+s11+$0x0], $0xffff  }
0x64b: {  	v23 =	vadd.s32 $0x51F, v1;
	v5 =	vadd.f32 v10, v5  }
0x64c: {  	v8 =	vld.idx.msk [tilespmem:v21+s11+$0x0], $0xffff  }
0x64d: {  	v5 =	vadd.f32 v7, v5  }
0x64e: {  	v7 =	vld.idx.msk [tilespmem:v22+s11+$0x0], $0xffff  }
0x64f: {  	v5 =	vadd.f32 v6, v5  }
0x650: {  	v6 =	vld.idx.msk [tilespmem:v23+s11+$0x0], $0xffff  }
0x651: {  	v5 =	vadd.f32 v8, v5;
	_ =	sdelay $0x1  }
0x652: {  	v5 =	vadd.f32 v7, v5;
	v7 =	vadd.s32 $0x610, v1;
	_ =	sdelay $0x1  }
0x653: {  	v5 =	vadd.f32 v6, v5;
	v6 =	vadd.s32 $0x611, v1;
	_ =	sdelay $0x1  }
0x654: {  	[tilespmem:$0x1C890] =	vst v5;
	v5 =	vadd.s32 $0x612, v1  }
0x655: {  	v7 =	vld.idx.msk [tilespmem:v7+s11+$0x0], $0xffff  }
0x656: {  	v24 =	vadd.s32 $0x613, v1  }
0x657: {  	v6 =	vld.idx.msk [tilespmem:v6+s11+$0x0], $0xffff  }
0x658: {  	v25 =	vadd.s32 $0x614, v1  }
0x659: {  	v5 =	vld.idx.msk [tilespmem:v5+s11+$0x0], $0xffff  }
0x65a: {  	v26 =	vadd.s32 $0x615, v1;
	v7 =	vadd.f32 $0.0e+00, v7  }
0x65b: {  	v8 =	vld.idx.msk [tilespmem:v24+s11+$0x0], $0xffff  }
0x65c: {  	v6 =	vadd.f32 v6, v7;
	v7 =	vadd.s32 $0x616, v1  }
0x65d: {  	v9 =	vld.idx.msk [tilespmem:v25+s11+$0x0], $0xffff  }
0x65e: {  	v5 =	vadd.f32 v5, v6;
	v6 =	vadd.s32 $0x617, v1  }
0x65f: {  	v10 =	vld.idx.msk [tilespmem:v26+s11+$0x0], $0xffff  }
0x660: {  	v12 =	vadd.s32 $0x618, v1;
	v5 =	vadd.f32 v8, v5  }
0x661: {  	v7 =	vld.idx.msk [tilespmem:v7+s11+$0x0], $0xffff  }
0x662: {  	v13 =	vadd.s32 $0x619, v1;
	v5 =	vadd.f32 v9, v5  }
0x663: {  	v6 =	vld.idx.msk [tilespmem:v6+s11+$0x0], $0xffff  }
0x664: {  	v14 =	vadd.s32 $0x61A, v1;
	v5 =	vadd.f32 v10, v5  }
0x665: {  	v8 =	vld.idx.msk [tilespmem:v12+s11+$0x0], $0xffff  }
0x666: {  	v5 =	vadd.f32 v7, v5;
	v7 =	vadd.s32 $0x61B, v1  }
0x667: {  	v9 =	vld.idx.msk [tilespmem:v13+s11+$0x0], $0xffff  }
0x668: {  	v5 =	vadd.f32 v6, v5;
	v6 =	vadd.s32 $0x61C, v1  }
0x669: {  	v10 =	vld.idx.msk [tilespmem:v14+s11+$0x0], $0xffff  }
0x66a: {  	v15 =	vadd.s32 $0x61D, v1;
	v5 =	vadd.f32 v8, v5  }
0x66b: {  	v7 =	vld.idx.msk [tilespmem:v7+s11+$0x0], $0xffff  }
0x66c: {  	v16 =	vadd.s32 $0x61E, v1;
	v5 =	vadd.f32 v9, v5  }
0x66d: {  	v6 =	vld.idx.msk [tilespmem:v6+s11+$0x0], $0xffff  }
0x66e: {  	v17 =	vadd.s32 $0x61F, v1;
	v5 =	vadd.f32 v10, v5  }
0x66f: {  	v8 =	vld.idx.msk [tilespmem:v15+s11+$0x0], $0xffff  }
0x670: {  	v5 =	vadd.f32 v7, v5  }
0x671: {  	v7 =	vld.idx.msk [tilespmem:v16+s11+$0x0], $0xffff  }
0x672: {  	v5 =	vadd.f32 v6, v5  }
0x673: {  	v6 =	vld.idx.msk [tilespmem:v17+s11+$0x0], $0xffff  }
0x674: {  	v5 =	vadd.f32 v8, v5;
	_ =	sdelay $0x1  }
0x675: {  	v5 =	vadd.f32 v7, v5;
	v7 =	vadd.s32 $0x710, v1;
	_ =	sdelay $0x1  }
0x676: {  	v5 =	vadd.f32 v6, v5;
	v6 =	vadd.s32 $0x711, v1;
	_ =	sdelay $0x1  }
0x677: {  	[tilespmem:$0x1C8A0] =	vst v5;
	v5 =	vadd.s32 $0x712, v1  }
0x678: {  	v7 =	vld.idx.msk [tilespmem:v7+s11+$0x0], $0xffff  }
0x679: {  	v18 =	vadd.s32 $0x713, v1  }
0x67a: {  	v6 =	vld.idx.msk [tilespmem:v6+s11+$0x0], $0xffff  }
0x67b: {  	v19 =	vadd.s32 $0x714, v1  }
0x67c: {  	v5 =	vld.idx.msk [tilespmem:v5+s11+$0x0], $0xffff  }
0x67d: {  	v20 =	vadd.s32 $0x715, v1;
	v7 =	vadd.f32 $0.0e+00, v7  }
0x67e: {  	v8 =	vld.idx.msk [tilespmem:v18+s11+$0x0], $0xffff  }
0x67f: {  	v6 =	vadd.f32 v6, v7;
	v7 =	vadd.s32 $0x716, v1  }
0x680: {  	v9 =	vld.idx.msk [tilespmem:v19+s11+$0x0], $0xffff  }
0x681: {  	v5 =	vadd.f32 v5, v6;
	v6 =	vadd.s32 $0x717, v1  }
0x682: {  	v10 =	vld.idx.msk [tilespmem:v20+s11+$0x0], $0xffff  }
0x683: {  	v21 =	vadd.s32 $0x718, v1;
	v5 =	vadd.f32 v8, v5  }
0x684: {  	v7 =	vld.idx.msk [tilespmem:v7+s11+$0x0], $0xffff  }
0x685: {  	v22 =	vadd.s32 $0x719, v1;
	v5 =	vadd.f32 v9, v5  }
0x686: {  	v6 =	vld.idx.msk [tilespmem:v6+s11+$0x0], $0xffff  }
0x687: {  	v23 =	vadd.s32 $0x71A, v1;
	v5 =	vadd.f32 v10, v5  }
0x688: {  	v8 =	vld.idx.msk [tilespmem:v21+s11+$0x0], $0xffff  }
0x689: {  	v5 =	vadd.f32 v7, v5;
	v7 =	vadd.s32 $0x71B, v1  }
0x68a: {  	v9 =	vld.idx.msk [tilespmem:v22+s11+$0x0], $0xffff  }
0x68b: {  	v5 =	vadd.f32 v6, v5;
	v6 =	vadd.s32 $0x71C, v1  }
0x68c: {  	v10 =	vld.idx.msk [tilespmem:v23+s11+$0x0], $0xffff  }
0x68d: {  	v24 =	vadd.s32 $0x71D, v1;
	v5 =	vadd.f32 v8, v5  }
0x68e: {  	v7 =	vld.idx.msk [tilespmem:v7+s11+$0x0], $0xffff  }
0x68f: {  	v25 =	vadd.s32 $0x71E, v1;
	v5 =	vadd.f32 v9, v5  }
0x690: {  	v6 =	vld.idx.msk [tilespmem:v6+s11+$0x0], $0xffff  }
0x691: {  	v26 =	vadd.s32 $0x71F, v1;
	v5 =	vadd.f32 v10, v5  }
0x692: {  	v8 =	vld.idx.msk [tilespmem:v24+s11+$0x0], $0xffff  }
0x693: {  	v5 =	vadd.f32 v7, v5  }
0x694: {  	v7 =	vld.idx.msk [tilespmem:v25+s11+$0x0], $0xffff  }
0x695: {  	v5 =	vadd.f32 v6, v5  }
0x696: {  	v6 =	vld.idx.msk [tilespmem:v26+s11+$0x0], $0xffff  }
0x697: {  	v5 =	vadd.f32 v8, v5;
	_ =	sdelay $0x1  }
0x698: {  	v5 =	vadd.f32 v7, v5;
	_ =	sdelay $0x1  }
0x699: {  	s16 =	sadd.s32 $0x1, s16;
	v5 =	vadd.f32 v6, v5  }
0x69a: {  	p0 =	sne.s32 s16, s5  }
.Ltmp17:
0x69b: {  	[tilespmem:$0x1C8B0] =	vst v5;
	(pc) =	sbr.rel @p0 .LBB2_1-.Ltmp17, $4  }
0x69c: {  	[hbm4b:s4+s1] =	stream.linear.scatter [tilespmem:s14], [sflag:$0x5], $0x40, $0x38;
	[tilespmem:$0x1C900] =	vst v63  }
0x69d: {  	_ =	swait.ge [sflag:s15], $0x40  }
0x69e: {  	[sflag:s15] =	ssyncset.done $0x0  }
0x69f: {  	[sflag:s15] =	ssyncadd.s32 $0xFFFFFFC0  }
0x6a0: {  	_ =	sfence.sel $0x180000  }
0x6a1: {  	[bflag:$0x0] =	sbarrier.arrive $0xFFFF  }
0x6a2: {  	_ =	strace $0x90000047  }
0x6a3: {  	s0 =	stileid.u32;
	[bflag:$0x2] =	sbarrier.arrive $0xFFFF  }
0x6a4: {  	p0 =	sne.s32 s0, $0x0;
	s0 =	rddreg [dreg:$0x3]  }
0x6a5: {  	s0 =	sadd.s32 @!p0 $0x100000, s0  }
0x6a6: {  	[sflag:s0] =	ssyncadd.tile.s32 @!p0 $0x1;
	_ =	shalt  }
.Lfunc_end2:
_tile_overlayer_lowered:
.L_overlay_start_2:
0x6a7: {  	(tag) =	ssettag $0x2  }
0x6a8: {  	s0 =	rddreg [dreg:$0x0];
	s2 =	stileid.u32  }
0x6a9: {  	s1 =	rddreg [dreg:$0x1];
	p0 =	sne.s32 s2, $0x0  }
0x6aa: {  	s3 =	rddreg [dreg:$0x2];
	[bflag:$0x3] =	sbarrier.arrive $0xFFFF;
	s2 =	simm.s32 @!p0 $0x1C05  }
0x6ab: {  	[timem:s3], [sflag:s2] =	dma.local @!p0 [hbm:s0], s1  }
0x6ac: {  	s0 =	simm.s32 @!p0 $0x5  }
0x6ad: {  	_ =	swait.ge @!p0 [sflag:s0], s1  }
0x6ae: {  	s1 =	ssub.s32 @!p0 $0x0, s1;
	[sflag:s0] =	ssyncset.done @!p0 $0x0  }
0x6af: {  	[sflag:s0] =	ssyncadd.s32 @!p0 s1  }
0x6b0: {  	[bflag:$0x3] =	sbarrier.arrive $0xFFFF  }
0x6b1: {  	_ =	shalt  }

</sc_bundles>
